<compile_context>
chip_gen: v7x
topology: tpu7x:2x2x1
jax: 0.10.2.dev20260603
libtpu: 0.0.44.dev20260713+nightly
codegen_flags: <defaults>
</compile_context>

<pallas_src>
import functools

import jax
import jax.numpy as jnp
from jax import lax
from jax.experimental import pallas as pl
from jax.experimental.pallas import tpu as pltpu
from jax.experimental.pallas import tpu_sc as plsc

GROUP = 512
KNN = 32
LANE = 128
NWORK = 32
CMAX = 96
CBUF = 144


def _fps_body(xs_ref, ys_ref, zs_ref, idx_ref, cx_ref, cy_ref, cz_ref):
    B, S, L = xs_ref.shape
    N = S * L
    GS = GROUP // LANE
    xs = xs_ref[...]
    ys = ys_ref[...]
    zs = zs_ref[...]
    iota_n = (
        lax.broadcasted_iota(jnp.int32, (B, S, L), 1) * L
        + lax.broadcasted_iota(jnp.int32, (B, S, L), 2)
    )
    iota_g = (
        lax.broadcasted_iota(jnp.int32, (B, GS, L), 1) * L
        + lax.broadcasted_iota(jnp.int32, (B, GS, L), 2)
    )

    def body(i, state):
        distance, farthest, acc_idx, acc_cx, acc_cy, acc_cz = state
        m = iota_n == farthest
        cx = jnp.sum(jnp.where(m, xs, 0.0), axis=(1, 2), keepdims=True)
        cy = jnp.sum(jnp.where(m, ys, 0.0), axis=(1, 2), keepdims=True)
        cz = jnp.sum(jnp.where(m, zs, 0.0), axis=(1, 2), keepdims=True)
        sel = iota_g == i
        acc_idx = jnp.where(sel, farthest, acc_idx)
        acc_cx = jnp.where(sel, cx, acc_cx)
        acc_cy = jnp.where(sel, cy, acc_cy)
        acc_cz = jnp.where(sel, cz, acc_cz)
        dx = xs - cx
        dy = ys - cy
        dz = zs - cz
        dist = (dx * dx + dy * dy) + dz * dz
        distance = jnp.minimum(distance, dist)
        mx = jnp.max(distance, axis=(1, 2), keepdims=True)
        farthest = jnp.min(
            jnp.where(distance == mx, iota_n, N), axis=(1, 2), keepdims=True
        )
        return distance, farthest, acc_idx, acc_cx, acc_cy, acc_cz

    distance0 = jnp.full((B, S, L), 1e10, dtype=jnp.float32)
    farthest0 = jnp.zeros((B, 1, 1), dtype=jnp.int32)
    acc0 = (
        jnp.zeros((B, GS, L), jnp.int32),
        jnp.zeros((B, GS, L), jnp.float32),
        jnp.zeros((B, GS, L), jnp.float32),
        jnp.zeros((B, GS, L), jnp.float32),
    )
    _, _, acc_idx, acc_cx, acc_cy, acc_cz = lax.fori_loop(
        0, GROUP, body, (distance0, farthest0) + acc0
    )
    idx_ref[...] = acc_idx
    cx_ref[...] = acc_cx
    cy_ref[...] = acc_cy
    cz_ref[...] = acc_cz


def _fps(xyz):
    B, N, _ = xyz.shape
    S = N // LANE
    GS = GROUP // LANE
    xs = xyz[:, :, 0].reshape(B, S, LANE)
    ys = xyz[:, :, 1].reshape(B, S, LANE)
    zs = xyz[:, :, 2].reshape(B, S, LANE)
    out_shapes = (
        jax.ShapeDtypeStruct((B, GS, LANE), jnp.int32),
        jax.ShapeDtypeStruct((B, GS, LANE), jnp.float32),
        jax.ShapeDtypeStruct((B, GS, LANE), jnp.float32),
        jax.ShapeDtypeStruct((B, GS, LANE), jnp.float32),
    )
    idx, cx, cy, cz = pl.pallas_call(
        _fps_body,
        out_shape=out_shapes,
    )(xs, ys, zs)
    return (
        idx.reshape(B, GROUP),
        cx.reshape(B, GROUP),
        cy.reshape(B, GROUP),
        cz.reshape(B, GROUP),
    )


def _dist_body(
    q_ref, p_ref, xs_ref, ys_ref, zs_ref,
    pp_ref, xsp_ref, ysp_ref, zsp_ref, out_ref, cm_ref,
):
    q = q_ref[0]
    p = p_ref[0]
    xs = xs_ref[...][0]
    ys = ys_ref[...][0]
    zs = zs_ref[...][0]
    dot = jnp.dot(q, p, preferred_element_type=jnp.float32)
    qx = q[:, 0:1]
    qy = q[:, 1:2]
    qz = q[:, 2:3]
    qn = (qx * qx + qy * qy) + qz * qz
    pn = (xs * xs + ys * ys) + zs * zs
    d = ((-2.0 * dot) + qn) + pn
    out_ref[0] = d
    pp = pp_ref[0]
    xsp = xsp_ref[...][0]
    ysp = ysp_ref[...][0]
    zsp = zsp_ref[...][0]
    dotp = jnp.dot(q, pp, preferred_element_type=jnp.float32)
    pnp = (xsp * xsp + ysp * ysp) + zsp * zsp
    dp = ((-2.0 * dotp) + qn) + pnp
    GB, N = d.shape
    NC = N // 16
    cm = dp[:, 0:NC]
    for kk in range(1, 16):
        cm = jnp.minimum(cm, dp[:, kk * NC : (kk + 1) * NC])
    cm_ref[0] = cm


def _dist(lc_xyz, xyz):
    B, G, _ = lc_xyz.shape
    N = xyz.shape[1]
    xyz_t = jnp.transpose(xyz, (0, 2, 1))
    xs = xyz[:, :, 0].reshape(B, 1, N)
    ys = xyz[:, :, 1].reshape(B, 1, N)
    zs = xyz[:, :, 2].reshape(B, 1, N)
    permute = lambda a: (
        a.reshape(B, a.shape[1], N // 16, 16)
        .transpose(0, 1, 3, 2)
        .reshape(B, a.shape[1], N)
    )
    xyz_p = permute(xyz_t)
    xsp, ysp, zsp = permute(xs), permute(ys), permute(zs)
    GB = 128
    qspec = pl.BlockSpec((1, GB, 3), lambda b, g: (b, g, 0))
    pspec = pl.BlockSpec((1, 3, N), lambda b, g: (b, 0, 0))
    cspec = pl.BlockSpec((1, 1, N), lambda b, g: (b, 0, 0))
    return pl.pallas_call(
        _dist_body,
        grid=(B, G // GB),
        in_specs=[qspec, pspec, cspec, cspec, cspec,
                  pspec, cspec, cspec, cspec],
        out_specs=(
            pl.BlockSpec((1, GB, N), lambda b, g: (b, g, 0)),
            pl.BlockSpec((1, GB, N // 16), lambda b, g: (b, g, 0)),
        ),
        out_shape=(
            jax.ShapeDtypeStruct((B, G, N), jnp.float32),
            jax.ShapeDtypeStruct((B, G, N // 16), jnp.float32),
        ),
    )(lc_xyz, xyz_t, xs, ys, zs, xyz_p, xsp, ysp, zsp)


def _vmerge(ad, ai, bd, bi):
    brd = lax.rev(bd, (0,))
    bri = lax.rev(bi, (0,))
    mle = (ad < brd) | ((ad == brd) & (ai <= bri))
    lod = jnp.where(mle, ad, brd)
    loi = jnp.where(mle, ai, bri)
    hid = jnp.where(mle, brd, ad)
    hii = jnp.where(mle, bri, ai)
    lod, loi = plsc.sort_key_val(lod, loi)
    hid, hii = plsc.sort_key_val(hid, hii)
    return lod, loi, hid, hii


def _topk_sc(dist, cm):
    B, G, N = dist.shape
    rows = B * G
    NC = N // 16
    rpw = rows // NWORK
    chunks = dist.reshape(rows * (N // LANE), LANE)
    cmf = cm.reshape(rows, NC)
    inf = jnp.float32(jnp.inf)

    mesh = plsc.VectorSubcoreMesh(core_axis_name="c", subcore_axis_name="s")

    @functools.partial(
        pl.kernel,
        out_type=jax.ShapeDtypeStruct((rows * KNN,), jnp.int32),
        mesh=mesh,
        scratch_types=[
            pltpu.VMEM((8, NC), jnp.float32),
            pltpu.VMEM((32,), jnp.int32),
            pltpu.VMEM((32,), jnp.int32),
            pltpu.VMEM((32, LANE), jnp.float32),
            pltpu.VMEM((CBUF + 1,), jnp.float32),
            pltpu.VMEM((CBUF + 1,), jnp.int32),
            pltpu.VMEM((rpw * KNN,), jnp.int32),
            pltpu.SemaphoreType.DMA,
        ],
        compiler_params=pltpu.CompilerParams(needs_layout_passes=False),
    )
    def k(chunks_hbm, cm_hbm, out_hbm, cmbuf, cidl, cidg, cbuf, cd, ci,
          obuf, sem):
        wid = lax.axis_index("s") * 2 + lax.axis_index("c")
        base_row = wid * rpw
        iota16 = lax.broadcasted_iota(jnp.int32, (16,), 0)

        def consolidate(carry):
            T, cnt, r0d, r0i, r1d, r1i = carry
            cd[pl.ds(cnt, 16)] = jnp.full((16,), inf, jnp.float32)
            nv = (cnt + 15) // 16

            def merge_one(i, rc):
                r0d, r0i, r1d, r1i = rc
                sd = cd[pl.ds(i * 16, 16)]
                si = ci[pl.ds(i * 16, 16)]
                sd, si = plsc.sort_key_val(sd, si)
                l0d, l0i, h0d, h0i = _vmerge(r0d, r0i, sd, si)
                l1d, l1i, _, _ = _vmerge(r1d, r1i, h0d, h0i)
                return l0d, l0i, l1d, l1i

            r0d, r0i, r1d, r1i = lax.fori_loop(
                0, nv, merge_one, (r0d, r0i, r1d, r1i)
            )
            return jnp.max(r1d), jnp.int32(0), r0d, r0i, r1d, r1i

        def append(v, idx16, carry):
            T, cnt, r0d, r0i, r1d, r1i = carry
            m = v < T
            cs = plsc.cumsum(jnp.where(m, 1, 0))
            pos = jnp.where(m, cnt + cs - 1, CBUF)
            plsc.store_scatter(cd, [pos], v)
            plsc.store_scatter(ci, [pos], idx16)
            cnt = cnt + jnp.max(cs)
            carry = (T, cnt, r0d, r0i, r1d, r1i)
            return lax.cond(cnt >= CMAX, consolidate, lambda c: c, carry)

        def row_fn(rl, _):
            row = base_row + rl
            rb = lax.rem(rl, 8)
            z16 = jnp.zeros((16,), jnp.int32)
            i16 = jnp.full((16,), inf, jnp.float32)
            carry0 = (inf, jnp.int32(0), i16, z16, i16, z16)

            def p1(j, carry):
                return append(cmbuf[rb, pl.ds(j * 16, 16)], iota16 + j * 16,
                              carry)

            carry = lax.fori_loop(0, NC // 16, p1, carry0)
            _, _, _, c0i, _, c1i = consolidate(carry)

            a0, _ = plsc.sort_key_val(c0i, c0i)
            a1, _ = plsc.sort_key_val(c1i, c1i)
            lo, _, hi, _ = _vmerge(a0, a0, a1, a1)
            gbase = row * (N // LANE)
            cidl[pl.ds(0, 16)] = lo
            cidl[pl.ds(16, 16)] = hi
            cidg[pl.ds(0, 16)] = lo // 8 + gbase
            cidg[pl.ds(16, 16)] = hi // 8 + gbase
            pltpu.async_copy(chunks_hbm.at[cidg], cbuf, sem).wait()

            def p2(v, carry):
                cid = plsc.load_gather(cidl, [jnp.full((16,), v, jnp.int32)])
                off = jnp.max(lax.rem(cid, 8))
                d16 = cbuf[v, pl.ds(off * 16, 16)]
                return append(d16, cid * 16 + iota16, carry)

            carry = lax.fori_loop(0, 32, p2, carry0)
            _, _, _, r0i, _, r1i = consolidate(carry)
            obuf[pl.ds(rl * KNN, 16)] = r0i
            obuf[pl.ds(rl * KNN + 16, 16)] = r1i
            return 0

        def group_fn(gI, _):
            pltpu.sync_copy(
                cm_hbm.at[pl.ds(base_row + gI * 8, 8)], cmbuf
            )
            lax.fori_loop(gI * 8, gI * 8 + 8, row_fn, 0)
            return 0

        lax.fori_loop(0, rpw // 8, group_fn, 0)
        pltpu.sync_copy(obuf, out_hbm.at[pl.ds(base_row * KNN, rpw * KNN)])

    return k(chunks, cmf).reshape(B, G, KNN)


def _gather_sc(x, xyz, rgb, fps_idx, knn_idx):
    B, N, D = x.shape
    G, K = GROUP, KNN
    rows = B * G
    rpw = rows // NWORK
    x_flat = x.reshape(B * N, D)
    planes = [xyz[:, :, i] for i in range(3)] + [rgb[:, :, i] for i in range(3)]
    fps_flat = fps_idx.reshape(rows)
    knn_flat = knn_idx.reshape(rows * K)

    f32 = jnp.float32
    out_type = (
        jax.ShapeDtypeStruct((rows, D), f32),
        jax.ShapeDtypeStruct((rows,), f32),
        jax.ShapeDtypeStruct((rows,), f32),
        jax.ShapeDtypeStruct((rows,), f32),
        jax.ShapeDtypeStruct((rows * K, D), f32),
        jax.ShapeDtypeStruct((rows * K,), f32),
        jax.ShapeDtypeStruct((rows * K,), f32),
        jax.ShapeDtypeStruct((rows * K,), f32),
        jax.ShapeDtypeStruct((rows * K,), f32),
        jax.ShapeDtypeStruct((rows * K,), f32),
        jax.ShapeDtypeStruct((rows * K,), f32),
    )
    mesh = plsc.VectorSubcoreMesh(core_axis_name="c", subcore_axis_name="s")

    @functools.partial(
        pl.kernel,
        out_type=out_type,
        mesh=mesh,
        scratch_types=[
            [pltpu.VMEM((N,), f32) for _ in range(6)],
            pltpu.VMEM((rpw,), jnp.int32),
            pltpu.VMEM((rpw * K,), jnp.int32),
            pltpu.VMEM((rpw * K,), jnp.int32),
            pltpu.VMEM((128,), jnp.int32),
            pltpu.VMEM((128, D), f32),
            [pltpu.VMEM((rpw,), f32) for _ in range(3)],
            [pltpu.VMEM((rpw * K,), f32) for _ in range(6)],
            pltpu.SemaphoreType.DMA,
        ],
        compiler_params=pltpu.CompilerParams(needs_layout_passes=False),
    )
    def k(
        xs_h, ys_h, zs_h, r_h, g_h, b_h, xf_h, fps_h, knn_h,
        lcx_h, lr_h, lg_h, lb_h, knnx_h, kxs_h, kys_h, kzs_h, kr_h, kg_h, kb_h,
        pv, fi, ki, kg, gbuf, rv, lst, kst, sem,
    ):
        wid = lax.axis_index("s") * 2 + lax.axis_index("c")
        b = wid // (NWORK // B)
        bbase = b * N
        plane_hs = (xs_h, ys_h, zs_h, r_h, g_h, b_h)
        for i in range(6):
            pltpu.sync_copy(plane_hs[i].at[b], pv[i])
        pltpu.sync_copy(fps_h.at[pl.ds(wid * rpw, rpw)], fi)
        pltpu.sync_copy(knn_h.at[pl.ds(wid * rpw * K, rpw * K)], ki)

        for j in range(rpw // 16):
            sl = pl.ds(j * 16, 16)
            idx16 = fi[sl]
            for i in range(3):
                lst[i][sl] = plsc.load_gather(pv[3 + i], [idx16])
            gbuf[sl] = idx16 + bbase
        pltpu.async_copy(xf_h.at[gbuf], rv, sem).wait()
        pltpu.sync_copy(rv, lcx_h.at[pl.ds(wid * rpw, rpw)])
        for i, oh in enumerate((lr_h, lg_h, lb_h)):
            pltpu.sync_copy(lst[i], oh.at[pl.ds(wid * rpw, rpw)])

        def plane_step(j, _):
            sl = pl.ds(j * 16, 16)
            idx16 = ki[sl]
            for i in range(6):
                kst[i][sl] = plsc.load_gather(pv[i], [idx16])
            kg[sl] = idx16 + bbase
            return 0

        lax.fori_loop(0, rpw * K // 16, plane_step, 0)
        outs = (kxs_h, kys_h, kzs_h, kr_h, kg_h, kb_h)
        for i in range(6):
            pltpu.sync_copy(kst[i], outs[i].at[pl.ds(wid * rpw * K, rpw * K)])

        def chunk_step(cI, _):
            for jj in range(8):
                gbuf[pl.ds(jj * 16, 16)] = kg[pl.ds(cI * 128 + jj * 16, 16)]
            pltpu.async_copy(xf_h.at[gbuf], rv, sem).wait()
            pltpu.sync_copy(
                rv, knnx_h.at[pl.ds(wid * rpw * K + cI * 128, 128)]
            )
            return 0

        lax.fori_loop(0, rpw * K // 128, chunk_step, 0)

    res = k(*planes, x_flat, fps_flat, knn_flat)
    lc_x = res[0].reshape(B, G, D)
    lc_rgb = jnp.stack(res[1:4], axis=-1).reshape(B, G, 3)
    knn_x = res[4].reshape(B, G, K, D)
    knn_xyz = jnp.stack(res[5:8], axis=-1).reshape(B, G, K, 3)
    knn_rgb = jnp.stack(res[8:11], axis=-1).reshape(B, G, K, 3)
    return lc_x, lc_rgb, knn_x, knn_xyz, knn_rgb


def kernel(xyz, x, rgb):
    fps_idx, cx, cy, cz = _fps(xyz)
    lc_xyz = jnp.stack([cx, cy, cz], axis=-1)

    dist, cm = _dist(lc_xyz, xyz)
    knn_idx = _topk_sc(dist, cm)

    lc_x, lc_rgb, knn_x, knn_xyz, knn_rgb = _gather_sc(
        x, xyz, rgb, fps_idx, knn_idx
    )
    return (lc_xyz, lc_x, lc_rgb, knn_xyz, knn_x, knn_rgb)

# --- scband reference (transcript-rebuilt; emitter-appended) ---
"""Pipeline reference for scband-fps-k-nn-7103875907739 (READ-ONLY COPY).

The authoritative reference and input builder live on the scoring server;
editing this copy changes nothing except your own understanding.
"""

import jax, jax.numpy as jnp
import numpy as np

GROUP_NUM = 512
K_NEIGHBORS = 32


def index_points(points, idx):
    if idx.ndim == 2:
        return jnp.take_along_axis(points, idx[:, :, None], axis=1)
    else:
        return jax.vmap(lambda p, i: p[i])(points, idx)


def furthest_point_sample(xyz, npoint):
    B, N, C = xyz.shape
    batch_idx = jnp.arange(B)
    distance = jnp.full((B, N), 1e10, dtype=xyz.dtype)
    farthest = jnp.zeros((B,), dtype=jnp.int32)
    centroids = jnp.zeros((B, npoint), dtype=jnp.int32)

    def body(i, state):
        centroids, distance, farthest = state
        centroids = centroids.at[:, i].set(farthest)
        centroid = xyz[batch_idx, farthest, :][:, None, :]
        dist = jnp.sum((xyz - centroid) ** 2, -1)
        distance = jnp.minimum(distance, dist)
        farthest = jnp.argmax(distance, -1).astype(jnp.int32)
        return (centroids, distance, farthest)

    centroids, _, _ = jax.lax.fori_loop(0, npoint, body, (centroids, distance, farthest))
    return centroids


def square_distance(src, dst):
    dist = -2.0 * jnp.matmul(src, jnp.transpose(dst, (0, 2, 1)))
    dist = dist + jnp.sum(src ** 2, -1)[:, :, None]
    dist = dist + jnp.sum(dst ** 2, -1)[:, None, :]
    return dist


def knn_point(nsample, xyz, new_xyz):
    sqrdists = square_distance(new_xyz, xyz)
    _, group_idx = jax.lax.top_k(-sqrdists, nsample)
    return group_idx


def setup_inputs(seed: int = 0):
    key = jax.random.key(seed)
    k1, k2, k3 = jax.random.split(key, 3)
    B, N, D = 8, 8192, 128
    xyz = jax.random.normal(k1, (B, N, 3), dtype=jnp.float32)
    x = jax.random.normal(k2, (B, N, D), dtype=jnp.float32)
    rgb = jax.random.uniform(k3, (B, N, 3), dtype=jnp.float32)
    return {"xyz": xyz, "x": x, "rgb": rgb}


def reference(xyz, x, rgb):
    fps_idx = furthest_point_sample(xyz, GROUP_NUM)
    lc_xyz = index_points(xyz, fps_idx)
    lc_x = index_points(x, fps_idx)
    lc_rgb = index_points(rgb, fps_idx)
    knn_idx = knn_point(K_NEIGHBORS, xyz, lc_xyz)
    knn_xyz = index_points(xyz, knn_idx)
    knn_x = index_points(x, knn_idx)
    knn_rgb = index_points(rgb, knn_idx)
    return (lc_xyz, lc_x, lc_rgb, knn_xyz, knn_x, knn_rgb)

if __name__ == "__main__":
    import jax
    _d = setup_inputs()
    print(jax.jit(kernel)(*tuple(_d.values())))

</pallas_src>

<mosaic_0001>
#map = affine_map<(d0, d1) -> (0, 0)>
#map1 = affine_map<(d0, d1) -> (0)>
module attributes {stable_mosaic.version = 14 : i64} {
  func.func @k(%arg0: i32, %arg1: i32, %arg2: memref<8x8192xf32, #tpu.memory_space<hbm>>, %arg3: memref<8x8192xf32, #tpu.memory_space<hbm>>, %arg4: memref<8x8192xf32, #tpu.memory_space<hbm>>, %arg5: memref<8x8192xf32, #tpu.memory_space<hbm>>, %arg6: memref<8x8192xf32, #tpu.memory_space<hbm>>, %arg7: memref<8x8192xf32, #tpu.memory_space<hbm>>, %arg8: memref<65536x128xf32, #tpu.memory_space<hbm>>, %arg9: memref<4096xi32, #tpu.memory_space<hbm>>, %arg10: memref<131072xi32, #tpu.memory_space<hbm>>, %arg11: memref<4096x128xf32, #tpu.memory_space<hbm>>, %arg12: memref<4096xf32, #tpu.memory_space<hbm>>, %arg13: memref<4096xf32, #tpu.memory_space<hbm>>, %arg14: memref<4096xf32, #tpu.memory_space<hbm>>, %arg15: memref<131072x128xf32, #tpu.memory_space<hbm>>, %arg16: memref<131072xf32, #tpu.memory_space<hbm>>, %arg17: memref<131072xf32, #tpu.memory_space<hbm>>, %arg18: memref<131072xf32, #tpu.memory_space<hbm>>, %arg19: memref<131072xf32, #tpu.memory_space<hbm>>, %arg20: memref<131072xf32, #tpu.memory_space<hbm>>, %arg21: memref<131072xf32, #tpu.memory_space<hbm>>, %arg22: memref<8192xf32, #tpu.memory_space<vmem>>, %arg23: memref<8192xf32, #tpu.memory_space<vmem>>, %arg24: memref<8192xf32, #tpu.memory_space<vmem>>, %arg25: memref<8192xf32, #tpu.memory_space<vmem>>, %arg26: memref<8192xf32, #tpu.memory_space<vmem>>, %arg27: memref<8192xf32, #tpu.memory_space<vmem>>, %arg28: memref<128xi32, #tpu.memory_space<vmem>>, %arg29: memref<4096xi32, #tpu.memory_space<vmem>>, %arg30: memref<4096xi32, #tpu.memory_space<vmem>>, %arg31: memref<128xi32, #tpu.memory_space<vmem>>, %arg32: memref<128x128xf32, #tpu.memory_space<vmem>>, %arg33: memref<128xf32, #tpu.memory_space<vmem>>, %arg34: memref<128xf32, #tpu.memory_space<vmem>>, %arg35: memref<128xf32, #tpu.memory_space<vmem>>, %arg36: memref<4096xf32, #tpu.memory_space<vmem>>, %arg37: memref<4096xf32, #tpu.memory_space<vmem>>, %arg38: memref<4096xf32, #tpu.memory_space<vmem>>, %arg39: memref<4096xf32, #tpu.memory_space<vmem>>, %arg40: memref<4096xf32, #tpu.memory_space<vmem>>, %arg41: memref<4096xf32, #tpu.memory_space<vmem>>, %arg42: memref<!tpu.dma_semaphore, #tpu.memory_space<semaphore_mem>>) attributes {dimension_semantics = [#tpu.dimension_semantics<core_parallel>, #tpu.dimension_semantics<subcore_parallel>], iteration_bounds = array<i64: 2, 16>, scalar_prefetch = 0 : i64, scratch_operands = 21 : i64, tpu.core_type = #tpu.core_type<sc_vector_subcore>, window_params = [{transform_indices = #map}, {transform_indices = #map}, {transform_indices = #map}, {transform_indices = #map}, {transform_indices = #map}, {transform_indices = #map}, {transform_indices = #map}, {transform_indices = #map1}, {transform_indices = #map1}, {transform_indices = #map}, {transform_indices = #map1}, {transform_indices = #map1}, {transform_indices = #map1}, {transform_indices = #map}, {transform_indices = #map1}, {transform_indices = #map1}, {transform_indices = #map1}, {transform_indices = #map1}, {transform_indices = #map1}, {transform_indices = #map1}]} {
    %mul3A = arith.constant 2 : i32
    %mul3A_0 = arith.muli %arg1, %mul3A : i32
    %add3A = arith.addi %mul3A_0, %arg0 : i32
    %jit3A = arith.constant 4 : i32
    %div3A = arith.divsi %add3A, %jit3A : i32
    %sign3A = arith.constant 0 : i32
    %sign3A_1 = arith.cmpi sgt, %add3A, %sign3A : i32
    %sign3A_2 = arith.extui %sign3A_1 : i1 to i32
    %sign3A_3 = arith.constant 0 : i32
    %sign3A_4 = arith.cmpi slt, %add3A, %sign3A_3 : i32
    %sign3A_5 = arith.extui %sign3A_4 : i1 to i32
    %sign3A_6 = arith.subi %sign3A_2, %sign3A_5 : i32
    %sign3A_7 = arith.constant 0 : i32
    %sign3A_8 = arith.cmpi sgt, %jit3A, %sign3A_7 : i32
    %sign3A_9 = arith.extui %sign3A_8 : i1 to i32
    %sign3A_10 = arith.constant 0 : i32
    %sign3A_11 = arith.cmpi slt, %jit3A, %sign3A_10 : i32
    %sign3A_12 = arith.extui %sign3A_11 : i1 to i32
    %sign3A_13 = arith.subi %sign3A_9, %sign3A_12 : i32
    %ne3A = arith.cmpi ne, %sign3A_6, %sign3A_13 : i32
    %rem3A = arith.remsi %add3A, %jit3A : i32
    %ne3A_14 = arith.constant 0 : i32
    %ne3A_15 = arith.cmpi ne, %rem3A, %ne3A_14 : i32
    %and3A = arith.andi %ne3A, %ne3A_15 : i1
    %sub3A = arith.constant 1 : i32
    %sub3A_16 = arith.subi %div3A, %sub3A : i32
    %select_n3A = arith.select %and3A, %sub3A_16, %div3A : i32
    %mul3A_17 = arith.constant 8192 : i32
    %mul3A_18 = arith.muli %select_n3A, %mul3A_17 : i32
    "tpu.region"() ({
      %run_scoped3A = tpu.sem_alloc : memref<!tpu.dma_semaphore, #tpu.memory_space<semaphore_mem>>
      %dma_start3A_191 = arith.constant 0 : i32
      %dma_start3A_192 = tpu.memref_slice %arg2[%select_n3A, %dma_start3A_191] : memref<8x8192xf32, #tpu.memory_space<hbm>> -> memref<1x8192xf32, #tpu.memory_space<hbm>>
      %dma_start3A_193 = tpu.memref_squeeze %dma_start3A_192 : memref<1x8192xf32, #tpu.memory_space<hbm>> -> memref<8192xf32, #tpu.memory_space<hbm>>
      %dma_start3A_194 = arith.constant 0 : i32
      %dma_start3A_195 = tpu.memref_slice %arg2[%select_n3A, %dma_start3A_194] : memref<8x8192xf32, #tpu.memory_space<hbm>> -> memref<1x8192xf32, #tpu.memory_space<hbm>>
      %dma_start3A_196 = tpu.memref_squeeze %dma_start3A_195 : memref<1x8192xf32, #tpu.memory_space<hbm>> -> memref<8192xf32, #tpu.memory_space<hbm>>
      tpu.enqueue_dma source(%dma_start3A_196 : memref<8192xf32, #tpu.memory_space<hbm>>) target(%arg22 : memref<8192xf32, #tpu.memory_space<vmem>>) target_semaphore(%run_scoped3A : memref<!tpu.dma_semaphore, #tpu.memory_space<semaphore_mem>>)
      %dma_wait3A_197 = arith.constant 0 : i32
      %dma_wait3A_198 = tpu.memref_slice %arg2[%select_n3A, %dma_wait3A_197] : memref<8x8192xf32, #tpu.memory_space<hbm>> -> memref<1x8192xf32, #tpu.memory_space<hbm>>
      %dma_wait3A_199 = tpu.memref_squeeze %dma_wait3A_198 : memref<1x8192xf32, #tpu.memory_space<hbm>> -> memref<8192xf32, #tpu.memory_space<hbm>>
      %dma_wait3A_200 = arith.constant 0 : i32
      %dma_wait3A_201 = tpu.memref_slice %arg2[%select_n3A, %dma_wait3A_200] : memref<8x8192xf32, #tpu.memory_space<hbm>> -> memref<1x8192xf32, #tpu.memory_space<hbm>>
      %dma_wait3A_202 = tpu.memref_squeeze %dma_wait3A_201 : memref<1x8192xf32, #tpu.memory_space<hbm>> -> memref<8192xf32, #tpu.memory_space<hbm>>
      tpu.wait_dma2 semaphore(%run_scoped3A : memref<!tpu.dma_semaphore, #tpu.memory_space<semaphore_mem>>) src(%dma_wait3A_202 : memref<8192xf32, #tpu.memory_space<hbm>>) dst(%arg22 : memref<8192xf32, #tpu.memory_space<vmem>>)
      tpu.yield
    }) : () -> ()
    "tpu.region"() ({
      %run_scoped3A = tpu.sem_alloc : memref<!tpu.dma_semaphore, #tpu.memory_space<semaphore_mem>>
      %dma_start3A_191 = arith.constant 0 : i32
      %dma_start3A_192 = tpu.memref_slice %arg3[%select_n3A, %dma_start3A_191] : memref<8x8192xf32, #tpu.memory_space<hbm>> -> memref<1x8192xf32, #tpu.memory_space<hbm>>
      %dma_start3A_193 = tpu.memref_squeeze %dma_start3A_192 : memref<1x8192xf32, #tpu.memory_space<hbm>> -> memref<8192xf32, #tpu.memory_space<hbm>>
      %dma_start3A_194 = arith.constant 0 : i32
      %dma_start3A_195 = tpu.memref_slice %arg3[%select_n3A, %dma_start3A_194] : memref<8x8192xf32, #tpu.memory_space<hbm>> -> memref<1x8192xf32, #tpu.memory_space<hbm>>
      %dma_start3A_196 = tpu.memref_squeeze %dma_start3A_195 : memref<1x8192xf32, #tpu.memory_space<hbm>> -> memref<8192xf32, #tpu.memory_space<hbm>>
      tpu.enqueue_dma source(%dma_start3A_196 : memref<8192xf32, #tpu.memory_space<hbm>>) target(%arg23 : memref<8192xf32, #tpu.memory_space<vmem>>) target_semaphore(%run_scoped3A : memref<!tpu.dma_semaphore, #tpu.memory_space<semaphore_mem>>)
      %dma_wait3A_197 = arith.constant 0 : i32
      %dma_wait3A_198 = tpu.memref_slice %arg3[%select_n3A, %dma_wait3A_197] : memref<8x8192xf32, #tpu.memory_space<hbm>> -> memref<1x8192xf32, #tpu.memory_space<hbm>>
      %dma_wait3A_199 = tpu.memref_squeeze %dma_wait3A_198 : memref<1x8192xf32, #tpu.memory_space<hbm>> -> memref<8192xf32, #tpu.memory_space<hbm>>
      %dma_wait3A_200 = arith.constant 0 : i32
      %dma_wait3A_201 = tpu.memref_slice %arg3[%select_n3A, %dma_wait3A_200] : memref<8x8192xf32, #tpu.memory_space<hbm>> -> memref<1x8192xf32, #tpu.memory_space<hbm>>
      %dma_wait3A_202 = tpu.memref_squeeze %dma_wait3A_201 : memref<1x8192xf32, #tpu.memory_space<hbm>> -> memref<8192xf32, #tpu.memory_space<hbm>>
      tpu.wait_dma2 semaphore(%run_scoped3A : memref<!tpu.dma_semaphore, #tpu.memory_space<semaphore_mem>>) src(%dma_wait3A_202 : memref<8192xf32, #tpu.memory_space<hbm>>) dst(%arg23 : memref<8192xf32, #tpu.memory_space<vmem>>)
      tpu.yield
    }) : () -> ()
    "tpu.region"() ({
      %run_scoped3A = tpu.sem_alloc : memref<!tpu.dma_semaphore, #tpu.memory_space<semaphore_mem>>
      %dma_start3A_191 = arith.constant 0 : i32
      %dma_start3A_192 = tpu.memref_slice %arg4[%select_n3A, %dma_start3A_191] : memref<8x8192xf32, #tpu.memory_space<hbm>> -> memref<1x8192xf32, #tpu.memory_space<hbm>>
      %dma_start3A_193 = tpu.memref_squeeze %dma_start3A_192 : memref<1x8192xf32, #tpu.memory_space<hbm>> -> memref<8192xf32, #tpu.memory_space<hbm>>
      %dma_start3A_194 = arith.constant 0 : i32
      %dma_start3A_195 = tpu.memref_slice %arg4[%select_n3A, %dma_start3A_194] : memref<8x8192xf32, #tpu.memory_space<hbm>> -> memref<1x8192xf32, #tpu.memory_space<hbm>>
      %dma_start3A_196 = tpu.memref_squeeze %dma_start3A_195 : memref<1x8192xf32, #tpu.memory_space<hbm>> -> memref<8192xf32, #tpu.memory_space<hbm>>
      tpu.enqueue_dma source(%dma_start3A_196 : memref<8192xf32, #tpu.memory_space<hbm>>) target(%arg24 : memref<8192xf32, #tpu.memory_space<vmem>>) target_semaphore(%run_scoped3A : memref<!tpu.dma_semaphore, #tpu.memory_space<semaphore_mem>>)
      %dma_wait3A_197 = arith.constant 0 : i32
      %dma_wait3A_198 = tpu.memref_slice %arg4[%select_n3A, %dma_wait3A_197] : memref<8x8192xf32, #tpu.memory_space<hbm>> -> memref<1x8192xf32, #tpu.memory_space<hbm>>
      %dma_wait3A_199 = tpu.memref_squeeze %dma_wait3A_198 : memref<1x8192xf32, #tpu.memory_space<hbm>> -> memref<8192xf32, #tpu.memory_space<hbm>>
      %dma_wait3A_200 = arith.constant 0 : i32
      %dma_wait3A_201 = tpu.memref_slice %arg4[%select_n3A, %dma_wait3A_200] : memref<8x8192xf32, #tpu.memory_space<hbm>> -> memref<1x8192xf32, #tpu.memory_space<hbm>>
      %dma_wait3A_202 = tpu.memref_squeeze %dma_wait3A_201 : memref<1x8192xf32, #tpu.memory_space<hbm>> -> memref<8192xf32, #tpu.memory_space<hbm>>
      tpu.wait_dma2 semaphore(%run_scoped3A : memref<!tpu.dma_semaphore, #tpu.memory_space<semaphore_mem>>) src(%dma_wait3A_202 : memref<8192xf32, #tpu.memory_space<hbm>>) dst(%arg24 : memref<8192xf32, #tpu.memory_space<vmem>>)
      tpu.yield
    }) : () -> ()
    "tpu.region"() ({
      %run_scoped3A = tpu.sem_alloc : memref<!tpu.dma_semaphore, #tpu.memory_space<semaphore_mem>>
      %dma_start3A_191 = arith.constant 0 : i32
      %dma_start3A_192 = tpu.memref_slice %arg5[%select_n3A, %dma_start3A_191] : memref<8x8192xf32, #tpu.memory_space<hbm>> -> memref<1x8192xf32, #tpu.memory_space<hbm>>
      %dma_start3A_193 = tpu.memref_squeeze %dma_start3A_192 : memref<1x8192xf32, #tpu.memory_space<hbm>> -> memref<8192xf32, #tpu.memory_space<hbm>>
      %dma_start3A_194 = arith.constant 0 : i32
      %dma_start3A_195 = tpu.memref_slice %arg5[%select_n3A, %dma_start3A_194] : memref<8x8192xf32, #tpu.memory_space<hbm>> -> memref<1x8192xf32, #tpu.memory_space<hbm>>
      %dma_start3A_196 = tpu.memref_squeeze %dma_start3A_195 : memref<1x8192xf32, #tpu.memory_space<hbm>> -> memref<8192xf32, #tpu.memory_space<hbm>>
      tpu.enqueue_dma source(%dma_start3A_196 : memref<8192xf32, #tpu.memory_space<hbm>>) target(%arg25 : memref<8192xf32, #tpu.memory_space<vmem>>) target_semaphore(%run_scoped3A : memref<!tpu.dma_semaphore, #tpu.memory_space<semaphore_mem>>)
      %dma_wait3A_197 = arith.constant 0 : i32
      %dma_wait3A_198 = tpu.memref_slice %arg5[%select_n3A, %dma_wait3A_197] : memref<8x8192xf32, #tpu.memory_space<hbm>> -> memref<1x8192xf32, #tpu.memory_space<hbm>>
      %dma_wait3A_199 = tpu.memref_squeeze %dma_wait3A_198 : memref<1x8192xf32, #tpu.memory_space<hbm>> -> memref<8192xf32, #tpu.memory_space<hbm>>
      %dma_wait3A_200 = arith.constant 0 : i32
      %dma_wait3A_201 = tpu.memref_slice %arg5[%select_n3A, %dma_wait3A_200] : memref<8x8192xf32, #tpu.memory_space<hbm>> -> memref<1x8192xf32, #tpu.memory_space<hbm>>
      %dma_wait3A_202 = tpu.memref_squeeze %dma_wait3A_201 : memref<1x8192xf32, #tpu.memory_space<hbm>> -> memref<8192xf32, #tpu.memory_space<hbm>>
      tpu.wait_dma2 semaphore(%run_scoped3A : memref<!tpu.dma_semaphore, #tpu.memory_space<semaphore_mem>>) src(%dma_wait3A_202 : memref<8192xf32, #tpu.memory_space<hbm>>) dst(%arg25 : memref<8192xf32, #tpu.memory_space<vmem>>)
      tpu.yield
    }) : () -> ()
    "tpu.region"() ({
      %run_scoped3A = tpu.sem_alloc : memref<!tpu.dma_semaphore, #tpu.memory_space<semaphore_mem>>
      %dma_start3A_191 = arith.constant 0 : i32
      %dma_start3A_192 = tpu.memref_slice %arg6[%select_n3A, %dma_start3A_191] : memref<8x8192xf32, #tpu.memory_space<hbm>> -> memref<1x8192xf32, #tpu.memory_space<hbm>>
      %dma_start3A_193 = tpu.memref_squeeze %dma_start3A_192 : memref<1x8192xf32, #tpu.memory_space<hbm>> -> memref<8192xf32, #tpu.memory_space<hbm>>
      %dma_start3A_194 = arith.constant 0 : i32
      %dma_start3A_195 = tpu.memref_slice %arg6[%select_n3A, %dma_start3A_194] : memref<8x8192xf32, #tpu.memory_space<hbm>> -> memref<1x8192xf32, #tpu.memory_space<hbm>>
      %dma_start3A_196 = tpu.memref_squeeze %dma_start3A_195 : memref<1x8192xf32, #tpu.memory_space<hbm>> -> memref<8192xf32, #tpu.memory_space<hbm>>
      tpu.enqueue_dma source(%dma_start3A_196 : memref<8192xf32, #tpu.memory_space<hbm>>) target(%arg26 : memref<8192xf32, #tpu.memory_space<vmem>>) target_semaphore(%run_scoped3A : memref<!tpu.dma_semaphore, #tpu.memory_space<semaphore_mem>>)
      %dma_wait3A_197 = arith.constant 0 : i32
      %dma_wait3A_198 = tpu.memref_slice %arg6[%select_n3A, %dma_wait3A_197] : memref<8x8192xf32, #tpu.memory_space<hbm>> -> memref<1x8192xf32, #tpu.memory_space<hbm>>
      %dma_wait3A_199 = tpu.memref_squeeze %dma_wait3A_198 : memref<1x8192xf32, #tpu.memory_space<hbm>> -> memref<8192xf32, #tpu.memory_space<hbm>>
      %dma_wait3A_200 = arith.constant 0 : i32
      %dma_wait3A_201 = tpu.memref_slice %arg6[%select_n3A, %dma_wait3A_200] : memref<8x8192xf32, #tpu.memory_space<hbm>> -> memref<1x8192xf32, #tpu.memory_space<hbm>>
      %dma_wait3A_202 = tpu.memref_squeeze %dma_wait3A_201 : memref<1x8192xf32, #tpu.memory_space<hbm>> -> memref<8192xf32, #tpu.memory_space<hbm>>
      tpu.wait_dma2 semaphore(%run_scoped3A : memref<!tpu.dma_semaphore, #tpu.memory_space<semaphore_mem>>) src(%dma_wait3A_202 : memref<8192xf32, #tpu.memory_space<hbm>>) dst(%arg26 : memref<8192xf32, #tpu.memory_space<vmem>>)
      tpu.yield
    }) : () -> ()
    "tpu.region"() ({
      %run_scoped3A = tpu.sem_alloc : memref<!tpu.dma_semaphore, #tpu.memory_space<semaphore_mem>>
      %dma_start3A_191 = arith.constant 0 : i32
      %dma_start3A_192 = tpu.memref_slice %arg7[%select_n3A, %dma_start3A_191] : memref<8x8192xf32, #tpu.memory_space<hbm>> -> memref<1x8192xf32, #tpu.memory_space<hbm>>
      %dma_start3A_193 = tpu.memref_squeeze %dma_start3A_192 : memref<1x8192xf32, #tpu.memory_space<hbm>> -> memref<8192xf32, #tpu.memory_space<hbm>>
      %dma_start3A_194 = arith.constant 0 : i32
      %dma_start3A_195 = tpu.memref_slice %arg7[%select_n3A, %dma_start3A_194] : memref<8x8192xf32, #tpu.memory_space<hbm>> -> memref<1x8192xf32, #tpu.memory_space<hbm>>
      %dma_start3A_196 = tpu.memref_squeeze %dma_start3A_195 : memref<1x8192xf32, #tpu.memory_space<hbm>> -> memref<8192xf32, #tpu.memory_space<hbm>>
      tpu.enqueue_dma source(%dma_start3A_196 : memref<8192xf32, #tpu.memory_space<hbm>>) target(%arg27 : memref<8192xf32, #tpu.memory_space<vmem>>) target_semaphore(%run_scoped3A : memref<!tpu.dma_semaphore, #tpu.memory_space<semaphore_mem>>)
      %dma_wait3A_197 = arith.constant 0 : i32
      %dma_wait3A_198 = tpu.memref_slice %arg7[%select_n3A, %dma_wait3A_197] : memref<8x8192xf32, #tpu.memory_space<hbm>> -> memref<1x8192xf32, #tpu.memory_space<hbm>>
      %dma_wait3A_199 = tpu.memref_squeeze %dma_wait3A_198 : memref<1x8192xf32, #tpu.memory_space<hbm>> -> memref<8192xf32, #tpu.memory_space<hbm>>
      %dma_wait3A_200 = arith.constant 0 : i32
      %dma_wait3A_201 = tpu.memref_slice %arg7[%select_n3A, %dma_wait3A_200] : memref<8x8192xf32, #tpu.memory_space<hbm>> -> memref<1x8192xf32, #tpu.memory_space<hbm>>
      %dma_wait3A_202 = tpu.memref_squeeze %dma_wait3A_201 : memref<1x8192xf32, #tpu.memory_space<hbm>> -> memref<8192xf32, #tpu.memory_space<hbm>>
      tpu.wait_dma2 semaphore(%run_scoped3A : memref<!tpu.dma_semaphore, #tpu.memory_space<semaphore_mem>>) src(%dma_wait3A_202 : memref<8192xf32, #tpu.memory_space<hbm>>) dst(%arg27 : memref<8192xf32, #tpu.memory_space<vmem>>)
      tpu.yield
    }) : () -> ()
    %mul3A_19 = arith.constant 128 : i32
    %mul3A_20 = arith.muli %add3A, %mul3A_19 : i32
    "tpu.region"() ({
      %run_scoped3A = tpu.sem_alloc : memref<!tpu.dma_semaphore, #tpu.memory_space<semaphore_mem>>
      %dma_start3A_191 = tpu.memref_slice %arg9[%mul3A_20] : memref<4096xi32, #tpu.memory_space<hbm>> -> memref<128xi32, #tpu.memory_space<hbm>>
      %dma_start3A_192 = tpu.memref_slice %arg9[%mul3A_20] : memref<4096xi32, #tpu.memory_space<hbm>> -> memref<128xi32, #tpu.memory_space<hbm>>
      tpu.enqueue_dma source(%dma_start3A_192 : memref<128xi32, #tpu.memory_space<hbm>>) target(%arg28 : memref<128xi32, #tpu.memory_space<vmem>>) target_semaphore(%run_scoped3A : memref<!tpu.dma_semaphore, #tpu.memory_space<semaphore_mem>>)
      %dma_wait3A_193 = tpu.memref_slice %arg9[%mul3A_20] : memref<4096xi32, #tpu.memory_space<hbm>> -> memref<128xi32, #tpu.memory_space<hbm>>
      %dma_wait3A_194 = tpu.memref_slice %arg9[%mul3A_20] : memref<4096xi32, #tpu.memory_space<hbm>> -> memref<128xi32, #tpu.memory_space<hbm>>
      tpu.wait_dma2 semaphore(%run_scoped3A : memref<!tpu.dma_semaphore, #tpu.memory_space<semaphore_mem>>) src(%dma_wait3A_194 : memref<128xi32, #tpu.memory_space<hbm>>) dst(%arg28 : memref<128xi32, #tpu.memory_space<vmem>>)
      tpu.yield
    }) : () -> ()
    %mul3A_21 = arith.constant 128 : i32
    %mul3A_22 = arith.muli %add3A, %mul3A_21 : i32
    %mul3A_23 = arith.constant 32 : i32
    %mul3A_24 = arith.muli %mul3A_22, %mul3A_23 : i32
    "tpu.region"() ({
      %run_scoped3A = tpu.sem_alloc : memref<!tpu.dma_semaphore, #tpu.memory_space<semaphore_mem>>
      %dma_start3A_191 = tpu.memref_slice %arg10[%mul3A_24] : memref<131072xi32, #tpu.memory_space<hbm>> -> memref<4096xi32, #tpu.memory_space<hbm>>
      %dma_start3A_192 = tpu.memref_slice %arg10[%mul3A_24] : memref<131072xi32, #tpu.memory_space<hbm>> -> memref<4096xi32, #tpu.memory_space<hbm>>
      tpu.enqueue_dma source(%dma_start3A_192 : memref<4096xi32, #tpu.memory_space<hbm>>) target(%arg29 : memref<4096xi32, #tpu.memory_space<vmem>>) target_semaphore(%run_scoped3A : memref<!tpu.dma_semaphore, #tpu.memory_space<semaphore_mem>>)
      %dma_wait3A_193 = tpu.memref_slice %arg10[%mul3A_24] : memref<131072xi32, #tpu.memory_space<hbm>> -> memref<4096xi32, #tpu.memory_space<hbm>>
      %dma_wait3A_194 = tpu.memref_slice %arg10[%mul3A_24] : memref<131072xi32, #tpu.memory_space<hbm>> -> memref<4096xi32, #tpu.memory_space<hbm>>
      tpu.wait_dma2 semaphore(%run_scoped3A : memref<!tpu.dma_semaphore, #tpu.memory_space<semaphore_mem>>) src(%dma_wait3A_194 : memref<4096xi32, #tpu.memory_space<hbm>>) dst(%arg29 : memref<4096xi32, #tpu.memory_space<vmem>>)
      tpu.yield
    }) : () -> ()
    %get3A = arith.constant 0 : index
    %get3A_25 = tpu.vector_load %arg28[%get3A] {strides = array<i32>} : memref<128xi32, #tpu.memory_space<vmem>>, vector<16xi32>,
    %gather3A = tpu.vector_load_idx %arg25[%get3A_25] : memref<8192xf32, #tpu.memory_space<vmem>>[vector<16xi32>], vector<16xf32>,
    %swap3A = arith.constant 0 : index
    %swap3A_26 = tpu.vector_load %arg33[%swap3A] {strides = array<i32>} : memref<128xf32, #tpu.memory_space<vmem>>, vector<16xf32>,
    tpu.vector_store %arg33[%swap3A], %gather3A {strides = array<i32>} : memref<128xf32, #tpu.memory_space<vmem>>, vector<16xf32>,
    %gather3A_27 = tpu.vector_load_idx %arg26[%get3A_25] : memref<8192xf32, #tpu.memory_space<vmem>>[vector<16xi32>], vector<16xf32>,
    %swap3A_28 = arith.constant 0 : index
    %swap3A_29 = tpu.vector_load %arg34[%swap3A_28] {strides = array<i32>} : memref<128xf32, #tpu.memory_space<vmem>>, vector<16xf32>,
    tpu.vector_store %arg34[%swap3A_28], %gather3A_27 {strides = array<i32>} : memref<128xf32, #tpu.memory_space<vmem>>, vector<16xf32>,
    %gather3A_30 = tpu.vector_load_idx %arg27[%get3A_25] : memref<8192xf32, #tpu.memory_space<vmem>>[vector<16xi32>], vector<16xf32>,
    %swap3A_31 = arith.constant 0 : index
    %swap3A_32 = tpu.vector_load %arg35[%swap3A_31] {strides = array<i32>} : memref<128xf32, #tpu.memory_space<vmem>>, vector<16xf32>,
    tpu.vector_store %arg35[%swap3A_31], %gather3A_30 {strides = array<i32>} : memref<128xf32, #tpu.memory_space<vmem>>, vector<16xf32>,
    %add3A_33 = vector.broadcast %mul3A_18 : i32 to vector<16xi32>
    %add3A_34 = arith.addi %get3A_25, %add3A_33 : vector<16xi32>
    %swap3A_35 = arith.constant 0 : index
    %swap3A_36 = tpu.vector_load %arg31[%swap3A_35] {strides = array<i32>} : memref<128xi32, #tpu.memory_space<vmem>>, vector<16xi32>,
    tpu.vector_store %arg31[%swap3A_35], %add3A_34 {strides = array<i32>} : memref<128xi32, #tpu.memory_space<vmem>>, vector<16xi32>,
    %get3A_37 = arith.constant 16 : index
    %get3A_38 = tpu.vector_load %arg28[%get3A_37] {strides = array<i32>} : memref<128xi32, #tpu.memory_space<vmem>>, vector<16xi32>,
    %gather3A_39 = tpu.vector_load_idx %arg25[%get3A_38] : memref<8192xf32, #tpu.memory_space<vmem>>[vector<16xi32>], vector<16xf32>,
    %swap3A_40 = arith.constant 16 : index
    %swap3A_41 = tpu.vector_load %arg33[%swap3A_40] {strides = array<i32>} : memref<128xf32, #tpu.memory_space<vmem>>, vector<16xf32>,
    tpu.vector_store %arg33[%swap3A_40], %gather3A_39 {strides = array<i32>} : memref<128xf32, #tpu.memory_space<vmem>>, vector<16xf32>,
    %gather3A_42 = tpu.vector_load_idx %arg26[%get3A_38] : memref<8192xf32, #tpu.memory_space<vmem>>[vector<16xi32>], vector<16xf32>,
    %swap3A_43 = arith.constant 16 : index
    %swap3A_44 = tpu.vector_load %arg34[%swap3A_43] {strides = array<i32>} : memref<128xf32, #tpu.memory_space<vmem>>, vector<16xf32>,
    tpu.vector_store %arg34[%swap3A_43], %gather3A_42 {strides = array<i32>} : memref<128xf32, #tpu.memory_space<vmem>>, vector<16xf32>,
    %gather3A_45 = tpu.vector_load_idx %arg27[%get3A_38] : memref<8192xf32, #tpu.memory_space<vmem>>[vector<16xi32>], vector<16xf32>,
    %swap3A_46 = arith.constant 16 : index
    %swap3A_47 = tpu.vector_load %arg35[%swap3A_46] {strides = array<i32>} : memref<128xf32, #tpu.memory_space<vmem>>, vector<16xf32>,
    tpu.vector_store %arg35[%swap3A_46], %gather3A_45 {strides = array<i32>} : memref<128xf32, #tpu.memory_space<vmem>>, vector<16xf32>,
    %add3A_48 = vector.broadcast %mul3A_18 : i32 to vector<16xi32>
    %add3A_49 = arith.addi %get3A_38, %add3A_48 : vector<16xi32>
    %swap3A_50 = arith.constant 16 : index
    %swap3A_51 = tpu.vector_load %arg31[%swap3A_50] {strides = array<i32>} : memref<128xi32, #tpu.memory_space<vmem>>, vector<16xi32>,
    tpu.vector_store %arg31[%swap3A_50], %add3A_49 {strides = array<i32>} : memref<128xi32, #tpu.memory_space<vmem>>, vector<16xi32>,
    %get3A_52 = arith.constant 32 : index
    %get3A_53 = tpu.vector_load %arg28[%get3A_52] {strides = array<i32>} : memref<128xi32, #tpu.memory_space<vmem>>, vector<16xi32>,
    %gather3A_54 = tpu.vector_load_idx %arg25[%get3A_53] : memref<8192xf32, #tpu.memory_space<vmem>>[vector<16xi32>], vector<16xf32>,
    %swap3A_55 = arith.constant 32 : index
    %swap3A_56 = tpu.vector_load %arg33[%swap3A_55] {strides = array<i32>} : memref<128xf32, #tpu.memory_space<vmem>>, vector<16xf32>,
    tpu.vector_store %arg33[%swap3A_55], %gather3A_54 {strides = array<i32>} : memref<128xf32, #tpu.memory_space<vmem>>, vector<16xf32>,
    %gather3A_57 = tpu.vector_load_idx %arg26[%get3A_53] : memref<8192xf32, #tpu.memory_space<vmem>>[vector<16xi32>], vector<16xf32>,
    %swap3A_58 = arith.constant 32 : index
    %swap3A_59 = tpu.vector_load %arg34[%swap3A_58] {strides = array<i32>} : memref<128xf32, #tpu.memory_space<vmem>>, vector<16xf32>,
    tpu.vector_store %arg34[%swap3A_58], %gather3A_57 {strides = array<i32>} : memref<128xf32, #tpu.memory_space<vmem>>, vector<16xf32>,
    %gather3A_60 = tpu.vector_load_idx %arg27[%get3A_53] : memref<8192xf32, #tpu.memory_space<vmem>>[vector<16xi32>], vector<16xf32>,
    %swap3A_61 = arith.constant 32 : index
    %swap3A_62 = tpu.vector_load %arg35[%swap3A_61] {strides = array<i32>} : memref<128xf32, #tpu.memory_space<vmem>>, vector<16xf32>,
    tpu.vector_store %arg35[%swap3A_61], %gather3A_60 {strides = array<i32>} : memref<128xf32, #tpu.memory_space<vmem>>, vector<16xf32>,
    %add3A_63 = vector.broadcast %mul3A_18 : i32 to vector<16xi32>
    %add3A_64 = arith.addi %get3A_53, %add3A_63 : vector<16xi32>
    %swap3A_65 = arith.constant 32 : index
    %swap3A_66 = tpu.vector_load %arg31[%swap3A_65] {strides = array<i32>} : memref<128xi32, #tpu.memory_space<vmem>>, vector<16xi32>,
    tpu.vector_store %arg31[%swap3A_65], %add3A_64 {strides = array<i32>} : memref<128xi32, #tpu.memory_space<vmem>>, vector<16xi32>,
    %get3A_67 = arith.constant 48 : index
    %get3A_68 = tpu.vector_load %arg28[%get3A_67] {strides = array<i32>} : memref<128xi32, #tpu.memory_space<vmem>>, vector<16xi32>,
    %gather3A_69 = tpu.vector_load_idx %arg25[%get3A_68] : memref<8192xf32, #tpu.memory_space<vmem>>[vector<16xi32>], vector<16xf32>,
    %swap3A_70 = arith.constant 48 : index
    %swap3A_71 = tpu.vector_load %arg33[%swap3A_70] {strides = array<i32>} : memref<128xf32, #tpu.memory_space<vmem>>, vector<16xf32>,
    tpu.vector_store %arg33[%swap3A_70], %gather3A_69 {strides = array<i32>} : memref<128xf32, #tpu.memory_space<vmem>>, vector<16xf32>,
    %gather3A_72 = tpu.vector_load_idx %arg26[%get3A_68] : memref<8192xf32, #tpu.memory_space<vmem>>[vector<16xi32>], vector<16xf32>,
    %swap3A_73 = arith.constant 48 : index
    %swap3A_74 = tpu.vector_load %arg34[%swap3A_73] {strides = array<i32>} : memref<128xf32, #tpu.memory_space<vmem>>, vector<16xf32>,
    tpu.vector_store %arg34[%swap3A_73], %gather3A_72 {strides = array<i32>} : memref<128xf32, #tpu.memory_space<vmem>>, vector<16xf32>,
    %gather3A_75 = tpu.vector_load_idx %arg27[%get3A_68] : memref<8192xf32, #tpu.memory_space<vmem>>[vector<16xi32>], vector<16xf32>,
    %swap3A_76 = arith.constant 48 : index
    %swap3A_77 = tpu.vector_load %arg35[%swap3A_76] {strides = array<i32>} : memref<128xf32, #tpu.memory_space<vmem>>, vector<16xf32>,
    tpu.vector_store %arg35[%swap3A_76], %gather3A_75 {strides = array<i32>} : memref<128xf32, #tpu.memory_space<vmem>>, vector<16xf32>,
    %add3A_78 = vector.broadcast %mul3A_18 : i32 to vector<16xi32>
    %add3A_79 = arith.addi %get3A_68, %add3A_78 : vector<16xi32>
    %swap3A_80 = arith.constant 48 : index
    %swap3A_81 = tpu.vector_load %arg31[%swap3A_80] {strides = array<i32>} : memref<128xi32, #tpu.memory_space<vmem>>, vector<16xi32>,
    tpu.vector_store %arg31[%swap3A_80], %add3A_79 {strides = array<i32>} : memref<128xi32, #tpu.memory_space<vmem>>, vector<16xi32>,
    %get3A_82 = arith.constant 64 : index
    %get3A_83 = tpu.vector_load %arg28[%get3A_82] {strides = array<i32>} : memref<128xi32, #tpu.memory_space<vmem>>, vector<16xi32>,
    %gather3A_84 = tpu.vector_load_idx %arg25[%get3A_83] : memref<8192xf32, #tpu.memory_space<vmem>>[vector<16xi32>], vector<16xf32>,
    %swap3A_85 = arith.constant 64 : index
    %swap3A_86 = tpu.vector_load %arg33[%swap3A_85] {strides = array<i32>} : memref<128xf32, #tpu.memory_space<vmem>>, vector<16xf32>,
    tpu.vector_store %arg33[%swap3A_85], %gather3A_84 {strides = array<i32>} : memref<128xf32, #tpu.memory_space<vmem>>, vector<16xf32>,
    %gather3A_87 = tpu.vector_load_idx %arg26[%get3A_83] : memref<8192xf32, #tpu.memory_space<vmem>>[vector<16xi32>], vector<16xf32>,
    %swap3A_88 = arith.constant 64 : index
    %swap3A_89 = tpu.vector_load %arg34[%swap3A_88] {strides = array<i32>} : memref<128xf32, #tpu.memory_space<vmem>>, vector<16xf32>,
    tpu.vector_store %arg34[%swap3A_88], %gather3A_87 {strides = array<i32>} : memref<128xf32, #tpu.memory_space<vmem>>, vector<16xf32>,
    %gather3A_90 = tpu.vector_load_idx %arg27[%get3A_83] : memref<8192xf32, #tpu.memory_space<vmem>>[vector<16xi32>], vector<16xf32>,
    %swap3A_91 = arith.constant 64 : index
    %swap3A_92 = tpu.vector_load %arg35[%swap3A_91] {strides = array<i32>} : memref<128xf32, #tpu.memory_space<vmem>>, vector<16xf32>,
    tpu.vector_store %arg35[%swap3A_91], %gather3A_90 {strides = array<i32>} : memref<128xf32, #tpu.memory_space<vmem>>, vector<16xf32>,
    %add3A_93 = vector.broadcast %mul3A_18 : i32 to vector<16xi32>
    %add3A_94 = arith.addi %get3A_83, %add3A_93 : vector<16xi32>
    %swap3A_95 = arith.constant 64 : index
    %swap3A_96 = tpu.vector_load %arg31[%swap3A_95] {strides = array<i32>} : memref<128xi32, #tpu.memory_space<vmem>>, vector<16xi32>,
    tpu.vector_store %arg31[%swap3A_95], %add3A_94 {strides = array<i32>} : memref<128xi32, #tpu.memory_space<vmem>>, vector<16xi32>,
    %get3A_97 = arith.constant 80 : index
    %get3A_98 = tpu.vector_load %arg28[%get3A_97] {strides = array<i32>} : memref<128xi32, #tpu.memory_space<vmem>>, vector<16xi32>,
    %gather3A_99 = tpu.vector_load_idx %arg25[%get3A_98] : memref<8192xf32, #tpu.memory_space<vmem>>[vector<16xi32>], vector<16xf32>,
    %swap3A_100 = arith.constant 80 : index
    %swap3A_101 = tpu.vector_load %arg33[%swap3A_100] {strides = array<i32>} : memref<128xf32, #tpu.memory_space<vmem>>, vector<16xf32>,
    tpu.vector_store %arg33[%swap3A_100], %gather3A_99 {strides = array<i32>} : memref<128xf32, #tpu.memory_space<vmem>>, vector<16xf32>,
    %gather3A_102 = tpu.vector_load_idx %arg26[%get3A_98] : memref<8192xf32, #tpu.memory_space<vmem>>[vector<16xi32>], vector<16xf32>,
    %swap3A_103 = arith.constant 80 : index
    %swap3A_104 = tpu.vector_load %arg34[%swap3A_103] {strides = array<i32>} : memref<128xf32, #tpu.memory_space<vmem>>, vector<16xf32>,
    tpu.vector_store %arg34[%swap3A_103], %gather3A_102 {strides = array<i32>} : memref<128xf32, #tpu.memory_space<vmem>>, vector<16xf32>,
    %gather3A_105 = tpu.vector_load_idx %arg27[%get3A_98] : memref<8192xf32, #tpu.memory_space<vmem>>[vector<16xi32>], vector<16xf32>,
    %swap3A_106 = arith.constant 80 : index
    %swap3A_107 = tpu.vector_load %arg35[%swap3A_106] {strides = array<i32>} : memref<128xf32, #tpu.memory_space<vmem>>, vector<16xf32>,
    tpu.vector_store %arg35[%swap3A_106], %gather3A_105 {strides = array<i32>} : memref<128xf32, #tpu.memory_space<vmem>>, vector<16xf32>,
    %add3A_108 = vector.broadcast %mul3A_18 : i32 to vector<16xi32>
    %add3A_109 = arith.addi %get3A_98, %add3A_108 : vector<16xi32>
    %swap3A_110 = arith.constant 80 : index
    %swap3A_111 = tpu.vector_load %arg31[%swap3A_110] {strides = array<i32>} : memref<128xi32, #tpu.memory_space<vmem>>, vector<16xi32>,
    tpu.vector_store %arg31[%swap3A_110], %add3A_109 {strides = array<i32>} : memref<128xi32, #tpu.memory_space<vmem>>, vector<16xi32>,
    %get3A_112 = arith.constant 96 : index
    %get3A_113 = tpu.vector_load %arg28[%get3A_112] {strides = array<i32>} : memref<128xi32, #tpu.memory_space<vmem>>, vector<16xi32>,
    %gather3A_114 = tpu.vector_load_idx %arg25[%get3A_113] : memref<8192xf32, #tpu.memory_space<vmem>>[vector<16xi32>], vector<16xf32>,
    %swap3A_115 = arith.constant 96 : index
    %swap3A_116 = tpu.vector_load %arg33[%swap3A_115] {strides = array<i32>} : memref<128xf32, #tpu.memory_space<vmem>>, vector<16xf32>,
    tpu.vector_store %arg33[%swap3A_115], %gather3A_114 {strides = array<i32>} : memref<128xf32, #tpu.memory_space<vmem>>, vector<16xf32>,
    %gather3A_117 = tpu.vector_load_idx %arg26[%get3A_113] : memref<8192xf32, #tpu.memory_space<vmem>>[vector<16xi32>], vector<16xf32>,
    %swap3A_118 = arith.constant 96 : index
    %swap3A_119 = tpu.vector_load %arg34[%swap3A_118] {strides = array<i32>} : memref<128xf32, #tpu.memory_space<vmem>>, vector<16xf32>,
    tpu.vector_store %arg34[%swap3A_118], %gather3A_117 {strides = array<i32>} : memref<128xf32, #tpu.memory_space<vmem>>, vector<16xf32>,
    %gather3A_120 = tpu.vector_load_idx %arg27[%get3A_113] : memref<8192xf32, #tpu.memory_space<vmem>>[vector<16xi32>], vector<16xf32>,
    %swap3A_121 = arith.constant 96 : index
    %swap3A_122 = tpu.vector_load %arg35[%swap3A_121] {strides = array<i32>} : memref<128xf32, #tpu.memory_space<vmem>>, vector<16xf32>,
    tpu.vector_store %arg35[%swap3A_121], %gather3A_120 {strides = array<i32>} : memref<128xf32, #tpu.memory_space<vmem>>, vector<16xf32>,
    %add3A_123 = vector.broadcast %mul3A_18 : i32 to vector<16xi32>
    %add3A_124 = arith.addi %get3A_113, %add3A_123 : vector<16xi32>
    %swap3A_125 = arith.constant 96 : index
    %swap3A_126 = tpu.vector_load %arg31[%swap3A_125] {strides = array<i32>} : memref<128xi32, #tpu.memory_space<vmem>>, vector<16xi32>,
    tpu.vector_store %arg31[%swap3A_125], %add3A_124 {strides = array<i32>} : memref<128xi32, #tpu.memory_space<vmem>>, vector<16xi32>,
    %get3A_127 = arith.constant 112 : index
    %get3A_128 = tpu.vector_load %arg28[%get3A_127] {strides = array<i32>} : memref<128xi32, #tpu.memory_space<vmem>>, vector<16xi32>,
    %gather3A_129 = tpu.vector_load_idx %arg25[%get3A_128] : memref<8192xf32, #tpu.memory_space<vmem>>[vector<16xi32>], vector<16xf32>,
    %swap3A_130 = arith.constant 112 : index
    %swap3A_131 = tpu.vector_load %arg33[%swap3A_130] {strides = array<i32>} : memref<128xf32, #tpu.memory_space<vmem>>, vector<16xf32>,
    tpu.vector_store %arg33[%swap3A_130], %gather3A_129 {strides = array<i32>} : memref<128xf32, #tpu.memory_space<vmem>>, vector<16xf32>,
    %gather3A_132 = tpu.vector_load_idx %arg26[%get3A_128] : memref<8192xf32, #tpu.memory_space<vmem>>[vector<16xi32>], vector<16xf32>,
    %swap3A_133 = arith.constant 112 : index
    %swap3A_134 = tpu.vector_load %arg34[%swap3A_133] {strides = array<i32>} : memref<128xf32, #tpu.memory_space<vmem>>, vector<16xf32>,
    tpu.vector_store %arg34[%swap3A_133], %gather3A_132 {strides = array<i32>} : memref<128xf32, #tpu.memory_space<vmem>>, vector<16xf32>,
    %gather3A_135 = tpu.vector_load_idx %arg27[%get3A_128] : memref<8192xf32, #tpu.memory_space<vmem>>[vector<16xi32>], vector<16xf32>,
    %swap3A_136 = arith.constant 112 : index
    %swap3A_137 = tpu.vector_load %arg35[%swap3A_136] {strides = array<i32>} : memref<128xf32, #tpu.memory_space<vmem>>, vector<16xf32>,
    tpu.vector_store %arg35[%swap3A_136], %gather3A_135 {strides = array<i32>} : memref<128xf32, #tpu.memory_space<vmem>>, vector<16xf32>,
    %add3A_138 = vector.broadcast %mul3A_18 : i32 to vector<16xi32>
    %add3A_139 = arith.addi %get3A_128, %add3A_138 : vector<16xi32>
    %swap3A_140 = arith.constant 112 : index
    %swap3A_141 = tpu.vector_load %arg31[%swap3A_140] {strides = array<i32>} : memref<128xi32, #tpu.memory_space<vmem>>, vector<16xi32>,
    tpu.vector_store %arg31[%swap3A_140], %add3A_139 {strides = array<i32>} : memref<128xi32, #tpu.memory_space<vmem>>, vector<16xi32>,
    %dma_start3A = arith.constant 0 : i32
    %dma_start3A_142 = arith.constant 0 : i32
    %dma_start3A_143 = tpu.memref_slice %arg8[%dma_start3A, %dma_start3A_142] : memref<65536x128xf32, #tpu.memory_space<hbm>> -> memref<65536x128xf32, #tpu.memory_space<hbm>>
    tpu.enqueue_indirect_dma source(%dma_start3A_143 : memref<65536x128xf32, #tpu.memory_space<hbm>>) target(%arg32 : memref<128x128xf32, #tpu.memory_space<vmem>>) offsets(%arg31 : memref<128xi32, #tpu.memory_space<vmem>>) semaphore(%arg42 : memref<!tpu.dma_semaphore, #tpu.memory_space<semaphore_mem>>)
    %dma_wait3A = arith.constant 0 : i32
    %dma_wait3A_144 = arith.constant 0 : i32
    %dma_wait3A_145 = tpu.memref_slice %arg8[%dma_wait3A, %dma_wait3A_144] : memref<65536x128xf32, #tpu.memory_space<hbm>> -> memref<65536x128xf32, #tpu.memory_space<hbm>>
    tpu.wait_indirect_dma semaphore(%arg42 : memref<!tpu.dma_semaphore, #tpu.memory_space<semaphore_mem>>) src(%dma_wait3A_145 : memref<65536x128xf32, #tpu.memory_space<hbm>>) dst(%arg32 : memref<128x128xf32, #tpu.memory_space<vmem>>)
    %mul3A_146 = arith.constant 128 : i32
    %mul3A_147 = arith.muli %add3A, %mul3A_146 : i32
    "tpu.region"() ({
      %run_scoped3A = tpu.sem_alloc : memref<!tpu.dma_semaphore, #tpu.memory_space<semaphore_mem>>
      %dma_start3A_191 = arith.constant 0 : i32
      %dma_start3A_192 = tpu.memref_slice %arg11[%mul3A_147, %dma_start3A_191] : memref<4096x128xf32, #tpu.memory_space<hbm>> -> memref<128x128xf32, #tpu.memory_space<hbm>>
      %dma_start3A_193 = arith.constant 0 : i32
      %dma_start3A_194 = tpu.memref_slice %arg11[%mul3A_147, %dma_start3A_193] : memref<4096x128xf32, #tpu.memory_space<hbm>> -> memref<128x128xf32, #tpu.memory_space<hbm>>
      tpu.enqueue_dma source(%arg32 : memref<128x128xf32, #tpu.memory_space<vmem>>) target(%dma_start3A_194 : memref<128x128xf32, #tpu.memory_space<hbm>>) target_semaphore(%run_scoped3A : memref<!tpu.dma_semaphore, #tpu.memory_space<semaphore_mem>>)
      %dma_wait3A_195 = arith.constant 0 : i32
      %dma_wait3A_196 = tpu.memref_slice %arg11[%mul3A_147, %dma_wait3A_195] : memref<4096x128xf32, #tpu.memory_space<hbm>> -> memref<128x128xf32, #tpu.memory_space<hbm>>
      %dma_wait3A_197 = arith.constant 0 : i32
      %dma_wait3A_198 = tpu.memref_slice %arg11[%mul3A_147, %dma_wait3A_197] : memref<4096x128xf32, #tpu.memory_space<hbm>> -> memref<128x128xf32, #tpu.memory_space<hbm>>
      tpu.wait_dma2 semaphore(%run_scoped3A : memref<!tpu.dma_semaphore, #tpu.memory_space<semaphore_mem>>) src(%arg32 : memref<128x128xf32, #tpu.memory_space<vmem>>) dst(%dma_wait3A_198 : memref<128x128xf32, #tpu.memory_space<hbm>>)
      tpu.yield
    }) : () -> ()
    %mul3A_148 = arith.constant 128 : i32
    %mul3A_149 = arith.muli %add3A, %mul3A_148 : i32
    "tpu.region"() ({
      %run_scoped3A = tpu.sem_alloc : memref<!tpu.dma_semaphore, #tpu.memory_space<semaphore_mem>>
      %dma_start3A_191 = tpu.memref_slice %arg12[%mul3A_149] : memref<4096xf32, #tpu.memory_space<hbm>> -> memref<128xf32, #tpu.memory_space<hbm>>
      %dma_start3A_192 = tpu.memref_slice %arg12[%mul3A_149] : memref<4096xf32, #tpu.memory_space<hbm>> -> memref<128xf32, #tpu.memory_space<hbm>>
      tpu.enqueue_dma source(%arg33 : memref<128xf32, #tpu.memory_space<vmem>>) target(%dma_start3A_192 : memref<128xf32, #tpu.memory_space<hbm>>) target_semaphore(%run_scoped3A : memref<!tpu.dma_semaphore, #tpu.memory_space<semaphore_mem>>)
      %dma_wait3A_193 = tpu.memref_slice %arg12[%mul3A_149] : memref<4096xf32, #tpu.memory_space<hbm>> -> memref<128xf32, #tpu.memory_space<hbm>>
      %dma_wait3A_194 = tpu.memref_slice %arg12[%mul3A_149] : memref<4096xf32, #tpu.memory_space<hbm>> -> memref<128xf32, #tpu.memory_space<hbm>>
      tpu.wait_dma2 semaphore(%run_scoped3A : memref<!tpu.dma_semaphore, #tpu.memory_space<semaphore_mem>>) src(%arg33 : memref<128xf32, #tpu.memory_space<vmem>>) dst(%dma_wait3A_194 : memref<128xf32, #tpu.memory_space<hbm>>)
      tpu.yield
    }) : () -> ()
    %mul3A_150 = arith.constant 128 : i32
    %mul3A_151 = arith.muli %add3A, %mul3A_150 : i32
    "tpu.region"() ({
      %run_scoped3A = tpu.sem_alloc : memref<!tpu.dma_semaphore, #tpu.memory_space<semaphore_mem>>
      %dma_start3A_191 = tpu.memref_slice %arg13[%mul3A_151] : memref<4096xf32, #tpu.memory_space<hbm>> -> memref<128xf32, #tpu.memory_space<hbm>>
      %dma_start3A_192 = tpu.memref_slice %arg13[%mul3A_151] : memref<4096xf32, #tpu.memory_space<hbm>> -> memref<128xf32, #tpu.memory_space<hbm>>
      tpu.enqueue_dma source(%arg34 : memref<128xf32, #tpu.memory_space<vmem>>) target(%dma_start3A_192 : memref<128xf32, #tpu.memory_space<hbm>>) target_semaphore(%run_scoped3A : memref<!tpu.dma_semaphore, #tpu.memory_space<semaphore_mem>>)
      %dma_wait3A_193 = tpu.memref_slice %arg13[%mul3A_151] : memref<4096xf32, #tpu.memory_space<hbm>> -> memref<128xf32, #tpu.memory_space<hbm>>
      %dma_wait3A_194 = tpu.memref_slice %arg13[%mul3A_151] : memref<4096xf32, #tpu.memory_space<hbm>> -> memref<128xf32, #tpu.memory_space<hbm>>
      tpu.wait_dma2 semaphore(%run_scoped3A : memref<!tpu.dma_semaphore, #tpu.memory_space<semaphore_mem>>) src(%arg34 : memref<128xf32, #tpu.memory_space<vmem>>) dst(%dma_wait3A_194 : memref<128xf32, #tpu.memory_space<hbm>>)
      tpu.yield
    }) : () -> ()
    %mul3A_152 = arith.constant 128 : i32
    %mul3A_153 = arith.muli %add3A, %mul3A_152 : i32
    "tpu.region"() ({
      %run_scoped3A = tpu.sem_alloc : memref<!tpu.dma_semaphore, #tpu.memory_space<semaphore_mem>>
      %dma_start3A_191 = tpu.memref_slice %arg14[%mul3A_153] : memref<4096xf32, #tpu.memory_space<hbm>> -> memref<128xf32, #tpu.memory_space<hbm>>
      %dma_start3A_192 = tpu.memref_slice %arg14[%mul3A_153] : memref<4096xf32, #tpu.memory_space<hbm>> -> memref<128xf32, #tpu.memory_space<hbm>>
      tpu.enqueue_dma source(%arg35 : memref<128xf32, #tpu.memory_space<vmem>>) target(%dma_start3A_192 : memref<128xf32, #tpu.memory_space<hbm>>) target_semaphore(%run_scoped3A : memref<!tpu.dma_semaphore, #tpu.memory_space<semaphore_mem>>)
      %dma_wait3A_193 = tpu.memref_slice %arg14[%mul3A_153] : memref<4096xf32, #tpu.memory_space<hbm>> -> memref<128xf32, #tpu.memory_space<hbm>>
      %dma_wait3A_194 = tpu.memref_slice %arg14[%mul3A_153] : memref<4096xf32, #tpu.memory_space<hbm>> -> memref<128xf32, #tpu.memory_space<hbm>>
      tpu.wait_dma2 semaphore(%run_scoped3A : memref<!tpu.dma_semaphore, #tpu.memory_space<semaphore_mem>>) src(%arg35 : memref<128xf32, #tpu.memory_space<vmem>>) dst(%dma_wait3A_194 : memref<128xf32, #tpu.memory_space<hbm>>)
      tpu.yield
    }) : () -> ()
    %scan3A = arith.constant 0 : i32
    %scan3A_154 = arith.constant 0 : i32
    %scan3A_155 = arith.constant 256 : i32
    %scan3A_156 = arith.addi %scan3A_154, %scan3A_155 : i32
    %scan3A_157 = arith.constant 1 : i32
    %scan3A_158 = scf.for %scan3A_191 = %scan3A_154 to %scan3A_156 step %scan3A_157 iter_args(%scan3A_192 = %scan3A) -> (i32)  : i32 {
      %mul3A_193 = arith.constant 16 : i32
      %mul3A_194 = arith.muli %scan3A_191, %mul3A_193 : i32
      %get3A_195 = arith.index_cast %mul3A_194 : i32 to index
      %get3A_196 = tpu.vector_load %arg29[%get3A_195] {strides = array<i32>} : memref<4096xi32, #tpu.memory_space<vmem>>, vector<16xi32>,
      %gather3A_197 = tpu.vector_load_idx %arg22[%get3A_196] : memref<8192xf32, #tpu.memory_space<vmem>>[vector<16xi32>], vector<16xf32>,
      %swap3A_198 = arith.index_cast %mul3A_194 : i32 to index
      %swap3A_199 = tpu.vector_load %arg36[%swap3A_198] {strides = array<i32>} : memref<4096xf32, #tpu.memory_space<vmem>>, vector<16xf32>,
      tpu.vector_store %arg36[%swap3A_198], %gather3A_197 {strides = array<i32>} : memref<4096xf32, #tpu.memory_space<vmem>>, vector<16xf32>,
      %gather3A_200 = tpu.vector_load_idx %arg23[%get3A_196] : memref<8192xf32, #tpu.memory_space<vmem>>[vector<16xi32>], vector<16xf32>,
      %swap3A_201 = arith.index_cast %mul3A_194 : i32 to index
      %swap3A_202 = tpu.vector_load %arg37[%swap3A_201] {strides = array<i32>} : memref<4096xf32, #tpu.memory_space<vmem>>, vector<16xf32>,
      tpu.vector_store %arg37[%swap3A_201], %gather3A_200 {strides = array<i32>} : memref<4096xf32, #tpu.memory_space<vmem>>, vector<16xf32>,
      %gather3A_203 = tpu.vector_load_idx %arg24[%get3A_196] : memref<8192xf32, #tpu.memory_space<vmem>>[vector<16xi32>], vector<16xf32>,
      %swap3A_204 = arith.index_cast %mul3A_194 : i32 to index
      %swap3A_205 = tpu.vector_load %arg38[%swap3A_204] {strides = array<i32>} : memref<4096xf32, #tpu.memory_space<vmem>>, vector<16xf32>,
      tpu.vector_store %arg38[%swap3A_204], %gather3A_203 {strides = array<i32>} : memref<4096xf32, #tpu.memory_space<vmem>>, vector<16xf32>,
      %gather3A_206 = tpu.vector_load_idx %arg25[%get3A_196] : memref<8192xf32, #tpu.memory_space<vmem>>[vector<16xi32>], vector<16xf32>,
      %swap3A_207 = arith.index_cast %mul3A_194 : i32 to index
      %swap3A_208 = tpu.vector_load %arg39[%swap3A_207] {strides = array<i32>} : memref<4096xf32, #tpu.memory_space<vmem>>, vector<16xf32>,
      tpu.vector_store %arg39[%swap3A_207], %gather3A_206 {strides = array<i32>} : memref<4096xf32, #tpu.memory_space<vmem>>, vector<16xf32>,
      %gather3A_209 = tpu.vector_load_idx %arg26[%get3A_196] : memref<8192xf32, #tpu.memory_space<vmem>>[vector<16xi32>], vector<16xf32>,
      %swap3A_210 = arith.index_cast %mul3A_194 : i32 to index
      %swap3A_211 = tpu.vector_load %arg40[%swap3A_210] {strides = array<i32>} : memref<4096xf32, #tpu.memory_space<vmem>>, vector<16xf32>,
      tpu.vector_store %arg40[%swap3A_210], %gather3A_209 {strides = array<i32>} : memref<4096xf32, #tpu.memory_space<vmem>>, vector<16xf32>,
      %gather3A_212 = tpu.vector_load_idx %arg27[%get3A_196] : memref<8192xf32, #tpu.memory_space<vmem>>[vector<16xi32>], vector<16xf32>,
      %swap3A_213 = arith.index_cast %mul3A_194 : i32 to index
      %swap3A_214 = tpu.vector_load %arg41[%swap3A_213] {strides = array<i32>} : memref<4096xf32, #tpu.memory_space<vmem>>, vector<16xf32>,
      tpu.vector_store %arg41[%swap3A_213], %gather3A_212 {strides = array<i32>} : memref<4096xf32, #tpu.memory_space<vmem>>, vector<16xf32>,
      %add3A_215 = vector.broadcast %mul3A_18 : i32 to vector<16xi32>
      %add3A_216 = arith.addi %get3A_196, %add3A_215 : vector<16xi32>
      %swap3A_217 = arith.index_cast %mul3A_194 : i32 to index
      %swap3A_218 = tpu.vector_load %arg30[%swap3A_217] {strides = array<i32>} : memref<4096xi32, #tpu.memory_space<vmem>>, vector<16xi32>,
      tpu.vector_store %arg30[%swap3A_217], %add3A_216 {strides = array<i32>} : memref<4096xi32, #tpu.memory_space<vmem>>, vector<16xi32>,
      %scan3A_219 = arith.constant 0 : i32
      scf.yield %scan3A_219 : i32
    }
    %scan3A_159 = arith.constant 256 : i32
    %mul3A_160 = arith.constant 128 : i32
    %mul3A_161 = arith.muli %add3A, %mul3A_160 : i32
    %mul3A_162 = arith.constant 32 : i32
    %mul3A_163 = arith.muli %mul3A_161, %mul3A_162 : i32
    "tpu.region"() ({
      %run_scoped3A = tpu.sem_alloc : memref<!tpu.dma_semaphore, #tpu.memory_space<semaphore_mem>>
      %dma_start3A_191 = tpu.memref_slice %arg16[%mul3A_163] : memref<131072xf32, #tpu.memory_space<hbm>> -> memref<4096xf32, #tpu.memory_space<hbm>>
      %dma_start3A_192 = tpu.memref_slice %arg16[%mul3A_163] : memref<131072xf32, #tpu.memory_space<hbm>> -> memref<4096xf32, #tpu.memory_space<hbm>>
      tpu.enqueue_dma source(%arg36 : memref<4096xf32, #tpu.memory_space<vmem>>) target(%dma_start3A_192 : memref<4096xf32, #tpu.memory_space<hbm>>) target_semaphore(%run_scoped3A : memref<!tpu.dma_semaphore, #tpu.memory_space<semaphore_mem>>)
      %dma_wait3A_193 = tpu.memref_slice %arg16[%mul3A_163] : memref<131072xf32, #tpu.memory_space<hbm>> -> memref<4096xf32, #tpu.memory_space<hbm>>
      %dma_wait3A_194 = tpu.memref_slice %arg16[%mul3A_163] : memref<131072xf32, #tpu.memory_space<hbm>> -> memref<4096xf32, #tpu.memory_space<hbm>>
      tpu.wait_dma2 semaphore(%run_scoped3A : memref<!tpu.dma_semaphore, #tpu.memory_space<semaphore_mem>>) src(%arg36 : memref<4096xf32, #tpu.memory_space<vmem>>) dst(%dma_wait3A_194 : memref<4096xf32, #tpu.memory_space<hbm>>)
      tpu.yield
    }) : () -> ()
    %mul3A_164 = arith.constant 128 : i32
    %mul3A_165 = arith.muli %add3A, %mul3A_164 : i32
    %mul3A_166 = arith.constant 32 : i32
    %mul3A_167 = arith.muli %mul3A_165, %mul3A_166 : i32
    "tpu.region"() ({
      %run_scoped3A = tpu.sem_alloc : memref<!tpu.dma_semaphore, #tpu.memory_space<semaphore_mem>>
      %dma_start3A_191 = tpu.memref_slice %arg17[%mul3A_167] : memref<131072xf32, #tpu.memory_space<hbm>> -> memref<4096xf32, #tpu.memory_space<hbm>>
      %dma_start3A_192 = tpu.memref_slice %arg17[%mul3A_167] : memref<131072xf32, #tpu.memory_space<hbm>> -> memref<4096xf32, #tpu.memory_space<hbm>>
      tpu.enqueue_dma source(%arg37 : memref<4096xf32, #tpu.memory_space<vmem>>) target(%dma_start3A_192 : memref<4096xf32, #tpu.memory_space<hbm>>) target_semaphore(%run_scoped3A : memref<!tpu.dma_semaphore, #tpu.memory_space<semaphore_mem>>)
      %dma_wait3A_193 = tpu.memref_slice %arg17[%mul3A_167] : memref<131072xf32, #tpu.memory_space<hbm>> -> memref<4096xf32, #tpu.memory_space<hbm>>
      %dma_wait3A_194 = tpu.memref_slice %arg17[%mul3A_167] : memref<131072xf32, #tpu.memory_space<hbm>> -> memref<4096xf32, #tpu.memory_space<hbm>>
      tpu.wait_dma2 semaphore(%run_scoped3A : memref<!tpu.dma_semaphore, #tpu.memory_space<semaphore_mem>>) src(%arg37 : memref<4096xf32, #tpu.memory_space<vmem>>) dst(%dma_wait3A_194 : memref<4096xf32, #tpu.memory_space<hbm>>)
      tpu.yield
    }) : () -> ()
    %mul3A_168 = arith.constant 128 : i32
    %mul3A_169 = arith.muli %add3A, %mul3A_168 : i32
    %mul3A_170 = arith.constant 32 : i32
    %mul3A_171 = arith.muli %mul3A_169, %mul3A_170 : i32
    "tpu.region"() ({
      %run_scoped3A = tpu.sem_alloc : memref<!tpu.dma_semaphore, #tpu.memory_space<semaphore_mem>>
      %dma_start3A_191 = tpu.memref_slice %arg18[%mul3A_171] : memref<131072xf32, #tpu.memory_space<hbm>> -> memref<4096xf32, #tpu.memory_space<hbm>>
      %dma_start3A_192 = tpu.memref_slice %arg18[%mul3A_171] : memref<131072xf32, #tpu.memory_space<hbm>> -> memref<4096xf32, #tpu.memory_space<hbm>>
      tpu.enqueue_dma source(%arg38 : memref<4096xf32, #tpu.memory_space<vmem>>) target(%dma_start3A_192 : memref<4096xf32, #tpu.memory_space<hbm>>) target_semaphore(%run_scoped3A : memref<!tpu.dma_semaphore, #tpu.memory_space<semaphore_mem>>)
      %dma_wait3A_193 = tpu.memref_slice %arg18[%mul3A_171] : memref<131072xf32, #tpu.memory_space<hbm>> -> memref<4096xf32, #tpu.memory_space<hbm>>
      %dma_wait3A_194 = tpu.memref_slice %arg18[%mul3A_171] : memref<131072xf32, #tpu.memory_space<hbm>> -> memref<4096xf32, #tpu.memory_space<hbm>>
      tpu.wait_dma2 semaphore(%run_scoped3A : memref<!tpu.dma_semaphore, #tpu.memory_space<semaphore_mem>>) src(%arg38 : memref<4096xf32, #tpu.memory_space<vmem>>) dst(%dma_wait3A_194 : memref<4096xf32, #tpu.memory_space<hbm>>)
      tpu.yield
    }) : () -> ()
    %mul3A_172 = arith.constant 128 : i32
    %mul3A_173 = arith.muli %add3A, %mul3A_172 : i32
    %mul3A_174 = arith.constant 32 : i32
    %mul3A_175 = arith.muli %mul3A_173, %mul3A_174 : i32
    "tpu.region"() ({
      %run_scoped3A = tpu.sem_alloc : memref<!tpu.dma_semaphore, #tpu.memory_space<semaphore_mem>>
      %dma_start3A_191 = tpu.memref_slice %arg19[%mul3A_175] : memref<131072xf32, #tpu.memory_space<hbm>> -> memref<4096xf32, #tpu.memory_space<hbm>>
      %dma_start3A_192 = tpu.memref_slice %arg19[%mul3A_175] : memref<131072xf32, #tpu.memory_space<hbm>> -> memref<4096xf32, #tpu.memory_space<hbm>>
      tpu.enqueue_dma source(%arg39 : memref<4096xf32, #tpu.memory_space<vmem>>) target(%dma_start3A_192 : memref<4096xf32, #tpu.memory_space<hbm>>) target_semaphore(%run_scoped3A : memref<!tpu.dma_semaphore, #tpu.memory_space<semaphore_mem>>)
      %dma_wait3A_193 = tpu.memref_slice %arg19[%mul3A_175] : memref<131072xf32, #tpu.memory_space<hbm>> -> memref<4096xf32, #tpu.memory_space<hbm>>
      %dma_wait3A_194 = tpu.memref_slice %arg19[%mul3A_175] : memref<131072xf32, #tpu.memory_space<hbm>> -> memref<4096xf32, #tpu.memory_space<hbm>>
      tpu.wait_dma2 semaphore(%run_scoped3A : memref<!tpu.dma_semaphore, #tpu.memory_space<semaphore_mem>>) src(%arg39 : memref<4096xf32, #tpu.memory_space<vmem>>) dst(%dma_wait3A_194 : memref<4096xf32, #tpu.memory_space<hbm>>)
      tpu.yield
    }) : () -> ()
    %mul3A_176 = arith.constant 128 : i32
    %mul3A_177 = arith.muli %add3A, %mul3A_176 : i32
    %mul3A_178 = arith.constant 32 : i32
    %mul3A_179 = arith.muli %mul3A_177, %mul3A_178 : i32
    "tpu.region"() ({
      %run_scoped3A = tpu.sem_alloc : memref<!tpu.dma_semaphore, #tpu.memory_space<semaphore_mem>>
      %dma_start3A_191 = tpu.memref_slice %arg20[%mul3A_179] : memref<131072xf32, #tpu.memory_space<hbm>> -> memref<4096xf32, #tpu.memory_space<hbm>>
      %dma_start3A_192 = tpu.memref_slice %arg20[%mul3A_179] : memref<131072xf32, #tpu.memory_space<hbm>> -> memref<4096xf32, #tpu.memory_space<hbm>>
      tpu.enqueue_dma source(%arg40 : memref<4096xf32, #tpu.memory_space<vmem>>) target(%dma_start3A_192 : memref<4096xf32, #tpu.memory_space<hbm>>) target_semaphore(%run_scoped3A : memref<!tpu.dma_semaphore, #tpu.memory_space<semaphore_mem>>)
      %dma_wait3A_193 = tpu.memref_slice %arg20[%mul3A_179] : memref<131072xf32, #tpu.memory_space<hbm>> -> memref<4096xf32, #tpu.memory_space<hbm>>
      %dma_wait3A_194 = tpu.memref_slice %arg20[%mul3A_179] : memref<131072xf32, #tpu.memory_space<hbm>> -> memref<4096xf32, #tpu.memory_space<hbm>>
      tpu.wait_dma2 semaphore(%run_scoped3A : memref<!tpu.dma_semaphore, #tpu.memory_space<semaphore_mem>>) src(%arg40 : memref<4096xf32, #tpu.memory_space<vmem>>) dst(%dma_wait3A_194 : memref<4096xf32, #tpu.memory_space<hbm>>)
      tpu.yield
    }) : () -> ()
    %mul3A_180 = arith.constant 128 : i32
    %mul3A_181 = arith.muli %add3A, %mul3A_180 : i32
    %mul3A_182 = arith.constant 32 : i32
    %mul3A_183 = arith.muli %mul3A_181, %mul3A_182 : i32
    "tpu.region"() ({
      %run_scoped3A = tpu.sem_alloc : memref<!tpu.dma_semaphore, #tpu.memory_space<semaphore_mem>>
      %dma_start3A_191 = tpu.memref_slice %arg21[%mul3A_183] : memref<131072xf32, #tpu.memory_space<hbm>> -> memref<4096xf32, #tpu.memory_space<hbm>>
      %dma_start3A_192 = tpu.memref_slice %arg21[%mul3A_183] : memref<131072xf32, #tpu.memory_space<hbm>> -> memref<4096xf32, #tpu.memory_space<hbm>>
      tpu.enqueue_dma source(%arg41 : memref<4096xf32, #tpu.memory_space<vmem>>) target(%dma_start3A_192 : memref<4096xf32, #tpu.memory_space<hbm>>) target_semaphore(%run_scoped3A : memref<!tpu.dma_semaphore, #tpu.memory_space<semaphore_mem>>)
      %dma_wait3A_193 = tpu.memref_slice %arg21[%mul3A_183] : memref<131072xf32, #tpu.memory_space<hbm>> -> memref<4096xf32, #tpu.memory_space<hbm>>
      %dma_wait3A_194 = tpu.memref_slice %arg21[%mul3A_183] : memref<131072xf32, #tpu.memory_space<hbm>> -> memref<4096xf32, #tpu.memory_space<hbm>>
      tpu.wait_dma2 semaphore(%run_scoped3A : memref<!tpu.dma_semaphore, #tpu.memory_space<semaphore_mem>>) src(%arg41 : memref<4096xf32, #tpu.memory_space<vmem>>) dst(%dma_wait3A_194 : memref<4096xf32, #tpu.memory_space<hbm>>)
      tpu.yield
    }) : () -> ()
    %scan3A_184 = arith.constant 0 : i32
    %scan3A_185 = arith.constant 0 : i32
    %scan3A_186 = arith.constant 32 : i32
    %scan3A_187 = arith.addi %scan3A_185, %scan3A_186 : i32
    %scan3A_188 = arith.constant 1 : i32
    %scan3A_189 = scf.for %scan3A_191 = %scan3A_185 to %scan3A_187 step %scan3A_188 iter_args(%scan3A_192 = %scan3A_184) -> (i32)  : i32 {
      %mul3A_193 = arith.constant 128 : i32
      %mul3A_194 = arith.muli %scan3A_191, %mul3A_193 : i32
      %add3A_195 = arith.constant 0 : i32
      %add3A_196 = arith.addi %mul3A_194, %add3A_195 : i32
      %get3A_197 = arith.index_cast %add3A_196 : i32 to index
      %get3A_198 = tpu.vector_load %arg30[%get3A_197] {strides = array<i32>} : memref<4096xi32, #tpu.memory_space<vmem>>, vector<16xi32>,
      %swap3A_199 = arith.constant 0 : index
      %swap3A_200 = tpu.vector_load %arg31[%swap3A_199] {strides = array<i32>} : memref<128xi32, #tpu.memory_space<vmem>>, vector<16xi32>,
      tpu.vector_store %arg31[%swap3A_199], %get3A_198 {strides = array<i32>} : memref<128xi32, #tpu.memory_space<vmem>>, vector<16xi32>,
      %mul3A_201 = arith.constant 128 : i32
      %mul3A_202 = arith.muli %scan3A_191, %mul3A_201 : i32
      %add3A_203 = arith.constant 16 : i32
      %add3A_204 = arith.addi %mul3A_202, %add3A_203 : i32
      %get3A_205 = arith.index_cast %add3A_204 : i32 to index
      %get3A_206 = tpu.vector_load %arg30[%get3A_205] {strides = array<i32>} : memref<4096xi32, #tpu.memory_space<vmem>>, vector<16xi32>,
      %swap3A_207 = arith.constant 16 : index
      %swap3A_208 = tpu.vector_load %arg31[%swap3A_207] {strides = array<i32>} : memref<128xi32, #tpu.memory_space<vmem>>, vector<16xi32>,
      tpu.vector_store %arg31[%swap3A_207], %get3A_206 {strides = array<i32>} : memref<128xi32, #tpu.memory_space<vmem>>, vector<16xi32>,
      %mul3A_209 = arith.constant 128 : i32
      %mul3A_210 = arith.muli %scan3A_191, %mul3A_209 : i32
      %add3A_211 = arith.constant 32 : i32
      %add3A_212 = arith.addi %mul3A_210, %add3A_211 : i32
      %get3A_213 = arith.index_cast %add3A_212 : i32 to index
      %get3A_214 = tpu.vector_load %arg30[%get3A_213] {strides = array<i32>} : memref<4096xi32, #tpu.memory_space<vmem>>, vector<16xi32>,
      %swap3A_215 = arith.constant 32 : index
      %swap3A_216 = tpu.vector_load %arg31[%swap3A_215] {strides = array<i32>} : memref<128xi32, #tpu.memory_space<vmem>>, vector<16xi32>,
      tpu.vector_store %arg31[%swap3A_215], %get3A_214 {strides = array<i32>} : memref<128xi32, #tpu.memory_space<vmem>>, vector<16xi32>,
      %mul3A_217 = arith.constant 128 : i32
      %mul3A_218 = arith.muli %scan3A_191, %mul3A_217 : i32
      %add3A_219 = arith.constant 48 : i32
      %add3A_220 = arith.addi %mul3A_218, %add3A_219 : i32
      %get3A_221 = arith.index_cast %add3A_220 : i32 to index
      %get3A_222 = tpu.vector_load %arg30[%get3A_221] {strides = array<i32>} : memref<4096xi32, #tpu.memory_space<vmem>>, vector<16xi32>,
      %swap3A_223 = arith.constant 48 : index
      %swap3A_224 = tpu.vector_load %arg31[%swap3A_223] {strides = array<i32>} : memref<128xi32, #tpu.memory_space<vmem>>, vector<16xi32>,
      tpu.vector_store %arg31[%swap3A_223], %get3A_222 {strides = array<i32>} : memref<128xi32, #tpu.memory_space<vmem>>, vector<16xi32>,
      %mul3A_225 = arith.constant 128 : i32
      %mul3A_226 = arith.muli %scan3A_191, %mul3A_225 : i32
      %add3A_227 = arith.constant 64 : i32
      %add3A_228 = arith.addi %mul3A_226, %add3A_227 : i32
      %get3A_229 = arith.index_cast %add3A_228 : i32 to index
      %get3A_230 = tpu.vector_load %arg30[%get3A_229] {strides = array<i32>} : memref<4096xi32, #tpu.memory_space<vmem>>, vector<16xi32>,
      %swap3A_231 = arith.constant 64 : index
      %swap3A_232 = tpu.vector_load %arg31[%swap3A_231] {strides = array<i32>} : memref<128xi32, #tpu.memory_space<vmem>>, vector<16xi32>,
      tpu.vector_store %arg31[%swap3A_231], %get3A_230 {strides = array<i32>} : memref<128xi32, #tpu.memory_space<vmem>>, vector<16xi32>,
      %mul3A_233 = arith.constant 128 : i32
      %mul3A_234 = arith.muli %scan3A_191, %mul3A_233 : i32
      %add3A_235 = arith.constant 80 : i32
      %add3A_236 = arith.addi %mul3A_234, %add3A_235 : i32
      %get3A_237 = arith.index_cast %add3A_236 : i32 to index
      %get3A_238 = tpu.vector_load %arg30[%get3A_237] {strides = array<i32>} : memref<4096xi32, #tpu.memory_space<vmem>>, vector<16xi32>,
      %swap3A_239 = arith.constant 80 : index
      %swap3A_240 = tpu.vector_load %arg31[%swap3A_239] {strides = array<i32>} : memref<128xi32, #tpu.memory_space<vmem>>, vector<16xi32>,
      tpu.vector_store %arg31[%swap3A_239], %get3A_238 {strides = array<i32>} : memref<128xi32, #tpu.memory_space<vmem>>, vector<16xi32>,
      %mul3A_241 = arith.constant 128 : i32
      %mul3A_242 = arith.muli %scan3A_191, %mul3A_241 : i32
      %add3A_243 = arith.constant 96 : i32
      %add3A_244 = arith.addi %mul3A_242, %add3A_243 : i32
      %get3A_245 = arith.index_cast %add3A_244 : i32 to index
      %get3A_246 = tpu.vector_load %arg30[%get3A_245] {strides = array<i32>} : memref<4096xi32, #tpu.memory_space<vmem>>, vector<16xi32>,
      %swap3A_247 = arith.constant 96 : index
      %swap3A_248 = tpu.vector_load %arg31[%swap3A_247] {strides = array<i32>} : memref<128xi32, #tpu.memory_space<vmem>>, vector<16xi32>,
      tpu.vector_store %arg31[%swap3A_247], %get3A_246 {strides = array<i32>} : memref<128xi32, #tpu.memory_space<vmem>>, vector<16xi32>,
      %mul3A_249 = arith.constant 128 : i32
      %mul3A_250 = arith.muli %scan3A_191, %mul3A_249 : i32
      %add3A_251 = arith.constant 112 : i32
      %add3A_252 = arith.addi %mul3A_250, %add3A_251 : i32
      %get3A_253 = arith.index_cast %add3A_252 : i32 to index
      %get3A_254 = tpu.vector_load %arg30[%get3A_253] {strides = array<i32>} : memref<4096xi32, #tpu.memory_space<vmem>>, vector<16xi32>,
      %swap3A_255 = arith.constant 112 : index
      %swap3A_256 = tpu.vector_load %arg31[%swap3A_255] {strides = array<i32>} : memref<128xi32, #tpu.memory_space<vmem>>, vector<16xi32>,
      tpu.vector_store %arg31[%swap3A_255], %get3A_254 {strides = array<i32>} : memref<128xi32, #tpu.memory_space<vmem>>, vector<16xi32>,
      %dma_start3A_257 = arith.constant 0 : i32
      %dma_start3A_258 = arith.constant 0 : i32
      %dma_start3A_259 = tpu.memref_slice %arg8[%dma_start3A_257, %dma_start3A_258] : memref<65536x128xf32, #tpu.memory_space<hbm>> -> memref<65536x128xf32, #tpu.memory_space<hbm>>
      tpu.enqueue_indirect_dma source(%dma_start3A_259 : memref<65536x128xf32, #tpu.memory_space<hbm>>) target(%arg32 : memref<128x128xf32, #tpu.memory_space<vmem>>) offsets(%arg31 : memref<128xi32, #tpu.memory_space<vmem>>) semaphore(%arg42 : memref<!tpu.dma_semaphore, #tpu.memory_space<semaphore_mem>>)
      %dma_wait3A_260 = arith.constant 0 : i32
      %dma_wait3A_261 = arith.constant 0 : i32
      %dma_wait3A_262 = tpu.memref_slice %arg8[%dma_wait3A_260, %dma_wait3A_261] : memref<65536x128xf32, #tpu.memory_space<hbm>> -> memref<65536x128xf32, #tpu.memory_space<hbm>>
      tpu.wait_indirect_dma semaphore(%arg42 : memref<!tpu.dma_semaphore, #tpu.memory_space<semaphore_mem>>) src(%dma_wait3A_262 : memref<65536x128xf32, #tpu.memory_space<hbm>>) dst(%arg32 : memref<128x128xf32, #tpu.memory_space<vmem>>)
      %mul3A_263 = arith.constant 128 : i32
      %mul3A_264 = arith.muli %add3A, %mul3A_263 : i32
      %mul3A_265 = arith.constant 32 : i32
      %mul3A_266 = arith.muli %mul3A_264, %mul3A_265 : i32
      %mul3A_267 = arith.constant 128 : i32
      %mul3A_268 = arith.muli %scan3A_191, %mul3A_267 : i32
      %add3A_269 = arith.addi %mul3A_266, %mul3A_268 : i32
      "tpu.region"() ({
        %run_scoped3A = tpu.sem_alloc : memref<!tpu.dma_semaphore, #tpu.memory_space<semaphore_mem>>
        %dma_start3A_271 = arith.constant 0 : i32
        %dma_start3A_272 = tpu.memref_slice %arg15[%add3A_269, %dma_start3A_271] : memref<131072x128xf32, #tpu.memory_space<hbm>> -> memref<128x128xf32, #tpu.memory_space<hbm>>
        %dma_start3A_273 = arith.constant 0 : i32
        %dma_start3A_274 = tpu.memref_slice %arg15[%add3A_269, %dma_start3A_273] : memref<131072x128xf32, #tpu.memory_space<hbm>> -> memref<128x128xf32, #tpu.memory_space<hbm>>
        tpu.enqueue_dma source(%arg32 : memref<128x128xf32, #tpu.memory_space<vmem>>) target(%dma_start3A_274 : memref<128x128xf32, #tpu.memory_space<hbm>>) target_semaphore(%run_scoped3A : memref<!tpu.dma_semaphore, #tpu.memory_space<semaphore_mem>>)
        %dma_wait3A_275 = arith.constant 0 : i32
        %dma_wait3A_276 = tpu.memref_slice %arg15[%add3A_269, %dma_wait3A_275] : memref<131072x128xf32, #tpu.memory_space<hbm>> -> memref<128x128xf32, #tpu.memory_space<hbm>>
        %dma_wait3A_277 = arith.constant 0 : i32
        %dma_wait3A_278 = tpu.memref_slice %arg15[%add3A_269, %dma_wait3A_277] : memref<131072x128xf32, #tpu.memory_space<hbm>> -> memref<128x128xf32, #tpu.memory_space<hbm>>
        tpu.wait_dma2 semaphore(%run_scoped3A : memref<!tpu.dma_semaphore, #tpu.memory_space<semaphore_mem>>) src(%arg32 : memref<128x128xf32, #tpu.memory_space<vmem>>) dst(%dma_wait3A_278 : memref<128x128xf32, #tpu.memory_space<hbm>>)
        tpu.yield
      }) : () -> ()
      %scan3A_270 = arith.constant 0 : i32
      scf.yield %scan3A_270 : i32
    }
    %scan3A_190 = arith.constant 32 : i32
    return
  }
}

#map = affine_map<(d0, d1) -> (0, 0)>
#map1 = affine_map<(d0, d1) -> (0)>
module attributes {stable_mosaic.version = 14 : i64} {
  func.func @_rewritten_body(%arg0: i32, %arg1: i32, %arg2: memref<262144x128xf32, #tpu.memory_space<hbm>>, %arg3: memref<4096x512xf32, #tpu.memory_space<hbm>>, %arg4: memref<1xf32, #tpu.memory_space<hbm>>, %arg5: memref<131072xi32, #tpu.memory_space<hbm>>, %arg6: memref<8x512xf32, #tpu.memory_space<vmem>>, %arg7: memref<32xi32, #tpu.memory_space<vmem>>, %arg8: memref<32xi32, #tpu.memory_space<vmem>>, %arg9: memref<32x128xf32, #tpu.memory_space<vmem>>, %arg10: memref<145xf32, #tpu.memory_space<vmem>>, %arg11: memref<145xi32, #tpu.memory_space<vmem>>, %arg12: memref<4096xi32, #tpu.memory_space<vmem>>, %arg13: memref<!tpu.dma_semaphore, #tpu.memory_space<semaphore_mem>>) attributes {dimension_semantics = [#tpu.dimension_semantics<core_parallel>, #tpu.dimension_semantics<subcore_parallel>], iteration_bounds = array<i64: 2, 16>, scalar_prefetch = 0 : i64, scratch_operands = 8 : i64, tpu.core_type = #tpu.core_type<sc_vector_subcore>, window_params = [{transform_indices = #map}, {transform_indices = #map}, {transform_indices = #map1}, {transform_indices = #map1}]} {
    %empty_ref3A = memref.alloca() : memref<16xf32, #tpu.memory_space<vmem>>
    "tpu.region"() ({
      %run_scoped3A = tpu.sem_alloc : memref<!tpu.dma_semaphore, #tpu.memory_space<semaphore_mem>>
      %dma_start3A = arith.constant 0 : i32
      %dma_start3A_12 = tpu.memref_slice %empty_ref3A[%dma_start3A] : memref<16xf32, #tpu.memory_space<vmem>> -> memref<1xf32, #tpu.memory_space<vmem>>
      %dma_start3A_13 = arith.constant 0 : i32
      %dma_start3A_14 = tpu.memref_slice %empty_ref3A[%dma_start3A_13] : memref<16xf32, #tpu.memory_space<vmem>> -> memref<1xf32, #tpu.memory_space<vmem>>
      tpu.enqueue_dma source(%arg4 : memref<1xf32, #tpu.memory_space<hbm>>) target(%dma_start3A_14 : memref<1xf32, #tpu.memory_space<vmem>>) target_semaphore(%run_scoped3A : memref<!tpu.dma_semaphore, #tpu.memory_space<semaphore_mem>>)
      %dma_wait3A = arith.constant 0 : i32
      %dma_wait3A_15 = tpu.memref_slice %empty_ref3A[%dma_wait3A] : memref<16xf32, #tpu.memory_space<vmem>> -> memref<1xf32, #tpu.memory_space<vmem>>
      %dma_wait3A_16 = arith.constant 0 : i32
      %dma_wait3A_17 = tpu.memref_slice %empty_ref3A[%dma_wait3A_16] : memref<16xf32, #tpu.memory_space<vmem>> -> memref<1xf32, #tpu.memory_space<vmem>>
      tpu.wait_dma2 semaphore(%run_scoped3A : memref<!tpu.dma_semaphore, #tpu.memory_space<semaphore_mem>>) src(%arg4 : memref<1xf32, #tpu.memory_space<hbm>>) dst(%dma_wait3A_17 : memref<1xf32, #tpu.memory_space<vmem>>)
      tpu.yield
    }) : () -> ()
    %get3A = arith.constant 0 : index
    %get3A_0 = tpu.vector_load %empty_ref3A[%get3A] {strides = array<i32>} : memref<16xf32, #tpu.memory_space<vmem>>, vector<16xf32>,
    %slice3A = vector.extract_strided_slice %get3A_0 {offsets = [0], sizes = [1], strides = [1]} : vector<16xf32> to vector<1xf32>
    %squeeze3A = vector.extract %slice3A[0] : f32 from vector<1xf32>
    %mul3A = arith.constant 2 : i32
    %mul3A_1 = arith.muli %arg1, %mul3A : i32
    %add3A = arith.addi %mul3A_1, %arg0 : i32
    %mul3A_2 = arith.constant 128 : i32
    %mul3A_3 = arith.muli %add3A, %mul3A_2 : i32
    %iota3A = tpu.iota {dimensions = array<i32: 0>} : vector<16xi32>
    %scan3A = arith.constant 0 : i32
    %scan3A_4 = arith.constant 0 : i32
    %scan3A_5 = arith.constant 16 : i32
    %scan3A_6 = arith.addi %scan3A_4, %scan3A_5 : i32
    %scan3A_7 = arith.constant 1 : i32
    %scan3A_8 = scf.for %scan3A_12 = %scan3A_4 to %scan3A_6 step %scan3A_7 iter_args(%scan3A_13 = %scan3A) -> (i32)  : i32 {
      %mul3A_14 = arith.constant 8 : i32
      %mul3A_15 = arith.muli %scan3A_12, %mul3A_14 : i32
      %add3A_16 = arith.addi %mul3A_3, %mul3A_15 : i32
      "tpu.region"() ({
        %run_scoped3A = tpu.sem_alloc : memref<!tpu.dma_semaphore, #tpu.memory_space<semaphore_mem>>
        %dma_start3A = arith.constant 0 : i32
        %dma_start3A_34 = tpu.memref_slice %arg3[%add3A_16, %dma_start3A] : memref<4096x512xf32, #tpu.memory_space<hbm>> -> memref<8x512xf32, #tpu.memory_space<hbm>>
        %dma_start3A_35 = arith.constant 0 : i32
        %dma_start3A_36 = tpu.memref_slice %arg3[%add3A_16, %dma_start3A_35] : memref<4096x512xf32, #tpu.memory_space<hbm>> -> memref<8x512xf32, #tpu.memory_space<hbm>>
        tpu.enqueue_dma source(%dma_start3A_36 : memref<8x512xf32, #tpu.memory_space<hbm>>) target(%arg6 : memref<8x512xf32, #tpu.memory_space<vmem>>) target_semaphore(%run_scoped3A : memref<!tpu.dma_semaphore, #tpu.memory_space<semaphore_mem>>)
        %dma_wait3A = arith.constant 0 : i32
        %dma_wait3A_37 = tpu.memref_slice %arg3[%add3A_16, %dma_wait3A] : memref<4096x512xf32, #tpu.memory_space<hbm>> -> memref<8x512xf32, #tpu.memory_space<hbm>>
        %dma_wait3A_38 = arith.constant 0 : i32
        %dma_wait3A_39 = tpu.memref_slice %arg3[%add3A_16, %dma_wait3A_38] : memref<4096x512xf32, #tpu.memory_space<hbm>> -> memref<8x512xf32, #tpu.memory_space<hbm>>
        tpu.wait_dma2 semaphore(%run_scoped3A : memref<!tpu.dma_semaphore, #tpu.memory_space<semaphore_mem>>) src(%dma_wait3A_39 : memref<8x512xf32, #tpu.memory_space<hbm>>) dst(%arg6 : memref<8x512xf32, #tpu.memory_space<vmem>>)
        tpu.yield
      }) : () -> ()
      %mul3A_17 = arith.constant 8 : i32
      %mul3A_18 = arith.muli %scan3A_12, %mul3A_17 : i32
      %mul3A_19 = arith.constant 8 : i32
      %mul3A_20 = arith.muli %scan3A_12, %mul3A_19 : i32
      %add3A_21 = arith.constant 8 : i32
      %add3A_22 = arith.addi %mul3A_20, %add3A_21 : i32
      %while3A = arith.constant 0 : i32
      %while3A_23 = arith.subi %add3A_22, %mul3A_18 : i32
      %while3A_24 = arith.addi %mul3A_18, %while3A_23 : i32
      %while3A_25 = arith.constant 1 : i32
      %while3A_26 = arith.divsi %while3A_23, %while3A_25 : i32
      %while3A_27 = arith.muli %while3A_26, %while3A_25 : i32
      %while3A_28 = arith.addi %mul3A_18, %while3A_27 : i32
      %while3A_29 = arith.constant 1 : i32
      %while3A_30 = scf.for %while3A_34 = %mul3A_18 to %while3A_28 step %while3A_29 iter_args(%while3A_35 = %while3A) -> (i32)  : i32 {
        %add3A_36 = arith.addi %mul3A_3, %while3A_34 : i32
        %rem3A = arith.constant 8 : i32
        %rem3A_37 = arith.remsi %while3A_34, %rem3A : i32
        %broadcast_in_dim3A = arith.constant 0 : i32
        %broadcast_in_dim3A_38 = vector.broadcast %broadcast_in_dim3A : i32 to vector<16xi32>
        %broadcast_in_dim3A_39 = vector.broadcast %squeeze3A : f32 to vector<16xf32>
        %scan3A_40 = arith.constant 0 : i32
        %scan3A_41 = arith.constant 0 : i32
        %scan3A_42 = arith.constant 32 : i32
        %scan3A_43 = arith.addi %scan3A_41, %scan3A_42 : i32
        %scan3A_44 = arith.constant 1 : i32
        %scan3A_45:6 = scf.for %scan3A_269 = %scan3A_41 to %scan3A_43 step %scan3A_44 iter_args(%scan3A_270 = %squeeze3A, %scan3A_271 = %scan3A_40, %scan3A_272 = %broadcast_in_dim3A_39, %scan3A_273 = %broadcast_in_dim3A_38, %scan3A_274 = %broadcast_in_dim3A_39, %scan3A_275 = %broadcast_in_dim3A_38) -> (f32, i32, vector<16xf32>, vector<16xi32>, vector<16xf32>, vector<16xi32>)  : i32 {
          %mul3A_276 = arith.constant 16 : i32
          %mul3A_277 = arith.muli %scan3A_269, %mul3A_276 : i32
          %get3A_278 = arith.index_cast %rem3A_37 : i32 to index
          %get3A_279 = arith.index_cast %mul3A_277 : i32 to index
          %get3A_280 = tpu.vector_load %arg6[%get3A_278, %get3A_279] {strides = array<i32>} : memref<8x512xf32, #tpu.memory_space<vmem>>, vector<16xf32>,
          %mul3A_281 = arith.constant 16 : i32
          %mul3A_282 = arith.muli %scan3A_269, %mul3A_281 : i32
          %add3A_283 = vector.broadcast %mul3A_282 : i32 to vector<16xi32>
          %add3A_284 = arith.addi %iota3A, %add3A_283 : vector<16xi32>
          %lt3A_285 = vector.broadcast %scan3A_270 : f32 to vector<16xf32>
          %lt3A_286 = arith.cmpf olt, %get3A_280, %lt3A_285 : vector<16xf32>
          %jit3A_287 = arith.constant 1 : i32
          %jit3A_288 = arith.constant 0 : i32
          %broadcast_in_dim3A_289 = vector.broadcast %jit3A_287 : i32 to vector<16xi32>
          %broadcast_in_dim3A_290 = vector.broadcast %jit3A_288 : i32 to vector<16xi32>
          %select_n3A_291 = arith.select %lt3A_286, %broadcast_in_dim3A_289, %broadcast_in_dim3A_290 : vector<16xi1>, vector<16xi32>
          %broadcast_in_dim3A_292 = arith.constant true
          %broadcast_in_dim3A_293 = vector.broadcast %broadcast_in_dim3A_292 : i1 to vector<16xi1>
          %masked_cumsum3A = tpu.scan <sum>, %select_n3A_291 masked %broadcast_in_dim3A_293 : vector<16xi32>, vector<16xi1> -> vector<16xi32>
          %add3A_294 = vector.broadcast %scan3A_271 : i32 to vector<16xi32>
          %add3A_295 = arith.addi %add3A_294, %masked_cumsum3A : vector<16xi32>
          %sub3A_296 = arith.constant 1 : i32
          %sub3A_297 = vector.broadcast %sub3A_296 : i32 to vector<16xi32>
          %sub3A_298 = arith.subi %add3A_295, %sub3A_297 : vector<16xi32>
          %jit3A_299 = arith.constant 144 : i32
          %broadcast_in_dim3A_300 = vector.broadcast %jit3A_299 : i32 to vector<16xi32>
          %select_n3A_301 = arith.select %lt3A_286, %sub3A_298, %broadcast_in_dim3A_300 : vector<16xi1>, vector<16xi32>
          tpu.vector_store_idx %arg10[%select_n3A_301], %get3A_280 : memref<145xf32, #tpu.memory_space<vmem>>[vector<16xi32>], vector<16xf32>,
          tpu.vector_store_idx %arg11[%select_n3A_301], %add3A_284 : memref<145xi32, #tpu.memory_space<vmem>>[vector<16xi32>], vector<16xi32>,
          %reduce_max3A_302 = arith.constant true
          %reduce_max3A_303 = vector.broadcast %reduce_max3A_302 : i1 to vector<16xi1>
          %reduce_max3A_304 = arith.constant -2147483648 : i32
          %reduce_max3A_305 = vector.broadcast %reduce_max3A_304 : i32 to vector<16xi32>
          %reduce_max3A_306 = arith.xori %masked_cumsum3A, %reduce_max3A_305 : vector<16xi32>
          %reduce_max3A_307 = tpu.scan <max>, %reduce_max3A_306 masked %reduce_max3A_303 : vector<16xi32>, vector<16xi1> -> vector<16xi32>
          %reduce_max3A_308 = arith.xori %reduce_max3A_307, %reduce_max3A_305 : vector<16xi32>
          %reduce_max3A_309 = vector.extract %reduce_max3A_308[15] : i32 from vector<16xi32>
          %add3A_310 = arith.addi %scan3A_271, %reduce_max3A_309 : i32
          %ge3A = arith.constant 96 : i32
          %ge3A_311 = arith.cmpi sge, %add3A_310, %ge3A : i32
          %convert_element_type3A = arith.extui %ge3A_311 : i1 to i32
          %cond3A = arith.constant 0 : i32
          %cond3A_312 = arith.cmpi ne, %convert_element_type3A, %cond3A : i32
          %cond3A_313:6 = scf.if %cond3A_312 -> (f32, i32, vector<16xf32>, vector<16xi32>, vector<16xf32>, vector<16xi32>) {
            %broadcast_in_dim3A_314 = vector.broadcast %squeeze3A : f32 to vector<16xf32>
            %swap3A_315 = arith.index_cast %add3A_310 : i32 to index
            %swap3A_316 = tpu.vector_load %arg10[%swap3A_315] {strides = array<i32>} : memref<145xf32, #tpu.memory_space<vmem>>, vector<16xf32>,
            tpu.vector_store %arg10[%swap3A_315], %broadcast_in_dim3A_314 {strides = array<i32>} : memref<145xf32, #tpu.memory_space<vmem>>, vector<16xf32>,
            %add3A_317 = arith.constant 15 : i32
            %add3A_318 = arith.addi %add3A_310, %add3A_317 : i32
            %jit3A_319 = arith.constant 16 : i32
            %div3A_320 = arith.divsi %add3A_318, %jit3A_319 : i32
            %sign3A_321 = arith.constant 0 : i32
            %sign3A_322 = arith.cmpi sgt, %add3A_318, %sign3A_321 : i32
            %sign3A_323 = arith.extui %sign3A_322 : i1 to i32
            %sign3A_324 = arith.constant 0 : i32
            %sign3A_325 = arith.cmpi slt, %add3A_318, %sign3A_324 : i32
            %sign3A_326 = arith.extui %sign3A_325 : i1 to i32
            %sign3A_327 = arith.subi %sign3A_323, %sign3A_326 : i32
            %sign3A_328 = arith.constant 0 : i32
            %sign3A_329 = arith.cmpi sgt, %jit3A_319, %sign3A_328 : i32
            %sign3A_330 = arith.extui %sign3A_329 : i1 to i32
            %sign3A_331 = arith.constant 0 : i32
            %sign3A_332 = arith.cmpi slt, %jit3A_319, %sign3A_331 : i32
            %sign3A_333 = arith.extui %sign3A_332 : i1 to i32
            %sign3A_334 = arith.subi %sign3A_330, %sign3A_333 : i32
            %ne3A_335 = arith.cmpi ne, %sign3A_327, %sign3A_334 : i32
            %rem3A_336 = arith.remsi %add3A_318, %jit3A_319 : i32
            %ne3A_337 = arith.constant 0 : i32
            %ne3A_338 = arith.cmpi ne, %rem3A_336, %ne3A_337 : i32
            %and3A_339 = arith.andi %ne3A_335, %ne3A_338 : i1
            %sub3A_340 = arith.constant 1 : i32
            %sub3A_341 = arith.subi %div3A_320, %sub3A_340 : i32
            %select_n3A_342 = arith.select %and3A_339, %sub3A_341, %div3A_320 : i32
            %while3A_343 = arith.constant 0 : i32
            %while3A_344 = arith.subi %select_n3A_342, %while3A_343 : i32
            %while3A_345 = arith.addi %while3A_343, %while3A_344 : i32
            %while3A_346 = arith.constant 1 : i32
            %while3A_347 = arith.divsi %while3A_344, %while3A_346 : i32
            %while3A_348 = arith.muli %while3A_347, %while3A_346 : i32
            %while3A_349 = arith.addi %while3A_343, %while3A_348 : i32
            %while3A_350 = arith.constant 1 : i32
            %while3A_351:4 = scf.for %while3A_359 = %while3A_343 to %while3A_349 step %while3A_350 iter_args(%while3A_360 = %scan3A_272, %while3A_361 = %scan3A_273, %while3A_362 = %scan3A_274, %while3A_363 = %scan3A_275) -> (vector<16xf32>, vector<16xi32>, vector<16xf32>, vector<16xi32>)  : i32 {
              %mul3A_364 = arith.constant 16 : i32
              %mul3A_365 = arith.muli %while3A_359, %mul3A_364 : i32
              %get3A_366 = arith.index_cast %mul3A_365 : i32 to index
              %get3A_367 = tpu.vector_load %arg10[%get3A_366] {strides = array<i32>} : memref<145xf32, #tpu.memory_space<vmem>>, vector<16xf32>,
              %mul3A_368 = arith.constant 16 : i32
              %mul3A_369 = arith.muli %while3A_359, %mul3A_368 : i32
              %get3A_370 = arith.index_cast %mul3A_369 : i32 to index
              %get3A_371 = tpu.vector_load %arg11[%get3A_370] {strides = array<i32>} : memref<145xi32, #tpu.memory_space<vmem>>, vector<16xi32>,
              %masked_sort3A_372 = arith.constant dense<true> : vector<16xi1>
              %masked_sort3A_373, %masked_sort3A_374, %masked_sort3A_375 = tpu.sort %get3A_367, %get3A_371 masked %masked_sort3A_372 : (vector<16xf32>, vector<16xi32>, vector<16xi1>) -> (vector<16xi1>, vector<16xf32>, vector<16xi32>)
              %rev3A_376 = arith.constant 15 : i32
              %rev3A_377 = vector.broadcast %rev3A_376 : i32 to vector<16xi32>
              %rev3A_378 = tpu.iota {dimensions = array<i32: 0>} : vector<16xi32>
              %rev3A_379 = arith.subi %rev3A_377, %rev3A_378 : vector<16xi32>
              %rev3A_380 = tpu.dynamic_gather %masked_sort3A_374[%rev3A_379] in [0] : vector<16xf32>, vector<16xi32> -> vector<16xf32>
              %rev3A_381 = arith.constant 15 : i32
              %rev3A_382 = vector.broadcast %rev3A_381 : i32 to vector<16xi32>
              %rev3A_383 = tpu.iota {dimensions = array<i32: 0>} : vector<16xi32>
              %rev3A_384 = arith.subi %rev3A_382, %rev3A_383 : vector<16xi32>
              %rev3A_385 = tpu.dynamic_gather %masked_sort3A_375[%rev3A_384] in [0] : vector<16xi32>, vector<16xi32> -> vector<16xi32>
              %lt3A_386 = arith.cmpf olt, %while3A_360, %rev3A_380 : vector<16xf32>
              %eq3A_387 = arith.cmpf oeq, %while3A_360, %rev3A_380 : vector<16xf32>
              %le3A_388 = arith.cmpi sle, %while3A_361, %rev3A_385 : vector<16xi32>
              %and3A_389 = arith.andi %eq3A_387, %le3A_388 : vector<16xi1>
              %or3A_390 = arith.ori %lt3A_386, %and3A_389 : vector<16xi1>
              %select_n3A_391 = arith.select %or3A_390, %while3A_360, %rev3A_380 : vector<16xi1>, vector<16xf32>
              %select_n3A_392 = arith.select %or3A_390, %while3A_361, %rev3A_385 : vector<16xi1>, vector<16xi32>
              %select_n3A_393 = arith.select %or3A_390, %rev3A_380, %while3A_360 : vector<16xi1>, vector<16xf32>
              %select_n3A_394 = arith.select %or3A_390, %rev3A_385, %while3A_361 : vector<16xi1>, vector<16xi32>
              %masked_sort3A_395 = arith.constant dense<true> : vector<16xi1>
              %masked_sort3A_396, %masked_sort3A_397, %masked_sort3A_398 = tpu.sort %select_n3A_391, %select_n3A_392 masked %masked_sort3A_395 : (vector<16xf32>, vector<16xi32>, vector<16xi1>) -> (vector<16xi1>, vector<16xf32>, vector<16xi32>)
              %masked_sort3A_399 = arith.constant dense<true> : vector<16xi1>
              %masked_sort3A_400, %masked_sort3A_401, %masked_sort3A_402 = tpu.sort %select_n3A_393, %select_n3A_394 masked %masked_sort3A_399 : (vector<16xf32>, vector<16xi32>, vector<16xi1>) -> (vector<16xi1>, vector<16xf32>, vector<16xi32>)
              %rev3A_403 = arith.constant 15 : i32
              %rev3A_404 = vector.broadcast %rev3A_403 : i32 to vector<16xi32>
              %rev3A_405 = tpu.iota {dimensions = array<i32: 0>} : vector<16xi32>
              %rev3A_406 = arith.subi %rev3A_404, %rev3A_405 : vector<16xi32>
              %rev3A_407 = tpu.dynamic_gather %masked_sort3A_401[%rev3A_406] in [0] : vector<16xf32>, vector<16xi32> -> vector<16xf32>
              %rev3A_408 = arith.constant 15 : i32
              %rev3A_409 = vector.broadcast %rev3A_408 : i32 to vector<16xi32>
              %rev3A_410 = tpu.iota {dimensions = array<i32: 0>} : vector<16xi32>
              %rev3A_411 = arith.subi %rev3A_409, %rev3A_410 : vector<16xi32>
              %rev3A_412 = tpu.dynamic_gather %masked_sort3A_402[%rev3A_411] in [0] : vector<16xi32>, vector<16xi32> -> vector<16xi32>
              %lt3A_413 = arith.cmpf olt, %while3A_362, %rev3A_407 : vector<16xf32>
              %eq3A_414 = arith.cmpf oeq, %while3A_362, %rev3A_407 : vector<16xf32>
              %le3A_415 = arith.cmpi sle, %while3A_363, %rev3A_412 : vector<16xi32>
              %and3A_416 = arith.andi %eq3A_414, %le3A_415 : vector<16xi1>
              %or3A_417 = arith.ori %lt3A_413, %and3A_416 : vector<16xi1>
              %select_n3A_418 = arith.select %or3A_417, %while3A_362, %rev3A_407 : vector<16xi1>, vector<16xf32>
              %select_n3A_419 = arith.select %or3A_417, %while3A_363, %rev3A_412 : vector<16xi1>, vector<16xi32>
              %select_n3A_420 = arith.select %or3A_417, %rev3A_407, %while3A_362 : vector<16xi1>, vector<16xf32>
              %select_n3A_421 = arith.select %or3A_417, %rev3A_412, %while3A_363 : vector<16xi1>, vector<16xi32>
              %masked_sort3A_422 = arith.constant dense<true> : vector<16xi1>
              %masked_sort3A_423, %masked_sort3A_424, %masked_sort3A_425 = tpu.sort %select_n3A_418, %select_n3A_419 masked %masked_sort3A_422 : (vector<16xf32>, vector<16xi32>, vector<16xi1>) -> (vector<16xi1>, vector<16xf32>, vector<16xi32>)
              %masked_sort3A_426 = arith.constant dense<true> : vector<16xi1>
              %masked_sort3A_427, %masked_sort3A_428, %masked_sort3A_429 = tpu.sort %select_n3A_420, %select_n3A_421 masked %masked_sort3A_426 : (vector<16xf32>, vector<16xi32>, vector<16xi1>) -> (vector<16xi1>, vector<16xf32>, vector<16xi32>)
              scf.yield %masked_sort3A_397, %masked_sort3A_398, %masked_sort3A_424, %masked_sort3A_425 : vector<16xf32>, vector<16xi32>, vector<16xf32>, vector<16xi32>
            }
            %while3A_352 = arith.constant 1 : i32
            %while3A_353:4 = scf.for %while3A_359 = %while3A_349 to %while3A_345 step %while3A_352 iter_args(%while3A_360 = %while3A_351#0, %while3A_361 = %while3A_351#1, %while3A_362 = %while3A_351#2, %while3A_363 = %while3A_351#3) -> (vector<16xf32>, vector<16xi32>, vector<16xf32>, vector<16xi32>)  : i32 {
              %mul3A_364 = arith.constant 16 : i32
              %mul3A_365 = arith.muli %while3A_359, %mul3A_364 : i32
              %get3A_366 = arith.index_cast %mul3A_365 : i32 to index
              %get3A_367 = tpu.vector_load %arg10[%get3A_366] {strides = array<i32>} : memref<145xf32, #tpu.memory_space<vmem>>, vector<16xf32>,
              %mul3A_368 = arith.constant 16 : i32
              %mul3A_369 = arith.muli %while3A_359, %mul3A_368 : i32
              %get3A_370 = arith.index_cast %mul3A_369 : i32 to index
              %get3A_371 = tpu.vector_load %arg11[%get3A_370] {strides = array<i32>} : memref<145xi32, #tpu.memory_space<vmem>>, vector<16xi32>,
              %masked_sort3A_372 = arith.constant dense<true> : vector<16xi1>
              %masked_sort3A_373, %masked_sort3A_374, %masked_sort3A_375 = tpu.sort %get3A_367, %get3A_371 masked %masked_sort3A_372 : (vector<16xf32>, vector<16xi32>, vector<16xi1>) -> (vector<16xi1>, vector<16xf32>, vector<16xi32>)
              %rev3A_376 = arith.constant 15 : i32
              %rev3A_377 = vector.broadcast %rev3A_376 : i32 to vector<16xi32>
              %rev3A_378 = tpu.iota {dimensions = array<i32: 0>} : vector<16xi32>
              %rev3A_379 = arith.subi %rev3A_377, %rev3A_378 : vector<16xi32>
              %rev3A_380 = tpu.dynamic_gather %masked_sort3A_374[%rev3A_379] in [0] : vector<16xf32>, vector<16xi32> -> vector<16xf32>
              %rev3A_381 = arith.constant 15 : i32
              %rev3A_382 = vector.broadcast %rev3A_381 : i32 to vector<16xi32>
              %rev3A_383 = tpu.iota {dimensions = array<i32: 0>} : vector<16xi32>
              %rev3A_384 = arith.subi %rev3A_382, %rev3A_383 : vector<16xi32>
              %rev3A_385 = tpu.dynamic_gather %masked_sort3A_375[%rev3A_384] in [0] : vector<16xi32>, vector<16xi32> -> vector<16xi32>
              %lt3A_386 = arith.cmpf olt, %while3A_360, %rev3A_380 : vector<16xf32>
              %eq3A_387 = arith.cmpf oeq, %while3A_360, %rev3A_380 : vector<16xf32>
              %le3A_388 = arith.cmpi sle, %while3A_361, %rev3A_385 : vector<16xi32>
              %and3A_389 = arith.andi %eq3A_387, %le3A_388 : vector<16xi1>
              %or3A_390 = arith.ori %lt3A_386, %and3A_389 : vector<16xi1>
              %select_n3A_391 = arith.select %or3A_390, %while3A_360, %rev3A_380 : vector<16xi1>, vector<16xf32>
              %select_n3A_392 = arith.select %or3A_390, %while3A_361, %rev3A_385 : vector<16xi1>, vector<16xi32>
              %select_n3A_393 = arith.select %or3A_390, %rev3A_380, %while3A_360 : vector<16xi1>, vector<16xf32>
              %select_n3A_394 = arith.select %or3A_390, %rev3A_385, %while3A_361 : vector<16xi1>, vector<16xi32>
              %masked_sort3A_395 = arith.constant dense<true> : vector<16xi1>
              %masked_sort3A_396, %masked_sort3A_397, %masked_sort3A_398 = tpu.sort %select_n3A_391, %select_n3A_392 masked %masked_sort3A_395 : (vector<16xf32>, vector<16xi32>, vector<16xi1>) -> (vector<16xi1>, vector<16xf32>, vector<16xi32>)
              %masked_sort3A_399 = arith.constant dense<true> : vector<16xi1>
              %masked_sort3A_400, %masked_sort3A_401, %masked_sort3A_402 = tpu.sort %select_n3A_393, %select_n3A_394 masked %masked_sort3A_399 : (vector<16xf32>, vector<16xi32>, vector<16xi1>) -> (vector<16xi1>, vector<16xf32>, vector<16xi32>)
              %rev3A_403 = arith.constant 15 : i32
              %rev3A_404 = vector.broadcast %rev3A_403 : i32 to vector<16xi32>
              %rev3A_405 = tpu.iota {dimensions = array<i32: 0>} : vector<16xi32>
              %rev3A_406 = arith.subi %rev3A_404, %rev3A_405 : vector<16xi32>
              %rev3A_407 = tpu.dynamic_gather %masked_sort3A_401[%rev3A_406] in [0] : vector<16xf32>, vector<16xi32> -> vector<16xf32>
              %rev3A_408 = arith.constant 15 : i32
              %rev3A_409 = vector.broadcast %rev3A_408 : i32 to vector<16xi32>
              %rev3A_410 = tpu.iota {dimensions = array<i32: 0>} : vector<16xi32>
              %rev3A_411 = arith.subi %rev3A_409, %rev3A_410 : vector<16xi32>
              %rev3A_412 = tpu.dynamic_gather %masked_sort3A_402[%rev3A_411] in [0] : vector<16xi32>, vector<16xi32> -> vector<16xi32>
              %lt3A_413 = arith.cmpf olt, %while3A_362, %rev3A_407 : vector<16xf32>
              %eq3A_414 = arith.cmpf oeq, %while3A_362, %rev3A_407 : vector<16xf32>
              %le3A_415 = arith.cmpi sle, %while3A_363, %rev3A_412 : vector<16xi32>
              %and3A_416 = arith.andi %eq3A_414, %le3A_415 : vector<16xi1>
              %or3A_417 = arith.ori %lt3A_413, %and3A_416 : vector<16xi1>
              %select_n3A_418 = arith.select %or3A_417, %while3A_362, %rev3A_407 : vector<16xi1>, vector<16xf32>
              %select_n3A_419 = arith.select %or3A_417, %while3A_363, %rev3A_412 : vector<16xi1>, vector<16xi32>
              %select_n3A_420 = arith.select %or3A_417, %rev3A_407, %while3A_362 : vector<16xi1>, vector<16xf32>
              %select_n3A_421 = arith.select %or3A_417, %rev3A_412, %while3A_363 : vector<16xi1>, vector<16xi32>
              %masked_sort3A_422 = arith.constant dense<true> : vector<16xi1>
              %masked_sort3A_423, %masked_sort3A_424, %masked_sort3A_425 = tpu.sort %select_n3A_418, %select_n3A_419 masked %masked_sort3A_422 : (vector<16xf32>, vector<16xi32>, vector<16xi1>) -> (vector<16xi1>, vector<16xf32>, vector<16xi32>)
              %masked_sort3A_426 = arith.constant dense<true> : vector<16xi1>
              %masked_sort3A_427, %masked_sort3A_428, %masked_sort3A_429 = tpu.sort %select_n3A_420, %select_n3A_421 masked %masked_sort3A_426 : (vector<16xf32>, vector<16xi32>, vector<16xi1>) -> (vector<16xi1>, vector<16xf32>, vector<16xi32>)
              scf.yield %masked_sort3A_397, %masked_sort3A_398, %masked_sort3A_424, %masked_sort3A_425 : vector<16xf32>, vector<16xi32>, vector<16xf32>, vector<16xi32>
            }
            %reduce_max3A_354 = arith.constant true
            %reduce_max3A_355 = vector.broadcast %reduce_max3A_354 : i1 to vector<16xi1>
            %reduce_max3A_356 = tpu.scan <max>, %while3A_353#2 masked %reduce_max3A_355 : vector<16xf32>, vector<16xi1> -> vector<16xf32>
            %reduce_max3A_357 = vector.extract %reduce_max3A_356[15] : f32 from vector<16xf32>
            %cond3A_358 = arith.constant 0 : i32
            scf.yield %reduce_max3A_357, %cond3A_358, %while3A_353#0, %while3A_353#1, %while3A_353#2, %while3A_353#3 : f32, i32, vector<16xf32>, vector<16xi32>, vector<16xf32>, vector<16xi32>
          } else {
            scf.yield %scan3A_270, %add3A_310, %scan3A_272, %scan3A_273, %scan3A_274, %scan3A_275 : f32, i32, vector<16xf32>, vector<16xi32>, vector<16xf32>, vector<16xi32>
          }
          scf.yield %cond3A_313#0, %cond3A_313#1, %cond3A_313#2, %cond3A_313#3, %cond3A_313#4, %cond3A_313#5 : f32, i32, vector<16xf32>, vector<16xi32>, vector<16xf32>, vector<16xi32>
        }
        %scan3A_46 = arith.constant 32 : i32
        %broadcast_in_dim3A_47 = vector.broadcast %squeeze3A : f32 to vector<16xf32>
        %swap3A = arith.index_cast %scan3A_45#1 : i32 to index
        %swap3A_48 = tpu.vector_load %arg10[%swap3A] {strides = array<i32>} : memref<145xf32, #tpu.memory_space<vmem>>, vector<16xf32>,
        tpu.vector_store %arg10[%swap3A], %broadcast_in_dim3A_47 {strides = array<i32>} : memref<145xf32, #tpu.memory_space<vmem>>, vector<16xf32>,
        %add3A_49 = arith.constant 15 : i32
        %add3A_50 = arith.addi %scan3A_45#1, %add3A_49 : i32
        %jit3A = arith.constant 16 : i32
        %div3A = arith.divsi %add3A_50, %jit3A : i32
        %sign3A = arith.constant 0 : i32
        %sign3A_51 = arith.cmpi sgt, %add3A_50, %sign3A : i32
        %sign3A_52 = arith.extui %sign3A_51 : i1 to i32
        %sign3A_53 = arith.constant 0 : i32
        %sign3A_54 = arith.cmpi slt, %add3A_50, %sign3A_53 : i32
        %sign3A_55 = arith.extui %sign3A_54 : i1 to i32
        %sign3A_56 = arith.subi %sign3A_52, %sign3A_55 : i32
        %sign3A_57 = arith.constant 0 : i32
        %sign3A_58 = arith.cmpi sgt, %jit3A, %sign3A_57 : i32
        %sign3A_59 = arith.extui %sign3A_58 : i1 to i32
        %sign3A_60 = arith.constant 0 : i32
        %sign3A_61 = arith.cmpi slt, %jit3A, %sign3A_60 : i32
        %sign3A_62 = arith.extui %sign3A_61 : i1 to i32
        %sign3A_63 = arith.subi %sign3A_59, %sign3A_62 : i32
        %ne3A = arith.cmpi ne, %sign3A_56, %sign3A_63 : i32
        %rem3A_64 = arith.remsi %add3A_50, %jit3A : i32
        %ne3A_65 = arith.constant 0 : i32
        %ne3A_66 = arith.cmpi ne, %rem3A_64, %ne3A_65 : i32
        %and3A = arith.andi %ne3A, %ne3A_66 : i1
        %sub3A = arith.constant 1 : i32
        %sub3A_67 = arith.subi %div3A, %sub3A : i32
        %select_n3A = arith.select %and3A, %sub3A_67, %div3A : i32
        %while3A_68 = arith.constant 0 : i32
        %while3A_69 = arith.subi %select_n3A, %while3A_68 : i32
        %while3A_70 = arith.addi %while3A_68, %while3A_69 : i32
        %while3A_71 = arith.constant 1 : i32
        %while3A_72 = arith.divsi %while3A_69, %while3A_71 : i32
        %while3A_73 = arith.muli %while3A_72, %while3A_71 : i32
        %while3A_74 = arith.addi %while3A_68, %while3A_73 : i32
        %while3A_75 = arith.constant 1 : i32
        %while3A_76:4 = scf.for %while3A_269 = %while3A_68 to %while3A_74 step %while3A_75 iter_args(%while3A_270 = %scan3A_45#2, %while3A_271 = %scan3A_45#3, %while3A_272 = %scan3A_45#4, %while3A_273 = %scan3A_45#5) -> (vector<16xf32>, vector<16xi32>, vector<16xf32>, vector<16xi32>)  : i32 {
          %mul3A_274 = arith.constant 16 : i32
          %mul3A_275 = arith.muli %while3A_269, %mul3A_274 : i32
          %get3A_276 = arith.index_cast %mul3A_275 : i32 to index
          %get3A_277 = tpu.vector_load %arg10[%get3A_276] {strides = array<i32>} : memref<145xf32, #tpu.memory_space<vmem>>, vector<16xf32>,
          %mul3A_278 = arith.constant 16 : i32
          %mul3A_279 = arith.muli %while3A_269, %mul3A_278 : i32
          %get3A_280 = arith.index_cast %mul3A_279 : i32 to index
          %get3A_281 = tpu.vector_load %arg11[%get3A_280] {strides = array<i32>} : memref<145xi32, #tpu.memory_space<vmem>>, vector<16xi32>,
          %masked_sort3A_282 = arith.constant dense<true> : vector<16xi1>
          %masked_sort3A_283, %masked_sort3A_284, %masked_sort3A_285 = tpu.sort %get3A_277, %get3A_281 masked %masked_sort3A_282 : (vector<16xf32>, vector<16xi32>, vector<16xi1>) -> (vector<16xi1>, vector<16xf32>, vector<16xi32>)
          %rev3A_286 = arith.constant 15 : i32
          %rev3A_287 = vector.broadcast %rev3A_286 : i32 to vector<16xi32>
          %rev3A_288 = tpu.iota {dimensions = array<i32: 0>} : vector<16xi32>
          %rev3A_289 = arith.subi %rev3A_287, %rev3A_288 : vector<16xi32>
          %rev3A_290 = tpu.dynamic_gather %masked_sort3A_284[%rev3A_289] in [0] : vector<16xf32>, vector<16xi32> -> vector<16xf32>
          %rev3A_291 = arith.constant 15 : i32
          %rev3A_292 = vector.broadcast %rev3A_291 : i32 to vector<16xi32>
          %rev3A_293 = tpu.iota {dimensions = array<i32: 0>} : vector<16xi32>
          %rev3A_294 = arith.subi %rev3A_292, %rev3A_293 : vector<16xi32>
          %rev3A_295 = tpu.dynamic_gather %masked_sort3A_285[%rev3A_294] in [0] : vector<16xi32>, vector<16xi32> -> vector<16xi32>
          %lt3A_296 = arith.cmpf olt, %while3A_270, %rev3A_290 : vector<16xf32>
          %eq3A_297 = arith.cmpf oeq, %while3A_270, %rev3A_290 : vector<16xf32>
          %le3A_298 = arith.cmpi sle, %while3A_271, %rev3A_295 : vector<16xi32>
          %and3A_299 = arith.andi %eq3A_297, %le3A_298 : vector<16xi1>
          %or3A_300 = arith.ori %lt3A_296, %and3A_299 : vector<16xi1>
          %select_n3A_301 = arith.select %or3A_300, %while3A_270, %rev3A_290 : vector<16xi1>, vector<16xf32>
          %select_n3A_302 = arith.select %or3A_300, %while3A_271, %rev3A_295 : vector<16xi1>, vector<16xi32>
          %select_n3A_303 = arith.select %or3A_300, %rev3A_290, %while3A_270 : vector<16xi1>, vector<16xf32>
          %select_n3A_304 = arith.select %or3A_300, %rev3A_295, %while3A_271 : vector<16xi1>, vector<16xi32>
          %masked_sort3A_305 = arith.constant dense<true> : vector<16xi1>
          %masked_sort3A_306, %masked_sort3A_307, %masked_sort3A_308 = tpu.sort %select_n3A_301, %select_n3A_302 masked %masked_sort3A_305 : (vector<16xf32>, vector<16xi32>, vector<16xi1>) -> (vector<16xi1>, vector<16xf32>, vector<16xi32>)
          %masked_sort3A_309 = arith.constant dense<true> : vector<16xi1>
          %masked_sort3A_310, %masked_sort3A_311, %masked_sort3A_312 = tpu.sort %select_n3A_303, %select_n3A_304 masked %masked_sort3A_309 : (vector<16xf32>, vector<16xi32>, vector<16xi1>) -> (vector<16xi1>, vector<16xf32>, vector<16xi32>)
          %rev3A_313 = arith.constant 15 : i32
          %rev3A_314 = vector.broadcast %rev3A_313 : i32 to vector<16xi32>
          %rev3A_315 = tpu.iota {dimensions = array<i32: 0>} : vector<16xi32>
          %rev3A_316 = arith.subi %rev3A_314, %rev3A_315 : vector<16xi32>
          %rev3A_317 = tpu.dynamic_gather %masked_sort3A_311[%rev3A_316] in [0] : vector<16xf32>, vector<16xi32> -> vector<16xf32>
          %rev3A_318 = arith.constant 15 : i32
          %rev3A_319 = vector.broadcast %rev3A_318 : i32 to vector<16xi32>
          %rev3A_320 = tpu.iota {dimensions = array<i32: 0>} : vector<16xi32>
          %rev3A_321 = arith.subi %rev3A_319, %rev3A_320 : vector<16xi32>
          %rev3A_322 = tpu.dynamic_gather %masked_sort3A_312[%rev3A_321] in [0] : vector<16xi32>, vector<16xi32> -> vector<16xi32>
          %lt3A_323 = arith.cmpf olt, %while3A_272, %rev3A_317 : vector<16xf32>
          %eq3A_324 = arith.cmpf oeq, %while3A_272, %rev3A_317 : vector<16xf32>
          %le3A_325 = arith.cmpi sle, %while3A_273, %rev3A_322 : vector<16xi32>
          %and3A_326 = arith.andi %eq3A_324, %le3A_325 : vector<16xi1>
          %or3A_327 = arith.ori %lt3A_323, %and3A_326 : vector<16xi1>
          %select_n3A_328 = arith.select %or3A_327, %while3A_272, %rev3A_317 : vector<16xi1>, vector<16xf32>
          %select_n3A_329 = arith.select %or3A_327, %while3A_273, %rev3A_322 : vector<16xi1>, vector<16xi32>
          %select_n3A_330 = arith.select %or3A_327, %rev3A_317, %while3A_272 : vector<16xi1>, vector<16xf32>
          %select_n3A_331 = arith.select %or3A_327, %rev3A_322, %while3A_273 : vector<16xi1>, vector<16xi32>
          %masked_sort3A_332 = arith.constant dense<true> : vector<16xi1>
          %masked_sort3A_333, %masked_sort3A_334, %masked_sort3A_335 = tpu.sort %select_n3A_328, %select_n3A_329 masked %masked_sort3A_332 : (vector<16xf32>, vector<16xi32>, vector<16xi1>) -> (vector<16xi1>, vector<16xf32>, vector<16xi32>)
          %masked_sort3A_336 = arith.constant dense<true> : vector<16xi1>
          %masked_sort3A_337, %masked_sort3A_338, %masked_sort3A_339 = tpu.sort %select_n3A_330, %select_n3A_331 masked %masked_sort3A_336 : (vector<16xf32>, vector<16xi32>, vector<16xi1>) -> (vector<16xi1>, vector<16xf32>, vector<16xi32>)
          scf.yield %masked_sort3A_307, %masked_sort3A_308, %masked_sort3A_334, %masked_sort3A_335 : vector<16xf32>, vector<16xi32>, vector<16xf32>, vector<16xi32>
        }
        %while3A_77 = arith.constant 1 : i32
        %while3A_78:4 = scf.for %while3A_269 = %while3A_74 to %while3A_70 step %while3A_77 iter_args(%while3A_270 = %while3A_76#0, %while3A_271 = %while3A_76#1, %while3A_272 = %while3A_76#2, %while3A_273 = %while3A_76#3) -> (vector<16xf32>, vector<16xi32>, vector<16xf32>, vector<16xi32>)  : i32 {
          %mul3A_274 = arith.constant 16 : i32
          %mul3A_275 = arith.muli %while3A_269, %mul3A_274 : i32
          %get3A_276 = arith.index_cast %mul3A_275 : i32 to index
          %get3A_277 = tpu.vector_load %arg10[%get3A_276] {strides = array<i32>} : memref<145xf32, #tpu.memory_space<vmem>>, vector<16xf32>,
          %mul3A_278 = arith.constant 16 : i32
          %mul3A_279 = arith.muli %while3A_269, %mul3A_278 : i32
          %get3A_280 = arith.index_cast %mul3A_279 : i32 to index
          %get3A_281 = tpu.vector_load %arg11[%get3A_280] {strides = array<i32>} : memref<145xi32, #tpu.memory_space<vmem>>, vector<16xi32>,
          %masked_sort3A_282 = arith.constant dense<true> : vector<16xi1>
          %masked_sort3A_283, %masked_sort3A_284, %masked_sort3A_285 = tpu.sort %get3A_277, %get3A_281 masked %masked_sort3A_282 : (vector<16xf32>, vector<16xi32>, vector<16xi1>) -> (vector<16xi1>, vector<16xf32>, vector<16xi32>)
          %rev3A_286 = arith.constant 15 : i32
          %rev3A_287 = vector.broadcast %rev3A_286 : i32 to vector<16xi32>
          %rev3A_288 = tpu.iota {dimensions = array<i32: 0>} : vector<16xi32>
          %rev3A_289 = arith.subi %rev3A_287, %rev3A_288 : vector<16xi32>
          %rev3A_290 = tpu.dynamic_gather %masked_sort3A_284[%rev3A_289] in [0] : vector<16xf32>, vector<16xi32> -> vector<16xf32>
          %rev3A_291 = arith.constant 15 : i32
          %rev3A_292 = vector.broadcast %rev3A_291 : i32 to vector<16xi32>
          %rev3A_293 = tpu.iota {dimensions = array<i32: 0>} : vector<16xi32>
          %rev3A_294 = arith.subi %rev3A_292, %rev3A_293 : vector<16xi32>
          %rev3A_295 = tpu.dynamic_gather %masked_sort3A_285[%rev3A_294] in [0] : vector<16xi32>, vector<16xi32> -> vector<16xi32>
          %lt3A_296 = arith.cmpf olt, %while3A_270, %rev3A_290 : vector<16xf32>
          %eq3A_297 = arith.cmpf oeq, %while3A_270, %rev3A_290 : vector<16xf32>
          %le3A_298 = arith.cmpi sle, %while3A_271, %rev3A_295 : vector<16xi32>
          %and3A_299 = arith.andi %eq3A_297, %le3A_298 : vector<16xi1>
          %or3A_300 = arith.ori %lt3A_296, %and3A_299 : vector<16xi1>
          %select_n3A_301 = arith.select %or3A_300, %while3A_270, %rev3A_290 : vector<16xi1>, vector<16xf32>
          %select_n3A_302 = arith.select %or3A_300, %while3A_271, %rev3A_295 : vector<16xi1>, vector<16xi32>
          %select_n3A_303 = arith.select %or3A_300, %rev3A_290, %while3A_270 : vector<16xi1>, vector<16xf32>
          %select_n3A_304 = arith.select %or3A_300, %rev3A_295, %while3A_271 : vector<16xi1>, vector<16xi32>
          %masked_sort3A_305 = arith.constant dense<true> : vector<16xi1>
          %masked_sort3A_306, %masked_sort3A_307, %masked_sort3A_308 = tpu.sort %select_n3A_301, %select_n3A_302 masked %masked_sort3A_305 : (vector<16xf32>, vector<16xi32>, vector<16xi1>) -> (vector<16xi1>, vector<16xf32>, vector<16xi32>)
          %masked_sort3A_309 = arith.constant dense<true> : vector<16xi1>
          %masked_sort3A_310, %masked_sort3A_311, %masked_sort3A_312 = tpu.sort %select_n3A_303, %select_n3A_304 masked %masked_sort3A_309 : (vector<16xf32>, vector<16xi32>, vector<16xi1>) -> (vector<16xi1>, vector<16xf32>, vector<16xi32>)
          %rev3A_313 = arith.constant 15 : i32
          %rev3A_314 = vector.broadcast %rev3A_313 : i32 to vector<16xi32>
          %rev3A_315 = tpu.iota {dimensions = array<i32: 0>} : vector<16xi32>
          %rev3A_316 = arith.subi %rev3A_314, %rev3A_315 : vector<16xi32>
          %rev3A_317 = tpu.dynamic_gather %masked_sort3A_311[%rev3A_316] in [0] : vector<16xf32>, vector<16xi32> -> vector<16xf32>
          %rev3A_318 = arith.constant 15 : i32
          %rev3A_319 = vector.broadcast %rev3A_318 : i32 to vector<16xi32>
          %rev3A_320 = tpu.iota {dimensions = array<i32: 0>} : vector<16xi32>
          %rev3A_321 = arith.subi %rev3A_319, %rev3A_320 : vector<16xi32>
          %rev3A_322 = tpu.dynamic_gather %masked_sort3A_312[%rev3A_321] in [0] : vector<16xi32>, vector<16xi32> -> vector<16xi32>
          %lt3A_323 = arith.cmpf olt, %while3A_272, %rev3A_317 : vector<16xf32>
          %eq3A_324 = arith.cmpf oeq, %while3A_272, %rev3A_317 : vector<16xf32>
          %le3A_325 = arith.cmpi sle, %while3A_273, %rev3A_322 : vector<16xi32>
          %and3A_326 = arith.andi %eq3A_324, %le3A_325 : vector<16xi1>
          %or3A_327 = arith.ori %lt3A_323, %and3A_326 : vector<16xi1>
          %select_n3A_328 = arith.select %or3A_327, %while3A_272, %rev3A_317 : vector<16xi1>, vector<16xf32>
          %select_n3A_329 = arith.select %or3A_327, %while3A_273, %rev3A_322 : vector<16xi1>, vector<16xi32>
          %select_n3A_330 = arith.select %or3A_327, %rev3A_317, %while3A_272 : vector<16xi1>, vector<16xf32>
          %select_n3A_331 = arith.select %or3A_327, %rev3A_322, %while3A_273 : vector<16xi1>, vector<16xi32>
          %masked_sort3A_332 = arith.constant dense<true> : vector<16xi1>
          %masked_sort3A_333, %masked_sort3A_334, %masked_sort3A_335 = tpu.sort %select_n3A_328, %select_n3A_329 masked %masked_sort3A_332 : (vector<16xf32>, vector<16xi32>, vector<16xi1>) -> (vector<16xi1>, vector<16xf32>, vector<16xi32>)
          %masked_sort3A_336 = arith.constant dense<true> : vector<16xi1>
          %masked_sort3A_337, %masked_sort3A_338, %masked_sort3A_339 = tpu.sort %select_n3A_330, %select_n3A_331 masked %masked_sort3A_336 : (vector<16xf32>, vector<16xi32>, vector<16xi1>) -> (vector<16xi1>, vector<16xf32>, vector<16xi32>)
          scf.yield %masked_sort3A_307, %masked_sort3A_308, %masked_sort3A_334, %masked_sort3A_335 : vector<16xf32>, vector<16xi32>, vector<16xf32>, vector<16xi32>
        }
        %reduce_max3A = arith.constant true
        %reduce_max3A_79 = vector.broadcast %reduce_max3A : i1 to vector<16xi1>
        %reduce_max3A_80 = tpu.scan <max>, %while3A_78#2 masked %reduce_max3A_79 : vector<16xf32>, vector<16xi1> -> vector<16xf32>
        %reduce_max3A_81 = vector.extract %reduce_max3A_80[15] : f32 from vector<16xf32>
        %masked_sort3A = arith.constant dense<true> : vector<16xi1>
        %masked_sort3A_82 = arith.constant -2147483648 : i32
        %masked_sort3A_83 = vector.broadcast %masked_sort3A_82 : i32 to vector<16xi32>
        %masked_sort3A_84 = arith.xori %while3A_78#1, %masked_sort3A_83 : vector<16xi32>
        %masked_sort3A_85, %masked_sort3A_86, %masked_sort3A_87 = tpu.sort %masked_sort3A_84, %while3A_78#1 masked %masked_sort3A : (vector<16xi32>, vector<16xi32>, vector<16xi1>) -> (vector<16xi1>, vector<16xi32>, vector<16xi32>)
        %masked_sort3A_88 = arith.xori %masked_sort3A_86, %masked_sort3A_83 : vector<16xi32>
        %masked_sort3A_89 = arith.constant dense<true> : vector<16xi1>
        %masked_sort3A_90 = arith.constant -2147483648 : i32
        %masked_sort3A_91 = vector.broadcast %masked_sort3A_90 : i32 to vector<16xi32>
        %masked_sort3A_92 = arith.xori %while3A_78#3, %masked_sort3A_91 : vector<16xi32>
        %masked_sort3A_93, %masked_sort3A_94, %masked_sort3A_95 = tpu.sort %masked_sort3A_92, %while3A_78#3 masked %masked_sort3A_89 : (vector<16xi32>, vector<16xi32>, vector<16xi1>) -> (vector<16xi1>, vector<16xi32>, vector<16xi32>)
        %masked_sort3A_96 = arith.xori %masked_sort3A_94, %masked_sort3A_91 : vector<16xi32>
        %rev3A = arith.constant 15 : i32
        %rev3A_97 = vector.broadcast %rev3A : i32 to vector<16xi32>
        %rev3A_98 = tpu.iota {dimensions = array<i32: 0>} : vector<16xi32>
        %rev3A_99 = arith.subi %rev3A_97, %rev3A_98 : vector<16xi32>
        %rev3A_100 = tpu.dynamic_gather %masked_sort3A_96[%rev3A_99] in [0] : vector<16xi32>, vector<16xi32> -> vector<16xi32>
        %rev3A_101 = arith.constant 15 : i32
        %rev3A_102 = vector.broadcast %rev3A_101 : i32 to vector<16xi32>
        %rev3A_103 = tpu.iota {dimensions = array<i32: 0>} : vector<16xi32>
        %rev3A_104 = arith.subi %rev3A_102, %rev3A_103 : vector<16xi32>
        %rev3A_105 = tpu.dynamic_gather %masked_sort3A_96[%rev3A_104] in [0] : vector<16xi32>, vector<16xi32> -> vector<16xi32>
        %lt3A = arith.cmpi slt, %masked_sort3A_88, %rev3A_100 : vector<16xi32>
        %eq3A = arith.cmpi eq, %masked_sort3A_88, %rev3A_100 : vector<16xi32>
        %le3A = arith.cmpi sle, %masked_sort3A_88, %rev3A_105 : vector<16xi32>
        %and3A_106 = arith.andi %eq3A, %le3A : vector<16xi1>
        %or3A = arith.ori %lt3A, %and3A_106 : vector<16xi1>
        %select_n3A_107 = arith.select %or3A, %masked_sort3A_88, %rev3A_100 : vector<16xi1>, vector<16xi32>
        %select_n3A_108 = arith.select %or3A, %masked_sort3A_88, %rev3A_105 : vector<16xi1>, vector<16xi32>
        %select_n3A_109 = arith.select %or3A, %rev3A_100, %masked_sort3A_88 : vector<16xi1>, vector<16xi32>
        %select_n3A_110 = arith.select %or3A, %rev3A_105, %masked_sort3A_88 : vector<16xi1>, vector<16xi32>
        %masked_sort3A_111 = arith.constant dense<true> : vector<16xi1>
        %masked_sort3A_112 = arith.constant -2147483648 : i32
        %masked_sort3A_113 = vector.broadcast %masked_sort3A_112 : i32 to vector<16xi32>
        %masked_sort3A_114 = arith.xori %select_n3A_107, %masked_sort3A_113 : vector<16xi32>
        %masked_sort3A_115, %masked_sort3A_116, %masked_sort3A_117 = tpu.sort %masked_sort3A_114, %select_n3A_108 masked %masked_sort3A_111 : (vector<16xi32>, vector<16xi32>, vector<16xi1>) -> (vector<16xi1>, vector<16xi32>, vector<16xi32>)
        %masked_sort3A_118 = arith.xori %masked_sort3A_116, %masked_sort3A_113 : vector<16xi32>
        %masked_sort3A_119 = arith.constant dense<true> : vector<16xi1>
        %masked_sort3A_120 = arith.constant -2147483648 : i32
        %masked_sort3A_121 = vector.broadcast %masked_sort3A_120 : i32 to vector<16xi32>
        %masked_sort3A_122 = arith.xori %select_n3A_109, %masked_sort3A_121 : vector<16xi32>
        %masked_sort3A_123, %masked_sort3A_124, %masked_sort3A_125 = tpu.sort %masked_sort3A_122, %select_n3A_110 masked %masked_sort3A_119 : (vector<16xi32>, vector<16xi32>, vector<16xi1>) -> (vector<16xi1>, vector<16xi32>, vector<16xi32>)
        %masked_sort3A_126 = arith.xori %masked_sort3A_124, %masked_sort3A_121 : vector<16xi32>
        %mul3A_127 = arith.constant 64 : i32
        %mul3A_128 = arith.muli %add3A_36, %mul3A_127 : i32
        %swap3A_129 = arith.constant 0 : index
        %swap3A_130 = tpu.vector_load %arg7[%swap3A_129] {strides = array<i32>} : memref<32xi32, #tpu.memory_space<vmem>>, vector<16xi32>,
        tpu.vector_store %arg7[%swap3A_129], %masked_sort3A_118 {strides = array<i32>} : memref<32xi32, #tpu.memory_space<vmem>>, vector<16xi32>,
        %swap3A_131 = arith.constant 16 : index
        %swap3A_132 = tpu.vector_load %arg7[%swap3A_131] {strides = array<i32>} : memref<32xi32, #tpu.memory_space<vmem>>, vector<16xi32>,
        tpu.vector_store %arg7[%swap3A_131], %masked_sort3A_126 {strides = array<i32>} : memref<32xi32, #tpu.memory_space<vmem>>, vector<16xi32>,
        %jit3A_133 = arith.constant 8 : i32
        %div3A_134 = vector.broadcast %jit3A_133 : i32 to vector<16xi32>
        %div3A_135 = arith.divsi %masked_sort3A_118, %div3A_134 : vector<16xi32>
        %sign3A_136 = arith.constant 0 : i32
        %sign3A_137 = vector.broadcast %sign3A_136 : i32 to vector<16xi32>
        %sign3A_138 = arith.cmpi sgt, %masked_sort3A_118, %sign3A_137 : vector<16xi32>
        %sign3A_139 = arith.extui %sign3A_138 : vector<16xi1> to vector<16xi32>
        %sign3A_140 = arith.constant 0 : i32
        %sign3A_141 = vector.broadcast %sign3A_140 : i32 to vector<16xi32>
        %sign3A_142 = arith.cmpi slt, %masked_sort3A_118, %sign3A_141 : vector<16xi32>
        %sign3A_143 = arith.extui %sign3A_142 : vector<16xi1> to vector<16xi32>
        %sign3A_144 = arith.subi %sign3A_139, %sign3A_143 : vector<16xi32>
        %sign3A_145 = arith.constant 0 : i32
        %sign3A_146 = arith.cmpi sgt, %jit3A_133, %sign3A_145 : i32
        %sign3A_147 = arith.extui %sign3A_146 : i1 to i32
        %sign3A_148 = arith.constant 0 : i32
        %sign3A_149 = arith.cmpi slt, %jit3A_133, %sign3A_148 : i32
        %sign3A_150 = arith.extui %sign3A_149 : i1 to i32
        %sign3A_151 = arith.subi %sign3A_147, %sign3A_150 : i32
        %ne3A_152 = vector.broadcast %sign3A_151 : i32 to vector<16xi32>
        %ne3A_153 = arith.cmpi ne, %sign3A_144, %ne3A_152 : vector<16xi32>
        %rem3A_154 = vector.broadcast %jit3A_133 : i32 to vector<16xi32>
        %rem3A_155 = arith.remsi %masked_sort3A_118, %rem3A_154 : vector<16xi32>
        %ne3A_156 = arith.constant 0 : i32
        %ne3A_157 = vector.broadcast %ne3A_156 : i32 to vector<16xi32>
        %ne3A_158 = arith.cmpi ne, %rem3A_155, %ne3A_157 : vector<16xi32>
        %and3A_159 = arith.andi %ne3A_153, %ne3A_158 : vector<16xi1>
        %sub3A_160 = arith.constant 1 : i32
        %sub3A_161 = vector.broadcast %sub3A_160 : i32 to vector<16xi32>
        %sub3A_162 = arith.subi %div3A_135, %sub3A_161 : vector<16xi32>
        %select_n3A_163 = arith.select %and3A_159, %sub3A_162, %div3A_135 : vector<16xi1>, vector<16xi32>
        %add3A_164 = vector.broadcast %mul3A_128 : i32 to vector<16xi32>
        %add3A_165 = arith.addi %select_n3A_163, %add3A_164 : vector<16xi32>
        %swap3A_166 = arith.constant 0 : index
        %swap3A_167 = tpu.vector_load %arg8[%swap3A_166] {strides = array<i32>} : memref<32xi32, #tpu.memory_space<vmem>>, vector<16xi32>,
        tpu.vector_store %arg8[%swap3A_166], %add3A_165 {strides = array<i32>} : memref<32xi32, #tpu.memory_space<vmem>>, vector<16xi32>,
        %jit3A_168 = arith.constant 8 : i32
        %div3A_169 = vector.broadcast %jit3A_168 : i32 to vector<16xi32>
        %div3A_170 = arith.divsi %masked_sort3A_126, %div3A_169 : vector<16xi32>
        %sign3A_171 = arith.constant 0 : i32
        %sign3A_172 = vector.broadcast %sign3A_171 : i32 to vector<16xi32>
        %sign3A_173 = arith.cmpi sgt, %masked_sort3A_126, %sign3A_172 : vector<16xi32>
        %sign3A_174 = arith.extui %sign3A_173 : vector<16xi1> to vector<16xi32>
        %sign3A_175 = arith.constant 0 : i32
        %sign3A_176 = vector.broadcast %sign3A_175 : i32 to vector<16xi32>
        %sign3A_177 = arith.cmpi slt, %masked_sort3A_126, %sign3A_176 : vector<16xi32>
        %sign3A_178 = arith.extui %sign3A_177 : vector<16xi1> to vector<16xi32>
        %sign3A_179 = arith.subi %sign3A_174, %sign3A_178 : vector<16xi32>
        %sign3A_180 = arith.constant 0 : i32
        %sign3A_181 = arith.cmpi sgt, %jit3A_168, %sign3A_180 : i32
        %sign3A_182 = arith.extui %sign3A_181 : i1 to i32
        %sign3A_183 = arith.constant 0 : i32
        %sign3A_184 = arith.cmpi slt, %jit3A_168, %sign3A_183 : i32
        %sign3A_185 = arith.extui %sign3A_184 : i1 to i32
        %sign3A_186 = arith.subi %sign3A_182, %sign3A_185 : i32
        %ne3A_187 = vector.broadcast %sign3A_186 : i32 to vector<16xi32>
        %ne3A_188 = arith.cmpi ne, %sign3A_179, %ne3A_187 : vector<16xi32>
        %rem3A_189 = vector.broadcast %jit3A_168 : i32 to vector<16xi32>
        %rem3A_190 = arith.remsi %masked_sort3A_126, %rem3A_189 : vector<16xi32>
        %ne3A_191 = arith.constant 0 : i32
        %ne3A_192 = vector.broadcast %ne3A_191 : i32 to vector<16xi32>
        %ne3A_193 = arith.cmpi ne, %rem3A_190, %ne3A_192 : vector<16xi32>
        %and3A_194 = arith.andi %ne3A_188, %ne3A_193 : vector<16xi1>
        %sub3A_195 = arith.constant 1 : i32
        %sub3A_196 = vector.broadcast %sub3A_195 : i32 to vector<16xi32>
        %sub3A_197 = arith.subi %div3A_170, %sub3A_196 : vector<16xi32>
        %select_n3A_198 = arith.select %and3A_194, %sub3A_197, %div3A_170 : vector<16xi1>, vector<16xi32>
        %add3A_199 = vector.broadcast %mul3A_128 : i32 to vector<16xi32>
        %add3A_200 = arith.addi %select_n3A_198, %add3A_199 : vector<16xi32>
        %swap3A_201 = arith.constant 16 : index
        %swap3A_202 = tpu.vector_load %arg8[%swap3A_201] {strides = array<i32>} : memref<32xi32, #tpu.memory_space<vmem>>, vector<16xi32>,
        tpu.vector_store %arg8[%swap3A_201], %add3A_200 {strides = array<i32>} : memref<32xi32, #tpu.memory_space<vmem>>, vector<16xi32>,
        %dma_start3A = arith.constant 0 : i32
        %dma_start3A_203 = arith.constant 0 : i32
        %dma_start3A_204 = tpu.memref_slice %arg2[%dma_start3A, %dma_start3A_203] : memref<262144x128xf32, #tpu.memory_space<hbm>> -> memref<262144x128xf32, #tpu.memory_space<hbm>>
        tpu.enqueue_indirect_dma source(%dma_start3A_204 : memref<262144x128xf32, #tpu.memory_space<hbm>>) target(%arg9 : memref<32x128xf32, #tpu.memory_space<vmem>>) offsets(%arg8 : memref<32xi32, #tpu.memory_space<vmem>>) semaphore(%arg13 : memref<!tpu.dma_semaphore, #tpu.memory_space<semaphore_mem>>)
        %dma_wait3A = arith.constant 0 : i32
        %dma_wait3A_205 = arith.constant 0 : i32
        %dma_wait3A_206 = tpu.memref_slice %arg2[%dma_wait3A, %dma_wait3A_205] : memref<262144x128xf32, #tpu.memory_space<hbm>> -> memref<262144x128xf32, #tpu.memory_space<hbm>>
        tpu.wait_indirect_dma semaphore(%arg13 : memref<!tpu.dma_semaphore, #tpu.memory_space<semaphore_mem>>) src(%dma_wait3A_206 : memref<262144x128xf32, #tpu.memory_space<hbm>>) dst(%arg9 : memref<32x128xf32, #tpu.memory_space<vmem>>)
        %scan3A_207 = arith.constant 0 : i32
        %scan3A_208 = arith.constant 0 : i32
        %scan3A_209 = arith.constant 32 : i32
        %scan3A_210 = arith.addi %scan3A_208, %scan3A_209 : i32
        %scan3A_211 = arith.constant 1 : i32
        %scan3A_212:6 = scf.for %scan3A_269 = %scan3A_208 to %scan3A_210 step %scan3A_211 iter_args(%scan3A_270 = %squeeze3A, %scan3A_271 = %scan3A_207, %scan3A_272 = %broadcast_in_dim3A_39, %scan3A_273 = %broadcast_in_dim3A_38, %scan3A_274 = %broadcast_in_dim3A_39, %scan3A_275 = %broadcast_in_dim3A_38) -> (f32, i32, vector<16xf32>, vector<16xi32>, vector<16xf32>, vector<16xi32>)  : i32 {
          %broadcast_in_dim3A_276 = vector.broadcast %scan3A_269 : i32 to vector<16xi32>
          %gather3A = tpu.vector_load_idx %arg7[%broadcast_in_dim3A_276] : memref<32xi32, #tpu.memory_space<vmem>>[vector<16xi32>], vector<16xi32>,
          %rem3A_277 = arith.constant 8 : i32
          %rem3A_278 = vector.broadcast %rem3A_277 : i32 to vector<16xi32>
          %rem3A_279 = arith.remsi %gather3A, %rem3A_278 : vector<16xi32>
          %reduce_max3A_280 = arith.constant true
          %reduce_max3A_281 = vector.broadcast %reduce_max3A_280 : i1 to vector<16xi1>
          %reduce_max3A_282 = arith.constant -2147483648 : i32
          %reduce_max3A_283 = vector.broadcast %reduce_max3A_282 : i32 to vector<16xi32>
          %reduce_max3A_284 = arith.xori %rem3A_279, %reduce_max3A_283 : vector<16xi32>
          %reduce_max3A_285 = tpu.scan <max>, %reduce_max3A_284 masked %reduce_max3A_281 : vector<16xi32>, vector<16xi1> -> vector<16xi32>
          %reduce_max3A_286 = arith.xori %reduce_max3A_285, %reduce_max3A_283 : vector<16xi32>
          %reduce_max3A_287 = vector.extract %reduce_max3A_286[15] : i32 from vector<16xi32>
          %mul3A_288 = arith.constant 16 : i32
          %mul3A_289 = arith.muli %reduce_max3A_287, %mul3A_288 : i32
          %get3A_290 = arith.index_cast %scan3A_269 : i32 to index
          %get3A_291 = arith.index_cast %mul3A_289 : i32 to index
          %get3A_292 = tpu.vector_load %arg9[%get3A_290, %get3A_291] {strides = array<i32>} : memref<32x128xf32, #tpu.memory_space<vmem>>, vector<16xf32>,
          %mul3A_293 = arith.constant 16 : i32
          %mul3A_294 = vector.broadcast %mul3A_293 : i32 to vector<16xi32>
          %mul3A_295 = arith.muli %gather3A, %mul3A_294 : vector<16xi32>
          %add3A_296 = arith.addi %mul3A_295, %iota3A : vector<16xi32>
          %lt3A_297 = vector.broadcast %scan3A_270 : f32 to vector<16xf32>
          %lt3A_298 = arith.cmpf olt, %get3A_292, %lt3A_297 : vector<16xf32>
          %jit3A_299 = arith.constant 1 : i32
          %jit3A_300 = arith.constant 0 : i32
          %broadcast_in_dim3A_301 = vector.broadcast %jit3A_299 : i32 to vector<16xi32>
          %broadcast_in_dim3A_302 = vector.broadcast %jit3A_300 : i32 to vector<16xi32>
          %select_n3A_303 = arith.select %lt3A_298, %broadcast_in_dim3A_301, %broadcast_in_dim3A_302 : vector<16xi1>, vector<16xi32>
          %broadcast_in_dim3A_304 = arith.constant true
          %broadcast_in_dim3A_305 = vector.broadcast %broadcast_in_dim3A_304 : i1 to vector<16xi1>
          %masked_cumsum3A = tpu.scan <sum>, %select_n3A_303 masked %broadcast_in_dim3A_305 : vector<16xi32>, vector<16xi1> -> vector<16xi32>
          %add3A_306 = vector.broadcast %scan3A_271 : i32 to vector<16xi32>
          %add3A_307 = arith.addi %add3A_306, %masked_cumsum3A : vector<16xi32>
          %sub3A_308 = arith.constant 1 : i32
          %sub3A_309 = vector.broadcast %sub3A_308 : i32 to vector<16xi32>
          %sub3A_310 = arith.subi %add3A_307, %sub3A_309 : vector<16xi32>
          %jit3A_311 = arith.constant 144 : i32
          %broadcast_in_dim3A_312 = vector.broadcast %jit3A_311 : i32 to vector<16xi32>
          %select_n3A_313 = arith.select %lt3A_298, %sub3A_310, %broadcast_in_dim3A_312 : vector<16xi1>, vector<16xi32>
          tpu.vector_store_idx %arg10[%select_n3A_313], %get3A_292 : memref<145xf32, #tpu.memory_space<vmem>>[vector<16xi32>], vector<16xf32>,
          tpu.vector_store_idx %arg11[%select_n3A_313], %add3A_296 : memref<145xi32, #tpu.memory_space<vmem>>[vector<16xi32>], vector<16xi32>,
          %reduce_max3A_314 = arith.constant true
          %reduce_max3A_315 = vector.broadcast %reduce_max3A_314 : i1 to vector<16xi1>
          %reduce_max3A_316 = arith.constant -2147483648 : i32
          %reduce_max3A_317 = vector.broadcast %reduce_max3A_316 : i32 to vector<16xi32>
          %reduce_max3A_318 = arith.xori %masked_cumsum3A, %reduce_max3A_317 : vector<16xi32>
          %reduce_max3A_319 = tpu.scan <max>, %reduce_max3A_318 masked %reduce_max3A_315 : vector<16xi32>, vector<16xi1> -> vector<16xi32>
          %reduce_max3A_320 = arith.xori %reduce_max3A_319, %reduce_max3A_317 : vector<16xi32>
          %reduce_max3A_321 = vector.extract %reduce_max3A_320[15] : i32 from vector<16xi32>
          %add3A_322 = arith.addi %scan3A_271, %reduce_max3A_321 : i32
          %ge3A = arith.constant 96 : i32
          %ge3A_323 = arith.cmpi sge, %add3A_322, %ge3A : i32
          %convert_element_type3A = arith.extui %ge3A_323 : i1 to i32
          %cond3A = arith.constant 0 : i32
          %cond3A_324 = arith.cmpi ne, %convert_element_type3A, %cond3A : i32
          %cond3A_325:6 = scf.if %cond3A_324 -> (f32, i32, vector<16xf32>, vector<16xi32>, vector<16xf32>, vector<16xi32>) {
            %broadcast_in_dim3A_326 = vector.broadcast %squeeze3A : f32 to vector<16xf32>
            %swap3A_327 = arith.index_cast %add3A_322 : i32 to index
            %swap3A_328 = tpu.vector_load %arg10[%swap3A_327] {strides = array<i32>} : memref<145xf32, #tpu.memory_space<vmem>>, vector<16xf32>,
            tpu.vector_store %arg10[%swap3A_327], %broadcast_in_dim3A_326 {strides = array<i32>} : memref<145xf32, #tpu.memory_space<vmem>>, vector<16xf32>,
            %add3A_329 = arith.constant 15 : i32
            %add3A_330 = arith.addi %add3A_322, %add3A_329 : i32
            %jit3A_331 = arith.constant 16 : i32
            %div3A_332 = arith.divsi %add3A_330, %jit3A_331 : i32
            %sign3A_333 = arith.constant 0 : i32
            %sign3A_334 = arith.cmpi sgt, %add3A_330, %sign3A_333 : i32
            %sign3A_335 = arith.extui %sign3A_334 : i1 to i32
            %sign3A_336 = arith.constant 0 : i32
            %sign3A_337 = arith.cmpi slt, %add3A_330, %sign3A_336 : i32
            %sign3A_338 = arith.extui %sign3A_337 : i1 to i32
            %sign3A_339 = arith.subi %sign3A_335, %sign3A_338 : i32
            %sign3A_340 = arith.constant 0 : i32
            %sign3A_341 = arith.cmpi sgt, %jit3A_331, %sign3A_340 : i32
            %sign3A_342 = arith.extui %sign3A_341 : i1 to i32
            %sign3A_343 = arith.constant 0 : i32
            %sign3A_344 = arith.cmpi slt, %jit3A_331, %sign3A_343 : i32
            %sign3A_345 = arith.extui %sign3A_344 : i1 to i32
            %sign3A_346 = arith.subi %sign3A_342, %sign3A_345 : i32
            %ne3A_347 = arith.cmpi ne, %sign3A_339, %sign3A_346 : i32
            %rem3A_348 = arith.remsi %add3A_330, %jit3A_331 : i32
            %ne3A_349 = arith.constant 0 : i32
            %ne3A_350 = arith.cmpi ne, %rem3A_348, %ne3A_349 : i32
            %and3A_351 = arith.andi %ne3A_347, %ne3A_350 : i1
            %sub3A_352 = arith.constant 1 : i32
            %sub3A_353 = arith.subi %div3A_332, %sub3A_352 : i32
            %select_n3A_354 = arith.select %and3A_351, %sub3A_353, %div3A_332 : i32
            %while3A_355 = arith.constant 0 : i32
            %while3A_356 = arith.subi %select_n3A_354, %while3A_355 : i32
            %while3A_357 = arith.addi %while3A_355, %while3A_356 : i32
            %while3A_358 = arith.constant 1 : i32
            %while3A_359 = arith.divsi %while3A_356, %while3A_358 : i32
            %while3A_360 = arith.muli %while3A_359, %while3A_358 : i32
            %while3A_361 = arith.addi %while3A_355, %while3A_360 : i32
            %while3A_362 = arith.constant 1 : i32
            %while3A_363:4 = scf.for %while3A_371 = %while3A_355 to %while3A_361 step %while3A_362 iter_args(%while3A_372 = %scan3A_272, %while3A_373 = %scan3A_273, %while3A_374 = %scan3A_274, %while3A_375 = %scan3A_275) -> (vector<16xf32>, vector<16xi32>, vector<16xf32>, vector<16xi32>)  : i32 {
              %mul3A_376 = arith.constant 16 : i32
              %mul3A_377 = arith.muli %while3A_371, %mul3A_376 : i32
              %get3A_378 = arith.index_cast %mul3A_377 : i32 to index
              %get3A_379 = tpu.vector_load %arg10[%get3A_378] {strides = array<i32>} : memref<145xf32, #tpu.memory_space<vmem>>, vector<16xf32>,
              %mul3A_380 = arith.constant 16 : i32
              %mul3A_381 = arith.muli %while3A_371, %mul3A_380 : i32
              %get3A_382 = arith.index_cast %mul3A_381 : i32 to index
              %get3A_383 = tpu.vector_load %arg11[%get3A_382] {strides = array<i32>} : memref<145xi32, #tpu.memory_space<vmem>>, vector<16xi32>,
              %masked_sort3A_384 = arith.constant dense<true> : vector<16xi1>
              %masked_sort3A_385, %masked_sort3A_386, %masked_sort3A_387 = tpu.sort %get3A_379, %get3A_383 masked %masked_sort3A_384 : (vector<16xf32>, vector<16xi32>, vector<16xi1>) -> (vector<16xi1>, vector<16xf32>, vector<16xi32>)
              %rev3A_388 = arith.constant 15 : i32
              %rev3A_389 = vector.broadcast %rev3A_388 : i32 to vector<16xi32>
              %rev3A_390 = tpu.iota {dimensions = array<i32: 0>} : vector<16xi32>
              %rev3A_391 = arith.subi %rev3A_389, %rev3A_390 : vector<16xi32>
              %rev3A_392 = tpu.dynamic_gather %masked_sort3A_386[%rev3A_391] in [0] : vector<16xf32>, vector<16xi32> -> vector<16xf32>
              %rev3A_393 = arith.constant 15 : i32
              %rev3A_394 = vector.broadcast %rev3A_393 : i32 to vector<16xi32>
              %rev3A_395 = tpu.iota {dimensions = array<i32: 0>} : vector<16xi32>
              %rev3A_396 = arith.subi %rev3A_394, %rev3A_395 : vector<16xi32>
              %rev3A_397 = tpu.dynamic_gather %masked_sort3A_387[%rev3A_396] in [0] : vector<16xi32>, vector<16xi32> -> vector<16xi32>
              %lt3A_398 = arith.cmpf olt, %while3A_372, %rev3A_392 : vector<16xf32>
              %eq3A_399 = arith.cmpf oeq, %while3A_372, %rev3A_392 : vector<16xf32>
              %le3A_400 = arith.cmpi sle, %while3A_373, %rev3A_397 : vector<16xi32>
              %and3A_401 = arith.andi %eq3A_399, %le3A_400 : vector<16xi1>
              %or3A_402 = arith.ori %lt3A_398, %and3A_401 : vector<16xi1>
              %select_n3A_403 = arith.select %or3A_402, %while3A_372, %rev3A_392 : vector<16xi1>, vector<16xf32>
              %select_n3A_404 = arith.select %or3A_402, %while3A_373, %rev3A_397 : vector<16xi1>, vector<16xi32>
              %select_n3A_405 = arith.select %or3A_402, %rev3A_392, %while3A_372 : vector<16xi1>, vector<16xf32>
              %select_n3A_406 = arith.select %or3A_402, %rev3A_397, %while3A_373 : vector<16xi1>, vector<16xi32>
              %masked_sort3A_407 = arith.constant dense<true> : vector<16xi1>
              %masked_sort3A_408, %masked_sort3A_409, %masked_sort3A_410 = tpu.sort %select_n3A_403, %select_n3A_404 masked %masked_sort3A_407 : (vector<16xf32>, vector<16xi32>, vector<16xi1>) -> (vector<16xi1>, vector<16xf32>, vector<16xi32>)
              %masked_sort3A_411 = arith.constant dense<true> : vector<16xi1>
              %masked_sort3A_412, %masked_sort3A_413, %masked_sort3A_414 = tpu.sort %select_n3A_405, %select_n3A_406 masked %masked_sort3A_411 : (vector<16xf32>, vector<16xi32>, vector<16xi1>) -> (vector<16xi1>, vector<16xf32>, vector<16xi32>)
              %rev3A_415 = arith.constant 15 : i32
              %rev3A_416 = vector.broadcast %rev3A_415 : i32 to vector<16xi32>
              %rev3A_417 = tpu.iota {dimensions = array<i32: 0>} : vector<16xi32>
              %rev3A_418 = arith.subi %rev3A_416, %rev3A_417 : vector<16xi32>
              %rev3A_419 = tpu.dynamic_gather %masked_sort3A_413[%rev3A_418] in [0] : vector<16xf32>, vector<16xi32> -> vector<16xf32>
              %rev3A_420 = arith.constant 15 : i32
              %rev3A_421 = vector.broadcast %rev3A_420 : i32 to vector<16xi32>
              %rev3A_422 = tpu.iota {dimensions = array<i32: 0>} : vector<16xi32>
              %rev3A_423 = arith.subi %rev3A_421, %rev3A_422 : vector<16xi32>
              %rev3A_424 = tpu.dynamic_gather %masked_sort3A_414[%rev3A_423] in [0] : vector<16xi32>, vector<16xi32> -> vector<16xi32>
              %lt3A_425 = arith.cmpf olt, %while3A_374, %rev3A_419 : vector<16xf32>
              %eq3A_426 = arith.cmpf oeq, %while3A_374, %rev3A_419 : vector<16xf32>
              %le3A_427 = arith.cmpi sle, %while3A_375, %rev3A_424 : vector<16xi32>
              %and3A_428 = arith.andi %eq3A_426, %le3A_427 : vector<16xi1>
              %or3A_429 = arith.ori %lt3A_425, %and3A_428 : vector<16xi1>
              %select_n3A_430 = arith.select %or3A_429, %while3A_374, %rev3A_419 : vector<16xi1>, vector<16xf32>
              %select_n3A_431 = arith.select %or3A_429, %while3A_375, %rev3A_424 : vector<16xi1>, vector<16xi32>
              %select_n3A_432 = arith.select %or3A_429, %rev3A_419, %while3A_374 : vector<16xi1>, vector<16xf32>
              %select_n3A_433 = arith.select %or3A_429, %rev3A_424, %while3A_375 : vector<16xi1>, vector<16xi32>
              %masked_sort3A_434 = arith.constant dense<true> : vector<16xi1>
              %masked_sort3A_435, %masked_sort3A_436, %masked_sort3A_437 = tpu.sort %select_n3A_430, %select_n3A_431 masked %masked_sort3A_434 : (vector<16xf32>, vector<16xi32>, vector<16xi1>) -> (vector<16xi1>, vector<16xf32>, vector<16xi32>)
              %masked_sort3A_438 = arith.constant dense<true> : vector<16xi1>
              %masked_sort3A_439, %masked_sort3A_440, %masked_sort3A_441 = tpu.sort %select_n3A_432, %select_n3A_433 masked %masked_sort3A_438 : (vector<16xf32>, vector<16xi32>, vector<16xi1>) -> (vector<16xi1>, vector<16xf32>, vector<16xi32>)
              scf.yield %masked_sort3A_409, %masked_sort3A_410, %masked_sort3A_436, %masked_sort3A_437 : vector<16xf32>, vector<16xi32>, vector<16xf32>, vector<16xi32>
            }
            %while3A_364 = arith.constant 1 : i32
            %while3A_365:4 = scf.for %while3A_371 = %while3A_361 to %while3A_357 step %while3A_364 iter_args(%while3A_372 = %while3A_363#0, %while3A_373 = %while3A_363#1, %while3A_374 = %while3A_363#2, %while3A_375 = %while3A_363#3) -> (vector<16xf32>, vector<16xi32>, vector<16xf32>, vector<16xi32>)  : i32 {
              %mul3A_376 = arith.constant 16 : i32
              %mul3A_377 = arith.muli %while3A_371, %mul3A_376 : i32
              %get3A_378 = arith.index_cast %mul3A_377 : i32 to index
              %get3A_379 = tpu.vector_load %arg10[%get3A_378] {strides = array<i32>} : memref<145xf32, #tpu.memory_space<vmem>>, vector<16xf32>,
              %mul3A_380 = arith.constant 16 : i32
              %mul3A_381 = arith.muli %while3A_371, %mul3A_380 : i32
              %get3A_382 = arith.index_cast %mul3A_381 : i32 to index
              %get3A_383 = tpu.vector_load %arg11[%get3A_382] {strides = array<i32>} : memref<145xi32, #tpu.memory_space<vmem>>, vector<16xi32>,
              %masked_sort3A_384 = arith.constant dense<true> : vector<16xi1>
              %masked_sort3A_385, %masked_sort3A_386, %masked_sort3A_387 = tpu.sort %get3A_379, %get3A_383 masked %masked_sort3A_384 : (vector<16xf32>, vector<16xi32>, vector<16xi1>) -> (vector<16xi1>, vector<16xf32>, vector<16xi32>)
              %rev3A_388 = arith.constant 15 : i32
              %rev3A_389 = vector.broadcast %rev3A_388 : i32 to vector<16xi32>
              %rev3A_390 = tpu.iota {dimensions = array<i32: 0>} : vector<16xi32>
              %rev3A_391 = arith.subi %rev3A_389, %rev3A_390 : vector<16xi32>
              %rev3A_392 = tpu.dynamic_gather %masked_sort3A_386[%rev3A_391] in [0] : vector<16xf32>, vector<16xi32> -> vector<16xf32>
              %rev3A_393 = arith.constant 15 : i32
              %rev3A_394 = vector.broadcast %rev3A_393 : i32 to vector<16xi32>
              %rev3A_395 = tpu.iota {dimensions = array<i32: 0>} : vector<16xi32>
              %rev3A_396 = arith.subi %rev3A_394, %rev3A_395 : vector<16xi32>
              %rev3A_397 = tpu.dynamic_gather %masked_sort3A_387[%rev3A_396] in [0] : vector<16xi32>, vector<16xi32> -> vector<16xi32>
              %lt3A_398 = arith.cmpf olt, %while3A_372, %rev3A_392 : vector<16xf32>
              %eq3A_399 = arith.cmpf oeq, %while3A_372, %rev3A_392 : vector<16xf32>
              %le3A_400 = arith.cmpi sle, %while3A_373, %rev3A_397 : vector<16xi32>
              %and3A_401 = arith.andi %eq3A_399, %le3A_400 : vector<16xi1>
              %or3A_402 = arith.ori %lt3A_398, %and3A_401 : vector<16xi1>
              %select_n3A_403 = arith.select %or3A_402, %while3A_372, %rev3A_392 : vector<16xi1>, vector<16xf32>
              %select_n3A_404 = arith.select %or3A_402, %while3A_373, %rev3A_397 : vector<16xi1>, vector<16xi32>
              %select_n3A_405 = arith.select %or3A_402, %rev3A_392, %while3A_372 : vector<16xi1>, vector<16xf32>
              %select_n3A_406 = arith.select %or3A_402, %rev3A_397, %while3A_373 : vector<16xi1>, vector<16xi32>
              %masked_sort3A_407 = arith.constant dense<true> : vector<16xi1>
              %masked_sort3A_408, %masked_sort3A_409, %masked_sort3A_410 = tpu.sort %select_n3A_403, %select_n3A_404 masked %masked_sort3A_407 : (vector<16xf32>, vector<16xi32>, vector<16xi1>) -> (vector<16xi1>, vector<16xf32>, vector<16xi32>)
              %masked_sort3A_411 = arith.constant dense<true> : vector<16xi1>
              %masked_sort3A_412, %masked_sort3A_413, %masked_sort3A_414 = tpu.sort %select_n3A_405, %select_n3A_406 masked %masked_sort3A_411 : (vector<16xf32>, vector<16xi32>, vector<16xi1>) -> (vector<16xi1>, vector<16xf32>, vector<16xi32>)
              %rev3A_415 = arith.constant 15 : i32
              %rev3A_416 = vector.broadcast %rev3A_415 : i32 to vector<16xi32>
              %rev3A_417 = tpu.iota {dimensions = array<i32: 0>} : vector<16xi32>
              %rev3A_418 = arith.subi %rev3A_416, %rev3A_417 : vector<16xi32>
              %rev3A_419 = tpu.dynamic_gather %masked_sort3A_413[%rev3A_418] in [0] : vector<16xf32>, vector<16xi32> -> vector<16xf32>
              %rev3A_420 = arith.constant 15 : i32
              %rev3A_421 = vector.broadcast %rev3A_420 : i32 to vector<16xi32>
              %rev3A_422 = tpu.iota {dimensions = array<i32: 0>} : vector<16xi32>
              %rev3A_423 = arith.subi %rev3A_421, %rev3A_422 : vector<16xi32>
              %rev3A_424 = tpu.dynamic_gather %masked_sort3A_414[%rev3A_423] in [0] : vector<16xi32>, vector<16xi32> -> vector<16xi32>
              %lt3A_425 = arith.cmpf olt, %while3A_374, %rev3A_419 : vector<16xf32>
              %eq3A_426 = arith.cmpf oeq, %while3A_374, %rev3A_419 : vector<16xf32>
              %le3A_427 = arith.cmpi sle, %while3A_375, %rev3A_424 : vector<16xi32>
              %and3A_428 = arith.andi %eq3A_426, %le3A_427 : vector<16xi1>
              %or3A_429 = arith.ori %lt3A_425, %and3A_428 : vector<16xi1>
              %select_n3A_430 = arith.select %or3A_429, %while3A_374, %rev3A_419 : vector<16xi1>, vector<16xf32>
              %select_n3A_431 = arith.select %or3A_429, %while3A_375, %rev3A_424 : vector<16xi1>, vector<16xi32>
              %select_n3A_432 = arith.select %or3A_429, %rev3A_419, %while3A_374 : vector<16xi1>, vector<16xf32>
              %select_n3A_433 = arith.select %or3A_429, %rev3A_424, %while3A_375 : vector<16xi1>, vector<16xi32>
              %masked_sort3A_434 = arith.constant dense<true> : vector<16xi1>
              %masked_sort3A_435, %masked_sort3A_436, %masked_sort3A_437 = tpu.sort %select_n3A_430, %select_n3A_431 masked %masked_sort3A_434 : (vector<16xf32>, vector<16xi32>, vector<16xi1>) -> (vector<16xi1>, vector<16xf32>, vector<16xi32>)
              %masked_sort3A_438 = arith.constant dense<true> : vector<16xi1>
              %masked_sort3A_439, %masked_sort3A_440, %masked_sort3A_441 = tpu.sort %select_n3A_432, %select_n3A_433 masked %masked_sort3A_438 : (vector<16xf32>, vector<16xi32>, vector<16xi1>) -> (vector<16xi1>, vector<16xf32>, vector<16xi32>)
              scf.yield %masked_sort3A_409, %masked_sort3A_410, %masked_sort3A_436, %masked_sort3A_437 : vector<16xf32>, vector<16xi32>, vector<16xf32>, vector<16xi32>
            }
            %reduce_max3A_366 = arith.constant true
            %reduce_max3A_367 = vector.broadcast %reduce_max3A_366 : i1 to vector<16xi1>
            %reduce_max3A_368 = tpu.scan <max>, %while3A_365#2 masked %reduce_max3A_367 : vector<16xf32>, vector<16xi1> -> vector<16xf32>
            %reduce_max3A_369 = vector.extract %reduce_max3A_368[15] : f32 from vector<16xf32>
            %cond3A_370 = arith.constant 0 : i32
            scf.yield %reduce_max3A_369, %cond3A_370, %while3A_365#0, %while3A_365#1, %while3A_365#2, %while3A_365#3 : f32, i32, vector<16xf32>, vector<16xi32>, vector<16xf32>, vector<16xi32>
          } else {
            scf.yield %scan3A_270, %add3A_322, %scan3A_272, %scan3A_273, %scan3A_274, %scan3A_275 : f32, i32, vector<16xf32>, vector<16xi32>, vector<16xf32>, vector<16xi32>
          }
          scf.yield %cond3A_325#0, %cond3A_325#1, %cond3A_325#2, %cond3A_325#3, %cond3A_325#4, %cond3A_325#5 : f32, i32, vector<16xf32>, vector<16xi32>, vector<16xf32>, vector<16xi32>
        }
        %scan3A_213 = arith.constant 32 : i32
        %broadcast_in_dim3A_214 = vector.broadcast %squeeze3A : f32 to vector<16xf32>
        %swap3A_215 = arith.index_cast %scan3A_212#1 : i32 to index
        %swap3A_216 = tpu.vector_load %arg10[%swap3A_215] {strides = array<i32>} : memref<145xf32, #tpu.memory_space<vmem>>, vector<16xf32>,
        tpu.vector_store %arg10[%swap3A_215], %broadcast_in_dim3A_214 {strides = array<i32>} : memref<145xf32, #tpu.memory_space<vmem>>, vector<16xf32>,
        %add3A_217 = arith.constant 15 : i32
        %add3A_218 = arith.addi %scan3A_212#1, %add3A_217 : i32
        %jit3A_219 = arith.constant 16 : i32
        %div3A_220 = arith.divsi %add3A_218, %jit3A_219 : i32
        %sign3A_221 = arith.constant 0 : i32
        %sign3A_222 = arith.cmpi sgt, %add3A_218, %sign3A_221 : i32
        %sign3A_223 = arith.extui %sign3A_222 : i1 to i32
        %sign3A_224 = arith.constant 0 : i32
        %sign3A_225 = arith.cmpi slt, %add3A_218, %sign3A_224 : i32
        %sign3A_226 = arith.extui %sign3A_225 : i1 to i32
        %sign3A_227 = arith.subi %sign3A_223, %sign3A_226 : i32
        %sign3A_228 = arith.constant 0 : i32
        %sign3A_229 = arith.cmpi sgt, %jit3A_219, %sign3A_228 : i32
        %sign3A_230 = arith.extui %sign3A_229 : i1 to i32
        %sign3A_231 = arith.constant 0 : i32
        %sign3A_232 = arith.cmpi slt, %jit3A_219, %sign3A_231 : i32
        %sign3A_233 = arith.extui %sign3A_232 : i1 to i32
        %sign3A_234 = arith.subi %sign3A_230, %sign3A_233 : i32
        %ne3A_235 = arith.cmpi ne, %sign3A_227, %sign3A_234 : i32
        %rem3A_236 = arith.remsi %add3A_218, %jit3A_219 : i32
        %ne3A_237 = arith.constant 0 : i32
        %ne3A_238 = arith.cmpi ne, %rem3A_236, %ne3A_237 : i32
        %and3A_239 = arith.andi %ne3A_235, %ne3A_238 : i1
        %sub3A_240 = arith.constant 1 : i32
        %sub3A_241 = arith.subi %div3A_220, %sub3A_240 : i32
        %select_n3A_242 = arith.select %and3A_239, %sub3A_241, %div3A_220 : i32
        %while3A_243 = arith.constant 0 : i32
        %while3A_244 = arith.subi %select_n3A_242, %while3A_243 : i32
        %while3A_245 = arith.addi %while3A_243, %while3A_244 : i32
        %while3A_246 = arith.constant 1 : i32
        %while3A_247 = arith.divsi %while3A_244, %while3A_246 : i32
        %while3A_248 = arith.muli %while3A_247, %while3A_246 : i32
        %while3A_249 = arith.addi %while3A_243, %while3A_248 : i32
        %while3A_250 = arith.constant 1 : i32
        %while3A_251:4 = scf.for %while3A_269 = %while3A_243 to %while3A_249 step %while3A_250 iter_args(%while3A_270 = %scan3A_212#2, %while3A_271 = %scan3A_212#3, %while3A_272 = %scan3A_212#4, %while3A_273 = %scan3A_212#5) -> (vector<16xf32>, vector<16xi32>, vector<16xf32>, vector<16xi32>)  : i32 {
          %mul3A_274 = arith.constant 16 : i32
          %mul3A_275 = arith.muli %while3A_269, %mul3A_274 : i32
          %get3A_276 = arith.index_cast %mul3A_275 : i32 to index
          %get3A_277 = tpu.vector_load %arg10[%get3A_276] {strides = array<i32>} : memref<145xf32, #tpu.memory_space<vmem>>, vector<16xf32>,
          %mul3A_278 = arith.constant 16 : i32
          %mul3A_279 = arith.muli %while3A_269, %mul3A_278 : i32
          %get3A_280 = arith.index_cast %mul3A_279 : i32 to index
          %get3A_281 = tpu.vector_load %arg11[%get3A_280] {strides = array<i32>} : memref<145xi32, #tpu.memory_space<vmem>>, vector<16xi32>,
          %masked_sort3A_282 = arith.constant dense<true> : vector<16xi1>
          %masked_sort3A_283, %masked_sort3A_284, %masked_sort3A_285 = tpu.sort %get3A_277, %get3A_281 masked %masked_sort3A_282 : (vector<16xf32>, vector<16xi32>, vector<16xi1>) -> (vector<16xi1>, vector<16xf32>, vector<16xi32>)
          %rev3A_286 = arith.constant 15 : i32
          %rev3A_287 = vector.broadcast %rev3A_286 : i32 to vector<16xi32>
          %rev3A_288 = tpu.iota {dimensions = array<i32: 0>} : vector<16xi32>
          %rev3A_289 = arith.subi %rev3A_287, %rev3A_288 : vector<16xi32>
          %rev3A_290 = tpu.dynamic_gather %masked_sort3A_284[%rev3A_289] in [0] : vector<16xf32>, vector<16xi32> -> vector<16xf32>
          %rev3A_291 = arith.constant 15 : i32
          %rev3A_292 = vector.broadcast %rev3A_291 : i32 to vector<16xi32>
          %rev3A_293 = tpu.iota {dimensions = array<i32: 0>} : vector<16xi32>
          %rev3A_294 = arith.subi %rev3A_292, %rev3A_293 : vector<16xi32>
          %rev3A_295 = tpu.dynamic_gather %masked_sort3A_285[%rev3A_294] in [0] : vector<16xi32>, vector<16xi32> -> vector<16xi32>
          %lt3A_296 = arith.cmpf olt, %while3A_270, %rev3A_290 : vector<16xf32>
          %eq3A_297 = arith.cmpf oeq, %while3A_270, %rev3A_290 : vector<16xf32>
          %le3A_298 = arith.cmpi sle, %while3A_271, %rev3A_295 : vector<16xi32>
          %and3A_299 = arith.andi %eq3A_297, %le3A_298 : vector<16xi1>
          %or3A_300 = arith.ori %lt3A_296, %and3A_299 : vector<16xi1>
          %select_n3A_301 = arith.select %or3A_300, %while3A_270, %rev3A_290 : vector<16xi1>, vector<16xf32>
          %select_n3A_302 = arith.select %or3A_300, %while3A_271, %rev3A_295 : vector<16xi1>, vector<16xi32>
          %select_n3A_303 = arith.select %or3A_300, %rev3A_290, %while3A_270 : vector<16xi1>, vector<16xf32>
          %select_n3A_304 = arith.select %or3A_300, %rev3A_295, %while3A_271 : vector<16xi1>, vector<16xi32>
          %masked_sort3A_305 = arith.constant dense<true> : vector<16xi1>
          %masked_sort3A_306, %masked_sort3A_307, %masked_sort3A_308 = tpu.sort %select_n3A_301, %select_n3A_302 masked %masked_sort3A_305 : (vector<16xf32>, vector<16xi32>, vector<16xi1>) -> (vector<16xi1>, vector<16xf32>, vector<16xi32>)
          %masked_sort3A_309 = arith.constant dense<true> : vector<16xi1>
          %masked_sort3A_310, %masked_sort3A_311, %masked_sort3A_312 = tpu.sort %select_n3A_303, %select_n3A_304 masked %masked_sort3A_309 : (vector<16xf32>, vector<16xi32>, vector<16xi1>) -> (vector<16xi1>, vector<16xf32>, vector<16xi32>)
          %rev3A_313 = arith.constant 15 : i32
          %rev3A_314 = vector.broadcast %rev3A_313 : i32 to vector<16xi32>
          %rev3A_315 = tpu.iota {dimensions = array<i32: 0>} : vector<16xi32>
          %rev3A_316 = arith.subi %rev3A_314, %rev3A_315 : vector<16xi32>
          %rev3A_317 = tpu.dynamic_gather %masked_sort3A_311[%rev3A_316] in [0] : vector<16xf32>, vector<16xi32> -> vector<16xf32>
          %rev3A_318 = arith.constant 15 : i32
          %rev3A_319 = vector.broadcast %rev3A_318 : i32 to vector<16xi32>
          %rev3A_320 = tpu.iota {dimensions = array<i32: 0>} : vector<16xi32>
          %rev3A_321 = arith.subi %rev3A_319, %rev3A_320 : vector<16xi32>
          %rev3A_322 = tpu.dynamic_gather %masked_sort3A_312[%rev3A_321] in [0] : vector<16xi32>, vector<16xi32> -> vector<16xi32>
          %lt3A_323 = arith.cmpf olt, %while3A_272, %rev3A_317 : vector<16xf32>
          %eq3A_324 = arith.cmpf oeq, %while3A_272, %rev3A_317 : vector<16xf32>
          %le3A_325 = arith.cmpi sle, %while3A_273, %rev3A_322 : vector<16xi32>
          %and3A_326 = arith.andi %eq3A_324, %le3A_325 : vector<16xi1>
          %or3A_327 = arith.ori %lt3A_323, %and3A_326 : vector<16xi1>
          %select_n3A_328 = arith.select %or3A_327, %while3A_272, %rev3A_317 : vector<16xi1>, vector<16xf32>
          %select_n3A_329 = arith.select %or3A_327, %while3A_273, %rev3A_322 : vector<16xi1>, vector<16xi32>
          %select_n3A_330 = arith.select %or3A_327, %rev3A_317, %while3A_272 : vector<16xi1>, vector<16xf32>
          %select_n3A_331 = arith.select %or3A_327, %rev3A_322, %while3A_273 : vector<16xi1>, vector<16xi32>
          %masked_sort3A_332 = arith.constant dense<true> : vector<16xi1>
          %masked_sort3A_333, %masked_sort3A_334, %masked_sort3A_335 = tpu.sort %select_n3A_328, %select_n3A_329 masked %masked_sort3A_332 : (vector<16xf32>, vector<16xi32>, vector<16xi1>) -> (vector<16xi1>, vector<16xf32>, vector<16xi32>)
          %masked_sort3A_336 = arith.constant dense<true> : vector<16xi1>
          %masked_sort3A_337, %masked_sort3A_338, %masked_sort3A_339 = tpu.sort %select_n3A_330, %select_n3A_331 masked %masked_sort3A_336 : (vector<16xf32>, vector<16xi32>, vector<16xi1>) -> (vector<16xi1>, vector<16xf32>, vector<16xi32>)
          scf.yield %masked_sort3A_307, %masked_sort3A_308, %masked_sort3A_334, %masked_sort3A_335 : vector<16xf32>, vector<16xi32>, vector<16xf32>, vector<16xi32>
        }
        %while3A_252 = arith.constant 1 : i32
        %while3A_253:4 = scf.for %while3A_269 = %while3A_249 to %while3A_245 step %while3A_252 iter_args(%while3A_270 = %while3A_251#0, %while3A_271 = %while3A_251#1, %while3A_272 = %while3A_251#2, %while3A_273 = %while3A_251#3) -> (vector<16xf32>, vector<16xi32>, vector<16xf32>, vector<16xi32>)  : i32 {
          %mul3A_274 = arith.constant 16 : i32
          %mul3A_275 = arith.muli %while3A_269, %mul3A_274 : i32
          %get3A_276 = arith.index_cast %mul3A_275 : i32 to index
          %get3A_277 = tpu.vector_load %arg10[%get3A_276] {strides = array<i32>} : memref<145xf32, #tpu.memory_space<vmem>>, vector<16xf32>,
          %mul3A_278 = arith.constant 16 : i32
          %mul3A_279 = arith.muli %while3A_269, %mul3A_278 : i32
          %get3A_280 = arith.index_cast %mul3A_279 : i32 to index
          %get3A_281 = tpu.vector_load %arg11[%get3A_280] {strides = array<i32>} : memref<145xi32, #tpu.memory_space<vmem>>, vector<16xi32>,
          %masked_sort3A_282 = arith.constant dense<true> : vector<16xi1>
          %masked_sort3A_283, %masked_sort3A_284, %masked_sort3A_285 = tpu.sort %get3A_277, %get3A_281 masked %masked_sort3A_282 : (vector<16xf32>, vector<16xi32>, vector<16xi1>) -> (vector<16xi1>, vector<16xf32>, vector<16xi32>)
          %rev3A_286 = arith.constant 15 : i32
          %rev3A_287 = vector.broadcast %rev3A_286 : i32 to vector<16xi32>
          %rev3A_288 = tpu.iota {dimensions = array<i32: 0>} : vector<16xi32>
          %rev3A_289 = arith.subi %rev3A_287, %rev3A_288 : vector<16xi32>
          %rev3A_290 = tpu.dynamic_gather %masked_sort3A_284[%rev3A_289] in [0] : vector<16xf32>, vector<16xi32> -> vector<16xf32>
          %rev3A_291 = arith.constant 15 : i32
          %rev3A_292 = vector.broadcast %rev3A_291 : i32 to vector<16xi32>
          %rev3A_293 = tpu.iota {dimensions = array<i32: 0>} : vector<16xi32>
          %rev3A_294 = arith.subi %rev3A_292, %rev3A_293 : vector<16xi32>
          %rev3A_295 = tpu.dynamic_gather %masked_sort3A_285[%rev3A_294] in [0] : vector<16xi32>, vector<16xi32> -> vector<16xi32>
          %lt3A_296 = arith.cmpf olt, %while3A_270, %rev3A_290 : vector<16xf32>
          %eq3A_297 = arith.cmpf oeq, %while3A_270, %rev3A_290 : vector<16xf32>
          %le3A_298 = arith.cmpi sle, %while3A_271, %rev3A_295 : vector<16xi32>
          %and3A_299 = arith.andi %eq3A_297, %le3A_298 : vector<16xi1>
          %or3A_300 = arith.ori %lt3A_296, %and3A_299 : vector<16xi1>
          %select_n3A_301 = arith.select %or3A_300, %while3A_270, %rev3A_290 : vector<16xi1>, vector<16xf32>
          %select_n3A_302 = arith.select %or3A_300, %while3A_271, %rev3A_295 : vector<16xi1>, vector<16xi32>
          %select_n3A_303 = arith.select %or3A_300, %rev3A_290, %while3A_270 : vector<16xi1>, vector<16xf32>
          %select_n3A_304 = arith.select %or3A_300, %rev3A_295, %while3A_271 : vector<16xi1>, vector<16xi32>
          %masked_sort3A_305 = arith.constant dense<true> : vector<16xi1>
          %masked_sort3A_306, %masked_sort3A_307, %masked_sort3A_308 = tpu.sort %select_n3A_301, %select_n3A_302 masked %masked_sort3A_305 : (vector<16xf32>, vector<16xi32>, vector<16xi1>) -> (vector<16xi1>, vector<16xf32>, vector<16xi32>)
          %masked_sort3A_309 = arith.constant dense<true> : vector<16xi1>
          %masked_sort3A_310, %masked_sort3A_311, %masked_sort3A_312 = tpu.sort %select_n3A_303, %select_n3A_304 masked %masked_sort3A_309 : (vector<16xf32>, vector<16xi32>, vector<16xi1>) -> (vector<16xi1>, vector<16xf32>, vector<16xi32>)
          %rev3A_313 = arith.constant 15 : i32
          %rev3A_314 = vector.broadcast %rev3A_313 : i32 to vector<16xi32>
          %rev3A_315 = tpu.iota {dimensions = array<i32: 0>} : vector<16xi32>
          %rev3A_316 = arith.subi %rev3A_314, %rev3A_315 : vector<16xi32>
          %rev3A_317 = tpu.dynamic_gather %masked_sort3A_311[%rev3A_316] in [0] : vector<16xf32>, vector<16xi32> -> vector<16xf32>
          %rev3A_318 = arith.constant 15 : i32
          %rev3A_319 = vector.broadcast %rev3A_318 : i32 to vector<16xi32>
          %rev3A_320 = tpu.iota {dimensions = array<i32: 0>} : vector<16xi32>
          %rev3A_321 = arith.subi %rev3A_319, %rev3A_320 : vector<16xi32>
          %rev3A_322 = tpu.dynamic_gather %masked_sort3A_312[%rev3A_321] in [0] : vector<16xi32>, vector<16xi32> -> vector<16xi32>
          %lt3A_323 = arith.cmpf olt, %while3A_272, %rev3A_317 : vector<16xf32>
          %eq3A_324 = arith.cmpf oeq, %while3A_272, %rev3A_317 : vector<16xf32>
          %le3A_325 = arith.cmpi sle, %while3A_273, %rev3A_322 : vector<16xi32>
          %and3A_326 = arith.andi %eq3A_324, %le3A_325 : vector<16xi1>
          %or3A_327 = arith.ori %lt3A_323, %and3A_326 : vector<16xi1>
          %select_n3A_328 = arith.select %or3A_327, %while3A_272, %rev3A_317 : vector<16xi1>, vector<16xf32>
          %select_n3A_329 = arith.select %or3A_327, %while3A_273, %rev3A_322 : vector<16xi1>, vector<16xi32>
          %select_n3A_330 = arith.select %or3A_327, %rev3A_317, %while3A_272 : vector<16xi1>, vector<16xf32>
          %select_n3A_331 = arith.select %or3A_327, %rev3A_322, %while3A_273 : vector<16xi1>, vector<16xi32>
          %masked_sort3A_332 = arith.constant dense<true> : vector<16xi1>
          %masked_sort3A_333, %masked_sort3A_334, %masked_sort3A_335 = tpu.sort %select_n3A_328, %select_n3A_329 masked %masked_sort3A_332 : (vector<16xf32>, vector<16xi32>, vector<16xi1>) -> (vector<16xi1>, vector<16xf32>, vector<16xi32>)
          %masked_sort3A_336 = arith.constant dense<true> : vector<16xi1>
          %masked_sort3A_337, %masked_sort3A_338, %masked_sort3A_339 = tpu.sort %select_n3A_330, %select_n3A_331 masked %masked_sort3A_336 : (vector<16xf32>, vector<16xi32>, vector<16xi1>) -> (vector<16xi1>, vector<16xf32>, vector<16xi32>)
          scf.yield %masked_sort3A_307, %masked_sort3A_308, %masked_sort3A_334, %masked_sort3A_335 : vector<16xf32>, vector<16xi32>, vector<16xf32>, vector<16xi32>
        }
        %reduce_max3A_254 = arith.constant true
        %reduce_max3A_255 = vector.broadcast %reduce_max3A_254 : i1 to vector<16xi1>
        %reduce_max3A_256 = tpu.scan <max>, %while3A_253#2 masked %reduce_max3A_255 : vector<16xf32>, vector<16xi1> -> vector<16xf32>
        %reduce_max3A_257 = vector.extract %reduce_max3A_256[15] : f32 from vector<16xf32>
        %mul3A_258 = arith.constant 32 : i32
        %mul3A_259 = arith.muli %while3A_34, %mul3A_258 : i32
        %swap3A_260 = arith.index_cast %mul3A_259 : i32 to index
        %swap3A_261 = tpu.vector_load %arg12[%swap3A_260] {strides = array<i32>} : memref<4096xi32, #tpu.memory_space<vmem>>, vector<16xi32>,
        tpu.vector_store %arg12[%swap3A_260], %while3A_253#1 {strides = array<i32>} : memref<4096xi32, #tpu.memory_space<vmem>>, vector<16xi32>,
        %mul3A_262 = arith.constant 32 : i32
        %mul3A_263 = arith.muli %while3A_34, %mul3A_262 : i32
        %add3A_264 = arith.constant 16 : i32
        %add3A_265 = arith.addi %mul3A_263, %add3A_264 : i32
        %swap3A_266 = arith.index_cast %add3A_265 : i32 to index
        %swap3A_267 = tpu.vector_load %arg12[%swap3A_266] {strides = array<i32>} : memref<4096xi32, #tpu.memory_space<vmem>>, vector<16xi32>,
        tpu.vector_store %arg12[%swap3A_266], %while3A_253#3 {strides = array<i32>} : memref<4096xi32, #tpu.memory_space<vmem>>, vector<16xi32>,
        %while3A_268 = arith.constant 0 : i32
        scf.yield %while3A_268 : i32
      }
      %while3A_31 = arith.constant 1 : i32
      %while3A_32 = scf.for %while3A_34 = %while3A_28 to %while3A_24 step %while3A_31 iter_args(%while3A_35 = %while3A_30) -> (i32)  : i32 {
        %add3A_36 = arith.addi %mul3A_3, %while3A_34 : i32
        %rem3A = arith.constant 8 : i32
        %rem3A_37 = arith.remsi %while3A_34, %rem3A : i32
        %broadcast_in_dim3A = arith.constant 0 : i32
        %broadcast_in_dim3A_38 = vector.broadcast %broadcast_in_dim3A : i32 to vector<16xi32>
        %broadcast_in_dim3A_39 = vector.broadcast %squeeze3A : f32 to vector<16xf32>
        %scan3A_40 = arith.constant 0 : i32
        %scan3A_41 = arith.constant 0 : i32
        %scan3A_42 = arith.constant 32 : i32
        %scan3A_43 = arith.addi %scan3A_41, %scan3A_42 : i32
        %scan3A_44 = arith.constant 1 : i32
        %scan3A_45:6 = scf.for %scan3A_269 = %scan3A_41 to %scan3A_43 step %scan3A_44 iter_args(%scan3A_270 = %squeeze3A, %scan3A_271 = %scan3A_40, %scan3A_272 = %broadcast_in_dim3A_39, %scan3A_273 = %broadcast_in_dim3A_38, %scan3A_274 = %broadcast_in_dim3A_39, %scan3A_275 = %broadcast_in_dim3A_38) -> (f32, i32, vector<16xf32>, vector<16xi32>, vector<16xf32>, vector<16xi32>)  : i32 {
          %mul3A_276 = arith.constant 16 : i32
          %mul3A_277 = arith.muli %scan3A_269, %mul3A_276 : i32
          %get3A_278 = arith.index_cast %rem3A_37 : i32 to index
          %get3A_279 = arith.index_cast %mul3A_277 : i32 to index
          %get3A_280 = tpu.vector_load %arg6[%get3A_278, %get3A_279] {strides = array<i32>} : memref<8x512xf32, #tpu.memory_space<vmem>>, vector<16xf32>,
          %mul3A_281 = arith.constant 16 : i32
          %mul3A_282 = arith.muli %scan3A_269, %mul3A_281 : i32
          %add3A_283 = vector.broadcast %mul3A_282 : i32 to vector<16xi32>
          %add3A_284 = arith.addi %iota3A, %add3A_283 : vector<16xi32>
          %lt3A_285 = vector.broadcast %scan3A_270 : f32 to vector<16xf32>
          %lt3A_286 = arith.cmpf olt, %get3A_280, %lt3A_285 : vector<16xf32>
          %jit3A_287 = arith.constant 1 : i32
          %jit3A_288 = arith.constant 0 : i32
          %broadcast_in_dim3A_289 = vector.broadcast %jit3A_287 : i32 to vector<16xi32>
          %broadcast_in_dim3A_290 = vector.broadcast %jit3A_288 : i32 to vector<16xi32>
          %select_n3A_291 = arith.select %lt3A_286, %broadcast_in_dim3A_289, %broadcast_in_dim3A_290 : vector<16xi1>, vector<16xi32>
          %broadcast_in_dim3A_292 = arith.constant true
          %broadcast_in_dim3A_293 = vector.broadcast %broadcast_in_dim3A_292 : i1 to vector<16xi1>
          %masked_cumsum3A = tpu.scan <sum>, %select_n3A_291 masked %broadcast_in_dim3A_293 : vector<16xi32>, vector<16xi1> -> vector<16xi32>
          %add3A_294 = vector.broadcast %scan3A_271 : i32 to vector<16xi32>
          %add3A_295 = arith.addi %add3A_294, %masked_cumsum3A : vector<16xi32>
          %sub3A_296 = arith.constant 1 : i32
          %sub3A_297 = vector.broadcast %sub3A_296 : i32 to vector<16xi32>
          %sub3A_298 = arith.subi %add3A_295, %sub3A_297 : vector<16xi32>
          %jit3A_299 = arith.constant 144 : i32
          %broadcast_in_dim3A_300 = vector.broadcast %jit3A_299 : i32 to vector<16xi32>
          %select_n3A_301 = arith.select %lt3A_286, %sub3A_298, %broadcast_in_dim3A_300 : vector<16xi1>, vector<16xi32>
          tpu.vector_store_idx %arg10[%select_n3A_301], %get3A_280 : memref<145xf32, #tpu.memory_space<vmem>>[vector<16xi32>], vector<16xf32>,
          tpu.vector_store_idx %arg11[%select_n3A_301], %add3A_284 : memref<145xi32, #tpu.memory_space<vmem>>[vector<16xi32>], vector<16xi32>,
          %reduce_max3A_302 = arith.constant true
          %reduce_max3A_303 = vector.broadcast %reduce_max3A_302 : i1 to vector<16xi1>
          %reduce_max3A_304 = arith.constant -2147483648 : i32
          %reduce_max3A_305 = vector.broadcast %reduce_max3A_304 : i32 to vector<16xi32>
          %reduce_max3A_306 = arith.xori %masked_cumsum3A, %reduce_max3A_305 : vector<16xi32>
          %reduce_max3A_307 = tpu.scan <max>, %reduce_max3A_306 masked %reduce_max3A_303 : vector<16xi32>, vector<16xi1> -> vector<16xi32>
          %reduce_max3A_308 = arith.xori %reduce_max3A_307, %reduce_max3A_305 : vector<16xi32>
          %reduce_max3A_309 = vector.extract %reduce_max3A_308[15] : i32 from vector<16xi32>
          %add3A_310 = arith.addi %scan3A_271, %reduce_max3A_309 : i32
          %ge3A = arith.constant 96 : i32
          %ge3A_311 = arith.cmpi sge, %add3A_310, %ge3A : i32
          %convert_element_type3A = arith.extui %ge3A_311 : i1 to i32
          %cond3A = arith.constant 0 : i32
          %cond3A_312 = arith.cmpi ne, %convert_element_type3A, %cond3A : i32
          %cond3A_313:6 = scf.if %cond3A_312 -> (f32, i32, vector<16xf32>, vector<16xi32>, vector<16xf32>, vector<16xi32>) {
            %broadcast_in_dim3A_314 = vector.broadcast %squeeze3A : f32 to vector<16xf32>
            %swap3A_315 = arith.index_cast %add3A_310 : i32 to index
            %swap3A_316 = tpu.vector_load %arg10[%swap3A_315] {strides = array<i32>} : memref<145xf32, #tpu.memory_space<vmem>>, vector<16xf32>,
            tpu.vector_store %arg10[%swap3A_315], %broadcast_in_dim3A_314 {strides = array<i32>} : memref<145xf32, #tpu.memory_space<vmem>>, vector<16xf32>,
            %add3A_317 = arith.constant 15 : i32
            %add3A_318 = arith.addi %add3A_310, %add3A_317 : i32
            %jit3A_319 = arith.constant 16 : i32
            %div3A_320 = arith.divsi %add3A_318, %jit3A_319 : i32
            %sign3A_321 = arith.constant 0 : i32
            %sign3A_322 = arith.cmpi sgt, %add3A_318, %sign3A_321 : i32
            %sign3A_323 = arith.extui %sign3A_322 : i1 to i32
            %sign3A_324 = arith.constant 0 : i32
            %sign3A_325 = arith.cmpi slt, %add3A_318, %sign3A_324 : i32
            %sign3A_326 = arith.extui %sign3A_325 : i1 to i32
            %sign3A_327 = arith.subi %sign3A_323, %sign3A_326 : i32
            %sign3A_328 = arith.constant 0 : i32
            %sign3A_329 = arith.cmpi sgt, %jit3A_319, %sign3A_328 : i32
            %sign3A_330 = arith.extui %sign3A_329 : i1 to i32
            %sign3A_331 = arith.constant 0 : i32
            %sign3A_332 = arith.cmpi slt, %jit3A_319, %sign3A_331 : i32
            %sign3A_333 = arith.extui %sign3A_332 : i1 to i32
            %sign3A_334 = arith.subi %sign3A_330, %sign3A_333 : i32
            %ne3A_335 = arith.cmpi ne, %sign3A_327, %sign3A_334 : i32
            %rem3A_336 = arith.remsi %add3A_318, %jit3A_319 : i32
            %ne3A_337 = arith.constant 0 : i32
            %ne3A_338 = arith.cmpi ne, %rem3A_336, %ne3A_337 : i32
            %and3A_339 = arith.andi %ne3A_335, %ne3A_338 : i1
            %sub3A_340 = arith.constant 1 : i32
            %sub3A_341 = arith.subi %div3A_320, %sub3A_340 : i32
            %select_n3A_342 = arith.select %and3A_339, %sub3A_341, %div3A_320 : i32
            %while3A_343 = arith.constant 0 : i32
            %while3A_344 = arith.subi %select_n3A_342, %while3A_343 : i32
            %while3A_345 = arith.addi %while3A_343, %while3A_344 : i32
            %while3A_346 = arith.constant 1 : i32
            %while3A_347 = arith.divsi %while3A_344, %while3A_346 : i32
            %while3A_348 = arith.muli %while3A_347, %while3A_346 : i32
            %while3A_349 = arith.addi %while3A_343, %while3A_348 : i32
            %while3A_350 = arith.constant 1 : i32
            %while3A_351:4 = scf.for %while3A_359 = %while3A_343 to %while3A_349 step %while3A_350 iter_args(%while3A_360 = %scan3A_272, %while3A_361 = %scan3A_273, %while3A_362 = %scan3A_274, %while3A_363 = %scan3A_275) -> (vector<16xf32>, vector<16xi32>, vector<16xf32>, vector<16xi32>)  : i32 {
              %mul3A_364 = arith.constant 16 : i32
              %mul3A_365 = arith.muli %while3A_359, %mul3A_364 : i32
              %get3A_366 = arith.index_cast %mul3A_365 : i32 to index
              %get3A_367 = tpu.vector_load %arg10[%get3A_366] {strides = array<i32>} : memref<145xf32, #tpu.memory_space<vmem>>, vector<16xf32>,
              %mul3A_368 = arith.constant 16 : i32
              %mul3A_369 = arith.muli %while3A_359, %mul3A_368 : i32
              %get3A_370 = arith.index_cast %mul3A_369 : i32 to index
              %get3A_371 = tpu.vector_load %arg11[%get3A_370] {strides = array<i32>} : memref<145xi32, #tpu.memory_space<vmem>>, vector<16xi32>,
              %masked_sort3A_372 = arith.constant dense<true> : vector<16xi1>
              %masked_sort3A_373, %masked_sort3A_374, %masked_sort3A_375 = tpu.sort %get3A_367, %get3A_371 masked %masked_sort3A_372 : (vector<16xf32>, vector<16xi32>, vector<16xi1>) -> (vector<16xi1>, vector<16xf32>, vector<16xi32>)
              %rev3A_376 = arith.constant 15 : i32
              %rev3A_377 = vector.broadcast %rev3A_376 : i32 to vector<16xi32>
              %rev3A_378 = tpu.iota {dimensions = array<i32: 0>} : vector<16xi32>
              %rev3A_379 = arith.subi %rev3A_377, %rev3A_378 : vector<16xi32>
              %rev3A_380 = tpu.dynamic_gather %masked_sort3A_374[%rev3A_379] in [0] : vector<16xf32>, vector<16xi32> -> vector<16xf32>
              %rev3A_381 = arith.constant 15 : i32
              %rev3A_382 = vector.broadcast %rev3A_381 : i32 to vector<16xi32>
              %rev3A_383 = tpu.iota {dimensions = array<i32: 0>} : vector<16xi32>
              %rev3A_384 = arith.subi %rev3A_382, %rev3A_383 : vector<16xi32>
              %rev3A_385 = tpu.dynamic_gather %masked_sort3A_375[%rev3A_384] in [0] : vector<16xi32>, vector<16xi32> -> vector<16xi32>
              %lt3A_386 = arith.cmpf olt, %while3A_360, %rev3A_380 : vector<16xf32>
              %eq3A_387 = arith.cmpf oeq, %while3A_360, %rev3A_380 : vector<16xf32>
              %le3A_388 = arith.cmpi sle, %while3A_361, %rev3A_385 : vector<16xi32>
              %and3A_389 = arith.andi %eq3A_387, %le3A_388 : vector<16xi1>
              %or3A_390 = arith.ori %lt3A_386, %and3A_389 : vector<16xi1>
              %select_n3A_391 = arith.select %or3A_390, %while3A_360, %rev3A_380 : vector<16xi1>, vector<16xf32>
              %select_n3A_392 = arith.select %or3A_390, %while3A_361, %rev3A_385 : vector<16xi1>, vector<16xi32>
              %select_n3A_393 = arith.select %or3A_390, %rev3A_380, %while3A_360 : vector<16xi1>, vector<16xf32>
              %select_n3A_394 = arith.select %or3A_390, %rev3A_385, %while3A_361 : vector<16xi1>, vector<16xi32>
              %masked_sort3A_395 = arith.constant dense<true> : vector<16xi1>
              %masked_sort3A_396, %masked_sort3A_397, %masked_sort3A_398 = tpu.sort %select_n3A_391, %select_n3A_392 masked %masked_sort3A_395 : (vector<16xf32>, vector<16xi32>, vector<16xi1>) -> (vector<16xi1>, vector<16xf32>, vector<16xi32>)
              %masked_sort3A_399 = arith.constant dense<true> : vector<16xi1>
              %masked_sort3A_400, %masked_sort3A_401, %masked_sort3A_402 = tpu.sort %select_n3A_393, %select_n3A_394 masked %masked_sort3A_399 : (vector<16xf32>, vector<16xi32>, vector<16xi1>) -> (vector<16xi1>, vector<16xf32>, vector<16xi32>)
              %rev3A_403 = arith.constant 15 : i32
              %rev3A_404 = vector.broadcast %rev3A_403 : i32 to vector<16xi32>
              %rev3A_405 = tpu.iota {dimensions = array<i32: 0>} : vector<16xi32>
              %rev3A_406 = arith.subi %rev3A_404, %rev3A_405 : vector<16xi32>
              %rev3A_407 = tpu.dynamic_gather %masked_sort3A_401[%rev3A_406] in [0] : vector<16xf32>, vector<16xi32> -> vector<16xf32>
              %rev3A_408 = arith.constant 15 : i32
              %rev3A_409 = vector.broadcast %rev3A_408 : i32 to vector<16xi32>
              %rev3A_410 = tpu.iota {dimensions = array<i32: 0>} : vector<16xi32>
              %rev3A_411 = arith.subi %rev3A_409, %rev3A_410 : vector<16xi32>
              %rev3A_412 = tpu.dynamic_gather %masked_sort3A_402[%rev3A_411] in [0] : vector<16xi32>, vector<16xi32> -> vector<16xi32>
              %lt3A_413 = arith.cmpf olt, %while3A_362, %rev3A_407 : vector<16xf32>
              %eq3A_414 = arith.cmpf oeq, %while3A_362, %rev3A_407 : vector<16xf32>
              %le3A_415 = arith.cmpi sle, %while3A_363, %rev3A_412 : vector<16xi32>
              %and3A_416 = arith.andi %eq3A_414, %le3A_415 : vector<16xi1>
              %or3A_417 = arith.ori %lt3A_413, %and3A_416 : vector<16xi1>
              %select_n3A_418 = arith.select %or3A_417, %while3A_362, %rev3A_407 : vector<16xi1>, vector<16xf32>
              %select_n3A_419 = arith.select %or3A_417, %while3A_363, %rev3A_412 : vector<16xi1>, vector<16xi32>
              %select_n3A_420 = arith.select %or3A_417, %rev3A_407, %while3A_362 : vector<16xi1>, vector<16xf32>
              %select_n3A_421 = arith.select %or3A_417, %rev3A_412, %while3A_363 : vector<16xi1>, vector<16xi32>
              %masked_sort3A_422 = arith.constant dense<true> : vector<16xi1>
              %masked_sort3A_423, %masked_sort3A_424, %masked_sort3A_425 = tpu.sort %select_n3A_418, %select_n3A_419 masked %masked_sort3A_422 : (vector<16xf32>, vector<16xi32>, vector<16xi1>) -> (vector<16xi1>, vector<16xf32>, vector<16xi32>)
              %masked_sort3A_426 = arith.constant dense<true> : vector<16xi1>
              %masked_sort3A_427, %masked_sort3A_428, %masked_sort3A_429 = tpu.sort %select_n3A_420, %select_n3A_421 masked %masked_sort3A_426 : (vector<16xf32>, vector<16xi32>, vector<16xi1>) -> (vector<16xi1>, vector<16xf32>, vector<16xi32>)
              scf.yield %masked_sort3A_397, %masked_sort3A_398, %masked_sort3A_424, %masked_sort3A_425 : vector<16xf32>, vector<16xi32>, vector<16xf32>, vector<16xi32>
            }
            %while3A_352 = arith.constant 1 : i32
            %while3A_353:4 = scf.for %while3A_359 = %while3A_349 to %while3A_345 step %while3A_352 iter_args(%while3A_360 = %while3A_351#0, %while3A_361 = %while3A_351#1, %while3A_362 = %while3A_351#2, %while3A_363 = %while3A_351#3) -> (vector<16xf32>, vector<16xi32>, vector<16xf32>, vector<16xi32>)  : i32 {
              %mul3A_364 = arith.constant 16 : i32
              %mul3A_365 = arith.muli %while3A_359, %mul3A_364 : i32
              %get3A_366 = arith.index_cast %mul3A_365 : i32 to index
              %get3A_367 = tpu.vector_load %arg10[%get3A_366] {strides = array<i32>} : memref<145xf32, #tpu.memory_space<vmem>>, vector<16xf32>,
              %mul3A_368 = arith.constant 16 : i32
              %mul3A_369 = arith.muli %while3A_359, %mul3A_368 : i32
              %get3A_370 = arith.index_cast %mul3A_369 : i32 to index
              %get3A_371 = tpu.vector_load %arg11[%get3A_370] {strides = array<i32>} : memref<145xi32, #tpu.memory_space<vmem>>, vector<16xi32>,
              %masked_sort3A_372 = arith.constant dense<true> : vector<16xi1>
              %masked_sort3A_373, %masked_sort3A_374, %masked_sort3A_375 = tpu.sort %get3A_367, %get3A_371 masked %masked_sort3A_372 : (vector<16xf32>, vector<16xi32>, vector<16xi1>) -> (vector<16xi1>, vector<16xf32>, vector<16xi32>)
              %rev3A_376 = arith.constant 15 : i32
              %rev3A_377 = vector.broadcast %rev3A_376 : i32 to vector<16xi32>
              %rev3A_378 = tpu.iota {dimensions = array<i32: 0>} : vector<16xi32>
              %rev3A_379 = arith.subi %rev3A_377, %rev3A_378 : vector<16xi32>
              %rev3A_380 = tpu.dynamic_gather %masked_sort3A_374[%rev3A_379] in [0] : vector<16xf32>, vector<16xi32> -> vector<16xf32>
              %rev3A_381 = arith.constant 15 : i32
              %rev3A_382 = vector.broadcast %rev3A_381 : i32 to vector<16xi32>
              %rev3A_383 = tpu.iota {dimensions = array<i32: 0>} : vector<16xi32>
              %rev3A_384 = arith.subi %rev3A_382, %rev3A_383 : vector<16xi32>
              %rev3A_385 = tpu.dynamic_gather %masked_sort3A_375[%rev3A_384] in [0] : vector<16xi32>, vector<16xi32> -> vector<16xi32>
              %lt3A_386 = arith.cmpf olt, %while3A_360, %rev3A_380 : vector<16xf32>
              %eq3A_387 = arith.cmpf oeq, %while3A_360, %rev3A_380 : vector<16xf32>
              %le3A_388 = arith.cmpi sle, %while3A_361, %rev3A_385 : vector<16xi32>
              %and3A_389 = arith.andi %eq3A_387, %le3A_388 : vector<16xi1>
              %or3A_390 = arith.ori %lt3A_386, %and3A_389 : vector<16xi1>
              %select_n3A_391 = arith.select %or3A_390, %while3A_360, %rev3A_380 : vector<16xi1>, vector<16xf32>
              %select_n3A_392 = arith.select %or3A_390, %while3A_361, %rev3A_385 : vector<16xi1>, vector<16xi32>
              %select_n3A_393 = arith.select %or3A_390, %rev3A_380, %while3A_360 : vector<16xi1>, vector<16xf32>
              %select_n3A_394 = arith.select %or3A_390, %rev3A_385, %while3A_361 : vector<16xi1>, vector<16xi32>
              %masked_sort3A_395 = arith.constant dense<true> : vector<16xi1>
              %masked_sort3A_396, %masked_sort3A_397, %masked_sort3A_398 = tpu.sort %select_n3A_391, %select_n3A_392 masked %masked_sort3A_395 : (vector<16xf32>, vector<16xi32>, vector<16xi1>) -> (vector<16xi1>, vector<16xf32>, vector<16xi32>)
              %masked_sort3A_399 = arith.constant dense<true> : vector<16xi1>
              %masked_sort3A_400, %masked_sort3A_401, %masked_sort3A_402 = tpu.sort %select_n3A_393, %select_n3A_394 masked %masked_sort3A_399 : (vector<16xf32>, vector<16xi32>, vector<16xi1>) -> (vector<16xi1>, vector<16xf32>, vector<16xi32>)
              %rev3A_403 = arith.constant 15 : i32
              %rev3A_404 = vector.broadcast %rev3A_403 : i32 to vector<16xi32>
              %rev3A_405 = tpu.iota {dimensions = array<i32: 0>} : vector<16xi32>
              %rev3A_406 = arith.subi %rev3A_404, %rev3A_405 : vector<16xi32>
              %rev3A_407 = tpu.dynamic_gather %masked_sort3A_401[%rev3A_406] in [0] : vector<16xf32>, vector<16xi32> -> vector<16xf32>
              %rev3A_408 = arith.constant 15 : i32
              %rev3A_409 = vector.broadcast %rev3A_408 : i32 to vector<16xi32>
              %rev3A_410 = tpu.iota {dimensions = array<i32: 0>} : vector<16xi32>
              %rev3A_411 = arith.subi %rev3A_409, %rev3A_410 : vector<16xi32>
              %rev3A_412 = tpu.dynamic_gather %masked_sort3A_402[%rev3A_411] in [0] : vector<16xi32>, vector<16xi32> -> vector<16xi32>
              %lt3A_413 = arith.cmpf olt, %while3A_362, %rev3A_407 : vector<16xf32>
              %eq3A_414 = arith.cmpf oeq, %while3A_362, %rev3A_407 : vector<16xf32>
              %le3A_415 = arith.cmpi sle, %while3A_363, %rev3A_412 : vector<16xi32>
              %and3A_416 = arith.andi %eq3A_414, %le3A_415 : vector<16xi1>
              %or3A_417 = arith.ori %lt3A_413, %and3A_416 : vector<16xi1>
              %select_n3A_418 = arith.select %or3A_417, %while3A_362, %rev3A_407 : vector<16xi1>, vector<16xf32>
              %select_n3A_419 = arith.select %or3A_417, %while3A_363, %rev3A_412 : vector<16xi1>, vector<16xi32>
              %select_n3A_420 = arith.select %or3A_417, %rev3A_407, %while3A_362 : vector<16xi1>, vector<16xf32>
              %select_n3A_421 = arith.select %or3A_417, %rev3A_412, %while3A_363 : vector<16xi1>, vector<16xi32>
              %masked_sort3A_422 = arith.constant dense<true> : vector<16xi1>
              %masked_sort3A_423, %masked_sort3A_424, %masked_sort3A_425 = tpu.sort %select_n3A_418, %select_n3A_419 masked %masked_sort3A_422 : (vector<16xf32>, vector<16xi32>, vector<16xi1>) -> (vector<16xi1>, vector<16xf32>, vector<16xi32>)
              %masked_sort3A_426 = arith.constant dense<true> : vector<16xi1>
              %masked_sort3A_427, %masked_sort3A_428, %masked_sort3A_429 = tpu.sort %select_n3A_420, %select_n3A_421 masked %masked_sort3A_426 : (vector<16xf32>, vector<16xi32>, vector<16xi1>) -> (vector<16xi1>, vector<16xf32>, vector<16xi32>)
              scf.yield %masked_sort3A_397, %masked_sort3A_398, %masked_sort3A_424, %masked_sort3A_425 : vector<16xf32>, vector<16xi32>, vector<16xf32>, vector<16xi32>
            }
            %reduce_max3A_354 = arith.constant true
            %reduce_max3A_355 = vector.broadcast %reduce_max3A_354 : i1 to vector<16xi1>
            %reduce_max3A_356 = tpu.scan <max>, %while3A_353#2 masked %reduce_max3A_355 : vector<16xf32>, vector<16xi1> -> vector<16xf32>
            %reduce_max3A_357 = vector.extract %reduce_max3A_356[15] : f32 from vector<16xf32>
            %cond3A_358 = arith.constant 0 : i32
            scf.yield %reduce_max3A_357, %cond3A_358, %while3A_353#0, %while3A_353#1, %while3A_353#2, %while3A_353#3 : f32, i32, vector<16xf32>, vector<16xi32>, vector<16xf32>, vector<16xi32>
          } else {
            scf.yield %scan3A_270, %add3A_310, %scan3A_272, %scan3A_273, %scan3A_274, %scan3A_275 : f32, i32, vector<16xf32>, vector<16xi32>, vector<16xf32>, vector<16xi32>
          }
          scf.yield %cond3A_313#0, %cond3A_313#1, %cond3A_313#2, %cond3A_313#3, %cond3A_313#4, %cond3A_313#5 : f32, i32, vector<16xf32>, vector<16xi32>, vector<16xf32>, vector<16xi32>
        }
        %scan3A_46 = arith.constant 32 : i32
        %broadcast_in_dim3A_47 = vector.broadcast %squeeze3A : f32 to vector<16xf32>
        %swap3A = arith.index_cast %scan3A_45#1 : i32 to index
        %swap3A_48 = tpu.vector_load %arg10[%swap3A] {strides = array<i32>} : memref<145xf32, #tpu.memory_space<vmem>>, vector<16xf32>,
        tpu.vector_store %arg10[%swap3A], %broadcast_in_dim3A_47 {strides = array<i32>} : memref<145xf32, #tpu.memory_space<vmem>>, vector<16xf32>,
        %add3A_49 = arith.constant 15 : i32
        %add3A_50 = arith.addi %scan3A_45#1, %add3A_49 : i32
        %jit3A = arith.constant 16 : i32
        %div3A = arith.divsi %add3A_50, %jit3A : i32
        %sign3A = arith.constant 0 : i32
        %sign3A_51 = arith.cmpi sgt, %add3A_50, %sign3A : i32
        %sign3A_52 = arith.extui %sign3A_51 : i1 to i32
        %sign3A_53 = arith.constant 0 : i32
        %sign3A_54 = arith.cmpi slt, %add3A_50, %sign3A_53 : i32
        %sign3A_55 = arith.extui %sign3A_54 : i1 to i32
        %sign3A_56 = arith.subi %sign3A_52, %sign3A_55 : i32
        %sign3A_57 = arith.constant 0 : i32
        %sign3A_58 = arith.cmpi sgt, %jit3A, %sign3A_57 : i32
        %sign3A_59 = arith.extui %sign3A_58 : i1 to i32
        %sign3A_60 = arith.constant 0 : i32
        %sign3A_61 = arith.cmpi slt, %jit3A, %sign3A_60 : i32
        %sign3A_62 = arith.extui %sign3A_61 : i1 to i32
        %sign3A_63 = arith.subi %sign3A_59, %sign3A_62 : i32
        %ne3A = arith.cmpi ne, %sign3A_56, %sign3A_63 : i32
        %rem3A_64 = arith.remsi %add3A_50, %jit3A : i32
        %ne3A_65 = arith.constant 0 : i32
        %ne3A_66 = arith.cmpi ne, %rem3A_64, %ne3A_65 : i32
        %and3A = arith.andi %ne3A, %ne3A_66 : i1
        %sub3A = arith.constant 1 : i32
        %sub3A_67 = arith.subi %div3A, %sub3A : i32
        %select_n3A = arith.select %and3A, %sub3A_67, %div3A : i32
        %while3A_68 = arith.constant 0 : i32
        %while3A_69 = arith.subi %select_n3A, %while3A_68 : i32
        %while3A_70 = arith.addi %while3A_68, %while3A_69 : i32
        %while3A_71 = arith.constant 1 : i32
        %while3A_72 = arith.divsi %while3A_69, %while3A_71 : i32
        %while3A_73 = arith.muli %while3A_72, %while3A_71 : i32
        %while3A_74 = arith.addi %while3A_68, %while3A_73 : i32
        %while3A_75 = arith.constant 1 : i32
        %while3A_76:4 = scf.for %while3A_269 = %while3A_68 to %while3A_74 step %while3A_75 iter_args(%while3A_270 = %scan3A_45#2, %while3A_271 = %scan3A_45#3, %while3A_272 = %scan3A_45#4, %while3A_273 = %scan3A_45#5) -> (vector<16xf32>, vector<16xi32>, vector<16xf32>, vector<16xi32>)  : i32 {
          %mul3A_274 = arith.constant 16 : i32
          %mul3A_275 = arith.muli %while3A_269, %mul3A_274 : i32
          %get3A_276 = arith.index_cast %mul3A_275 : i32 to index
          %get3A_277 = tpu.vector_load %arg10[%get3A_276] {strides = array<i32>} : memref<145xf32, #tpu.memory_space<vmem>>, vector<16xf32>,
          %mul3A_278 = arith.constant 16 : i32
          %mul3A_279 = arith.muli %while3A_269, %mul3A_278 : i32
          %get3A_280 = arith.index_cast %mul3A_279 : i32 to index
          %get3A_281 = tpu.vector_load %arg11[%get3A_280] {strides = array<i32>} : memref<145xi32, #tpu.memory_space<vmem>>, vector<16xi32>,
          %masked_sort3A_282 = arith.constant dense<true> : vector<16xi1>
          %masked_sort3A_283, %masked_sort3A_284, %masked_sort3A_285 = tpu.sort %get3A_277, %get3A_281 masked %masked_sort3A_282 : (vector<16xf32>, vector<16xi32>, vector<16xi1>) -> (vector<16xi1>, vector<16xf32>, vector<16xi32>)
          %rev3A_286 = arith.constant 15 : i32
          %rev3A_287 = vector.broadcast %rev3A_286 : i32 to vector<16xi32>
          %rev3A_288 = tpu.iota {dimensions = array<i32: 0>} : vector<16xi32>
          %rev3A_289 = arith.subi %rev3A_287, %rev3A_288 : vector<16xi32>
          %rev3A_290 = tpu.dynamic_gather %masked_sort3A_284[%rev3A_289] in [0] : vector<16xf32>, vector<16xi32> -> vector<16xf32>
          %rev3A_291 = arith.constant 15 : i32
          %rev3A_292 = vector.broadcast %rev3A_291 : i32 to vector<16xi32>
          %rev3A_293 = tpu.iota {dimensions = array<i32: 0>} : vector<16xi32>
          %rev3A_294 = arith.subi %rev3A_292, %rev3A_293 : vector<16xi32>
          %rev3A_295 = tpu.dynamic_gather %masked_sort3A_285[%rev3A_294] in [0] : vector<16xi32>, vector<16xi32> -> vector<16xi32>
          %lt3A_296 = arith.cmpf olt, %while3A_270, %rev3A_290 : vector<16xf32>
          %eq3A_297 = arith.cmpf oeq, %while3A_270, %rev3A_290 : vector<16xf32>
          %le3A_298 = arith.cmpi sle, %while3A_271, %rev3A_295 : vector<16xi32>
          %and3A_299 = arith.andi %eq3A_297, %le3A_298 : vector<16xi1>
          %or3A_300 = arith.ori %lt3A_296, %and3A_299 : vector<16xi1>
          %select_n3A_301 = arith.select %or3A_300, %while3A_270, %rev3A_290 : vector<16xi1>, vector<16xf32>
          %select_n3A_302 = arith.select %or3A_300, %while3A_271, %rev3A_295 : vector<16xi1>, vector<16xi32>
          %select_n3A_303 = arith.select %or3A_300, %rev3A_290, %while3A_270 : vector<16xi1>, vector<16xf32>
          %select_n3A_304 = arith.select %or3A_300, %rev3A_295, %while3A_271 : vector<16xi1>, vector<16xi32>
          %masked_sort3A_305 = arith.constant dense<true> : vector<16xi1>
          %masked_sort3A_306, %masked_sort3A_307, %masked_sort3A_308 = tpu.sort %select_n3A_301, %select_n3A_302 masked %masked_sort3A_305 : (vector<16xf32>, vector<16xi32>, vector<16xi1>) -> (vector<16xi1>, vector<16xf32>, vector<16xi32>)
          %masked_sort3A_309 = arith.constant dense<true> : vector<16xi1>
          %masked_sort3A_310, %masked_sort3A_311, %masked_sort3A_312 = tpu.sort %select_n3A_303, %select_n3A_304 masked %masked_sort3A_309 : (vector<16xf32>, vector<16xi32>, vector<16xi1>) -> (vector<16xi1>, vector<16xf32>, vector<16xi32>)
          %rev3A_313 = arith.constant 15 : i32
          %rev3A_314 = vector.broadcast %rev3A_313 : i32 to vector<16xi32>
          %rev3A_315 = tpu.iota {dimensions = array<i32: 0>} : vector<16xi32>
          %rev3A_316 = arith.subi %rev3A_314, %rev3A_315 : vector<16xi32>
          %rev3A_317 = tpu.dynamic_gather %masked_sort3A_311[%rev3A_316] in [0] : vector<16xf32>, vector<16xi32> -> vector<16xf32>
          %rev3A_318 = arith.constant 15 : i32
          %rev3A_319 = vector.broadcast %rev3A_318 : i32 to vector<16xi32>
          %rev3A_320 = tpu.iota {dimensions = array<i32: 0>} : vector<16xi32>
          %rev3A_321 = arith.subi %rev3A_319, %rev3A_320 : vector<16xi32>
          %rev3A_322 = tpu.dynamic_gather %masked_sort3A_312[%rev3A_321] in [0] : vector<16xi32>, vector<16xi32> -> vector<16xi32>
          %lt3A_323 = arith.cmpf olt, %while3A_272, %rev3A_317 : vector<16xf32>
          %eq3A_324 = arith.cmpf oeq, %while3A_272, %rev3A_317 : vector<16xf32>
          %le3A_325 = arith.cmpi sle, %while3A_273, %rev3A_322 : vector<16xi32>
          %and3A_326 = arith.andi %eq3A_324, %le3A_325 : vector<16xi1>
          %or3A_327 = arith.ori %lt3A_323, %and3A_326 : vector<16xi1>
          %select_n3A_328 = arith.select %or3A_327, %while3A_272, %rev3A_317 : vector<16xi1>, vector<16xf32>
          %select_n3A_329 = arith.select %or3A_327, %while3A_273, %rev3A_322 : vector<16xi1>, vector<16xi32>
          %select_n3A_330 = arith.select %or3A_327, %rev3A_317, %while3A_272 : vector<16xi1>, vector<16xf32>
          %select_n3A_331 = arith.select %or3A_327, %rev3A_322, %while3A_273 : vector<16xi1>, vector<16xi32>
          %masked_sort3A_332 = arith.constant dense<true> : vector<16xi1>
          %masked_sort3A_333, %masked_sort3A_334, %masked_sort3A_335 = tpu.sort %select_n3A_328, %select_n3A_329 masked %masked_sort3A_332 : (vector<16xf32>, vector<16xi32>, vector<16xi1>) -> (vector<16xi1>, vector<16xf32>, vector<16xi32>)
          %masked_sort3A_336 = arith.constant dense<true> : vector<16xi1>
          %masked_sort3A_337, %masked_sort3A_338, %masked_sort3A_339 = tpu.sort %select_n3A_330, %select_n3A_331 masked %masked_sort3A_336 : (vector<16xf32>, vector<16xi32>, vector<16xi1>) -> (vector<16xi1>, vector<16xf32>, vector<16xi32>)
          scf.yield %masked_sort3A_307, %masked_sort3A_308, %masked_sort3A_334, %masked_sort3A_335 : vector<16xf32>, vector<16xi32>, vector<16xf32>, vector<16xi32>
        }
        %while3A_77 = arith.constant 1 : i32
        %while3A_78:4 = scf.for %while3A_269 = %while3A_74 to %while3A_70 step %while3A_77 iter_args(%while3A_270 = %while3A_76#0, %while3A_271 = %while3A_76#1, %while3A_272 = %while3A_76#2, %while3A_273 = %while3A_76#3) -> (vector<16xf32>, vector<16xi32>, vector<16xf32>, vector<16xi32>)  : i32 {
          %mul3A_274 = arith.constant 16 : i32
          %mul3A_275 = arith.muli %while3A_269, %mul3A_274 : i32
          %get3A_276 = arith.index_cast %mul3A_275 : i32 to index
          %get3A_277 = tpu.vector_load %arg10[%get3A_276] {strides = array<i32>} : memref<145xf32, #tpu.memory_space<vmem>>, vector<16xf32>,
          %mul3A_278 = arith.constant 16 : i32
          %mul3A_279 = arith.muli %while3A_269, %mul3A_278 : i32
          %get3A_280 = arith.index_cast %mul3A_279 : i32 to index
          %get3A_281 = tpu.vector_load %arg11[%get3A_280] {strides = array<i32>} : memref<145xi32, #tpu.memory_space<vmem>>, vector<16xi32>,
          %masked_sort3A_282 = arith.constant dense<true> : vector<16xi1>
          %masked_sort3A_283, %masked_sort3A_284, %masked_sort3A_285 = tpu.sort %get3A_277, %get3A_281 masked %masked_sort3A_282 : (vector<16xf32>, vector<16xi32>, vector<16xi1>) -> (vector<16xi1>, vector<16xf32>, vector<16xi32>)
          %rev3A_286 = arith.constant 15 : i32
          %rev3A_287 = vector.broadcast %rev3A_286 : i32 to vector<16xi32>
          %rev3A_288 = tpu.iota {dimensions = array<i32: 0>} : vector<16xi32>
          %rev3A_289 = arith.subi %rev3A_287, %rev3A_288 : vector<16xi32>
          %rev3A_290 = tpu.dynamic_gather %masked_sort3A_284[%rev3A_289] in [0] : vector<16xf32>, vector<16xi32> -> vector<16xf32>
          %rev3A_291 = arith.constant 15 : i32
          %rev3A_292 = vector.broadcast %rev3A_291 : i32 to vector<16xi32>
          %rev3A_293 = tpu.iota {dimensions = array<i32: 0>} : vector<16xi32>
          %rev3A_294 = arith.subi %rev3A_292, %rev3A_293 : vector<16xi32>
          %rev3A_295 = tpu.dynamic_gather %masked_sort3A_285[%rev3A_294] in [0] : vector<16xi32>, vector<16xi32> -> vector<16xi32>
          %lt3A_296 = arith.cmpf olt, %while3A_270, %rev3A_290 : vector<16xf32>
          %eq3A_297 = arith.cmpf oeq, %while3A_270, %rev3A_290 : vector<16xf32>
          %le3A_298 = arith.cmpi sle, %while3A_271, %rev3A_295 : vector<16xi32>
          %and3A_299 = arith.andi %eq3A_297, %le3A_298 : vector<16xi1>
          %or3A_300 = arith.ori %lt3A_296, %and3A_299 : vector<16xi1>
          %select_n3A_301 = arith.select %or3A_300, %while3A_270, %rev3A_290 : vector<16xi1>, vector<16xf32>
          %select_n3A_302 = arith.select %or3A_300, %while3A_271, %rev3A_295 : vector<16xi1>, vector<16xi32>
          %select_n3A_303 = arith.select %or3A_300, %rev3A_290, %while3A_270 : vector<16xi1>, vector<16xf32>
          %select_n3A_304 = arith.select %or3A_300, %rev3A_295, %while3A_271 : vector<16xi1>, vector<16xi32>
          %masked_sort3A_305 = arith.constant dense<true> : vector<16xi1>
          %masked_sort3A_306, %masked_sort3A_307, %masked_sort3A_308 = tpu.sort %select_n3A_301, %select_n3A_302 masked %masked_sort3A_305 : (vector<16xf32>, vector<16xi32>, vector<16xi1>) -> (vector<16xi1>, vector<16xf32>, vector<16xi32>)
          %masked_sort3A_309 = arith.constant dense<true> : vector<16xi1>
          %masked_sort3A_310, %masked_sort3A_311, %masked_sort3A_312 = tpu.sort %select_n3A_303, %select_n3A_304 masked %masked_sort3A_309 : (vector<16xf32>, vector<16xi32>, vector<16xi1>) -> (vector<16xi1>, vector<16xf32>, vector<16xi32>)
          %rev3A_313 = arith.constant 15 : i32
          %rev3A_314 = vector.broadcast %rev3A_313 : i32 to vector<16xi32>
          %rev3A_315 = tpu.iota {dimensions = array<i32: 0>} : vector<16xi32>
          %rev3A_316 = arith.subi %rev3A_314, %rev3A_315 : vector<16xi32>
          %rev3A_317 = tpu.dynamic_gather %masked_sort3A_311[%rev3A_316] in [0] : vector<16xf32>, vector<16xi32> -> vector<16xf32>
          %rev3A_318 = arith.constant 15 : i32
          %rev3A_319 = vector.broadcast %rev3A_318 : i32 to vector<16xi32>
          %rev3A_320 = tpu.iota {dimensions = array<i32: 0>} : vector<16xi32>
          %rev3A_321 = arith.subi %rev3A_319, %rev3A_320 : vector<16xi32>
          %rev3A_322 = tpu.dynamic_gather %masked_sort3A_312[%rev3A_321] in [0] : vector<16xi32>, vector<16xi32> -> vector<16xi32>
          %lt3A_323 = arith.cmpf olt, %while3A_272, %rev3A_317 : vector<16xf32>
          %eq3A_324 = arith.cmpf oeq, %while3A_272, %rev3A_317 : vector<16xf32>
          %le3A_325 = arith.cmpi sle, %while3A_273, %rev3A_322 : vector<16xi32>
          %and3A_326 = arith.andi %eq3A_324, %le3A_325 : vector<16xi1>
          %or3A_327 = arith.ori %lt3A_323, %and3A_326 : vector<16xi1>
          %select_n3A_328 = arith.select %or3A_327, %while3A_272, %rev3A_317 : vector<16xi1>, vector<16xf32>
          %select_n3A_329 = arith.select %or3A_327, %while3A_273, %rev3A_322 : vector<16xi1>, vector<16xi32>
          %select_n3A_330 = arith.select %or3A_327, %rev3A_317, %while3A_272 : vector<16xi1>, vector<16xf32>
          %select_n3A_331 = arith.select %or3A_327, %rev3A_322, %while3A_273 : vector<16xi1>, vector<16xi32>
          %masked_sort3A_332 = arith.constant dense<true> : vector<16xi1>
          %masked_sort3A_333, %masked_sort3A_334, %masked_sort3A_335 = tpu.sort %select_n3A_328, %select_n3A_329 masked %masked_sort3A_332 : (vector<16xf32>, vector<16xi32>, vector<16xi1>) -> (vector<16xi1>, vector<16xf32>, vector<16xi32>)
          %masked_sort3A_336 = arith.constant dense<true> : vector<16xi1>
          %masked_sort3A_337, %masked_sort3A_338, %masked_sort3A_339 = tpu.sort %select_n3A_330, %select_n3A_331 masked %masked_sort3A_336 : (vector<16xf32>, vector<16xi32>, vector<16xi1>) -> (vector<16xi1>, vector<16xf32>, vector<16xi32>)
          scf.yield %masked_sort3A_307, %masked_sort3A_308, %masked_sort3A_334, %masked_sort3A_335 : vector<16xf32>, vector<16xi32>, vector<16xf32>, vector<16xi32>
        }
        %reduce_max3A = arith.constant true
        %reduce_max3A_79 = vector.broadcast %reduce_max3A : i1 to vector<16xi1>
        %reduce_max3A_80 = tpu.scan <max>, %while3A_78#2 masked %reduce_max3A_79 : vector<16xf32>, vector<16xi1> -> vector<16xf32>
        %reduce_max3A_81 = vector.extract %reduce_max3A_80[15] : f32 from vector<16xf32>
        %masked_sort3A = arith.constant dense<true> : vector<16xi1>
        %masked_sort3A_82 = arith.constant -2147483648 : i32
        %masked_sort3A_83 = vector.broadcast %masked_sort3A_82 : i32 to vector<16xi32>
        %masked_sort3A_84 = arith.xori %while3A_78#1, %masked_sort3A_83 : vector<16xi32>
        %masked_sort3A_85, %masked_sort3A_86, %masked_sort3A_87 = tpu.sort %masked_sort3A_84, %while3A_78#1 masked %masked_sort3A : (vector<16xi32>, vector<16xi32>, vector<16xi1>) -> (vector<16xi1>, vector<16xi32>, vector<16xi32>)
        %masked_sort3A_88 = arith.xori %masked_sort3A_86, %masked_sort3A_83 : vector<16xi32>
        %masked_sort3A_89 = arith.constant dense<true> : vector<16xi1>
        %masked_sort3A_90 = arith.constant -2147483648 : i32
        %masked_sort3A_91 = vector.broadcast %masked_sort3A_90 : i32 to vector<16xi32>
        %masked_sort3A_92 = arith.xori %while3A_78#3, %masked_sort3A_91 : vector<16xi32>
        %masked_sort3A_93, %masked_sort3A_94, %masked_sort3A_95 = tpu.sort %masked_sort3A_92, %while3A_78#3 masked %masked_sort3A_89 : (vector<16xi32>, vector<16xi32>, vector<16xi1>) -> (vector<16xi1>, vector<16xi32>, vector<16xi32>)
        %masked_sort3A_96 = arith.xori %masked_sort3A_94, %masked_sort3A_91 : vector<16xi32>
        %rev3A = arith.constant 15 : i32
        %rev3A_97 = vector.broadcast %rev3A : i32 to vector<16xi32>
        %rev3A_98 = tpu.iota {dimensions = array<i32: 0>} : vector<16xi32>
        %rev3A_99 = arith.subi %rev3A_97, %rev3A_98 : vector<16xi32>
        %rev3A_100 = tpu.dynamic_gather %masked_sort3A_96[%rev3A_99] in [0] : vector<16xi32>, vector<16xi32> -> vector<16xi32>
        %rev3A_101 = arith.constant 15 : i32
        %rev3A_102 = vector.broadcast %rev3A_101 : i32 to vector<16xi32>
        %rev3A_103 = tpu.iota {dimensions = array<i32: 0>} : vector<16xi32>
        %rev3A_104 = arith.subi %rev3A_102, %rev3A_103 : vector<16xi32>
        %rev3A_105 = tpu.dynamic_gather %masked_sort3A_96[%rev3A_104] in [0] : vector<16xi32>, vector<16xi32> -> vector<16xi32>
        %lt3A = arith.cmpi slt, %masked_sort3A_88, %rev3A_100 : vector<16xi32>
        %eq3A = arith.cmpi eq, %masked_sort3A_88, %rev3A_100 : vector<16xi32>
        %le3A = arith.cmpi sle, %masked_sort3A_88, %rev3A_105 : vector<16xi32>
        %and3A_106 = arith.andi %eq3A, %le3A : vector<16xi1>
        %or3A = arith.ori %lt3A, %and3A_106 : vector<16xi1>
        %select_n3A_107 = arith.select %or3A, %masked_sort3A_88, %rev3A_100 : vector<16xi1>, vector<16xi32>
        %select_n3A_108 = arith.select %or3A, %masked_sort3A_88, %rev3A_105 : vector<16xi1>, vector<16xi32>
        %select_n3A_109 = arith.select %or3A, %rev3A_100, %masked_sort3A_88 : vector<16xi1>, vector<16xi32>
        %select_n3A_110 = arith.select %or3A, %rev3A_105, %masked_sort3A_88 : vector<16xi1>, vector<16xi32>
        %masked_sort3A_111 = arith.constant dense<true> : vector<16xi1>
        %masked_sort3A_112 = arith.constant -2147483648 : i32
        %masked_sort3A_113 = vector.broadcast %masked_sort3A_112 : i32 to vector<16xi32>
        %masked_sort3A_114 = arith.xori %select_n3A_107, %masked_sort3A_113 : vector<16xi32>
        %masked_sort3A_115, %masked_sort3A_116, %masked_sort3A_117 = tpu.sort %masked_sort3A_114, %select_n3A_108 masked %masked_sort3A_111 : (vector<16xi32>, vector<16xi32>, vector<16xi1>) -> (vector<16xi1>, vector<16xi32>, vector<16xi32>)
        %masked_sort3A_118 = arith.xori %masked_sort3A_116, %masked_sort3A_113 : vector<16xi32>
        %masked_sort3A_119 = arith.constant dense<true> : vector<16xi1>
        %masked_sort3A_120 = arith.constant -2147483648 : i32
        %masked_sort3A_121 = vector.broadcast %masked_sort3A_120 : i32 to vector<16xi32>
        %masked_sort3A_122 = arith.xori %select_n3A_109, %masked_sort3A_121 : vector<16xi32>
        %masked_sort3A_123, %masked_sort3A_124, %masked_sort3A_125 = tpu.sort %masked_sort3A_122, %select_n3A_110 masked %masked_sort3A_119 : (vector<16xi32>, vector<16xi32>, vector<16xi1>) -> (vector<16xi1>, vector<16xi32>, vector<16xi32>)
        %masked_sort3A_126 = arith.xori %masked_sort3A_124, %masked_sort3A_121 : vector<16xi32>
        %mul3A_127 = arith.constant 64 : i32
        %mul3A_128 = arith.muli %add3A_36, %mul3A_127 : i32
        %swap3A_129 = arith.constant 0 : index
        %swap3A_130 = tpu.vector_load %arg7[%swap3A_129] {strides = array<i32>} : memref<32xi32, #tpu.memory_space<vmem>>, vector<16xi32>,
        tpu.vector_store %arg7[%swap3A_129], %masked_sort3A_118 {strides = array<i32>} : memref<32xi32, #tpu.memory_space<vmem>>, vector<16xi32>,
        %swap3A_131 = arith.constant 16 : index
        %swap3A_132 = tpu.vector_load %arg7[%swap3A_131] {strides = array<i32>} : memref<32xi32, #tpu.memory_space<vmem>>, vector<16xi32>,
        tpu.vector_store %arg7[%swap3A_131], %masked_sort3A_126 {strides = array<i32>} : memref<32xi32, #tpu.memory_space<vmem>>, vector<16xi32>,
        %jit3A_133 = arith.constant 8 : i32
        %div3A_134 = vector.broadcast %jit3A_133 : i32 to vector<16xi32>
        %div3A_135 = arith.divsi %masked_sort3A_118, %div3A_134 : vector<16xi32>
        %sign3A_136 = arith.constant 0 : i32
        %sign3A_137 = vector.broadcast %sign3A_136 : i32 to vector<16xi32>
        %sign3A_138 = arith.cmpi sgt, %masked_sort3A_118, %sign3A_137 : vector<16xi32>
        %sign3A_139 = arith.extui %sign3A_138 : vector<16xi1> to vector<16xi32>
        %sign3A_140 = arith.constant 0 : i32
        %sign3A_141 = vector.broadcast %sign3A_140 : i32 to vector<16xi32>
        %sign3A_142 = arith.cmpi slt, %masked_sort3A_118, %sign3A_141 : vector<16xi32>
        %sign3A_143 = arith.extui %sign3A_142 : vector<16xi1> to vector<16xi32>
        %sign3A_144 = arith.subi %sign3A_139, %sign3A_143 : vector<16xi32>
        %sign3A_145 = arith.constant 0 : i32
        %sign3A_146 = arith.cmpi sgt, %jit3A_133, %sign3A_145 : i32
        %sign3A_147 = arith.extui %sign3A_146 : i1 to i32
        %sign3A_148 = arith.constant 0 : i32
        %sign3A_149 = arith.cmpi slt, %jit3A_133, %sign3A_148 : i32
        %sign3A_150 = arith.extui %sign3A_149 : i1 to i32
        %sign3A_151 = arith.subi %sign3A_147, %sign3A_150 : i32
        %ne3A_152 = vector.broadcast %sign3A_151 : i32 to vector<16xi32>
        %ne3A_153 = arith.cmpi ne, %sign3A_144, %ne3A_152 : vector<16xi32>
        %rem3A_154 = vector.broadcast %jit3A_133 : i32 to vector<16xi32>
        %rem3A_155 = arith.remsi %masked_sort3A_118, %rem3A_154 : vector<16xi32>
        %ne3A_156 = arith.constant 0 : i32
        %ne3A_157 = vector.broadcast %ne3A_156 : i32 to vector<16xi32>
        %ne3A_158 = arith.cmpi ne, %rem3A_155, %ne3A_157 : vector<16xi32>
        %and3A_159 = arith.andi %ne3A_153, %ne3A_158 : vector<16xi1>
        %sub3A_160 = arith.constant 1 : i32
        %sub3A_161 = vector.broadcast %sub3A_160 : i32 to vector<16xi32>
        %sub3A_162 = arith.subi %div3A_135, %sub3A_161 : vector<16xi32>
        %select_n3A_163 = arith.select %and3A_159, %sub3A_162, %div3A_135 : vector<16xi1>, vector<16xi32>
        %add3A_164 = vector.broadcast %mul3A_128 : i32 to vector<16xi32>
        %add3A_165 = arith.addi %select_n3A_163, %add3A_164 : vector<16xi32>
        %swap3A_166 = arith.constant 0 : index
        %swap3A_167 = tpu.vector_load %arg8[%swap3A_166] {strides = array<i32>} : memref<32xi32, #tpu.memory_space<vmem>>, vector<16xi32>,
        tpu.vector_store %arg8[%swap3A_166], %add3A_165 {strides = array<i32>} : memref<32xi32, #tpu.memory_space<vmem>>, vector<16xi32>,
        %jit3A_168 = arith.constant 8 : i32
        %div3A_169 = vector.broadcast %jit3A_168 : i32 to vector<16xi32>
        %div3A_170 = arith.divsi %masked_sort3A_126, %div3A_169 : vector<16xi32>
        %sign3A_171 = arith.constant 0 : i32
        %sign3A_172 = vector.broadcast %sign3A_171 : i32 to vector<16xi32>
        %sign3A_173 = arith.cmpi sgt, %masked_sort3A_126, %sign3A_172 : vector<16xi32>
        %sign3A_174 = arith.extui %sign3A_173 : vector<16xi1> to vector<16xi32>
        %sign3A_175 = arith.constant 0 : i32
        %sign3A_176 = vector.broadcast %sign3A_175 : i32 to vector<16xi32>
        %sign3A_177 = arith.cmpi slt, %masked_sort3A_126, %sign3A_176 : vector<16xi32>
        %sign3A_178 = arith.extui %sign3A_177 : vector<16xi1> to vector<16xi32>
        %sign3A_179 = arith.subi %sign3A_174, %sign3A_178 : vector<16xi32>
        %sign3A_180 = arith.constant 0 : i32
        %sign3A_181 = arith.cmpi sgt, %jit3A_168, %sign3A_180 : i32
        %sign3A_182 = arith.extui %sign3A_181 : i1 to i32
        %sign3A_183 = arith.constant 0 : i32
        %sign3A_184 = arith.cmpi slt, %jit3A_168, %sign3A_183 : i32
        %sign3A_185 = arith.extui %sign3A_184 : i1 to i32
        %sign3A_186 = arith.subi %sign3A_182, %sign3A_185 : i32
        %ne3A_187 = vector.broadcast %sign3A_186 : i32 to vector<16xi32>
        %ne3A_188 = arith.cmpi ne, %sign3A_179, %ne3A_187 : vector<16xi32>
        %rem3A_189 = vector.broadcast %jit3A_168 : i32 to vector<16xi32>
        %rem3A_190 = arith.remsi %masked_sort3A_126, %rem3A_189 : vector<16xi32>
        %ne3A_191 = arith.constant 0 : i32
        %ne3A_192 = vector.broadcast %ne3A_191 : i32 to vector<16xi32>
        %ne3A_193 = arith.cmpi ne, %rem3A_190, %ne3A_192 : vector<16xi32>
        %and3A_194 = arith.andi %ne3A_188, %ne3A_193 : vector<16xi1>
        %sub3A_195 = arith.constant 1 : i32
        %sub3A_196 = vector.broadcast %sub3A_195 : i32 to vector<16xi32>
        %sub3A_197 = arith.subi %div3A_170, %sub3A_196 : vector<16xi32>
        %select_n3A_198 = arith.select %and3A_194, %sub3A_197, %div3A_170 : vector<16xi1>, vector<16xi32>
        %add3A_199 = vector.broadcast %mul3A_128 : i32 to vector<16xi32>
        %add3A_200 = arith.addi %select_n3A_198, %add3A_199 : vector<16xi32>
        %swap3A_201 = arith.constant 16 : index
        %swap3A_202 = tpu.vector_load %arg8[%swap3A_201] {strides = array<i32>} : memref<32xi32, #tpu.memory_space<vmem>>, vector<16xi32>,
        tpu.vector_store %arg8[%swap3A_201], %add3A_200 {strides = array<i32>} : memref<32xi32, #tpu.memory_space<vmem>>, vector<16xi32>,
        %dma_start3A = arith.constant 0 : i32
        %dma_start3A_203 = arith.constant 0 : i32
        %dma_start3A_204 = tpu.memref_slice %arg2[%dma_start3A, %dma_start3A_203] : memref<262144x128xf32, #tpu.memory_space<hbm>> -> memref<262144x128xf32, #tpu.memory_space<hbm>>
        tpu.enqueue_indirect_dma source(%dma_start3A_204 : memref<262144x128xf32, #tpu.memory_space<hbm>>) target(%arg9 : memref<32x128xf32, #tpu.memory_space<vmem>>) offsets(%arg8 : memref<32xi32, #tpu.memory_space<vmem>>) semaphore(%arg13 : memref<!tpu.dma_semaphore, #tpu.memory_space<semaphore_mem>>)
        %dma_wait3A = arith.constant 0 : i32
        %dma_wait3A_205 = arith.constant 0 : i32
        %dma_wait3A_206 = tpu.memref_slice %arg2[%dma_wait3A, %dma_wait3A_205] : memref<262144x128xf32, #tpu.memory_space<hbm>> -> memref<262144x128xf32, #tpu.memory_space<hbm>>
        tpu.wait_indirect_dma semaphore(%arg13 : memref<!tpu.dma_semaphore, #tpu.memory_space<semaphore_mem>>) src(%dma_wait3A_206 : memref<262144x128xf32, #tpu.memory_space<hbm>>) dst(%arg9 : memref<32x128xf32, #tpu.memory_space<vmem>>)
        %scan3A_207 = arith.constant 0 : i32
        %scan3A_208 = arith.constant 0 : i32
        %scan3A_209 = arith.constant 32 : i32
        %scan3A_210 = arith.addi %scan3A_208, %scan3A_209 : i32
        %scan3A_211 = arith.constant 1 : i32
        %scan3A_212:6 = scf.for %scan3A_269 = %scan3A_208 to %scan3A_210 step %scan3A_211 iter_args(%scan3A_270 = %squeeze3A, %scan3A_271 = %scan3A_207, %scan3A_272 = %broadcast_in_dim3A_39, %scan3A_273 = %broadcast_in_dim3A_38, %scan3A_274 = %broadcast_in_dim3A_39, %scan3A_275 = %broadcast_in_dim3A_38) -> (f32, i32, vector<16xf32>, vector<16xi32>, vector<16xf32>, vector<16xi32>)  : i32 {
          %broadcast_in_dim3A_276 = vector.broadcast %scan3A_269 : i32 to vector<16xi32>
          %gather3A = tpu.vector_load_idx %arg7[%broadcast_in_dim3A_276] : memref<32xi32, #tpu.memory_space<vmem>>[vector<16xi32>], vector<16xi32>,
          %rem3A_277 = arith.constant 8 : i32
          %rem3A_278 = vector.broadcast %rem3A_277 : i32 to vector<16xi32>
          %rem3A_279 = arith.remsi %gather3A, %rem3A_278 : vector<16xi32>
          %reduce_max3A_280 = arith.constant true
          %reduce_max3A_281 = vector.broadcast %reduce_max3A_280 : i1 to vector<16xi1>
          %reduce_max3A_282 = arith.constant -2147483648 : i32
          %reduce_max3A_283 = vector.broadcast %reduce_max3A_282 : i32 to vector<16xi32>
          %reduce_max3A_284 = arith.xori %rem3A_279, %reduce_max3A_283 : vector<16xi32>
          %reduce_max3A_285 = tpu.scan <max>, %reduce_max3A_284 masked %reduce_max3A_281 : vector<16xi32>, vector<16xi1> -> vector<16xi32>
          %reduce_max3A_286 = arith.xori %reduce_max3A_285, %reduce_max3A_283 : vector<16xi32>
          %reduce_max3A_287 = vector.extract %reduce_max3A_286[15] : i32 from vector<16xi32>
          %mul3A_288 = arith.constant 16 : i32
          %mul3A_289 = arith.muli %reduce_max3A_287, %mul3A_288 : i32
          %get3A_290 = arith.index_cast %scan3A_269 : i32 to index
          %get3A_291 = arith.index_cast %mul3A_289 : i32 to index
          %get3A_292 = tpu.vector_load %arg9[%get3A_290, %get3A_291] {strides = array<i32>} : memref<32x128xf32, #tpu.memory_space<vmem>>, vector<16xf32>,
          %mul3A_293 = arith.constant 16 : i32
          %mul3A_294 = vector.broadcast %mul3A_293 : i32 to vector<16xi32>
          %mul3A_295 = arith.muli %gather3A, %mul3A_294 : vector<16xi32>
          %add3A_296 = arith.addi %mul3A_295, %iota3A : vector<16xi32>
          %lt3A_297 = vector.broadcast %scan3A_270 : f32 to vector<16xf32>
          %lt3A_298 = arith.cmpf olt, %get3A_292, %lt3A_297 : vector<16xf32>
          %jit3A_299 = arith.constant 1 : i32
          %jit3A_300 = arith.constant 0 : i32
          %broadcast_in_dim3A_301 = vector.broadcast %jit3A_299 : i32 to vector<16xi32>
          %broadcast_in_dim3A_302 = vector.broadcast %jit3A_300 : i32 to vector<16xi32>
          %select_n3A_303 = arith.select %lt3A_298, %broadcast_in_dim3A_301, %broadcast_in_dim3A_302 : vector<16xi1>, vector<16xi32>
          %broadcast_in_dim3A_304 = arith.constant true
          %broadcast_in_dim3A_305 = vector.broadcast %broadcast_in_dim3A_304 : i1 to vector<16xi1>
          %masked_cumsum3A = tpu.scan <sum>, %select_n3A_303 masked %broadcast_in_dim3A_305 : vector<16xi32>, vector<16xi1> -> vector<16xi32>
          %add3A_306 = vector.broadcast %scan3A_271 : i32 to vector<16xi32>
          %add3A_307 = arith.addi %add3A_306, %masked_cumsum3A : vector<16xi32>
          %sub3A_308 = arith.constant 1 : i32
          %sub3A_309 = vector.broadcast %sub3A_308 : i32 to vector<16xi32>
          %sub3A_310 = arith.subi %add3A_307, %sub3A_309 : vector<16xi32>
          %jit3A_311 = arith.constant 144 : i32
          %broadcast_in_dim3A_312 = vector.broadcast %jit3A_311 : i32 to vector<16xi32>
          %select_n3A_313 = arith.select %lt3A_298, %sub3A_310, %broadcast_in_dim3A_312 : vector<16xi1>, vector<16xi32>
          tpu.vector_store_idx %arg10[%select_n3A_313], %get3A_292 : memref<145xf32, #tpu.memory_space<vmem>>[vector<16xi32>], vector<16xf32>,
          tpu.vector_store_idx %arg11[%select_n3A_313], %add3A_296 : memref<145xi32, #tpu.memory_space<vmem>>[vector<16xi32>], vector<16xi32>,
          %reduce_max3A_314 = arith.constant true
          %reduce_max3A_315 = vector.broadcast %reduce_max3A_314 : i1 to vector<16xi1>
          %reduce_max3A_316 = arith.constant -2147483648 : i32
          %reduce_max3A_317 = vector.broadcast %reduce_max3A_316 : i32 to vector<16xi32>
          %reduce_max3A_318 = arith.xori %masked_cumsum3A, %reduce_max3A_317 : vector<16xi32>
          %reduce_max3A_319 = tpu.scan <max>, %reduce_max3A_318 masked %reduce_max3A_315 : vector<16xi32>, vector<16xi1> -> vector<16xi32>
          %reduce_max3A_320 = arith.xori %reduce_max3A_319, %reduce_max3A_317 : vector<16xi32>
          %reduce_max3A_321 = vector.extract %reduce_max3A_320[15] : i32 from vector<16xi32>
          %add3A_322 = arith.addi %scan3A_271, %reduce_max3A_321 : i32
          %ge3A = arith.constant 96 : i32
          %ge3A_323 = arith.cmpi sge, %add3A_322, %ge3A : i32
          %convert_element_type3A = arith.extui %ge3A_323 : i1 to i32
          %cond3A = arith.constant 0 : i32
          %cond3A_324 = arith.cmpi ne, %convert_element_type3A, %cond3A : i32
          %cond3A_325:6 = scf.if %cond3A_324 -> (f32, i32, vector<16xf32>, vector<16xi32>, vector<16xf32>, vector<16xi32>) {
            %broadcast_in_dim3A_326 = vector.broadcast %squeeze3A : f32 to vector<16xf32>
            %swap3A_327 = arith.index_cast %add3A_322 : i32 to index
            %swap3A_328 = tpu.vector_load %arg10[%swap3A_327] {strides = array<i32>} : memref<145xf32, #tpu.memory_space<vmem>>, vector<16xf32>,
            tpu.vector_store %arg10[%swap3A_327], %broadcast_in_dim3A_326 {strides = array<i32>} : memref<145xf32, #tpu.memory_space<vmem>>, vector<16xf32>,
            %add3A_329 = arith.constant 15 : i32
            %add3A_330 = arith.addi %add3A_322, %add3A_329 : i32
            %jit3A_331 = arith.constant 16 : i32
            %div3A_332 = arith.divsi %add3A_330, %jit3A_331 : i32
            %sign3A_333 = arith.constant 0 : i32
            %sign3A_334 = arith.cmpi sgt, %add3A_330, %sign3A_333 : i32
            %sign3A_335 = arith.extui %sign3A_334 : i1 to i32
            %sign3A_336 = arith.constant 0 : i32
            %sign3A_337 = arith.cmpi slt, %add3A_330, %sign3A_336 : i32
            %sign3A_338 = arith.extui %sign3A_337 : i1 to i32
            %sign3A_339 = arith.subi %sign3A_335, %sign3A_338 : i32
            %sign3A_340 = arith.constant 0 : i32
            %sign3A_341 = arith.cmpi sgt, %jit3A_331, %sign3A_340 : i32
            %sign3A_342 = arith.extui %sign3A_341 : i1 to i32
            %sign3A_343 = arith.constant 0 : i32
            %sign3A_344 = arith.cmpi slt, %jit3A_331, %sign3A_343 : i32
            %sign3A_345 = arith.extui %sign3A_344 : i1 to i32
            %sign3A_346 = arith.subi %sign3A_342, %sign3A_345 : i32
            %ne3A_347 = arith.cmpi ne, %sign3A_339, %sign3A_346 : i32
            %rem3A_348 = arith.remsi %add3A_330, %jit3A_331 : i32
            %ne3A_349 = arith.constant 0 : i32
            %ne3A_350 = arith.cmpi ne, %rem3A_348, %ne3A_349 : i32
            %and3A_351 = arith.andi %ne3A_347, %ne3A_350 : i1
            %sub3A_352 = arith.constant 1 : i32
            %sub3A_353 = arith.subi %div3A_332, %sub3A_352 : i32
            %select_n3A_354 = arith.select %and3A_351, %sub3A_353, %div3A_332 : i32
            %while3A_355 = arith.constant 0 : i32
            %while3A_356 = arith.subi %select_n3A_354, %while3A_355 : i32
            %while3A_357 = arith.addi %while3A_355, %while3A_356 : i32
            %while3A_358 = arith.constant 1 : i32
            %while3A_359 = arith.divsi %while3A_356, %while3A_358 : i32
            %while3A_360 = arith.muli %while3A_359, %while3A_358 : i32
            %while3A_361 = arith.addi %while3A_355, %while3A_360 : i32
            %while3A_362 = arith.constant 1 : i32
            %while3A_363:4 = scf.for %while3A_371 = %while3A_355 to %while3A_361 step %while3A_362 iter_args(%while3A_372 = %scan3A_272, %while3A_373 = %scan3A_273, %while3A_374 = %scan3A_274, %while3A_375 = %scan3A_275) -> (vector<16xf32>, vector<16xi32>, vector<16xf32>, vector<16xi32>)  : i32 {
              %mul3A_376 = arith.constant 16 : i32
              %mul3A_377 = arith.muli %while3A_371, %mul3A_376 : i32
              %get3A_378 = arith.index_cast %mul3A_377 : i32 to index
              %get3A_379 = tpu.vector_load %arg10[%get3A_378] {strides = array<i32>} : memref<145xf32, #tpu.memory_space<vmem>>, vector<16xf32>,
              %mul3A_380 = arith.constant 16 : i32
              %mul3A_381 = arith.muli %while3A_371, %mul3A_380 : i32
              %get3A_382 = arith.index_cast %mul3A_381 : i32 to index
              %get3A_383 = tpu.vector_load %arg11[%get3A_382] {strides = array<i32>} : memref<145xi32, #tpu.memory_space<vmem>>, vector<16xi32>,
              %masked_sort3A_384 = arith.constant dense<true> : vector<16xi1>
              %masked_sort3A_385, %masked_sort3A_386, %masked_sort3A_387 = tpu.sort %get3A_379, %get3A_383 masked %masked_sort3A_384 : (vector<16xf32>, vector<16xi32>, vector<16xi1>) -> (vector<16xi1>, vector<16xf32>, vector<16xi32>)
              %rev3A_388 = arith.constant 15 : i32
              %rev3A_389 = vector.broadcast %rev3A_388 : i32 to vector<16xi32>
              %rev3A_390 = tpu.iota {dimensions = array<i32: 0>} : vector<16xi32>
              %rev3A_391 = arith.subi %rev3A_389, %rev3A_390 : vector<16xi32>
              %rev3A_392 = tpu.dynamic_gather %masked_sort3A_386[%rev3A_391] in [0] : vector<16xf32>, vector<16xi32> -> vector<16xf32>
              %rev3A_393 = arith.constant 15 : i32
              %rev3A_394 = vector.broadcast %rev3A_393 : i32 to vector<16xi32>
              %rev3A_395 = tpu.iota {dimensions = array<i32: 0>} : vector<16xi32>
              %rev3A_396 = arith.subi %rev3A_394, %rev3A_395 : vector<16xi32>
              %rev3A_397 = tpu.dynamic_gather %masked_sort3A_387[%rev3A_396] in [0] : vector<16xi32>, vector<16xi32> -> vector<16xi32>
              %lt3A_398 = arith.cmpf olt, %while3A_372, %rev3A_392 : vector<16xf32>
              %eq3A_399 = arith.cmpf oeq, %while3A_372, %rev3A_392 : vector<16xf32>
              %le3A_400 = arith.cmpi sle, %while3A_373, %rev3A_397 : vector<16xi32>
              %and3A_401 = arith.andi %eq3A_399, %le3A_400 : vector<16xi1>
              %or3A_402 = arith.ori %lt3A_398, %and3A_401 : vector<16xi1>
              %select_n3A_403 = arith.select %or3A_402, %while3A_372, %rev3A_392 : vector<16xi1>, vector<16xf32>
              %select_n3A_404 = arith.select %or3A_402, %while3A_373, %rev3A_397 : vector<16xi1>, vector<16xi32>
              %select_n3A_405 = arith.select %or3A_402, %rev3A_392, %while3A_372 : vector<16xi1>, vector<16xf32>
              %select_n3A_406 = arith.select %or3A_402, %rev3A_397, %while3A_373 : vector<16xi1>, vector<16xi32>
              %masked_sort3A_407 = arith.constant dense<true> : vector<16xi1>
              %masked_sort3A_408, %masked_sort3A_409, %masked_sort3A_410 = tpu.sort %select_n3A_403, %select_n3A_404 masked %masked_sort3A_407 : (vector<16xf32>, vector<16xi32>, vector<16xi1>) -> (vector<16xi1>, vector<16xf32>, vector<16xi32>)
              %masked_sort3A_411 = arith.constant dense<true> : vector<16xi1>
              %masked_sort3A_412, %masked_sort3A_413, %masked_sort3A_414 = tpu.sort %select_n3A_405, %select_n3A_406 masked %masked_sort3A_411 : (vector<16xf32>, vector<16xi32>, vector<16xi1>) -> (vector<16xi1>, vector<16xf32>, vector<16xi32>)
              %rev3A_415 = arith.constant 15 : i32
              %rev3A_416 = vector.broadcast %rev3A_415 : i32 to vector<16xi32>
              %rev3A_417 = tpu.iota {dimensions = array<i32: 0>} : vector<16xi32>
              %rev3A_418 = arith.subi %rev3A_416, %rev3A_417 : vector<16xi32>
              %rev3A_419 = tpu.dynamic_gather %masked_sort3A_413[%rev3A_418] in [0] : vector<16xf32>, vector<16xi32> -> vector<16xf32>
              %rev3A_420 = arith.constant 15 : i32
              %rev3A_421 = vector.broadcast %rev3A_420 : i32 to vector<16xi32>
              %rev3A_422 = tpu.iota {dimensions = array<i32: 0>} : vector<16xi32>
              %rev3A_423 = arith.subi %rev3A_421, %rev3A_422 : vector<16xi32>
              %rev3A_424 = tpu.dynamic_gather %masked_sort3A_414[%rev3A_423] in [0] : vector<16xi32>, vector<16xi32> -> vector<16xi32>
              %lt3A_425 = arith.cmpf olt, %while3A_374, %rev3A_419 : vector<16xf32>
              %eq3A_426 = arith.cmpf oeq, %while3A_374, %rev3A_419 : vector<16xf32>
              %le3A_427 = arith.cmpi sle, %while3A_375, %rev3A_424 : vector<16xi32>
              %and3A_428 = arith.andi %eq3A_426, %le3A_427 : vector<16xi1>
              %or3A_429 = arith.ori %lt3A_425, %and3A_428 : vector<16xi1>
              %select_n3A_430 = arith.select %or3A_429, %while3A_374, %rev3A_419 : vector<16xi1>, vector<16xf32>
              %select_n3A_431 = arith.select %or3A_429, %while3A_375, %rev3A_424 : vector<16xi1>, vector<16xi32>
              %select_n3A_432 = arith.select %or3A_429, %rev3A_419, %while3A_374 : vector<16xi1>, vector<16xf32>
              %select_n3A_433 = arith.select %or3A_429, %rev3A_424, %while3A_375 : vector<16xi1>, vector<16xi32>
              %masked_sort3A_434 = arith.constant dense<true> : vector<16xi1>
              %masked_sort3A_435, %masked_sort3A_436, %masked_sort3A_437 = tpu.sort %select_n3A_430, %select_n3A_431 masked %masked_sort3A_434 : (vector<16xf32>, vector<16xi32>, vector<16xi1>) -> (vector<16xi1>, vector<16xf32>, vector<16xi32>)
              %masked_sort3A_438 = arith.constant dense<true> : vector<16xi1>
              %masked_sort3A_439, %masked_sort3A_440, %masked_sort3A_441 = tpu.sort %select_n3A_432, %select_n3A_433 masked %masked_sort3A_438 : (vector<16xf32>, vector<16xi32>, vector<16xi1>) -> (vector<16xi1>, vector<16xf32>, vector<16xi32>)
              scf.yield %masked_sort3A_409, %masked_sort3A_410, %masked_sort3A_436, %masked_sort3A_437 : vector<16xf32>, vector<16xi32>, vector<16xf32>, vector<16xi32>
            }
            %while3A_364 = arith.constant 1 : i32
            %while3A_365:4 = scf.for %while3A_371 = %while3A_361 to %while3A_357 step %while3A_364 iter_args(%while3A_372 = %while3A_363#0, %while3A_373 = %while3A_363#1, %while3A_374 = %while3A_363#2, %while3A_375 = %while3A_363#3) -> (vector<16xf32>, vector<16xi32>, vector<16xf32>, vector<16xi32>)  : i32 {
              %mul3A_376 = arith.constant 16 : i32
              %mul3A_377 = arith.muli %while3A_371, %mul3A_376 : i32
              %get3A_378 = arith.index_cast %mul3A_377 : i32 to index
              %get3A_379 = tpu.vector_load %arg10[%get3A_378] {strides = array<i32>} : memref<145xf32, #tpu.memory_space<vmem>>, vector<16xf32>,
              %mul3A_380 = arith.constant 16 : i32
              %mul3A_381 = arith.muli %while3A_371, %mul3A_380 : i32
              %get3A_382 = arith.index_cast %mul3A_381 : i32 to index
              %get3A_383 = tpu.vector_load %arg11[%get3A_382] {strides = array<i32>} : memref<145xi32, #tpu.memory_space<vmem>>, vector<16xi32>,
              %masked_sort3A_384 = arith.constant dense<true> : vector<16xi1>
              %masked_sort3A_385, %masked_sort3A_386, %masked_sort3A_387 = tpu.sort %get3A_379, %get3A_383 masked %masked_sort3A_384 : (vector<16xf32>, vector<16xi32>, vector<16xi1>) -> (vector<16xi1>, vector<16xf32>, vector<16xi32>)
              %rev3A_388 = arith.constant 15 : i32
              %rev3A_389 = vector.broadcast %rev3A_388 : i32 to vector<16xi32>
              %rev3A_390 = tpu.iota {dimensions = array<i32: 0>} : vector<16xi32>
              %rev3A_391 = arith.subi %rev3A_389, %rev3A_390 : vector<16xi32>
              %rev3A_392 = tpu.dynamic_gather %masked_sort3A_386[%rev3A_391] in [0] : vector<16xf32>, vector<16xi32> -> vector<16xf32>
              %rev3A_393 = arith.constant 15 : i32
              %rev3A_394 = vector.broadcast %rev3A_393 : i32 to vector<16xi32>
              %rev3A_395 = tpu.iota {dimensions = array<i32: 0>} : vector<16xi32>
              %rev3A_396 = arith.subi %rev3A_394, %rev3A_395 : vector<16xi32>
              %rev3A_397 = tpu.dynamic_gather %masked_sort3A_387[%rev3A_396] in [0] : vector<16xi32>, vector<16xi32> -> vector<16xi32>
              %lt3A_398 = arith.cmpf olt, %while3A_372, %rev3A_392 : vector<16xf32>
              %eq3A_399 = arith.cmpf oeq, %while3A_372, %rev3A_392 : vector<16xf32>
              %le3A_400 = arith.cmpi sle, %while3A_373, %rev3A_397 : vector<16xi32>
              %and3A_401 = arith.andi %eq3A_399, %le3A_400 : vector<16xi1>
              %or3A_402 = arith.ori %lt3A_398, %and3A_401 : vector<16xi1>
              %select_n3A_403 = arith.select %or3A_402, %while3A_372, %rev3A_392 : vector<16xi1>, vector<16xf32>
              %select_n3A_404 = arith.select %or3A_402, %while3A_373, %rev3A_397 : vector<16xi1>, vector<16xi32>
              %select_n3A_405 = arith.select %or3A_402, %rev3A_392, %while3A_372 : vector<16xi1>, vector<16xf32>
              %select_n3A_406 = arith.select %or3A_402, %rev3A_397, %while3A_373 : vector<16xi1>, vector<16xi32>
              %masked_sort3A_407 = arith.constant dense<true> : vector<16xi1>
              %masked_sort3A_408, %masked_sort3A_409, %masked_sort3A_410 = tpu.sort %select_n3A_403, %select_n3A_404 masked %masked_sort3A_407 : (vector<16xf32>, vector<16xi32>, vector<16xi1>) -> (vector<16xi1>, vector<16xf32>, vector<16xi32>)
              %masked_sort3A_411 = arith.constant dense<true> : vector<16xi1>
              %masked_sort3A_412, %masked_sort3A_413, %masked_sort3A_414 = tpu.sort %select_n3A_405, %select_n3A_406 masked %masked_sort3A_411 : (vector<16xf32>, vector<16xi32>, vector<16xi1>) -> (vector<16xi1>, vector<16xf32>, vector<16xi32>)
              %rev3A_415 = arith.constant 15 : i32
              %rev3A_416 = vector.broadcast %rev3A_415 : i32 to vector<16xi32>
              %rev3A_417 = tpu.iota {dimensions = array<i32: 0>} : vector<16xi32>
              %rev3A_418 = arith.subi %rev3A_416, %rev3A_417 : vector<16xi32>
              %rev3A_419 = tpu.dynamic_gather %masked_sort3A_413[%rev3A_418] in [0] : vector<16xf32>, vector<16xi32> -> vector<16xf32>
              %rev3A_420 = arith.constant 15 : i32
              %rev3A_421 = vector.broadcast %rev3A_420 : i32 to vector<16xi32>
              %rev3A_422 = tpu.iota {dimensions = array<i32: 0>} : vector<16xi32>
              %rev3A_423 = arith.subi %rev3A_421, %rev3A_422 : vector<16xi32>
              %rev3A_424 = tpu.dynamic_gather %masked_sort3A_414[%rev3A_423] in [0] : vector<16xi32>, vector<16xi32> -> vector<16xi32>
              %lt3A_425 = arith.cmpf olt, %while3A_374, %rev3A_419 : vector<16xf32>
              %eq3A_426 = arith.cmpf oeq, %while3A_374, %rev3A_419 : vector<16xf32>
              %le3A_427 = arith.cmpi sle, %while3A_375, %rev3A_424 : vector<16xi32>
              %and3A_428 = arith.andi %eq3A_426, %le3A_427 : vector<16xi1>
              %or3A_429 = arith.ori %lt3A_425, %and3A_428 : vector<16xi1>
              %select_n3A_430 = arith.select %or3A_429, %while3A_374, %rev3A_419 : vector<16xi1>, vector<16xf32>
              %select_n3A_431 = arith.select %or3A_429, %while3A_375, %rev3A_424 : vector<16xi1>, vector<16xi32>
              %select_n3A_432 = arith.select %or3A_429, %rev3A_419, %while3A_374 : vector<16xi1>, vector<16xf32>
              %select_n3A_433 = arith.select %or3A_429, %rev3A_424, %while3A_375 : vector<16xi1>, vector<16xi32>
              %masked_sort3A_434 = arith.constant dense<true> : vector<16xi1>
              %masked_sort3A_435, %masked_sort3A_436, %masked_sort3A_437 = tpu.sort %select_n3A_430, %select_n3A_431 masked %masked_sort3A_434 : (vector<16xf32>, vector<16xi32>, vector<16xi1>) -> (vector<16xi1>, vector<16xf32>, vector<16xi32>)
              %masked_sort3A_438 = arith.constant dense<true> : vector<16xi1>
              %masked_sort3A_439, %masked_sort3A_440, %masked_sort3A_441 = tpu.sort %select_n3A_432, %select_n3A_433 masked %masked_sort3A_438 : (vector<16xf32>, vector<16xi32>, vector<16xi1>) -> (vector<16xi1>, vector<16xf32>, vector<16xi32>)
              scf.yield %masked_sort3A_409, %masked_sort3A_410, %masked_sort3A_436, %masked_sort3A_437 : vector<16xf32>, vector<16xi32>, vector<16xf32>, vector<16xi32>
            }
            %reduce_max3A_366 = arith.constant true
            %reduce_max3A_367 = vector.broadcast %reduce_max3A_366 : i1 to vector<16xi1>
            %reduce_max3A_368 = tpu.scan <max>, %while3A_365#2 masked %reduce_max3A_367 : vector<16xf32>, vector<16xi1> -> vector<16xf32>
            %reduce_max3A_369 = vector.extract %reduce_max3A_368[15] : f32 from vector<16xf32>
            %cond3A_370 = arith.constant 0 : i32
            scf.yield %reduce_max3A_369, %cond3A_370, %while3A_365#0, %while3A_365#1, %while3A_365#2, %while3A_365#3 : f32, i32, vector<16xf32>, vector<16xi32>, vector<16xf32>, vector<16xi32>
          } else {
            scf.yield %scan3A_270, %add3A_322, %scan3A_272, %scan3A_273, %scan3A_274, %scan3A_275 : f32, i32, vector<16xf32>, vector<16xi32>, vector<16xf32>, vector<16xi32>
          }
          scf.yield %cond3A_325#0, %cond3A_325#1, %cond3A_325#2, %cond3A_325#3, %cond3A_325#4, %cond3A_325#5 : f32, i32, vector<16xf32>, vector<16xi32>, vector<16xf32>, vector<16xi32>
        }
        %scan3A_213 = arith.constant 32 : i32
        %broadcast_in_dim3A_214 = vector.broadcast %squeeze3A : f32 to vector<16xf32>
        %swap3A_215 = arith.index_cast %scan3A_212#1 : i32 to index
        %swap3A_216 = tpu.vector_load %arg10[%swap3A_215] {strides = array<i32>} : memref<145xf32, #tpu.memory_space<vmem>>, vector<16xf32>,
        tpu.vector_store %arg10[%swap3A_215], %broadcast_in_dim3A_214 {strides = array<i32>} : memref<145xf32, #tpu.memory_space<vmem>>, vector<16xf32>,
        %add3A_217 = arith.constant 15 : i32
        %add3A_218 = arith.addi %scan3A_212#1, %add3A_217 : i32
        %jit3A_219 = arith.constant 16 : i32
        %div3A_220 = arith.divsi %add3A_218, %jit3A_219 : i32
        %sign3A_221 = arith.constant 0 : i32
        %sign3A_222 = arith.cmpi sgt, %add3A_218, %sign3A_221 : i32
        %sign3A_223 = arith.extui %sign3A_222 : i1 to i32
        %sign3A_224 = arith.constant 0 : i32
        %sign3A_225 = arith.cmpi slt, %add3A_218, %sign3A_224 : i32
        %sign3A_226 = arith.extui %sign3A_225 : i1 to i32
        %sign3A_227 = arith.subi %sign3A_223, %sign3A_226 : i32
        %sign3A_228 = arith.constant 0 : i32
        %sign3A_229 = arith.cmpi sgt, %jit3A_219, %sign3A_228 : i32
        %sign3A_230 = arith.extui %sign3A_229 : i1 to i32
        %sign3A_231 = arith.constant 0 : i32
        %sign3A_232 = arith.cmpi slt, %jit3A_219, %sign3A_231 : i32
        %sign3A_233 = arith.extui %sign3A_232 : i1 to i32
        %sign3A_234 = arith.subi %sign3A_230, %sign3A_233 : i32
        %ne3A_235 = arith.cmpi ne, %sign3A_227, %sign3A_234 : i32
        %rem3A_236 = arith.remsi %add3A_218, %jit3A_219 : i32
        %ne3A_237 = arith.constant 0 : i32
        %ne3A_238 = arith.cmpi ne, %rem3A_236, %ne3A_237 : i32
        %and3A_239 = arith.andi %ne3A_235, %ne3A_238 : i1
        %sub3A_240 = arith.constant 1 : i32
        %sub3A_241 = arith.subi %div3A_220, %sub3A_240 : i32
        %select_n3A_242 = arith.select %and3A_239, %sub3A_241, %div3A_220 : i32
        %while3A_243 = arith.constant 0 : i32
        %while3A_244 = arith.subi %select_n3A_242, %while3A_243 : i32
        %while3A_245 = arith.addi %while3A_243, %while3A_244 : i32
        %while3A_246 = arith.constant 1 : i32
        %while3A_247 = arith.divsi %while3A_244, %while3A_246 : i32
        %while3A_248 = arith.muli %while3A_247, %while3A_246 : i32
        %while3A_249 = arith.addi %while3A_243, %while3A_248 : i32
        %while3A_250 = arith.constant 1 : i32
        %while3A_251:4 = scf.for %while3A_269 = %while3A_243 to %while3A_249 step %while3A_250 iter_args(%while3A_270 = %scan3A_212#2, %while3A_271 = %scan3A_212#3, %while3A_272 = %scan3A_212#4, %while3A_273 = %scan3A_212#5) -> (vector<16xf32>, vector<16xi32>, vector<16xf32>, vector<16xi32>)  : i32 {
          %mul3A_274 = arith.constant 16 : i32
          %mul3A_275 = arith.muli %while3A_269, %mul3A_274 : i32
          %get3A_276 = arith.index_cast %mul3A_275 : i32 to index
          %get3A_277 = tpu.vector_load %arg10[%get3A_276] {strides = array<i32>} : memref<145xf32, #tpu.memory_space<vmem>>, vector<16xf32>,
          %mul3A_278 = arith.constant 16 : i32
          %mul3A_279 = arith.muli %while3A_269, %mul3A_278 : i32
          %get3A_280 = arith.index_cast %mul3A_279 : i32 to index
          %get3A_281 = tpu.vector_load %arg11[%get3A_280] {strides = array<i32>} : memref<145xi32, #tpu.memory_space<vmem>>, vector<16xi32>,
          %masked_sort3A_282 = arith.constant dense<true> : vector<16xi1>
          %masked_sort3A_283, %masked_sort3A_284, %masked_sort3A_285 = tpu.sort %get3A_277, %get3A_281 masked %masked_sort3A_282 : (vector<16xf32>, vector<16xi32>, vector<16xi1>) -> (vector<16xi1>, vector<16xf32>, vector<16xi32>)
          %rev3A_286 = arith.constant 15 : i32
          %rev3A_287 = vector.broadcast %rev3A_286 : i32 to vector<16xi32>
          %rev3A_288 = tpu.iota {dimensions = array<i32: 0>} : vector<16xi32>
          %rev3A_289 = arith.subi %rev3A_287, %rev3A_288 : vector<16xi32>
          %rev3A_290 = tpu.dynamic_gather %masked_sort3A_284[%rev3A_289] in [0] : vector<16xf32>, vector<16xi32> -> vector<16xf32>
          %rev3A_291 = arith.constant 15 : i32
          %rev3A_292 = vector.broadcast %rev3A_291 : i32 to vector<16xi32>
          %rev3A_293 = tpu.iota {dimensions = array<i32: 0>} : vector<16xi32>
          %rev3A_294 = arith.subi %rev3A_292, %rev3A_293 : vector<16xi32>
          %rev3A_295 = tpu.dynamic_gather %masked_sort3A_285[%rev3A_294] in [0] : vector<16xi32>, vector<16xi32> -> vector<16xi32>
          %lt3A_296 = arith.cmpf olt, %while3A_270, %rev3A_290 : vector<16xf32>
          %eq3A_297 = arith.cmpf oeq, %while3A_270, %rev3A_290 : vector<16xf32>
          %le3A_298 = arith.cmpi sle, %while3A_271, %rev3A_295 : vector<16xi32>
          %and3A_299 = arith.andi %eq3A_297, %le3A_298 : vector<16xi1>
          %or3A_300 = arith.ori %lt3A_296, %and3A_299 : vector<16xi1>
          %select_n3A_301 = arith.select %or3A_300, %while3A_270, %rev3A_290 : vector<16xi1>, vector<16xf32>
          %select_n3A_302 = arith.select %or3A_300, %while3A_271, %rev3A_295 : vector<16xi1>, vector<16xi32>
          %select_n3A_303 = arith.select %or3A_300, %rev3A_290, %while3A_270 : vector<16xi1>, vector<16xf32>
          %select_n3A_304 = arith.select %or3A_300, %rev3A_295, %while3A_271 : vector<16xi1>, vector<16xi32>
          %masked_sort3A_305 = arith.constant dense<true> : vector<16xi1>
          %masked_sort3A_306, %masked_sort3A_307, %masked_sort3A_308 = tpu.sort %select_n3A_301, %select_n3A_302 masked %masked_sort3A_305 : (vector<16xf32>, vector<16xi32>, vector<16xi1>) -> (vector<16xi1>, vector<16xf32>, vector<16xi32>)
          %masked_sort3A_309 = arith.constant dense<true> : vector<16xi1>
          %masked_sort3A_310, %masked_sort3A_311, %masked_sort3A_312 = tpu.sort %select_n3A_303, %select_n3A_304 masked %masked_sort3A_309 : (vector<16xf32>, vector<16xi32>, vector<16xi1>) -> (vector<16xi1>, vector<16xf32>, vector<16xi32>)
          %rev3A_313 = arith.constant 15 : i32
          %rev3A_314 = vector.broadcast %rev3A_313 : i32 to vector<16xi32>
          %rev3A_315 = tpu.iota {dimensions = array<i32: 0>} : vector<16xi32>
          %rev3A_316 = arith.subi %rev3A_314, %rev3A_315 : vector<16xi32>
          %rev3A_317 = tpu.dynamic_gather %masked_sort3A_311[%rev3A_316] in [0] : vector<16xf32>, vector<16xi32> -> vector<16xf32>
          %rev3A_318 = arith.constant 15 : i32
          %rev3A_319 = vector.broadcast %rev3A_318 : i32 to vector<16xi32>
          %rev3A_320 = tpu.iota {dimensions = array<i32: 0>} : vector<16xi32>
          %rev3A_321 = arith.subi %rev3A_319, %rev3A_320 : vector<16xi32>
          %rev3A_322 = tpu.dynamic_gather %masked_sort3A_312[%rev3A_321] in [0] : vector<16xi32>, vector<16xi32> -> vector<16xi32>
          %lt3A_323 = arith.cmpf olt, %while3A_272, %rev3A_317 : vector<16xf32>
          %eq3A_324 = arith.cmpf oeq, %while3A_272, %rev3A_317 : vector<16xf32>
          %le3A_325 = arith.cmpi sle, %while3A_273, %rev3A_322 : vector<16xi32>
          %and3A_326 = arith.andi %eq3A_324, %le3A_325 : vector<16xi1>
          %or3A_327 = arith.ori %lt3A_323, %and3A_326 : vector<16xi1>
          %select_n3A_328 = arith.select %or3A_327, %while3A_272, %rev3A_317 : vector<16xi1>, vector<16xf32>
          %select_n3A_329 = arith.select %or3A_327, %while3A_273, %rev3A_322 : vector<16xi1>, vector<16xi32>
          %select_n3A_330 = arith.select %or3A_327, %rev3A_317, %while3A_272 : vector<16xi1>, vector<16xf32>
          %select_n3A_331 = arith.select %or3A_327, %rev3A_322, %while3A_273 : vector<16xi1>, vector<16xi32>
          %masked_sort3A_332 = arith.constant dense<true> : vector<16xi1>
          %masked_sort3A_333, %masked_sort3A_334, %masked_sort3A_335 = tpu.sort %select_n3A_328, %select_n3A_329 masked %masked_sort3A_332 : (vector<16xf32>, vector<16xi32>, vector<16xi1>) -> (vector<16xi1>, vector<16xf32>, vector<16xi32>)
          %masked_sort3A_336 = arith.constant dense<true> : vector<16xi1>
          %masked_sort3A_337, %masked_sort3A_338, %masked_sort3A_339 = tpu.sort %select_n3A_330, %select_n3A_331 masked %masked_sort3A_336 : (vector<16xf32>, vector<16xi32>, vector<16xi1>) -> (vector<16xi1>, vector<16xf32>, vector<16xi32>)
          scf.yield %masked_sort3A_307, %masked_sort3A_308, %masked_sort3A_334, %masked_sort3A_335 : vector<16xf32>, vector<16xi32>, vector<16xf32>, vector<16xi32>
        }
        %while3A_252 = arith.constant 1 : i32
        %while3A_253:4 = scf.for %while3A_269 = %while3A_249 to %while3A_245 step %while3A_252 iter_args(%while3A_270 = %while3A_251#0, %while3A_271 = %while3A_251#1, %while3A_272 = %while3A_251#2, %while3A_273 = %while3A_251#3) -> (vector<16xf32>, vector<16xi32>, vector<16xf32>, vector<16xi32>)  : i32 {
          %mul3A_274 = arith.constant 16 : i32
          %mul3A_275 = arith.muli %while3A_269, %mul3A_274 : i32
          %get3A_276 = arith.index_cast %mul3A_275 : i32 to index
          %get3A_277 = tpu.vector_load %arg10[%get3A_276] {strides = array<i32>} : memref<145xf32, #tpu.memory_space<vmem>>, vector<16xf32>,
          %mul3A_278 = arith.constant 16 : i32
          %mul3A_279 = arith.muli %while3A_269, %mul3A_278 : i32
          %get3A_280 = arith.index_cast %mul3A_279 : i32 to index
          %get3A_281 = tpu.vector_load %arg11[%get3A_280] {strides = array<i32>} : memref<145xi32, #tpu.memory_space<vmem>>, vector<16xi32>,
          %masked_sort3A_282 = arith.constant dense<true> : vector<16xi1>
          %masked_sort3A_283, %masked_sort3A_284, %masked_sort3A_285 = tpu.sort %get3A_277, %get3A_281 masked %masked_sort3A_282 : (vector<16xf32>, vector<16xi32>, vector<16xi1>) -> (vector<16xi1>, vector<16xf32>, vector<16xi32>)
          %rev3A_286 = arith.constant 15 : i32
          %rev3A_287 = vector.broadcast %rev3A_286 : i32 to vector<16xi32>
          %rev3A_288 = tpu.iota {dimensions = array<i32: 0>} : vector<16xi32>
          %rev3A_289 = arith.subi %rev3A_287, %rev3A_288 : vector<16xi32>
          %rev3A_290 = tpu.dynamic_gather %masked_sort3A_284[%rev3A_289] in [0] : vector<16xf32>, vector<16xi32> -> vector<16xf32>
          %rev3A_291 = arith.constant 15 : i32
          %rev3A_292 = vector.broadcast %rev3A_291 : i32 to vector<16xi32>
          %rev3A_293 = tpu.iota {dimensions = array<i32: 0>} : vector<16xi32>
          %rev3A_294 = arith.subi %rev3A_292, %rev3A_293 : vector<16xi32>
          %rev3A_295 = tpu.dynamic_gather %masked_sort3A_285[%rev3A_294] in [0] : vector<16xi32>, vector<16xi32> -> vector<16xi32>
          %lt3A_296 = arith.cmpf olt, %while3A_270, %rev3A_290 : vector<16xf32>
          %eq3A_297 = arith.cmpf oeq, %while3A_270, %rev3A_290 : vector<16xf32>
          %le3A_298 = arith.cmpi sle, %while3A_271, %rev3A_295 : vector<16xi32>
          %and3A_299 = arith.andi %eq3A_297, %le3A_298 : vector<16xi1>
          %or3A_300 = arith.ori %lt3A_296, %and3A_299 : vector<16xi1>
          %select_n3A_301 = arith.select %or3A_300, %while3A_270, %rev3A_290 : vector<16xi1>, vector<16xf32>
          %select_n3A_302 = arith.select %or3A_300, %while3A_271, %rev3A_295 : vector<16xi1>, vector<16xi32>
          %select_n3A_303 = arith.select %or3A_300, %rev3A_290, %while3A_270 : vector<16xi1>, vector<16xf32>
          %select_n3A_304 = arith.select %or3A_300, %rev3A_295, %while3A_271 : vector<16xi1>, vector<16xi32>
          %masked_sort3A_305 = arith.constant dense<true> : vector<16xi1>
          %masked_sort3A_306, %masked_sort3A_307, %masked_sort3A_308 = tpu.sort %select_n3A_301, %select_n3A_302 masked %masked_sort3A_305 : (vector<16xf32>, vector<16xi32>, vector<16xi1>) -> (vector<16xi1>, vector<16xf32>, vector<16xi32>)
          %masked_sort3A_309 = arith.constant dense<true> : vector<16xi1>
          %masked_sort3A_310, %masked_sort3A_311, %masked_sort3A_312 = tpu.sort %select_n3A_303, %select_n3A_304 masked %masked_sort3A_309 : (vector<16xf32>, vector<16xi32>, vector<16xi1>) -> (vector<16xi1>, vector<16xf32>, vector<16xi32>)
          %rev3A_313 = arith.constant 15 : i32
          %rev3A_314 = vector.broadcast %rev3A_313 : i32 to vector<16xi32>
          %rev3A_315 = tpu.iota {dimensions = array<i32: 0>} : vector<16xi32>
          %rev3A_316 = arith.subi %rev3A_314, %rev3A_315 : vector<16xi32>
          %rev3A_317 = tpu.dynamic_gather %masked_sort3A_311[%rev3A_316] in [0] : vector<16xf32>, vector<16xi32> -> vector<16xf32>
          %rev3A_318 = arith.constant 15 : i32
          %rev3A_319 = vector.broadcast %rev3A_318 : i32 to vector<16xi32>
          %rev3A_320 = tpu.iota {dimensions = array<i32: 0>} : vector<16xi32>
          %rev3A_321 = arith.subi %rev3A_319, %rev3A_320 : vector<16xi32>
          %rev3A_322 = tpu.dynamic_gather %masked_sort3A_312[%rev3A_321] in [0] : vector<16xi32>, vector<16xi32> -> vector<16xi32>
          %lt3A_323 = arith.cmpf olt, %while3A_272, %rev3A_317 : vector<16xf32>
          %eq3A_324 = arith.cmpf oeq, %while3A_272, %rev3A_317 : vector<16xf32>
          %le3A_325 = arith.cmpi sle, %while3A_273, %rev3A_322 : vector<16xi32>
          %and3A_326 = arith.andi %eq3A_324, %le3A_325 : vector<16xi1>
          %or3A_327 = arith.ori %lt3A_323, %and3A_326 : vector<16xi1>
          %select_n3A_328 = arith.select %or3A_327, %while3A_272, %rev3A_317 : vector<16xi1>, vector<16xf32>
          %select_n3A_329 = arith.select %or3A_327, %while3A_273, %rev3A_322 : vector<16xi1>, vector<16xi32>
          %select_n3A_330 = arith.select %or3A_327, %rev3A_317, %while3A_272 : vector<16xi1>, vector<16xf32>
          %select_n3A_331 = arith.select %or3A_327, %rev3A_322, %while3A_273 : vector<16xi1>, vector<16xi32>
          %masked_sort3A_332 = arith.constant dense<true> : vector<16xi1>
          %masked_sort3A_333, %masked_sort3A_334, %masked_sort3A_335 = tpu.sort %select_n3A_328, %select_n3A_329 masked %masked_sort3A_332 : (vector<16xf32>, vector<16xi32>, vector<16xi1>) -> (vector<16xi1>, vector<16xf32>, vector<16xi32>)
          %masked_sort3A_336 = arith.constant dense<true> : vector<16xi1>
          %masked_sort3A_337, %masked_sort3A_338, %masked_sort3A_339 = tpu.sort %select_n3A_330, %select_n3A_331 masked %masked_sort3A_336 : (vector<16xf32>, vector<16xi32>, vector<16xi1>) -> (vector<16xi1>, vector<16xf32>, vector<16xi32>)
          scf.yield %masked_sort3A_307, %masked_sort3A_308, %masked_sort3A_334, %masked_sort3A_335 : vector<16xf32>, vector<16xi32>, vector<16xf32>, vector<16xi32>
        }
        %reduce_max3A_254 = arith.constant true
        %reduce_max3A_255 = vector.broadcast %reduce_max3A_254 : i1 to vector<16xi1>
        %reduce_max3A_256 = tpu.scan <max>, %while3A_253#2 masked %reduce_max3A_255 : vector<16xf32>, vector<16xi1> -> vector<16xf32>
        %reduce_max3A_257 = vector.extract %reduce_max3A_256[15] : f32 from vector<16xf32>
        %mul3A_258 = arith.constant 32 : i32
        %mul3A_259 = arith.muli %while3A_34, %mul3A_258 : i32
        %swap3A_260 = arith.index_cast %mul3A_259 : i32 to index
        %swap3A_261 = tpu.vector_load %arg12[%swap3A_260] {strides = array<i32>} : memref<4096xi32, #tpu.memory_space<vmem>>, vector<16xi32>,
        tpu.vector_store %arg12[%swap3A_260], %while3A_253#1 {strides = array<i32>} : memref<4096xi32, #tpu.memory_space<vmem>>, vector<16xi32>,
        %mul3A_262 = arith.constant 32 : i32
        %mul3A_263 = arith.muli %while3A_34, %mul3A_262 : i32
        %add3A_264 = arith.constant 16 : i32
        %add3A_265 = arith.addi %mul3A_263, %add3A_264 : i32
        %swap3A_266 = arith.index_cast %add3A_265 : i32 to index
        %swap3A_267 = tpu.vector_load %arg12[%swap3A_266] {strides = array<i32>} : memref<4096xi32, #tpu.memory_space<vmem>>, vector<16xi32>,
        tpu.vector_store %arg12[%swap3A_266], %while3A_253#3 {strides = array<i32>} : memref<4096xi32, #tpu.memory_space<vmem>>, vector<16xi32>,
        %while3A_268 = arith.constant 0 : i32
        scf.yield %while3A_268 : i32
      }
      %scan3A_33 = arith.constant 0 : i32
      scf.yield %scan3A_33 : i32
    }
    %scan3A_9 = arith.constant 16 : i32
    %mul3A_10 = arith.constant 32 : i32
    %mul3A_11 = arith.muli %mul3A_3, %mul3A_10 : i32
    "tpu.region"() ({
      %run_scoped3A = tpu.sem_alloc : memref<!tpu.dma_semaphore, #tpu.memory_space<semaphore_mem>>
      %dma_start3A = tpu.memref_slice %arg5[%mul3A_11] : memref<131072xi32, #tpu.memory_space<hbm>> -> memref<4096xi32, #tpu.memory_space<hbm>>
      %dma_start3A_12 = tpu.memref_slice %arg5[%mul3A_11] : memref<131072xi32, #tpu.memory_space<hbm>> -> memref<4096xi32, #tpu.memory_space<hbm>>
      tpu.enqueue_dma source(%arg12 : memref<4096xi32, #tpu.memory_space<vmem>>) target(%dma_start3A_12 : memref<4096xi32, #tpu.memory_space<hbm>>) target_semaphore(%run_scoped3A : memref<!tpu.dma_semaphore, #tpu.memory_space<semaphore_mem>>)
      %dma_wait3A = tpu.memref_slice %arg5[%mul3A_11] : memref<131072xi32, #tpu.memory_space<hbm>> -> memref<4096xi32, #tpu.memory_space<hbm>>
      %dma_wait3A_13 = tpu.memref_slice %arg5[%mul3A_11] : memref<131072xi32, #tpu.memory_space<hbm>> -> memref<4096xi32, #tpu.memory_space<hbm>>
      tpu.wait_dma2 semaphore(%run_scoped3A : memref<!tpu.dma_semaphore, #tpu.memory_space<semaphore_mem>>) src(%arg12 : memref<4096xi32, #tpu.memory_space<vmem>>) dst(%dma_wait3A_13 : memref<4096xi32, #tpu.memory_space<hbm>>)
      tpu.yield
    }) : () -> ()
    return
  }
}

module attributes {stable_mosaic.version = 14 : i64} {
  func.func @_fps_body(%arg0: memref<8x64x128xf32, #tpu.memory_space<vmem>>, %arg1: memref<8x64x128xf32, #tpu.memory_space<vmem>>, %arg2: memref<8x64x128xf32, #tpu.memory_space<vmem>>, %arg3: memref<8x4x128xi32, #tpu.memory_space<vmem>>, %arg4: memref<8x4x128xf32, #tpu.memory_space<vmem>>, %arg5: memref<8x4x128xf32, #tpu.memory_space<vmem>>, %arg6: memref<8x4x128xf32, #tpu.memory_space<vmem>>) attributes {dimension_semantics = [], scalar_prefetch = 0 : i64, scratch_operands = 0 : i64, tpu.core_type = #tpu.core_type<tc>} {
    %get3A = arith.constant 0 : index
    %get3A_0 = arith.constant 0 : index
    %get3A_1 = arith.constant 0 : index
    %get3A_2 = vector.load %arg0[%get3A, %get3A_0, %get3A_1] : memref<8x64x128xf32, #tpu.memory_space<vmem>>, vector<8x64x128xf32>
    %get3A_3 = arith.constant 0 : index
    %get3A_4 = arith.constant 0 : index
    %get3A_5 = arith.constant 0 : index
    %get3A_6 = vector.load %arg1[%get3A_3, %get3A_4, %get3A_5] : memref<8x64x128xf32, #tpu.memory_space<vmem>>, vector<8x64x128xf32>
    %get3A_7 = arith.constant 0 : index
    %get3A_8 = arith.constant 0 : index
    %get3A_9 = arith.constant 0 : index
    %get3A_10 = vector.load %arg2[%get3A_7, %get3A_8, %get3A_9] : memref<8x64x128xf32, #tpu.memory_space<vmem>>, vector<8x64x128xf32>
    %iota3A = tpu.iota {dimensions = array<i32: 1>} : vector<8x64x128xi32>
    %mul3A = arith.constant 128 : i32
    %mul3A_11 = vector.broadcast %mul3A : i32 to vector<8x64x128xi32>
    %mul3A_12 = arith.muli %iota3A, %mul3A_11 : vector<8x64x128xi32>
    %iota3A_13 = tpu.iota {dimensions = array<i32: 2>} : vector<8x64x128xi32>
    %add3A = arith.addi %mul3A_12, %iota3A_13 : vector<8x64x128xi32>
    %iota3A_14 = tpu.iota {dimensions = array<i32: 1>} : vector<8x4x128xi32>
    %mul3A_15 = arith.constant 128 : i32
    %mul3A_16 = vector.broadcast %mul3A_15 : i32 to vector<8x4x128xi32>
    %mul3A_17 = arith.muli %iota3A_14, %mul3A_16 : vector<8x4x128xi32>
    %iota3A_18 = tpu.iota {dimensions = array<i32: 2>} : vector<8x4x128xi32>
    %add3A_19 = arith.addi %mul3A_17, %iota3A_18 : vector<8x4x128xi32>
    %broadcast_in_dim3A = arith.constant 1.000000e+10 : f32
    %broadcast_in_dim3A_20 = vector.broadcast %broadcast_in_dim3A : f32 to vector<8x64x128xf32>
    %broadcast_in_dim3A_21 = arith.constant 0 : i32
    %broadcast_in_dim3A_22 = vector.broadcast %broadcast_in_dim3A_21 : i32 to vector<8x1x1xi32>
    %broadcast_in_dim3A_23 = arith.constant 0 : i32
    %broadcast_in_dim3A_24 = vector.broadcast %broadcast_in_dim3A_23 : i32 to vector<8x4x128xi32>
    %broadcast_in_dim3A_25 = arith.constant 0.000000e+00 : f32
    %broadcast_in_dim3A_26 = vector.broadcast %broadcast_in_dim3A_25 : f32 to vector<8x4x128xf32>
    %broadcast_in_dim3A_27 = arith.constant 0.000000e+00 : f32
    %broadcast_in_dim3A_28 = vector.broadcast %broadcast_in_dim3A_27 : f32 to vector<8x4x128xf32>
    %broadcast_in_dim3A_29 = arith.constant 0.000000e+00 : f32
    %broadcast_in_dim3A_30 = vector.broadcast %broadcast_in_dim3A_29 : f32 to vector<8x4x128xf32>
    %scan3A = arith.constant 0 : i32
    %scan3A_31 = arith.constant 512 : i32
    %scan3A_32 = arith.addi %scan3A, %scan3A_31 : i32
    %scan3A_33 = arith.constant 1 : i32
    %scan3A_34:6 = scf.for %scan3A_51 = %scan3A to %scan3A_32 step %scan3A_33 iter_args(%scan3A_52 = %broadcast_in_dim3A_20, %scan3A_53 = %broadcast_in_dim3A_22, %scan3A_54 = %broadcast_in_dim3A_24, %scan3A_55 = %broadcast_in_dim3A_26, %scan3A_56 = %broadcast_in_dim3A_28, %scan3A_57 = %broadcast_in_dim3A_30) -> (vector<8x64x128xf32>, vector<8x1x1xi32>, vector<8x4x128xi32>, vector<8x4x128xf32>, vector<8x4x128xf32>, vector<8x4x128xf32>)  : i32 {
      %eq3A = vector.broadcast %scan3A_53 : vector<8x1x1xi32> to vector<8x64x128xi32>
      %eq3A_58 = arith.cmpi eq, %add3A, %eq3A : vector<8x64x128xi32>
      %jit3A = arith.constant 0.000000e+00 : f32
      %broadcast_in_dim3A_59 = vector.broadcast %jit3A : f32 to vector<8x64x128xf32>
      %select_n3A = arith.select %eq3A_58, %get3A_2, %broadcast_in_dim3A_59 : vector<8x64x128xi1>, vector<8x64x128xf32>
      %reduce_sum3A = arith.constant dense<0.000000e+00> : vector<8xf32>
      %reduce_sum3A_60 = vector.multi_reduction <add>, %select_n3A, %reduce_sum3A [1, 2] : vector<8x64x128xf32> to vector<8xf32>
      %broadcast_in_dim3A_61 = vector.shape_cast %reduce_sum3A_60 : vector<8xf32> to vector<8x1x1xf32>
      %jit3A_62 = arith.constant 0.000000e+00 : f32
      %broadcast_in_dim3A_63 = vector.broadcast %jit3A_62 : f32 to vector<8x64x128xf32>
      %select_n3A_64 = arith.select %eq3A_58, %get3A_6, %broadcast_in_dim3A_63 : vector<8x64x128xi1>, vector<8x64x128xf32>
      %reduce_sum3A_65 = arith.constant dense<0.000000e+00> : vector<8xf32>
      %reduce_sum3A_66 = vector.multi_reduction <add>, %select_n3A_64, %reduce_sum3A_65 [1, 2] : vector<8x64x128xf32> to vector<8xf32>
      %broadcast_in_dim3A_67 = vector.shape_cast %reduce_sum3A_66 : vector<8xf32> to vector<8x1x1xf32>
      %jit3A_68 = arith.constant 0.000000e+00 : f32
      %broadcast_in_dim3A_69 = vector.broadcast %jit3A_68 : f32 to vector<8x64x128xf32>
      %select_n3A_70 = arith.select %eq3A_58, %get3A_10, %broadcast_in_dim3A_69 : vector<8x64x128xi1>, vector<8x64x128xf32>
      %reduce_sum3A_71 = arith.constant dense<0.000000e+00> : vector<8xf32>
      %reduce_sum3A_72 = vector.multi_reduction <add>, %select_n3A_70, %reduce_sum3A_71 [1, 2] : vector<8x64x128xf32> to vector<8xf32>
      %broadcast_in_dim3A_73 = vector.shape_cast %reduce_sum3A_72 : vector<8xf32> to vector<8x1x1xf32>
      %eq3A_74 = vector.broadcast %scan3A_51 : i32 to vector<8x4x128xi32>
      %eq3A_75 = arith.cmpi eq, %add3A_19, %eq3A_74 : vector<8x4x128xi32>
      %broadcast_in_dim3A_76 = vector.shape_cast %scan3A_53 : vector<8x1x1xi32> to vector<8x1x1xi32>
      %broadcast_in_dim3A_77 = vector.broadcast %broadcast_in_dim3A_76 : vector<8x1x1xi32> to vector<8x4x128xi32>
      %select_n3A_78 = arith.select %eq3A_75, %broadcast_in_dim3A_77, %scan3A_54 : vector<8x4x128xi1>, vector<8x4x128xi32>
      %broadcast_in_dim3A_79 = vector.shape_cast %broadcast_in_dim3A_61 : vector<8x1x1xf32> to vector<8x1x1xf32>
      %broadcast_in_dim3A_80 = vector.broadcast %broadcast_in_dim3A_79 : vector<8x1x1xf32> to vector<8x4x128xf32>
      %select_n3A_81 = arith.select %eq3A_75, %broadcast_in_dim3A_80, %scan3A_55 : vector<8x4x128xi1>, vector<8x4x128xf32>
      %broadcast_in_dim3A_82 = vector.shape_cast %broadcast_in_dim3A_67 : vector<8x1x1xf32> to vector<8x1x1xf32>
      %broadcast_in_dim3A_83 = vector.broadcast %broadcast_in_dim3A_82 : vector<8x1x1xf32> to vector<8x4x128xf32>
      %select_n3A_84 = arith.select %eq3A_75, %broadcast_in_dim3A_83, %scan3A_56 : vector<8x4x128xi1>, vector<8x4x128xf32>
      %broadcast_in_dim3A_85 = vector.shape_cast %broadcast_in_dim3A_73 : vector<8x1x1xf32> to vector<8x1x1xf32>
      %broadcast_in_dim3A_86 = vector.broadcast %broadcast_in_dim3A_85 : vector<8x1x1xf32> to vector<8x4x128xf32>
      %select_n3A_87 = arith.select %eq3A_75, %broadcast_in_dim3A_86, %scan3A_57 : vector<8x4x128xi1>, vector<8x4x128xf32>
      %sub3A = vector.broadcast %broadcast_in_dim3A_61 : vector<8x1x1xf32> to vector<8x64x128xf32>
      %sub3A_88 = arith.subf %get3A_2, %sub3A : vector<8x64x128xf32>
      %sub3A_89 = vector.broadcast %broadcast_in_dim3A_67 : vector<8x1x1xf32> to vector<8x64x128xf32>
      %sub3A_90 = arith.subf %get3A_6, %sub3A_89 : vector<8x64x128xf32>
      %sub3A_91 = vector.broadcast %broadcast_in_dim3A_73 : vector<8x1x1xf32> to vector<8x64x128xf32>
      %sub3A_92 = arith.subf %get3A_10, %sub3A_91 : vector<8x64x128xf32>
      %mul3A_93 = arith.mulf %sub3A_88, %sub3A_88 : vector<8x64x128xf32>
      %mul3A_94 = arith.mulf %sub3A_90, %sub3A_90 : vector<8x64x128xf32>
      %add3A_95 = arith.addf %mul3A_93, %mul3A_94 : vector<8x64x128xf32>
      %mul3A_96 = arith.mulf %sub3A_92, %sub3A_92 : vector<8x64x128xf32>
      %add3A_97 = arith.addf %add3A_95, %mul3A_96 : vector<8x64x128xf32>
      %min3A = arith.minimumf %scan3A_52, %add3A_97 : vector<8x64x128xf32>
      %reduce_max3A = arith.constant dense<0xFF800000> : vector<8xf32>
      %reduce_max3A_98 = vector.multi_reduction <maximumf>, %min3A, %reduce_max3A [1, 2] : vector<8x64x128xf32> to vector<8xf32>
      %broadcast_in_dim3A_99 = vector.shape_cast %reduce_max3A_98 : vector<8xf32> to vector<8x1x1xf32>
      %eq3A_100 = vector.broadcast %broadcast_in_dim3A_99 : vector<8x1x1xf32> to vector<8x64x128xf32>
      %eq3A_101 = arith.cmpf oeq, %min3A, %eq3A_100 : vector<8x64x128xf32>
      %jit3A_102 = arith.constant 8192 : i32
      %broadcast_in_dim3A_103 = vector.broadcast %jit3A_102 : i32 to vector<8x64x128xi32>
      %select_n3A_104 = arith.select %eq3A_101, %add3A, %broadcast_in_dim3A_103 : vector<8x64x128xi1>, vector<8x64x128xi32>
      %reduce_min3A = arith.constant dense<2147483647> : vector<8xi32>
      %reduce_min3A_105 = vector.multi_reduction <minsi>, %select_n3A_104, %reduce_min3A [1, 2] : vector<8x64x128xi32> to vector<8xi32>
      %broadcast_in_dim3A_106 = vector.shape_cast %reduce_min3A_105 : vector<8xi32> to vector<8x1x1xi32>
      scf.yield %min3A, %broadcast_in_dim3A_106, %select_n3A_78, %select_n3A_81, %select_n3A_84, %select_n3A_87 : vector<8x64x128xf32>, vector<8x1x1xi32>, vector<8x4x128xi32>, vector<8x4x128xf32>, vector<8x4x128xf32>, vector<8x4x128xf32>
    }
    %scan3A_35 = arith.constant 512 : i32
    %swap3A = arith.constant 0 : index
    %swap3A_36 = arith.constant 0 : index
    %swap3A_37 = arith.constant 0 : index
    %swap3A_38 = vector.load %arg3[%swap3A, %swap3A_36, %swap3A_37] : memref<8x4x128xi32, #tpu.memory_space<vmem>>, vector<8x4x128xi32>
    tpu.vector_store %arg3[%swap3A, %swap3A_36, %swap3A_37], %scan3A_34#2 {strides = array<i32>} : memref<8x4x128xi32, #tpu.memory_space<vmem>>, vector<8x4x128xi32>,
    %swap3A_39 = arith.constant 0 : index
    %swap3A_40 = arith.constant 0 : index
    %swap3A_41 = arith.constant 0 : index
    %swap3A_42 = vector.load %arg4[%swap3A_39, %swap3A_40, %swap3A_41] : memref<8x4x128xf32, #tpu.memory_space<vmem>>, vector<8x4x128xf32>
    tpu.vector_store %arg4[%swap3A_39, %swap3A_40, %swap3A_41], %scan3A_34#3 {strides = array<i32>} : memref<8x4x128xf32, #tpu.memory_space<vmem>>, vector<8x4x128xf32>,
    %swap3A_43 = arith.constant 0 : index
    %swap3A_44 = arith.constant 0 : index
    %swap3A_45 = arith.constant 0 : index
    %swap3A_46 = vector.load %arg5[%swap3A_43, %swap3A_44, %swap3A_45] : memref<8x4x128xf32, #tpu.memory_space<vmem>>, vector<8x4x128xf32>
    tpu.vector_store %arg5[%swap3A_43, %swap3A_44, %swap3A_45], %scan3A_34#4 {strides = array<i32>} : memref<8x4x128xf32, #tpu.memory_space<vmem>>, vector<8x4x128xf32>,
    %swap3A_47 = arith.constant 0 : index
    %swap3A_48 = arith.constant 0 : index
    %swap3A_49 = arith.constant 0 : index
    %swap3A_50 = vector.load %arg6[%swap3A_47, %swap3A_48, %swap3A_49] : memref<8x4x128xf32, #tpu.memory_space<vmem>>, vector<8x4x128xf32>
    tpu.vector_store %arg6[%swap3A_47, %swap3A_48, %swap3A_49], %scan3A_34#5 {strides = array<i32>} : memref<8x4x128xf32, #tpu.memory_space<vmem>>, vector<8x4x128xf32>,
    return
  }
}

module attributes {stable_mosaic.version = 14 : i64} {
  func.func @_dist_body(%arg0: i32, %arg1: i32, %arg2: memref<1x128x3xf32, #tpu.memory_space<vmem>>, %arg3: memref<1x3x8192xf32, #tpu.memory_space<vmem>>, %arg4: memref<1x1x8192xf32, #tpu.memory_space<vmem>>, %arg5: memref<1x1x8192xf32, #tpu.memory_space<vmem>>, %arg6: memref<1x1x8192xf32, #tpu.memory_space<vmem>>, %arg7: memref<1x3x8192xf32, #tpu.memory_space<vmem>>, %arg8: memref<1x1x8192xf32, #tpu.memory_space<vmem>>, %arg9: memref<1x1x8192xf32, #tpu.memory_space<vmem>>, %arg10: memref<1x1x8192xf32, #tpu.memory_space<vmem>>, %arg11: memref<1x128x8192xf32, #tpu.memory_space<vmem>>, %arg12: memref<1x128x512xf32, #tpu.memory_space<vmem>>) attributes {dimension_semantics = [#tpu.dimension_semantics<arbitrary>, #tpu.dimension_semantics<arbitrary>], iteration_bounds = array<i64: 8, 4>, scalar_prefetch = 0 : i64, scratch_operands = 0 : i64, tpu.core_type = #tpu.core_type<tc>, window_params = [{transform_indices = @transform_0, window_bounds = array<i64: 1, 128, 3>}, {transform_indices = @transform_1, window_bounds = array<i64: 1, 3, 8192>}, {transform_indices = @transform_2, window_bounds = array<i64: 1, 1, 8192>}, {transform_indices = @transform_3, window_bounds = array<i64: 1, 1, 8192>}, {transform_indices = @transform_4, window_bounds = array<i64: 1, 1, 8192>}, {transform_indices = @transform_5, window_bounds = array<i64: 1, 3, 8192>}, {transform_indices = @transform_6, window_bounds = array<i64: 1, 1, 8192>}, {transform_indices = @transform_7, window_bounds = array<i64: 1, 1, 8192>}, {transform_indices = @transform_8, window_bounds = array<i64: 1, 1, 8192>}, {transform_indices = @transform_9, window_bounds = array<i64: 1, 128, 8192>}, {transform_indices = @transform_10, window_bounds = array<i64: 1, 128, 512>}]} {
    %get3A = arith.constant 0 : index
    %get3A_0 = arith.constant 0 : index
    %get3A_1 = arith.constant 0 : index
    %get3A_2 = vector.load %arg2[%get3A, %get3A_0, %get3A_1] : memref<1x128x3xf32, #tpu.memory_space<vmem>>, vector<1x128x3xf32>
    %get3A_3 = vector.shape_cast %get3A_2 : vector<1x128x3xf32> to vector<128x3xf32>
    %get3A_4 = arith.constant 0 : index
    %get3A_5 = arith.constant 0 : index
    %get3A_6 = arith.constant 0 : index
    %get3A_7 = vector.load %arg3[%get3A_4, %get3A_5, %get3A_6] : memref<1x3x8192xf32, #tpu.memory_space<vmem>>, vector<1x3x8192xf32>
    %get3A_8 = vector.shape_cast %get3A_7 : vector<1x3x8192xf32> to vector<3x8192xf32>
    %get3A_9 = arith.constant 0 : index
    %get3A_10 = arith.constant 0 : index
    %get3A_11 = arith.constant 0 : index
    %get3A_12 = vector.load %arg4[%get3A_9, %get3A_10, %get3A_11] : memref<1x1x8192xf32, #tpu.memory_space<vmem>>, vector<1x1x8192xf32>
    %squeeze3A = vector.shape_cast %get3A_12 : vector<1x1x8192xf32> to vector<1x8192xf32>
    %get3A_13 = arith.constant 0 : index
    %get3A_14 = arith.constant 0 : index
    %get3A_15 = arith.constant 0 : index
    %get3A_16 = vector.load %arg5[%get3A_13, %get3A_14, %get3A_15] : memref<1x1x8192xf32, #tpu.memory_space<vmem>>, vector<1x1x8192xf32>
    %squeeze3A_17 = vector.shape_cast %get3A_16 : vector<1x1x8192xf32> to vector<1x8192xf32>
    %get3A_18 = arith.constant 0 : index
    %get3A_19 = arith.constant 0 : index
    %get3A_20 = arith.constant 0 : index
    %get3A_21 = vector.load %arg6[%get3A_18, %get3A_19, %get3A_20] : memref<1x1x8192xf32, #tpu.memory_space<vmem>>, vector<1x1x8192xf32>
    %squeeze3A_22 = vector.shape_cast %get3A_21 : vector<1x1x8192xf32> to vector<1x8192xf32>
    %dot_general3A = arith.constant dense<0.000000e+00> : vector<128x8192xf32>
    %dot_general3A_23 = tpu.matmul %get3A_3, %get3A_8, %dot_general3A {dimension_numbers = #tpu.dot_dimension_numbers<[1], [0], [0], [1], [0, 0, 1, 1], [], []>, transpose_lhs_hint = false} : vector<128x3xf32>, vector<3x8192xf32>, vector<128x8192xf32> -> vector<128x8192xf32>
    %slice3A = vector.extract_strided_slice %get3A_3 {offsets = [0, 0], sizes = [128, 1], strides = [1, 1]} : vector<128x3xf32> to vector<128x1xf32>
    %slice3A_24 = vector.extract_strided_slice %get3A_3 {offsets = [0, 1], sizes = [128, 1], strides = [1, 1]} : vector<128x3xf32> to vector<128x1xf32>
    %slice3A_25 = vector.extract_strided_slice %get3A_3 {offsets = [0, 2], sizes = [128, 1], strides = [1, 1]} : vector<128x3xf32> to vector<128x1xf32>
    %mul3A = arith.mulf %slice3A, %slice3A : vector<128x1xf32>
    %mul3A_26 = arith.mulf %slice3A_24, %slice3A_24 : vector<128x1xf32>
    %add3A = arith.addf %mul3A, %mul3A_26 : vector<128x1xf32>
    %mul3A_27 = arith.mulf %slice3A_25, %slice3A_25 : vector<128x1xf32>
    %add3A_28 = arith.addf %add3A, %mul3A_27 : vector<128x1xf32>
    %mul3A_29 = arith.mulf %squeeze3A, %squeeze3A : vector<1x8192xf32>
    %mul3A_30 = arith.mulf %squeeze3A_17, %squeeze3A_17 : vector<1x8192xf32>
    %add3A_31 = arith.addf %mul3A_29, %mul3A_30 : vector<1x8192xf32>
    %mul3A_32 = arith.mulf %squeeze3A_22, %squeeze3A_22 : vector<1x8192xf32>
    %add3A_33 = arith.addf %add3A_31, %mul3A_32 : vector<1x8192xf32>
    %mul3A_34 = arith.constant -2.000000e+00 : f32
    %mul3A_35 = vector.broadcast %mul3A_34 : f32 to vector<128x8192xf32>
    %mul3A_36 = arith.mulf %mul3A_35, %dot_general3A_23 : vector<128x8192xf32>
    %add3A_37 = vector.broadcast %add3A_28 : vector<128x1xf32> to vector<128x8192xf32>
    %add3A_38 = arith.addf %mul3A_36, %add3A_37 : vector<128x8192xf32>
    %add3A_39 = vector.broadcast %add3A_33 : vector<1x8192xf32> to vector<128x8192xf32>
    %add3A_40 = arith.addf %add3A_38, %add3A_39 : vector<128x8192xf32>
    %swap3A = arith.constant 0 : index
    %swap3A_41 = arith.constant 0 : index
    %swap3A_42 = arith.constant 0 : index
    %swap3A_43 = vector.load %arg11[%swap3A, %swap3A_41, %swap3A_42] : memref<1x128x8192xf32, #tpu.memory_space<vmem>>, vector<1x128x8192xf32>
    %swap3A_44 = vector.shape_cast %swap3A_43 : vector<1x128x8192xf32> to vector<128x8192xf32>
    %swap3A_45 = vector.shape_cast %add3A_40 : vector<128x8192xf32> to vector<1x128x8192xf32>
    tpu.vector_store %arg11[%swap3A, %swap3A_41, %swap3A_42], %swap3A_45 {strides = array<i32>} : memref<1x128x8192xf32, #tpu.memory_space<vmem>>, vector<1x128x8192xf32>,
    %get3A_46 = arith.constant 0 : index
    %get3A_47 = arith.constant 0 : index
    %get3A_48 = arith.constant 0 : index
    %get3A_49 = vector.load %arg7[%get3A_46, %get3A_47, %get3A_48] : memref<1x3x8192xf32, #tpu.memory_space<vmem>>, vector<1x3x8192xf32>
    %get3A_50 = vector.shape_cast %get3A_49 : vector<1x3x8192xf32> to vector<3x8192xf32>
    %get3A_51 = arith.constant 0 : index
    %get3A_52 = arith.constant 0 : index
    %get3A_53 = arith.constant 0 : index
    %get3A_54 = vector.load %arg8[%get3A_51, %get3A_52, %get3A_53] : memref<1x1x8192xf32, #tpu.memory_space<vmem>>, vector<1x1x8192xf32>
    %squeeze3A_55 = vector.shape_cast %get3A_54 : vector<1x1x8192xf32> to vector<1x8192xf32>
    %get3A_56 = arith.constant 0 : index
    %get3A_57 = arith.constant 0 : index
    %get3A_58 = arith.constant 0 : index
    %get3A_59 = vector.load %arg9[%get3A_56, %get3A_57, %get3A_58] : memref<1x1x8192xf32, #tpu.memory_space<vmem>>, vector<1x1x8192xf32>
    %squeeze3A_60 = vector.shape_cast %get3A_59 : vector<1x1x8192xf32> to vector<1x8192xf32>
    %get3A_61 = arith.constant 0 : index
    %get3A_62 = arith.constant 0 : index
    %get3A_63 = arith.constant 0 : index
    %get3A_64 = vector.load %arg10[%get3A_61, %get3A_62, %get3A_63] : memref<1x1x8192xf32, #tpu.memory_space<vmem>>, vector<1x1x8192xf32>
    %squeeze3A_65 = vector.shape_cast %get3A_64 : vector<1x1x8192xf32> to vector<1x8192xf32>
    %dot_general3A_66 = arith.constant dense<0.000000e+00> : vector<128x8192xf32>
    %dot_general3A_67 = tpu.matmul %get3A_3, %get3A_50, %dot_general3A_66 {dimension_numbers = #tpu.dot_dimension_numbers<[1], [0], [0], [1], [0, 0, 1, 1], [], []>, transpose_lhs_hint = false} : vector<128x3xf32>, vector<3x8192xf32>, vector<128x8192xf32> -> vector<128x8192xf32>
    %mul3A_68 = arith.mulf %squeeze3A_55, %squeeze3A_55 : vector<1x8192xf32>
    %mul3A_69 = arith.mulf %squeeze3A_60, %squeeze3A_60 : vector<1x8192xf32>
    %add3A_70 = arith.addf %mul3A_68, %mul3A_69 : vector<1x8192xf32>
    %mul3A_71 = arith.mulf %squeeze3A_65, %squeeze3A_65 : vector<1x8192xf32>
    %add3A_72 = arith.addf %add3A_70, %mul3A_71 : vector<1x8192xf32>
    %mul3A_73 = arith.constant -2.000000e+00 : f32
    %mul3A_74 = vector.broadcast %mul3A_73 : f32 to vector<128x8192xf32>
    %mul3A_75 = arith.mulf %mul3A_74, %dot_general3A_67 : vector<128x8192xf32>
    %add3A_76 = vector.broadcast %add3A_28 : vector<128x1xf32> to vector<128x8192xf32>
    %add3A_77 = arith.addf %mul3A_75, %add3A_76 : vector<128x8192xf32>
    %add3A_78 = vector.broadcast %add3A_72 : vector<1x8192xf32> to vector<128x8192xf32>
    %add3A_79 = arith.addf %add3A_77, %add3A_78 : vector<128x8192xf32>
    %slice3A_80 = vector.extract_strided_slice %add3A_79 {offsets = [0, 0], sizes = [128, 512], strides = [1, 1]} : vector<128x8192xf32> to vector<128x512xf32>
    %slice3A_81 = vector.extract_strided_slice %add3A_79 {offsets = [0, 512], sizes = [128, 512], strides = [1, 1]} : vector<128x8192xf32> to vector<128x512xf32>
    %min3A = arith.minimumf %slice3A_80, %slice3A_81 : vector<128x512xf32>
    %slice3A_82 = vector.extract_strided_slice %add3A_79 {offsets = [0, 1024], sizes = [128, 512], strides = [1, 1]} : vector<128x8192xf32> to vector<128x512xf32>
    %min3A_83 = arith.minimumf %min3A, %slice3A_82 : vector<128x512xf32>
    %slice3A_84 = vector.extract_strided_slice %add3A_79 {offsets = [0, 1536], sizes = [128, 512], strides = [1, 1]} : vector<128x8192xf32> to vector<128x512xf32>
    %min3A_85 = arith.minimumf %min3A_83, %slice3A_84 : vector<128x512xf32>
    %slice3A_86 = vector.extract_strided_slice %add3A_79 {offsets = [0, 2048], sizes = [128, 512], strides = [1, 1]} : vector<128x8192xf32> to vector<128x512xf32>
    %min3A_87 = arith.minimumf %min3A_85, %slice3A_86 : vector<128x512xf32>
    %slice3A_88 = vector.extract_strided_slice %add3A_79 {offsets = [0, 2560], sizes = [128, 512], strides = [1, 1]} : vector<128x8192xf32> to vector<128x512xf32>
    %min3A_89 = arith.minimumf %min3A_87, %slice3A_88 : vector<128x512xf32>
    %slice3A_90 = vector.extract_strided_slice %add3A_79 {offsets = [0, 3072], sizes = [128, 512], strides = [1, 1]} : vector<128x8192xf32> to vector<128x512xf32>
    %min3A_91 = arith.minimumf %min3A_89, %slice3A_90 : vector<128x512xf32>
    %slice3A_92 = vector.extract_strided_slice %add3A_79 {offsets = [0, 3584], sizes = [128, 512], strides = [1, 1]} : vector<128x8192xf32> to vector<128x512xf32>
    %min3A_93 = arith.minimumf %min3A_91, %slice3A_92 : vector<128x512xf32>
    %slice3A_94 = vector.extract_strided_slice %add3A_79 {offsets = [0, 4096], sizes = [128, 512], strides = [1, 1]} : vector<128x8192xf32> to vector<128x512xf32>
    %min3A_95 = arith.minimumf %min3A_93, %slice3A_94 : vector<128x512xf32>
    %slice3A_96 = vector.extract_strided_slice %add3A_79 {offsets = [0, 4608], sizes = [128, 512], strides = [1, 1]} : vector<128x8192xf32> to vector<128x512xf32>
    %min3A_97 = arith.minimumf %min3A_95, %slice3A_96 : vector<128x512xf32>
    %slice3A_98 = vector.extract_strided_slice %add3A_79 {offsets = [0, 5120], sizes = [128, 512], strides = [1, 1]} : vector<128x8192xf32> to vector<128x512xf32>
    %min3A_99 = arith.minimumf %min3A_97, %slice3A_98 : vector<128x512xf32>
    %slice3A_100 = vector.extract_strided_slice %add3A_79 {offsets = [0, 5632], sizes = [128, 512], strides = [1, 1]} : vector<128x8192xf32> to vector<128x512xf32>
    %min3A_101 = arith.minimumf %min3A_99, %slice3A_100 : vector<128x512xf32>
    %slice3A_102 = vector.extract_strided_slice %add3A_79 {offsets = [0, 6144], sizes = [128, 512], strides = [1, 1]} : vector<128x8192xf32> to vector<128x512xf32>
    %min3A_103 = arith.minimumf %min3A_101, %slice3A_102 : vector<128x512xf32>
    %slice3A_104 = vector.extract_strided_slice %add3A_79 {offsets = [0, 6656], sizes = [128, 512], strides = [1, 1]} : vector<128x8192xf32> to vector<128x512xf32>
    %min3A_105 = arith.minimumf %min3A_103, %slice3A_104 : vector<128x512xf32>
    %slice3A_106 = vector.extract_strided_slice %add3A_79 {offsets = [0, 7168], sizes = [128, 512], strides = [1, 1]} : vector<128x8192xf32> to vector<128x512xf32>
    %min3A_107 = arith.minimumf %min3A_105, %slice3A_106 : vector<128x512xf32>
    %slice3A_108 = vector.extract_strided_slice %add3A_79 {offsets = [0, 7680], sizes = [128, 512], strides = [1, 1]} : vector<128x8192xf32> to vector<128x512xf32>
    %min3A_109 = arith.minimumf %min3A_107, %slice3A_108 : vector<128x512xf32>
    %swap3A_110 = arith.constant 0 : index
    %swap3A_111 = arith.constant 0 : index
    %swap3A_112 = arith.constant 0 : index
    %swap3A_113 = vector.load %arg12[%swap3A_110, %swap3A_111, %swap3A_112] : memref<1x128x512xf32, #tpu.memory_space<vmem>>, vector<1x128x512xf32>
    %swap3A_114 = vector.shape_cast %swap3A_113 : vector<1x128x512xf32> to vector<128x512xf32>
    %swap3A_115 = vector.shape_cast %min3A_109 : vector<128x512xf32> to vector<1x128x512xf32>
    tpu.vector_store %arg12[%swap3A_110, %swap3A_111, %swap3A_112], %swap3A_115 {strides = array<i32>} : memref<1x128x512xf32, #tpu.memory_space<vmem>>, vector<1x128x512xf32>,
    return
  }
  func.func @transform_0(%arg0: i32, %arg1: i32) -> (i32, i32, i32) {
    %c0_i32 = arith.constant 0 : i32
    %c0_i32_0 = arith.constant 0 : i32
    return %arg0, %arg1, %c0_i32 : i32, i32, i32
  }
  func.func @transform_1(%arg0: i32, %arg1: i32) -> (i32, i32, i32) {
    %c0_i32 = arith.constant 0 : i32
    %c0_i32_0 = arith.constant 0 : i32
    %c0_i32_1 = arith.constant 0 : i32
    return %arg0, %c0_i32, %c0_i32_0 : i32, i32, i32
  }
  func.func @transform_2(%arg0: i32, %arg1: i32) -> (i32, i32, i32) {
    %c0_i32 = arith.constant 0 : i32
    %c0_i32_0 = arith.constant 0 : i32
    %c0_i32_1 = arith.constant 0 : i32
    return %arg0, %c0_i32, %c0_i32_0 : i32, i32, i32
  }
  func.func @transform_3(%arg0: i32, %arg1: i32) -> (i32, i32, i32) {
    %c0_i32 = arith.constant 0 : i32
    %c0_i32_0 = arith.constant 0 : i32
    %c0_i32_1 = arith.constant 0 : i32
    return %arg0, %c0_i32, %c0_i32_0 : i32, i32, i32
  }
  func.func @transform_4(%arg0: i32, %arg1: i32) -> (i32, i32, i32) {
    %c0_i32 = arith.constant 0 : i32
    %c0_i32_0 = arith.constant 0 : i32
    %c0_i32_1 = arith.constant 0 : i32
    return %arg0, %c0_i32, %c0_i32_0 : i32, i32, i32
  }
  func.func @transform_5(%arg0: i32, %arg1: i32) -> (i32, i32, i32) {
    %c0_i32 = arith.constant 0 : i32
    %c0_i32_0 = arith.constant 0 : i32
    %c0_i32_1 = arith.constant 0 : i32
    return %arg0, %c0_i32, %c0_i32_0 : i32, i32, i32
  }
  func.func @transform_6(%arg0: i32, %arg1: i32) -> (i32, i32, i32) {
    %c0_i32 = arith.constant 0 : i32
    %c0_i32_0 = arith.constant 0 : i32
    %c0_i32_1 = arith.constant 0 : i32
    return %arg0, %c0_i32, %c0_i32_0 : i32, i32, i32
  }
  func.func @transform_7(%arg0: i32, %arg1: i32) -> (i32, i32, i32) {
    %c0_i32 = arith.constant 0 : i32
    %c0_i32_0 = arith.constant 0 : i32
    %c0_i32_1 = arith.constant 0 : i32
    return %arg0, %c0_i32, %c0_i32_0 : i32, i32, i32
  }
  func.func @transform_8(%arg0: i32, %arg1: i32) -> (i32, i32, i32) {
    %c0_i32 = arith.constant 0 : i32
    %c0_i32_0 = arith.constant 0 : i32
    %c0_i32_1 = arith.constant 0 : i32
    return %arg0, %c0_i32, %c0_i32_0 : i32, i32, i32
  }
  func.func @transform_9(%arg0: i32, %arg1: i32) -> (i32, i32, i32) {
    %c0_i32 = arith.constant 0 : i32
    %c0_i32_0 = arith.constant 0 : i32
    return %arg0, %arg1, %c0_i32 : i32, i32, i32
  }
  func.func @transform_10(%arg0: i32, %arg1: i32) -> (i32, i32, i32) {
    %c0_i32 = arith.constant 0 : i32
    %c0_i32_0 = arith.constant 0 : i32
    return %arg0, %arg1, %c0_i32 : i32, i32, i32
  }
}

</mosaic_0001>

<sc_bundles>
// kernel: kernel.6.cloned.1.call-start
scs
__scs_entry_jumppad:
0x0: {  	(pc) =	sbr.rel $0x88, $3  }
0x1: {  	(tag) =	ssettag $0x0;
	lr =	simm.s32 $0x1  }
0x2: {  	[smem:$0x3F9E] =	sst lr;
	_ =	strace $0xD0000000  }
0x3: {  	_ = 	snop  }
0x4: {  	_ = 	snop  }
0x5: {  	_ = 	snop  }
0x6: {  	_ = 	snop  }
0x7: {  	_ = 	snop  }
__scs_overlays_trampoline_lowered:
0x8: {  	[smem:$0x3FAD] =	sst s0  }
0x9: {  	[smem:$0x3FAE] =	sst s1  }
0xa: {  	[smem:$0x3FAF] =	sst s2  }
0xb: {  	[smem:$0x3FB0] =	sst s3  }
0xc: {  	[smem:$0x3FB1] =	sst s4  }
0xd: {  	[smem:$0x3FB2] =	sst s5  }
0xe: {  	[smem:$0x3FB3] =	sst s6  }
0xf: {  	[smem:$0x3FB4] =	sst s7  }
0x10: {  	[smem:$0x3FB5] =	sst s8  }
0x11: {  	[smem:$0x3FB6] =	sst s9;
	s0 =	simm.s32 @!p0 $0x0  }
0x12: {  	s1 =	sld [smem:$0x3F9C];
	s0 =	simm.s32 @p0 $0x1  }
0x13: {  	[smem:$0x3FB7] =	sst s0;
	s0 =	simm.s32 @!p1 $0x0  }
0x14: {  	s2 =	sld [smem:$0x3F9B];
	s0 =	simm.s32 @p1 $0x1  }
0x15: {  	[smem:$0x3FB8] =	sst s0;
	s0 =	simm.s32 @!p2 $0x0  }
0x16: {  	s3 =	sld [smem:$0x3FDB];
	s0 =	simm.s32 @p2 $0x1  }
0x17: {  	s4 =	simm.s32 $0x1BF5;
	[smem:$0x3FBA] =	sst s0  }
0x18: {  	s0 =	sld [smem:$0x3F9D];
	_ =	swait.ge [sflag:s4], $0x0  }
0x19: {  	s7 =	sld [smem:$0x3F9E]  }
0x1a: {  	s8 =	sadd.s32 $0xFFFFE003, lr  }
0x1b: {  	s9 =	sadd.s32 $0xFFFFFEF7, lr;
	s5 =	simm.s32 $0xFFFFFFFF;
	p2 =	slt.u32 s8, $0xFFFFF086  }
0x1c: {  	p1 =	slt.u32 s9, $0xF7A;
	s5 =	simm.s32 @!p2 $0x0  }
0x1d: {  	s5 =	simm.s32 @p1 $0x1;
	p0 =	seq.s32 s7, s2  }
0x1e: {  	s7 =	smul.u32 @!p0 $0xF7A, s2;
	p2 =	seq.s32 @!p0 s5, $0x0  }
0x1f: {  	s9 =	smul.u32 $0xF7A, s1;
	s8 =	simm.s32 @!p0 $0x1BF5;
	p2 =	por !p2, p0  }
0x20: {  	[sflag:s8] =	ssyncset.s32 @!p0 $0xFFFFF086;
	s6 =	sadd.s32 @!p0 s3, s7;
	s7 =	simm.s32 @!p0 $0x108  }
0x21: {  	s3 =	sadd.s32 s3, s9;
	s6 =	sadd.s32 @!p0 $0x88, s6;
	s7 =	simm.s32 @p2 $0x1082  }
0x22: {  	[simem:s7], [sflag:s8] =	dma.local @!p0 [hbm:s6], $0xF7A  }
0x23: {  	s9 =	sor.u32 $0xD0000000, s2;
	s6 =	simm.s32 $0x108;
	_ =	swait.ge @!p0 [sflag:s8], $0x0  }
0x24: {  	s3 =	sadd.s32 $0x88, s3;
	s6 =	simm.s32 @!p1 $0x1082;
	[sflag:s4] =	ssyncset.s32 $0xFFFFF086  }
0x25: {  	[simem:s6], [sflag:s4] =	dma.local [hbm:s3], $0xF7A  }
0x26: {  	[smem:$0x3F9E] =	sst s1;
	(tag) =	ssettag s2;
	_ =	strace s9  }
0x27: {  	s1 =	sld [smem:$0x3FAE]  }
0x28: {  	s2 =	sld [smem:$0x3FAF]  }
0x29: {  	s4 =	sld [smem:$0x3FB1]  }
0x2a: {  	p0 =	seq.s32 s5, $0x0;
	s5 =	sld [smem:$0x3FB2]  }
0x2b: {  	s6 =	sld [smem:$0x3FB3]  }
0x2c: {  	s7 =	sld [smem:$0x3FB4]  }
0x2d: {  	s3 =	simm.s32 $0x108;
	s8 =	sld [smem:$0x3FB5]  }
0x2e: {  	s3 =	simm.s32 @!p0 $0x1082;
	s9 =	sld [smem:$0x3FB6]  }
0x2f: {  	lr =	sadd.s32 s0, s3;
	s0 =	sld [smem:$0x3FAD]  }
0x30: {  	s3 =	sld [smem:$0x3FB0]  }
0x31: {  	[smem:$0x3FB9] =	sst s10  }
0x32: {  	s10 =	sld [smem:$0x3FB7];
	_ =	sdelay $0x3  }
0x33: {  	p0 =	seq.s32 s10, $0x1;
	s10 =	sld [smem:$0x3FB9];
	_ =	sdelay $0x3  }
0x34: {  	[smem:$0x3FB9] =	sst s10  }
0x35: {  	s10 =	sld [smem:$0x3FB8];
	_ =	sdelay $0x3  }
0x36: {  	p1 =	seq.s32 s10, $0x1;
	s10 =	sld [smem:$0x3FB9];
	_ =	sdelay $0x3  }
0x37: {  	[smem:$0x3FB9] =	sst s10  }
0x38: {  	s10 =	sld [smem:$0x3FBA]  }
0x39: {  	_ = 	snop;
	(pc) =	sbr.ind lr, $3  }
0x3a: {  	_ = 	snop  }
0x3b: {  	_ = 	snop  }
0x3c: {  	p2 =	seq.s32 s10, $0x1;
	s10 =	sld [smem:$0x3FB9]  }
0x3d: {  	_ =	shalt  }
0x3e: {  	_ =	shalt  }
0x3f: {  	_ =	shalt  }
0x40: {  	_ =	shalt  }
0x41: {  	_ =	shalt  }
0x42: {  	_ =	shalt  }
0x43: {  	_ =	shalt  }
0x44: {  	_ =	shalt  }
0x45: {  	_ =	shalt  }
0x46: {  	_ =	shalt  }
0x47: {  	_ =	shalt  }
0x48: {  	_ =	shalt  }
0x49: {  	_ =	shalt  }
0x4a: {  	_ =	shalt  }
0x4b: {  	_ =	shalt  }
0x4c: {  	_ =	shalt  }
0x4d: {  	_ =	shalt  }
0x4e: {  	_ =	shalt  }
0x4f: {  	_ =	shalt  }
0x50: {  	_ =	shalt  }
0x51: {  	_ =	shalt  }
0x52: {  	_ =	shalt  }
0x53: {  	_ =	shalt  }
0x54: {  	_ =	shalt  }
0x55: {  	_ =	shalt  }
0x56: {  	_ =	shalt  }
0x57: {  	_ =	shalt  }
0x58: {  	_ =	shalt  }
0x59: {  	_ =	shalt  }
0x5a: {  	_ =	shalt  }
0x5b: {  	_ =	shalt  }
0x5c: {  	_ =	shalt  }
0x5d: {  	_ =	shalt  }
0x5e: {  	_ =	shalt  }
0x5f: {  	_ =	shalt  }
0x60: {  	_ =	shalt  }
0x61: {  	_ =	shalt  }
0x62: {  	_ =	shalt  }
0x63: {  	_ =	shalt  }
0x64: {  	_ =	shalt  }
0x65: {  	_ =	shalt  }
0x66: {  	_ =	shalt  }
0x67: {  	_ =	shalt  }
0x68: {  	_ =	shalt  }
0x69: {  	_ =	shalt  }
0x6a: {  	_ =	shalt  }
0x6b: {  	_ =	shalt  }
0x6c: {  	_ =	shalt  }
0x6d: {  	_ =	shalt  }
0x6e: {  	_ =	shalt  }
0x6f: {  	_ =	shalt  }
0x70: {  	_ =	shalt  }
0x71: {  	_ =	shalt  }
0x72: {  	_ =	shalt  }
0x73: {  	_ =	shalt  }
0x74: {  	_ =	shalt  }
0x75: {  	_ =	shalt  }
0x76: {  	_ =	shalt  }
0x77: {  	_ =	shalt  }
0x78: {  	_ =	shalt  }
0x79: {  	_ =	shalt  }
0x7a: {  	_ =	shalt  }
0x7b: {  	_ =	shalt  }
0x7c: {  	_ =	shalt  }
0x7d: {  	_ =	shalt  }
0x7e: {  	_ =	shalt  }
0x7f: {  	_ =	shalt  }
0x80: {  	_ =	shalt  }
0x81: {  	_ =	shalt  }
0x82: {  	_ =	shalt  }
0x83: {  	_ =	shalt  }
0x84: {  	_ =	shalt  }
0x85: {  	_ =	shalt  }
0x86: {  	_ =	shalt  }
0x87: {  	_ =	shalt  }
.Lfunc_end0:
.L_simem_size_0:
called_computation_lowered:
.L_overlay_start_0:
0x88: {  	s2 =	sld [smem:$0x3FD9]  }
0x89: {  	s3 =	sld [smem:$0x3FFE];
	_ =	sdelay $0x1  }
0x8a: {  	s1 =	srdreg.scid  }
0x8b: {  	s0 =	sand.u32 $0x1, s1  }
0x8c: {  	s14 =	sshll.u32 s0, $0xA;
	s2 =	sadd.s32 s3, s2  }
0x8d: {  	s2 =	sadd.s32 s2, s14  }
0x8e: {  	[smem:$0x3FC5] =	sst s2  }
0x8f: {  	_ = 	snop  }
0x90: {  	s2 =	sld [smem:$0x3FD0];
	_ =	sdelay $0x2  }
0x91: {  	s15 =	simm.s32 $0xA;
	s4 =	simm.s32 $0x10  }
0x92: {  	[smem:s4], [sflag:s15] =	dma.local [hbm:s2], $0x1  }
0x93: {  	_ =	swait.eq [sflag:s15], $0x1  }
0x94: {  	[sflag:s15] =	ssyncset.done $0x0  }
0x95: {  	s16 =	sld [smem:$0x14];
	[sflag:s15] =	ssyncadd.s32 $0xFFFFFFFF  }
0x96: {  	s17 =	sld [smem:$0x15];
	(tm) =	ssettm $0x1  }
0x97: {  	s18 =	sld [smem:$0x3FFB];
	_ =	sdelay $0x3  }
0x98: {  	_ =	strace s18  }
0x99: {  	s4 =	sld [smem:$0x3FFC];
	_ =	sdelay $0x3  }
0x9a: {  	_ =	strace s4  }
0x9b: {  	s4 =	sld [smem:$0x3FFD];
	_ =	sdelay $0x3  }
0x9c: {  	_ =	strace s4  }
0x9d: {  	_ =	strace $0x8FFFFFFF  }
0x9e: {  	s19 =	sld [smem:$0x3FDB];
	_ =	sdelay $0x1  }
0x9f: {  	s5 =	simm.s32 $_scs_section_size  }
0xa0: {  	s6 =	simm.s32 $_size__tile_overlayer_lowered;
	s7 =	simm.s32 $_tile_overlayer_lowered  }
0xa1: {  	s22 =	simm.s32 $0x1BFF;
	s21 =	sshll.u32 s7, $0x1;
	s4 =	sadd.s32 s5, s19  }
0xa2: {  	s8 =	simm.s32 $0x0;
	s20 =	sshll.u32 s6, $0x1;
	s6 =	sadd.s32 s21, s4  }
0xa3: {  	[timem:s8], [sflag:s22] =	dma.local [hbm:s6], s20  }
0xa4: {  	_ =	swait.ge [sflag:s22], s20  }
0xa5: {  	s5 =	ssub.s32 $0x0, s20;
	[sflag:s22] =	ssyncset.done $0x0  }
0xa6: {  	[sflag:s22] =	ssyncadd.s32 s5;
	_ =	sdelay $0x1  }
0xa7: {  	s23 =	simm.s32 $0x1B8B  }
0xa8: {  	_ =	swait.ge [sflag:s23], $0x1  }
0xa9: {  	[sflag:s23] =	ssyncset.done $0x0  }
0xaa: {  	s25 =	simm.s32 $0x1B8E;
	s24 =	sld [smem:$0x3FFE];
	[sflag:s23] =	ssyncadd.s32 $0xFFFFFFFF  }
0xab: {  	s26 =	simm.s32 $execute0_lowered;
	[smem:$0x3FD2] =	sst s25  }
0xac: {  	s6 =	sshll.u32 s26, $0x1;
	_ =	strace $0x80000046;
	[dreg:$0x1] =	wrdreg $0xFFFFFFFF  }
0xad: {  	s28 =	simm.s32 $_size_execute0_lowered;
	s4 =	sadd.s32 s4, s6;
	[dreg:$0x0] =	wrdreg $0x0  }
0xae: {  	s6 =	sshll.u32 s28, $0x1;
	[dreg:$0x2] =	wrdreg s4  }
0xaf: {  	[dreg:$0x3] =	wrdreg s6  }
0xb0: {  	[dreg:$0x4] =	wrdreg $0xC0  }
0xb1: {  	_ =	task [dreg:s8], $0x5FFFF  }
0xb2: {  	[dreg:$0x1] =	wrdreg $0xFFFFFFFF  }
0xb3: {  	[dreg:$0x0] =	wrdreg $0x60  }
0xb4: {  	[dreg:$0x2] =	wrdreg s24  }
0xb5: {  	[dreg:$0x3] =	wrdreg s16  }
0xb6: {  	[dreg:$0x4] =	wrdreg s17  }
0xb7: {  	[dreg:$0x5] =	wrdreg $0x9  }
0xb8: {  	_ =	task.clear_ibuf [dreg:s8], $0x6FFFF;
	_ =	strace $0x90000046  }
0xb9: {  	s29 =	simm.s32 $0x9;
	_ =	strace $0x80000048  }
0xba: {  	_ =	swait.ge [sflag:s29], $0x1  }
0xbb: {  	[sflag:s29] =	ssyncadd.s32 $0xFFFFFFFF  }
0xbc: {  	_ =	strace $0x90000048  }
0xbd: {  	_ =	sfence  }
0xbe: {  	s30 =	sld [smem:$0x0];
	_ =	sdelay $0x2  }
0xbf: {  	s31 =	sshll.u32 s1, $0xD;
	s1 =	sshrl.u32 s1, $0x2  }
0xc0: {  	s3 =	sand.u32 $0x4000, s31;
	s1 =	sadd.s32 s1, s30  }
0xc1: {  	s0 =	sor.u32 s3, s0;
	s1 =	sshll.u32 s1, $0x11  }
0xc2: {  	s0 =	sor.u32 s1, s0  }
0xc3: {  	s0 =	sadd.s32 $0x8F2B, s0  }
0xc4: {  	[sflag:s0] =	ssyncadd.remote.s32 $0x1  }
0xc5: {  	_ =	sfence.sel $0xFFFF  }
0xc6: {  	[dreg:$0x0] =	wrdreg $0xFFFFFFFF;
	(pc) =	sbr.abs _section_cstart, $3  }
0xc7: {  	[dreg:$0x1] =	wrdreg $0xFFFFFFFF  }
0xc8: {  	_ =	task.clear_ibuf [dreg:s8], $0x2FFFF;
	_ =	strace $0x9FFFFFFF  }
0xc9: {  	(tm) =	ssettm $0x7FFFFFFF  }
tec
execute0_lowered:
.L_overlay_start_1:
0x0: {  	(tag) =	ssettag $0x1  }
0x1: {  	s6 =	rddreg [dreg:$0x0]  }
0x2: {  	s2 =	rddreg [dreg:$0x1]  }
0x3: {  	s3 =	rddreg [dreg:$0x2]  }
0x4: {  	s5 =	srdreg.scid;
	s1 =	stileid.u32  }
0x5: {  	s4 =	simm.s32 $0x0;
	s10 =	simm.s32 $0x2;
	s11 =	simm.s32 $0x2100  }
0x6: {  	s12 =	simm.s32 $0x2200;
	s13 =	simm.s32 $0x1;
	s14 =	simm.s32 $0x20  }
0x7: {  	s15 =	simm.s32 $0x1080;
	s16 =	simm.s32 $0x1100;
	s17 =	simm.s32 $0x1000  }
0x8: {  	s18 =	simm.s32 $0x2300;
	s19 =	simm.s32 $0x0;
	s5 =	sand.u32 $0x1, s5  }
.Ltmp0:
0x9: {  	s7 =	sshll.u32 s1, $0x1;
	[smem:$0x7FF] =	sst s4;
	(pc) =	sbr.rel .LBB2_1-.Ltmp0, $4  }
0xa: {  	v0 =	vlaneseq.u32;
	s7 =	sor.u32 s5, s7;
	_ =	strace $0x80000047;
	s9 =	ssub.s32 $0x2, s5  }
0xb: {  	v2 =	vmul.u32 $0xFFFFFFFF, v0;
	s5 =	sadd.s32 $0x409000, s6;
	s8 =	sshll.u32 s7, $0x9;
	s31 =	sshrl.u32 s9, $0x1  }
0xc: {  	s8 =	sadd.s32 s8, s6;
	s9 =	ssub.s32 s9, s31;
	s6 =	sshll.u32 s7, $0x7  }
0xd: {  	v1 =	vimm.s32 $0x0;
	v2 =	vadd.s32 $0xF, v2;
	s7 =	sadd.s32 $0x9000, s8;
	s8 =	smax.u32 s9, $0x1;
	s9 =	simm.s32 $0x3300  }
.LBB2_49:
0xe: {  	s19 =	sadd.s32 $0x1, s19  }
0xf: {  	p0 =	sne.s32 s19, s8  }
.Ltmp1:
0x10: {  	_ = 	snop;
	(pc) =	sbr.rel @!p0 .LBB2_50-.Ltmp1, $4  }
0x11: {  	[hbm4b:s7+s4] =	stream.linear.scatter [tilespmem:s18], [sflag:$0x2], $0x1000, $0x38;
	[tilespmem:$0x3380] =	vst v63  }
0x12: {  	_ =	swait.ge [sflag:s10], $0x1000  }
0x13: {  	[sflag:s10] =	ssyncset.done $0x0  }
0x14: {  	[sflag:s10] =	ssyncadd.s32 $0xFFFFF000  }
.LBB2_1:
0x15: {  	[tilespmem:s9], [sflag:$0x2] =	stream.linear.gather [hbm4b:s3+s4], $0x1, $0x38;
	[tilespmem:$0x3380] =	vst v63  }
0x16: {  	_ =	swait.ge [sflag:s10], $0x1  }
0x17: {  	[sflag:s10] =	ssyncset.done $0x0  }
0x18: {  	[sflag:s10] =	ssyncadd.s32 $0xFFFFFFFF  }
0x19: {  	v3 =	vld [tilespmem:$0x3300];
	_ =	sdelay $0x4  }
0x1a: {  	(v2sf) =	vpush v3, $0x0;
	_ =	sdelay $0xa  }
.Ltmp2:
0x1b: {  	_ = 	snop;
	(pc) =	sbr.rel .LBB2_2-.Ltmp2, $2  }
0x1c: {  	_ =	sdelay $0x2  }
0x1d: {  	s21 =	simm.s32 $0x8;
	s22 =	simm.s32 $0x0;
	v3 =	vbroadcast v3, $0x0;
	s20 =	spop (v2sf)  }
.LBB2_48:
0x1e: {  	s22 =	sadd.s32 $0x1, s22  }
0x1f: {  	p0 =	sne.s32 s22, $0x10  }
.Ltmp3:
0x20: {  	_ = 	snop;
	(pc) =	sbr.rel @!p0 .LBB2_49-.Ltmp3, $2  }
0x21: {  	_ =	sdelay $0x2  }
0x22: {  	s21 =	sadd.s32 $0x8, s21  }
.LBB2_2:
0x23: {  	s23 =	sshll.u32 s22, $0x3  }
0x24: {  	s24 =	sadd.s32 s6, s23  }
0x25: {  	s24 =	sshll.u32 s24, $0x6  }
.Ltmp4:
0x26: {  	s24 =	sadd.s32 s2, s24;
	(pc) =	sbr.rel .LBB2_3-.Ltmp4, $4  }
0x27: {  	[tilespmem:s4], [sflag:$0x2] =	stream.linear.gather [hbm4b:s24+s4], $0x1000, $0x38;
	[tilespmem:$0x3380] =	vst v63  }
0x28: {  	_ =	swait.ge [sflag:s10], $0x1000  }
0x29: {  	[sflag:s10] =	ssyncset.done $0x0  }
0x2a: {  	[sflag:s10] =	ssyncadd.s32 $0xFFFFF000  }
.LBB2_40:
0x2b: {  	v12 =	vmov v5;
	v13 =	vmov v4  }
.LBB2_46:
0x2c: {  	vm0 =	veq.f32 @p1 v12, v8;
	vm1 =	vle.s32 @p1 v13, v9  }
0x2d: {  	vm2 =	vlt.f32 @p1 v12, v8;
	(xrf1) =	vsort.ascd.msk.f32 @p0 $0xffff, v10, v11;
	vm0 =	vmand @p1 vm0, vm1  }
0x2e: {  	vm0 =	vmor @p1 vm2, vm0  }
0x2f: {  	v8 =	vsel @p1 vm0, v12, v8;
	v9 =	vsel @p1 vm0, v13, v9  }
0x30: {  	(xrf1) =	vsort.ascd.msk.f32 @p1 $0xffff, v8, v9;
	_ =	sdelay $0x8  }
0x31: {  	v8, v9, _ =	vpop (xrf1)  }
0x32: {  	v8 =	vperm.xlane v8, v2;
	v9 =	vperm.xlane v9, v2;
	v10, v11, _ =	vpop @p0 (xrf1)  }
0x33: {  	v7 =	vpsel p0, v10, v7;
	v6 =	vpsel p0, v11, v6;
	v10, v11, _ =	vpop @p0 (xrf1)  }
0x34: {  	vm11 =	veq.f32 v7, v8;
	vm12 =	vle.s32 v6, v9;
	v10 =	vperm.xlane @p0 v10, v2  }
0x35: {  	vm10 =	vlt.f32 v7, v8;
	vm1 =	vmand vm11, vm12;
	v11 =	vperm.xlane @p0 v11, v2  }
0x36: {  	vm0 =	vmor vm10, vm1;
	v10 =	vpsel p0, v10, v0;
	v12, v13, _ =	vpop @p1 (xrf1)  }
0x37: {  	v11 =	vpsel p0, v11, v0;
	v12 =	vpsel p1, v12, v5;
	v13 =	vpsel p1, v13, v4  }
0x38: {  	v14 =	vsel vm0, v7, v8;
	vm1 =	veq.f32 @p0 v12, v10;
	vm2 =	vle.s32 @p0 v13, v11  }
0x39: {  	v15 =	vsel vm0, v6, v9;
	vm1 =	vmand @p0 vm1, vm2;
	vm2 =	vlt.f32 @p0 v12, v10  }
0x3a: {  	v7 =	vsel vm0, v8, v7;
	v6 =	vsel vm0, v9, v6;
	(xrf1) =	vsort.ascd.msk.f32 $0xffff, v14, v15;
	vm0 =	vmor @p0 vm2, vm1  }
0x3b: {  	(xrf1) =	vsort.ascd.msk.f32 $0xffff, v7, v6;
	v6 =	vsel @p0 vm0, v12, v10;
	v7 =	vsel @p0 vm0, v13, v11  }
0x3c: {  	(xrf1) =	vsort.ascd.msk.f32 @p0 $0xffff, v6, v7;
	_ =	sdelay $0xb  }
0x3d: {  	v7, v6, _ =	vpop (xrf1)  }
0x3e: {  	v7, v8, _ =	vpop (xrf1)  }
0x3f: {  	v7 =	vperm.xlane v7, v2;
	v8 =	vperm.xlane v8, v2;
	v9, v10, _ =	vpop @p0 (xrf1)  }
0x40: {  	v5 =	vpsel p0, v9, v5;
	v4 =	vpsel p0, v10, v4  }
0x41: {  	vm13 =	veq.f32 v5, v7;
	vm14 =	vle.s32 v4, v8  }
0x42: {  	vm15 =	vlt.f32 v5, v7;
	vm0 =	vmand vm13, vm14  }
0x43: {  	vm0 =	vmor vm15, vm0  }
0x44: {  	v5 =	vsel vm0, v5, v7;
	v4 =	vsel vm0, v4, v8  }
0x45: {  	(xrf1) =	vsort.ascd.msk.f32 $0xffff, v5, v4;
	_ =	sdelay $0xd  }
0x46: {  	v5, v4, _ =	vpop (xrf1)  }
.LBB2_47:
0x47: {  	s23 =	sadd.s32 $0x1, s23  }
0x48: {  	p0 =	sne.s32 s23, s21  }
.Ltmp5:
0x49: {  	_ = 	snop;
	(pc) =	sbr.rel @!p0 .LBB2_48-.Ltmp5, $4  }
0x4a: {  	_ = 	snop  }
0x4b: {  	s0 =	sshra.s32 s24, $0x2  }
0x4c: {  	[tilespmem:s0+$0x2300] =	vst v6  }
0x4d: {  	[tilespmem:s0+$0x2310] =	vst v4  }
.LBB2_3:
.Ltmp6:
0x4e: {  	(pc) =	sbr.rel .LBB2_4-.Ltmp6, $3  }
0x4f: {  	_ =	sdelay $0x1  }
0x50: {  	s24 =	sshll.u32 s23, $0x7;
	s25 =	simm.s32 $0x0  }
0x51: {  	v4 =	vimm.s32 $0x0;
	v5 =	vmovc v3;
	v6 =	vimm.s32 $0x0;
	v7 =	vmov v3;
	s29 =	smov.u32 s20;
	s28 =	simm.s32 $0x0;
	s26 =	sand.u32 $0x380, s24  }
.LBB2_7:
0x52: {  	v12 =	vmov v5;
	v13 =	vmov v4  }
.LBB2_13:
0x53: {  	vm0 =	veq.f32 @p1 v12, v8;
	vm1 =	vle.s32 @p1 v13, v9  }
0x54: {  	vm2 =	vlt.f32 @p1 v12, v8;
	(xrf1) =	vsort.ascd.msk.f32 @p0 $0xffff, v10, v11;
	vm0 =	vmand @p1 vm0, vm1  }
0x55: {  	vm0 =	vmor @p1 vm2, vm0  }
0x56: {  	v8 =	vsel @p1 vm0, v12, v8;
	v9 =	vsel @p1 vm0, v13, v9  }
0x57: {  	(xrf1) =	vsort.ascd.msk.f32 @p1 $0xffff, v8, v9;
	_ =	sdelay $0x8  }
0x58: {  	v8, v9, _ =	vpop (xrf1)  }
0x59: {  	v8 =	vperm.xlane v8, v2;
	v9 =	vperm.xlane v9, v2;
	v10, v11, _ =	vpop @p0 (xrf1)  }
0x5a: {  	v7 =	vpsel p0, v10, v7;
	v6 =	vpsel p0, v11, v6;
	v10, v11, _ =	vpop @p0 (xrf1)  }
0x5b: {  	vm11 =	veq.f32 v7, v8;
	vm12 =	vle.s32 v6, v9;
	v10 =	vperm.xlane @p0 v10, v2  }
0x5c: {  	vm10 =	vlt.f32 v7, v8;
	vm1 =	vmand vm11, vm12;
	v11 =	vperm.xlane @p0 v11, v2  }
0x5d: {  	vm0 =	vmor vm10, vm1;
	v10 =	vpsel p0, v10, v0;
	v12, v13, _ =	vpop @p1 (xrf1)  }
0x5e: {  	v11 =	vpsel p0, v11, v0;
	v12 =	vpsel p1, v12, v5;
	v13 =	vpsel p1, v13, v4  }
0x5f: {  	v14 =	vsel vm0, v7, v8;
	vm1 =	veq.f32 @p0 v12, v10;
	vm2 =	vle.s32 @p0 v13, v11  }
0x60: {  	v15 =	vsel vm0, v6, v9;
	vm1 =	vmand @p0 vm1, vm2;
	vm2 =	vlt.f32 @p0 v12, v10  }
0x61: {  	v7 =	vsel vm0, v8, v7;
	v6 =	vsel vm0, v9, v6;
	(xrf1) =	vsort.ascd.msk.f32 $0xffff, v14, v15;
	vm0 =	vmor @p0 vm2, vm1  }
0x62: {  	(xrf1) =	vsort.ascd.msk.f32 $0xffff, v7, v6;
	v6 =	vsel @p0 vm0, v12, v10;
	v7 =	vsel @p0 vm0, v13, v11  }
0x63: {  	(xrf1) =	vsort.ascd.msk.f32 @p0 $0xffff, v6, v7;
	_ =	sdelay $0xb  }
0x64: {  	v7, v6, _ =	vpop (xrf1)  }
0x65: {  	v8, v63, _ =	vpop (xrf1)  }
0x66: {  	v8 =	vperm.xlane v8, v2;
	v9 =	vperm.xlane v63, v2;
	v10, v11, _ =	vpop @p0 (xrf1)  }
0x67: {  	v5 =	vpsel p0, v10, v5;
	v4 =	vpsel p0, v11, v4  }
0x68: {  	vm13 =	veq.f32 v5, v8;
	vm14 =	vle.s32 v4, v9  }
0x69: {  	vm15 =	vlt.f32 v5, v8;
	vm0 =	vmand vm13, vm14  }
0x6a: {  	vm0 =	vmor vm15, vm0  }
0x6b: {  	v5 =	vsel vm0, v5, v8;
	v4 =	vsel vm0, v4, v9  }
0x6c: {  	(xrf1) =	vsort.ascd.msk.f32 $0xffff, v5, v4;
	_ =	sdelay $0xd  }
0x6d: {  	v5, v4, _ =	vpop (xrf1)  }
.LBB2_14:
0x6e: {  	(xrf0) =	vmax.scan.msk.f32 $0xffff, v5;
	_ =	sdelay $0x5  }
0x6f: {  	v8, _, _ =	vpop (xrf0)  }
0x70: {  	(v2sf) =	vpush v8, $0xF;
	_ =	sdelay $0xe  }
0x71: {  	s29 =	spop (v2sf)  }
.LBB2_15:
0x72: {  	s28 =	sadd.s32 $0x1, s28  }
0x73: {  	p1 =	sne.s32 s28, $0x20  }
.Ltmp7:
0x74: {  	_ = 	snop;
	(pc) =	sbr.rel @!p1 .LBB2_16-.Ltmp7, $3  }
0x75: {  	_ =	sdelay $0x1  }
0x76: {  	p0 =	sgt.s32 s25, $0x5F  }
0x77: {  	s25 =	simm.s32 @p0 $0x0  }
.LBB2_4:
0x78: {  	s30 =	sshll.u32 s28, $0x7  }
0x79: {  	s31 =	sshll.u32 s28, $0x4;
	s30 =	sand.u32 $0xC00, s30  }
0x7a: {  	s0 =	sand.u32 $0x70, s31;
	s30 =	sor.u32 s30, s26  }
0x7b: {  	s0 =	sadd.s32 s0, s30  }
0x7c: {  	v8 =	vld [tilespmem:s0+$0x0];
	_ =	sdelay $0x4  }
0x7d: {  	vm0 =	vlt.f32 v8, s29  }
0x7e: {  	v9 =	vsel vm0, $0x1, v1  }
0x7f: {  	(xrf0) =	vadd.scan.msk.s32 $0xffff, v9;
	_ =	sdelay $0x5  }
0x80: {  	v9, _, _ =	vpop (xrf0)  }
0x81: {  	v10 =	vxor.u32 $0x80000000, v9  }
0x82: {  	(xrf0) =	vmax.scan.msk.u32 $0xffff, v10;
	_ =	sdelay $0x5  }
0x83: {  	v10, _, _ =	vpop (xrf0)  }
0x84: {  	(v2sf) =	vpush v10, $0xF;
	_ =	sdelay $0xb  }
0x85: {  	v62 =	vmov s25  }
0x86: {  	v10 =	vadd.s32 $0xFFFFFFFF, v62  }
0x87: {  	v10 =	vbroadcast v10, $0x0  }
0x88: {  	s30 =	spop (v2sf)  }
0x89: {  	v9 =	vadd.s32 v9, v10;
	s0 =	sadd.s32 s30, s25  }
0x8a: {  	v9 =	vnsel vm0, $0x90, v9;
	s25 =	sadd.s32 $0x80000000, s0  }
0x8b: {  	p0 =	slt.s32 s25, $0x60  }
.Ltmp8:
0x8c: {  	_ = 	snop;
	(pc) =	sbr.rel @p0 .LBB2_15-.Ltmp8, $3  }
0x8d: {  	_ =	sdelay $0x1  }
0x8e: {  	v63 =	vor.u32 s31, v0;
	[tilespmem:v9+s11+$0x0] =	vst.idx.msk $0xffff, v8  }
0x8f: {  	[tilespmem:v9+s12+$0x0] =	vst.idx.msk $0xffff, v63  }
0x90: {  	s0 =	sadd.s32 $0xF, s25  }
0x91: {  	s29 =	sand.u32 $0xF, s0  }
0x92: {  	s30 =	sshra.s32 s0, $0x1F;
	p0 =	slt.s32 s0, $0x0;
	p1 =	sne.s32 s29, $0x0  }
0x93: {  	s29 =	sshrl.u32 s30, $0x1C;
	p0 =	por !p0, !p1  }
0x94: {  	s0 =	sadd.s32 s29, s0;
	s29 =	simm.s32 $0x1;
	p0 =	por !p0, !p0  }
0x95: {  	s0 =	sshra.s32 s0, $0x4;
	s29 =	simm.s32 @!p0 $0x0  }
0x96: {  	s29 =	ssub.s32 s0, s29  }
0x97: {  	p0 =	slt.s32 s29, $0x1  }
.Ltmp9:
0x98: {  	_ = 	snop;
	(pc) =	sbr.rel @p0 .LBB2_14-.Ltmp9, $2  }
0x99: {  	_ =	sdelay $0x2  }
0x9a: {  	[tilespmem:s25+$0x2100] =	vst v3  }
0x9b: {  	s0 =	simm.s32 $0x2100  }
0x9c: {  	s30 =	simm.s32 $0x2200;
	v8 =	vld [tilespmem:s0+$0x0]  }
0x9d: {  	p2 =	sne.s32 s29, $0x1;
	v9 =	vld [tilespmem:s30+$0x0]  }
.Ltmp10:
0x9e: {  	_ = 	snop;
	(pc) =	sbr.rel @!p2 .LBB2_7-.Ltmp10, $2  }
0x9f: {  	_ =	sdelay $0x2  }
0xa0: {  	s29 =	sadd.s32 $0xFFFFFFFF, s29;
	p0 =	por $0x0, $0x0;
	p1 =	por $0x0, $0x0;
	(xrf1) =	vsort.ascd.msk.f32 $0xffff, v8, v9  }
0xa1: {  	_ =	sdelay $0xb  }
0xa2: {  	s0 =	simm.s32 $0x2110  }
0xa3: {  	s30 =	simm.s32 $0x2210;
	v8 =	vld [tilespmem:s0+$0x0];
	v9, v10, _ =	vpop (xrf1)  }
0xa4: {  	v11 =	vld [tilespmem:s30+$0x0];
	v9 =	vperm.xlane v9, v2;
	v12 =	vperm.xlane v10, v2  }
0xa5: {  	p2 =	sne.s32 s29, $0x1  }
.Ltmp11:
0xa6: {  	vm0 =	veq.f32 v7, v9;
	vm1 =	vle.s32 v6, v12;
	(pc) =	sbr.rel @!p2 .LBB2_9-.Ltmp11, $4  }
0xa7: {  	vm2 =	vlt.f32 v7, v9;
	vm0 =	vmand vm0, vm1  }
0xa8: {  	vm0 =	vmor vm2, vm0  }
0xa9: {  	(xrf1) =	vsort.ascd.msk.f32 $0xffff, v8, v11;
	v8 =	vsel vm0, v7, v9;
	v13 =	vsel vm0, v6, v12  }
0xaa: {  	s31 =	sadd.s32 $0xFFFFFFFF, s29;
	p0 =	por $0x1, $0x1;
	v10 =	vsel vm0, v9, v7;
	v11 =	vsel vm0, v12, v6;
	(xrf1) =	vsort.ascd.msk.f32 $0xffff, v8, v13  }
0xab: {  	_ =	sdelay $0x1  }
0xac: {  	(xrf1) =	vsort.ascd.msk.f32 $0xffff, v10, v11;
	_ =	sdelay $0x6  }
0xad: {  	s29 =	simm.s32 $0x2120  }
0xae: {  	s30 =	simm.s32 $0x2220;
	v8 =	vld [tilespmem:s29+$0x0]  }
0xaf: {  	v9 =	vld [tilespmem:s30+$0x0]  }
0xb0: {  	v10, v11, _ =	vpop (xrf1)  }
0xb1: {  	v10 =	vperm.xlane v10, v2;
	v11 =	vperm.xlane v11, v2  }
0xb2: {  	p2 =	sne.s32 s31, $0x1;
	v12, v13, _ =	vpop (xrf1)  }
.Ltmp12:
0xb3: {  	vm0 =	veq.f32 v12, v10;
	vm1 =	vle.s32 v13, v11;
	(pc) =	sbr.rel @!p2 .LBB2_11-.Ltmp12, $4  }
0xb4: {  	(xrf1) =	vsort.ascd.msk.f32 $0xffff, v8, v9;
	v14, v15, _ =	vpop (xrf1);
	vm2 =	vlt.f32 v12, v10;
	vm0 =	vmand vm0, vm1  }
0xb5: {  	v8 =	vperm.xlane v14, v2;
	v9 =	vperm.xlane v15, v2;
	vm0 =	vmor vm2, vm0  }
0xb6: {  	v14 =	vsel vm0, v12, v10;
	v15 =	vsel vm0, v13, v11;
	v10 =	vsel vm0, v10, v12  }
0xb7: {  	s31 =	sadd.s32 $0xFFFFFFFF, s31;
	p1 =	por $0x1, $0x1;
	v11 =	vsel vm0, v11, v13;
	v12 =	vmovc v5;
	v13 =	vmov v4;
	(xrf1) =	vsort.ascd.msk.f32 $0xffff, v14, v15  }
.LBB2_12:
0xb8: {  	p2 =	sne.s32 s31, $0x1;
	s31 =	sadd.s32 $0xFFFFFFFF, s31;
	(xrf1) =	vsort.ascd.msk.f32 $0xffff, v10, v11;
	vm0 =	veq.f32 v12, v8;
	vm1 =	vle.s32 v13, v9  }
0xb9: {  	vm2 =	vlt.f32 v12, v8;
	vm0 =	vmand vm0, vm1  }
0xba: {  	vm0 =	vmor vm2, vm0  }
0xbb: {  	v8 =	vsel vm0, v12, v8;
	v9 =	vsel vm0, v13, v9  }
0xbc: {  	(xrf1) =	vsort.ascd.msk.f32 $0xffff, v8, v9;
	_ =	sdelay $0x3  }
0xbd: {  	s29 =	sadd.s32 $0x10, s29  }
0xbe: {  	s30 =	sadd.s32 $0x10, s30;
	v8 =	vld [tilespmem:s29+$0x0]  }
0xbf: {  	v9 =	vld [tilespmem:s30+$0x0];
	v10, v11, _ =	vpop (xrf1)  }
0xc0: {  	v10 =	vperm.xlane v10, v2;
	v11 =	vperm.xlane v11, v2;
	_ =	sdelay $0x1  }
0xc1: {  	v12, v13, _ =	vpop (xrf1)  }
.Ltmp13:
0xc2: {  	vm0 =	vlt.f32 v12, v10;
	vm1 =	veq.f32 v12, v10;
	vm2 =	vle.s32 v13, v11;
	v14, v15, _ =	vpop (xrf1);
	(pc) =	sbr.rel @p2 .LBB2_12-.Ltmp13, $4  }
0xc3: {  	(xrf1) =	vsort.ascd.msk.f32 $0xffff, v8, v9;
	vm1 =	vmand vm1, vm2;
	v8 =	vperm.xlane v14, v2;
	v9 =	vperm.xlane v15, v2  }
0xc4: {  	vm0 =	vmor vm0, vm1  }
0xc5: {  	v14 =	vsel vm0, v12, v10;
	v15 =	vsel vm0, v13, v11;
	v10 =	vsel vm0, v10, v12  }
0xc6: {  	v11 =	vsel vm0, v11, v13;
	(xrf1) =	vsort.ascd.msk.f32 $0xffff, v14, v15;
	v12, v13, _ =	vpop (xrf1)  }
.Ltmp14:
0xc7: {  	_ = 	snop;
	(pc) =	sbr.rel .LBB2_13-.Ltmp14, $1  }
0xc8: {  	_ =	sdelay $0x3  }
.LBB2_9:
.Ltmp15:
0xc9: {  	(pc) =	sbr.rel .LBB2_13-.Ltmp15, $2  }
0xca: {  	_ =	sdelay $0x2  }
0xcb: {  	v12 =	vmov v5;
	v13 =	vmov v4  }
.LBB2_11:
.Ltmp16:
0xcc: {  	(pc) =	sbr.rel .LBB2_13-.Ltmp16, $2  }
0xcd: {  	_ =	sdelay $0x2  }
0xce: {  	v12 =	vmov v5;
	v13 =	vmov v4  }
.LBB2_16:
0xcf: {  	s0 =	sadd.s32 $0xF, s25  }
0xd0: {  	s26 =	sand.u32 $0xF, s0  }
0xd1: {  	p0 =	slt.s32 s25, $0xFFFFFFF2;
	s28 =	sshra.s32 s0, $0x1F;
	p1 =	sne.s32 s26, $0x0  }
0xd2: {  	s31 =	sshrl.u32 s28, $0x1C;
	p0 =	por !p0, !p1  }
0xd3: {  	s26 =	simm.s32 $0x1;
	s0 =	sadd.s32 s31, s0;
	p0 =	por !p0, !p0  }
0xd4: {  	s0 =	sshra.s32 s0, $0x4;
	s26 =	simm.s32 @!p0 $0x0  }
0xd5: {  	s26 =	ssub.s32 s0, s26  }
0xd6: {  	p0 =	slt.s32 s26, $0x1  }
.Ltmp17:
0xd7: {  	_ = 	snop;
	(pc) =	sbr.rel @p0 .LBB2_25-.Ltmp17, $2  }
0xd8: {  	_ =	sdelay $0x2  }
0xd9: {  	[tilespmem:s25+$0x2100] =	vst v3  }
0xda: {  	s0 =	simm.s32 $0x2100  }
0xdb: {  	s25 =	simm.s32 $0x2200;
	v8 =	vld [tilespmem:s0+$0x0]  }
0xdc: {  	p2 =	sne.s32 s26, $0x1;
	v9 =	vld [tilespmem:s25+$0x0]  }
.Ltmp18:
0xdd: {  	_ = 	snop;
	(pc) =	sbr.rel @!p2 .LBB2_18-.Ltmp18, $2  }
0xde: {  	_ =	sdelay $0x2  }
0xdf: {  	p0 =	por $0x0, $0x0;
	p1 =	por $0x0, $0x0;
	s25 =	sadd.s32 $0xFFFFFFFF, s26;
	(xrf1) =	vsort.ascd.msk.f32 $0xffff, v8, v9  }
0xe0: {  	_ =	sdelay $0xb  }
0xe1: {  	s0 =	simm.s32 $0x2110  }
0xe2: {  	s31 =	simm.s32 $0x2210;
	v8 =	vld [tilespmem:s0+$0x0];
	v9, v10, _ =	vpop (xrf1)  }
0xe3: {  	v11 =	vld [tilespmem:s31+$0x0];
	v9 =	vperm.xlane v9, v2;
	v12 =	vperm.xlane v10, v2  }
0xe4: {  	p2 =	sne.s32 s25, $0x1  }
.Ltmp19:
0xe5: {  	vm0 =	veq.f32 v7, v9;
	vm1 =	vle.s32 v6, v12;
	(pc) =	sbr.rel @!p2 .LBB2_20-.Ltmp19, $4  }
0xe6: {  	vm2 =	vlt.f32 v7, v9;
	vm0 =	vmand vm0, vm1  }
0xe7: {  	vm0 =	vmor vm2, vm0  }
0xe8: {  	(xrf1) =	vsort.ascd.msk.f32 $0xffff, v8, v11;
	v8 =	vsel vm0, v7, v9;
	v13 =	vsel vm0, v6, v12  }
0xe9: {  	s28 =	sadd.s32 $0xFFFFFFFF, s25;
	p0 =	por $0x1, $0x1;
	v10 =	vsel vm0, v9, v7;
	v11 =	vsel vm0, v12, v6;
	(xrf1) =	vsort.ascd.msk.f32 $0xffff, v8, v13  }
0xea: {  	_ =	sdelay $0x1  }
0xeb: {  	(xrf1) =	vsort.ascd.msk.f32 $0xffff, v10, v11;
	_ =	sdelay $0x6  }
0xec: {  	s25 =	simm.s32 $0x2120  }
0xed: {  	s26 =	simm.s32 $0x2220;
	v8 =	vld [tilespmem:s25+$0x0]  }
0xee: {  	v9 =	vld [tilespmem:s26+$0x0]  }
0xef: {  	v10, v11, _ =	vpop (xrf1)  }
0xf0: {  	v10 =	vperm.xlane v10, v2;
	v11 =	vperm.xlane v11, v2  }
0xf1: {  	p2 =	sne.s32 s28, $0x1;
	v12, v13, _ =	vpop (xrf1)  }
.Ltmp20:
0xf2: {  	vm0 =	veq.f32 v12, v10;
	vm1 =	vle.s32 v13, v11;
	(pc) =	sbr.rel @!p2 .LBB2_22-.Ltmp20, $4  }
0xf3: {  	(xrf1) =	vsort.ascd.msk.f32 $0xffff, v8, v9;
	v14, v15, _ =	vpop (xrf1);
	vm2 =	vlt.f32 v12, v10;
	vm0 =	vmand vm0, vm1  }
0xf4: {  	v8 =	vperm.xlane v14, v2;
	v9 =	vperm.xlane v15, v2;
	vm0 =	vmor vm2, vm0  }
0xf5: {  	v14 =	vsel vm0, v12, v10;
	v15 =	vsel vm0, v13, v11;
	v10 =	vsel vm0, v10, v12  }
0xf6: {  	s28 =	sadd.s32 $0xFFFFFFFF, s28;
	p1 =	por $0x1, $0x1;
	v11 =	vsel vm0, v11, v13;
	v12 =	vmovc v5;
	v13 =	vmov v4;
	(xrf1) =	vsort.ascd.msk.f32 $0xffff, v14, v15  }
.LBB2_23:
0xf7: {  	p2 =	sne.s32 s28, $0x1;
	s28 =	sadd.s32 $0xFFFFFFFF, s28;
	(xrf1) =	vsort.ascd.msk.f32 $0xffff, v10, v11;
	vm0 =	veq.f32 v12, v8;
	vm1 =	vle.s32 v13, v9  }
0xf8: {  	vm2 =	vlt.f32 v12, v8;
	vm0 =	vmand vm0, vm1  }
0xf9: {  	vm0 =	vmor vm2, vm0  }
0xfa: {  	v8 =	vsel vm0, v12, v8;
	v9 =	vsel vm0, v13, v9  }
0xfb: {  	(xrf1) =	vsort.ascd.msk.f32 $0xffff, v8, v9;
	_ =	sdelay $0x3  }
0xfc: {  	s25 =	sadd.s32 $0x10, s25  }
0xfd: {  	s26 =	sadd.s32 $0x10, s26;
	v8 =	vld [tilespmem:s25+$0x0]  }
0xfe: {  	v9 =	vld [tilespmem:s26+$0x0];
	v10, v11, _ =	vpop (xrf1)  }
0xff: {  	v10 =	vperm.xlane v10, v2;
	v11 =	vperm.xlane v11, v2;
	_ =	sdelay $0x1  }
0x100: {  	v12, v13, _ =	vpop (xrf1)  }
.Ltmp21:
0x101: {  	vm0 =	vlt.f32 v12, v10;
	vm1 =	veq.f32 v12, v10;
	vm2 =	vle.s32 v13, v11;
	v14, v15, _ =	vpop (xrf1);
	(pc) =	sbr.rel @p2 .LBB2_23-.Ltmp21, $4  }
0x102: {  	(xrf1) =	vsort.ascd.msk.f32 $0xffff, v8, v9;
	vm1 =	vmand vm1, vm2;
	v8 =	vperm.xlane v14, v2;
	v9 =	vperm.xlane v15, v2  }
0x103: {  	vm0 =	vmor vm0, vm1  }
0x104: {  	v14 =	vsel vm0, v12, v10;
	v15 =	vsel vm0, v13, v11;
	v10 =	vsel vm0, v10, v12  }
0x105: {  	v11 =	vsel vm0, v11, v13;
	(xrf1) =	vsort.ascd.msk.f32 $0xffff, v14, v15;
	v12, v13, _ =	vpop (xrf1)  }
.LBB2_24:
0x106: {  	vm0 =	veq.f32 @p1 v12, v8;
	vm1 =	vle.s32 @p1 v13, v9  }
0x107: {  	vm2 =	vlt.f32 @p1 v12, v8;
	(xrf1) =	vsort.ascd.msk.f32 @p0 $0xffff, v10, v11;
	vm0 =	vmand @p1 vm0, vm1  }
0x108: {  	vm0 =	vmor @p1 vm2, vm0  }
0x109: {  	v8 =	vsel @p1 vm0, v12, v8;
	v9 =	vsel @p1 vm0, v13, v9  }
0x10a: {  	(xrf1) =	vsort.ascd.msk.f32 @p1 $0xffff, v8, v9;
	_ =	sdelay $0x8  }
0x10b: {  	v8, v9, _ =	vpop (xrf1)  }
0x10c: {  	v8 =	vperm.xlane v8, v2;
	v9 =	vperm.xlane v9, v2;
	v10, v11, _ =	vpop @p0 (xrf1)  }
0x10d: {  	v7 =	vpsel p0, v10, v7;
	v6 =	vpsel p0, v11, v6;
	v10, v11, _ =	vpop @p0 (xrf1)  }
0x10e: {  	vm11 =	veq.f32 v7, v8;
	vm12 =	vle.s32 v6, v9;
	v10 =	vperm.xlane @p0 v10, v2  }
0x10f: {  	vm10 =	vlt.f32 v7, v8;
	v11 =	vperm.xlane @p0 v11, v2;
	vm1 =	vmand vm11, vm12  }
0x110: {  	vm0 =	vmor vm10, vm1;
	v10 =	vpsel p0, v10, v0;
	v12, v13, _ =	vpop @p1 (xrf1)  }
0x111: {  	v11 =	vpsel p0, v11, v0;
	v12 =	vpsel p1, v12, v5;
	v13 =	vpsel p1, v13, v4  }
0x112: {  	v14 =	vsel vm0, v7, v8;
	vm1 =	veq.f32 @p0 v12, v10;
	vm2 =	vle.s32 @p0 v13, v11  }
0x113: {  	v15 =	vsel vm0, v6, v9;
	vm1 =	vmand @p0 vm1, vm2;
	vm2 =	vlt.f32 @p0 v12, v10  }
0x114: {  	v7 =	vsel vm0, v8, v7;
	v6 =	vsel vm0, v9, v6;
	(xrf1) =	vsort.ascd.msk.f32 $0xffff, v14, v15;
	vm0 =	vmor @p0 vm2, vm1  }
0x115: {  	(xrf1) =	vsort.ascd.msk.f32 $0xffff, v7, v6;
	v6 =	vsel @p0 vm0, v12, v10;
	v7 =	vsel @p0 vm0, v13, v11  }
0x116: {  	(xrf1) =	vsort.ascd.msk.f32 @p0 $0xffff, v6, v7;
	_ =	sdelay $0xb  }
0x117: {  	v7, v6, _ =	vpop (xrf1)  }
0x118: {  	v7, v8, _ =	vpop (xrf1)  }
0x119: {  	v7 =	vperm.xlane v7, v2;
	v8 =	vperm.xlane v8, v2;
	v9, v10, _ =	vpop @p0 (xrf1)  }
0x11a: {  	v5 =	vpsel p0, v9, v5;
	v4 =	vpsel p0, v10, v4  }
0x11b: {  	vm13 =	veq.f32 v5, v7;
	vm14 =	vle.s32 v4, v8  }
0x11c: {  	vm15 =	vlt.f32 v5, v7;
	vm0 =	vmand vm13, vm14  }
0x11d: {  	vm0 =	vmor vm15, vm0  }
0x11e: {  	v5 =	vsel vm0, v5, v7;
	v4 =	vsel vm0, v4, v8  }
0x11f: {  	(xrf1) =	vsort.ascd.msk.f32 $0xffff, v5, v4;
	_ =	sdelay $0xd  }
0x120: {  	v5, v4, _ =	vpop (xrf1)  }
.LBB2_25:
0x121: {  	v5 =	vxor.u32 $0x80000000, v6  }
0x122: {  	(xrf1) =	vsort.ascd.msk.u32 $0xffff, v5, v6;
	v5 =	vxor.u32 $0x80000000, v4  }
0x123: {  	(xrf1) =	vsort.ascd.msk.u32 $0xffff, v5, v4;
	_ =	sdelay $0xc  }
0x124: {  	v4, _, _ =	vpop (xrf1)  }
0x125: {  	v5, _, _ =	vpop (xrf1)  }
0x126: {  	v5 =	vxor.u32 $0x80000000, v5  }
0x127: {  	v5 =	vperm.xlane v5, v2  }
0x128: {  	v4 =	vxor.u32 $0x80000000, v4  }
0x129: {  	vm0 =	vlt.s32 v4, v5  }
0x12a: {  	v6 =	vsel vm0, v4, v5  }
0x12b: {  	v4 =	vsel vm0, v5, v4;
	v5 =	vxor.u32 $0x80000000, v6  }
0x12c: {  	(xrf1) =	vsort.ascd.msk.u32 $0xffff, v5, v6;
	v5 =	vxor.u32 $0x80000000, v4  }
0x12d: {  	(xrf1) =	vsort.ascd.msk.u32 $0xffff, v5, v4;
	_ =	sdelay $0xc  }
0x12e: {  	v4, _, _ =	vpop (xrf1)  }
0x12f: {  	v5 =	vxor.u32 $0x80000000, v4;
	v6, _, _ =	vpop (xrf1);
	vm1 =	vgt.s32 v4, $0xFFFFFFFF;
	v4 =	vand.u32 $0x7, v4  }
0x130: {  	v7 =	vxor.u32 $0x80000000, v6;
	v8 =	vshra.s32 v5, $0x1F;
	vm12 =	vlt.s32 v5, $0x1  }
0x131: {  	vm13 =	vne.s32 v4, $0x0;
	vm2 =	vgt.s32 v6, $0xFFFFFFFF;
	v6 =	vand.u32 $0x7, v6  }
0x132: {  	v8 =	vshrl.u32 v8, $0x1D;
	vm0 =	vmor vm1, vm12;
	vm14 =	vlt.s32 v7, $0x1  }
0x133: {  	vm15 =	vne.s32 v6, $0x0;
	v4 =	vadd.s32 v8, v5;
	v8 =	vshra.s32 v7, $0x1F  }
0x134: {  	s0 =	sadd.s32 s6, s23;
	vm0 =	vmand vm13, vm0;
	vm1 =	vmor vm2, vm14;
	v8 =	vshrl.u32 v8, $0x1D  }
0x135: {  	s0 =	sshll.u32 s0, $0x6;
	v9 =	vsel vm0, $0xFFFFFFFF, v1;
	v4 =	vshra.s32 v4, $0x3;
	v6 =	vadd.s32 v8, v7  }
0x136: {  	[tilespmem:$0x1000] =	vst v5;
	vm0 =	vmand vm15, vm1;
	v4 =	vadd.s32 s0, v4;
	v5 =	vshra.s32 v6, $0x3  }
0x137: {  	[tilespmem:$0x1010] =	vst v7;
	v4 =	vadd.s32 v9, v4;
	v6 =	vsel vm0, $0xFFFFFFFF, v1;
	v5 =	vadd.s32 s0, v5  }
0x138: {  	[tilespmem:$0x1080] =	vst v4;
	v4 =	vadd.s32 v6, v5  }
.Ltmp22:
0x139: {  	[tilespmem:$0x1090] =	vst v4;
	(pc) =	sbr.rel .LBB2_26-.Ltmp22, $4  }
0x13a: {  	[tilespmem:s16], [sflag:$0x1] =	stream.indirect.gather [hbm4b:s5+s14], $0x80, s15, s14, $0xb8;
	[tilespmem:$0x3380] =	vst v63  }
0x13b: {  	_ =	swait.ge [sflag:s13], $0x1000  }
0x13c: {  	s25 =	simm.s32 $0x0;
	[sflag:s13] =	ssyncset.done $0x0  }
0x13d: {  	s28 =	smov.u32 s20;
	s26 =	simm.s32 $0x0;
	v7 =	vmovc v3;
	v6 =	vimm.s32 $0x0;
	v4 =	vimm.s32 $0x0;
	v5 =	vmov v3;
	[sflag:s13] =	ssyncadd.s32 $0xFFFFF000  }
.LBB2_29:
0x13e: {  	v12 =	vmov v5;
	v13 =	vmov v4  }
.LBB2_35:
0x13f: {  	vm0 =	veq.f32 @p1 v12, v8;
	vm1 =	vle.s32 @p1 v13, v9  }
0x140: {  	vm2 =	vlt.f32 @p1 v12, v8;
	(xrf1) =	vsort.ascd.msk.f32 @p0 $0xffff, v10, v11;
	vm0 =	vmand @p1 vm0, vm1  }
0x141: {  	vm0 =	vmor @p1 vm2, vm0  }
0x142: {  	v8 =	vsel @p1 vm0, v12, v8;
	v9 =	vsel @p1 vm0, v13, v9  }
0x143: {  	(xrf1) =	vsort.ascd.msk.f32 @p1 $0xffff, v8, v9;
	_ =	sdelay $0x8  }
0x144: {  	v8, v9, _ =	vpop (xrf1)  }
0x145: {  	v8 =	vperm.xlane v8, v2;
	v9 =	vperm.xlane v9, v2;
	v10, v11, _ =	vpop @p0 (xrf1)  }
0x146: {  	v7 =	vpsel p0, v10, v7;
	v6 =	vpsel p0, v11, v6;
	v10, v11, _ =	vpop @p0 (xrf1)  }
0x147: {  	vm11 =	veq.f32 v7, v8;
	vm12 =	vle.s32 v6, v9;
	v10 =	vperm.xlane @p0 v10, v2  }
0x148: {  	vm10 =	vlt.f32 v7, v8;
	vm1 =	vmand vm11, vm12;
	v11 =	vperm.xlane @p0 v11, v2  }
0x149: {  	vm0 =	vmor vm10, vm1;
	v10 =	vpsel p0, v10, v0;
	v12, v13, _ =	vpop @p1 (xrf1)  }
0x14a: {  	v11 =	vpsel p0, v11, v0;
	v12 =	vpsel p1, v12, v5;
	v13 =	vpsel p1, v13, v4  }
0x14b: {  	v14 =	vsel vm0, v7, v8;
	vm1 =	veq.f32 @p0 v12, v10;
	vm2 =	vle.s32 @p0 v13, v11  }
0x14c: {  	v15 =	vsel vm0, v6, v9;
	vm1 =	vmand @p0 vm1, vm2;
	vm2 =	vlt.f32 @p0 v12, v10  }
0x14d: {  	v7 =	vsel vm0, v8, v7;
	v6 =	vsel vm0, v9, v6;
	(xrf1) =	vsort.ascd.msk.f32 $0xffff, v14, v15;
	vm0 =	vmor @p0 vm2, vm1  }
0x14e: {  	(xrf1) =	vsort.ascd.msk.f32 $0xffff, v7, v6;
	v6 =	vsel @p0 vm0, v12, v10;
	v7 =	vsel @p0 vm0, v13, v11  }
0x14f: {  	(xrf1) =	vsort.ascd.msk.f32 @p0 $0xffff, v6, v7;
	_ =	sdelay $0xb  }
0x150: {  	v7, v6, _ =	vpop (xrf1)  }
0x151: {  	v8, v63, _ =	vpop (xrf1)  }
0x152: {  	v8 =	vperm.xlane v8, v2;
	v9 =	vperm.xlane v63, v2;
	v10, v11, _ =	vpop @p0 (xrf1)  }
0x153: {  	v5 =	vpsel p0, v10, v5;
	v4 =	vpsel p0, v11, v4  }
0x154: {  	vm13 =	veq.f32 v5, v8;
	vm14 =	vle.s32 v4, v9  }
0x155: {  	vm15 =	vlt.f32 v5, v8;
	vm0 =	vmand vm13, vm14  }
0x156: {  	vm0 =	vmor vm15, vm0  }
0x157: {  	v5 =	vsel vm0, v5, v8;
	v4 =	vsel vm0, v4, v9  }
0x158: {  	(xrf1) =	vsort.ascd.msk.f32 $0xffff, v5, v4;
	_ =	sdelay $0xd  }
0x159: {  	v5, v4, _ =	vpop (xrf1)  }
.LBB2_36:
0x15a: {  	(xrf0) =	vmax.scan.msk.f32 $0xffff, v5;
	_ =	sdelay $0x5  }
0x15b: {  	v8, _, _ =	vpop (xrf0)  }
0x15c: {  	(v2sf) =	vpush v8, $0xF;
	_ =	sdelay $0xe  }
0x15d: {  	s28 =	spop (v2sf)  }
.LBB2_37:
0x15e: {  	s26 =	sadd.s32 $0x1, s26  }
0x15f: {  	p1 =	sne.s32 s26, $0x20  }
.Ltmp23:
0x160: {  	_ = 	snop;
	(pc) =	sbr.rel @!p1 .LBB2_38-.Ltmp23, $3  }
0x161: {  	_ =	sdelay $0x1  }
0x162: {  	p0 =	sgt.s32 s25, $0x5F  }
0x163: {  	s25 =	simm.s32 @p0 $0x0  }
.LBB2_26:
0x164: {  	v8 =	vmov s26;
	_ =	sdelay $0x4  }
0x165: {  	v8 =	vld.idx.msk [tilespmem:v8+s17+$0x0], $0xffff;
	_ =	sdelay $0x4  }
0x166: {  	v9 =	vshra.s32 v8, $0x1F  }
0x167: {  	v9 =	vshrl.u32 v9, $0x1D  }
0x168: {  	v9 =	vadd.s32 v9, v8  }
0x169: {  	v9 =	vshrl.u32 v9, $0x3  }
0x16a: {  	v9 =	vshll.u32 v9, $0x3  }
0x16b: {  	v9 =	vsub.s32 v8, v9  }
0x16c: {  	v9 =	vxor.u32 $0x80000000, v9  }
0x16d: {  	(xrf0) =	vmax.scan.msk.u32 $0xffff, v9;
	_ =	sdelay $0x5  }
0x16e: {  	v9, _, _ =	vpop (xrf0)  }
0x16f: {  	(v2sf) =	vpush v9, $0xF;
	_ =	sdelay $0xe  }
0x170: {  	s0 =	spop (v2sf)  }
0x171: {  	s29 =	sshll.u32 s26, $0x7;
	s0 =	sshll.u32 s0, $0x4  }
0x172: {  	s29 =	sand.u32 $0x3FFFFF80, s29;
	s30 =	sand.u32 $0xFFFFFF80, s0  }
0x173: {  	s0 =	sand.u32 $0x70, s0;
	s29 =	sadd.s32 s30, s29  }
0x174: {  	s0 =	sor.u32 s0, s29  }
0x175: {  	v62 =	vld [tilespmem:s0+$0x1100];
	_ =	sdelay $0x4  }
0x176: {  	vm0 =	vlt.f32 v62, s28  }
0x177: {  	v10 =	vsel vm0, $0x1, v1  }
0x178: {  	(xrf0) =	vadd.scan.msk.s32 $0xffff, v10;
	_ =	sdelay $0x5  }
0x179: {  	v10, _, _ =	vpop (xrf0)  }
0x17a: {  	v11 =	vxor.u32 $0x80000000, v10  }
0x17b: {  	(xrf0) =	vmax.scan.msk.u32 $0xffff, v11;
	_ =	sdelay $0x5  }
0x17c: {  	v11, _, _ =	vpop (xrf0)  }
0x17d: {  	(v2sf) =	vpush v11, $0xF;
	_ =	sdelay $0xb  }
0x17e: {  	v63 =	vmov s25  }
0x17f: {  	v11 =	vadd.s32 $0xFFFFFFFF, v63  }
0x180: {  	v11 =	vbroadcast v11, $0x0  }
0x181: {  	s31 =	spop (v2sf)  }
0x182: {  	v10 =	vadd.s32 v10, v11;
	s0 =	sadd.s32 s31, s25  }
0x183: {  	v10 =	vnsel vm0, $0x90, v10;
	s25 =	sadd.s32 $0x80000000, s0  }
0x184: {  	p0 =	slt.s32 s25, $0x60  }
.Ltmp24:
0x185: {  	_ = 	snop;
	(pc) =	sbr.rel @p0 .LBB2_37-.Ltmp24, $4  }
0x186: {  	_ = 	snop  }
0x187: {  	v8 =	vshll.u32 v8, $0x4  }
0x188: {  	v8 =	vor.u32 v0, v8;
	[tilespmem:v10+s11+$0x0] =	vst.idx.msk $0xffff, v62  }
0x189: {  	[tilespmem:v10+s12+$0x0] =	vst.idx.msk $0xffff, v8  }
0x18a: {  	s0 =	sadd.s32 $0xF, s25  }
0x18b: {  	s28 =	sand.u32 $0xF, s0  }
0x18c: {  	s29 =	sshra.s32 s0, $0x1F;
	p0 =	slt.s32 s0, $0x0;
	p1 =	sne.s32 s28, $0x0  }
0x18d: {  	s28 =	sshrl.u32 s29, $0x1C;
	p0 =	por !p0, !p1  }
0x18e: {  	s0 =	sadd.s32 s28, s0;
	s28 =	simm.s32 $0x1;
	p0 =	por !p0, !p0  }
0x18f: {  	s0 =	sshra.s32 s0, $0x4;
	s28 =	simm.s32 @!p0 $0x0  }
0x190: {  	s28 =	ssub.s32 s0, s28  }
0x191: {  	p0 =	slt.s32 s28, $0x1  }
.Ltmp25:
0x192: {  	_ = 	snop;
	(pc) =	sbr.rel @p0 .LBB2_36-.Ltmp25, $2  }
0x193: {  	_ =	sdelay $0x2  }
0x194: {  	[tilespmem:s25+$0x2100] =	vst v3  }
0x195: {  	s0 =	simm.s32 $0x2100  }
0x196: {  	s29 =	simm.s32 $0x2200;
	v8 =	vld [tilespmem:s0+$0x0]  }
0x197: {  	p2 =	sne.s32 s28, $0x1;
	v9 =	vld [tilespmem:s29+$0x0]  }
.Ltmp26:
0x198: {  	_ = 	snop;
	(pc) =	sbr.rel @!p2 .LBB2_29-.Ltmp26, $2  }
0x199: {  	_ =	sdelay $0x2  }
0x19a: {  	s28 =	sadd.s32 $0xFFFFFFFF, s28;
	p0 =	por $0x0, $0x0;
	p1 =	por $0x0, $0x0;
	(xrf1) =	vsort.ascd.msk.f32 $0xffff, v8, v9  }
0x19b: {  	_ =	sdelay $0xb  }
0x19c: {  	s0 =	simm.s32 $0x2110  }
0x19d: {  	s31 =	simm.s32 $0x2210;
	v8 =	vld [tilespmem:s0+$0x0];
	v9, v10, _ =	vpop (xrf1)  }
0x19e: {  	v11 =	vld [tilespmem:s31+$0x0];
	v9 =	vperm.xlane v9, v2;
	v12 =	vperm.xlane v10, v2  }
0x19f: {  	p2 =	sne.s32 s28, $0x1  }
.Ltmp27:
0x1a0: {  	vm0 =	veq.f32 v7, v9;
	vm1 =	vle.s32 v6, v12;
	(pc) =	sbr.rel @!p2 .LBB2_31-.Ltmp27, $4  }
0x1a1: {  	vm2 =	vlt.f32 v7, v9;
	vm0 =	vmand vm0, vm1  }
0x1a2: {  	vm0 =	vmor vm2, vm0  }
0x1a3: {  	(xrf1) =	vsort.ascd.msk.f32 $0xffff, v8, v11;
	v8 =	vsel vm0, v7, v9;
	v13 =	vsel vm0, v6, v12  }
0x1a4: {  	s30 =	sadd.s32 $0xFFFFFFFF, s28;
	p0 =	por $0x1, $0x1;
	v10 =	vsel vm0, v9, v7;
	v11 =	vsel vm0, v12, v6;
	(xrf1) =	vsort.ascd.msk.f32 $0xffff, v8, v13  }
0x1a5: {  	_ =	sdelay $0x1  }
0x1a6: {  	(xrf1) =	vsort.ascd.msk.f32 $0xffff, v10, v11;
	_ =	sdelay $0x6  }
0x1a7: {  	s28 =	simm.s32 $0x2120  }
0x1a8: {  	s29 =	simm.s32 $0x2220;
	v8 =	vld [tilespmem:s28+$0x0]  }
0x1a9: {  	v9 =	vld [tilespmem:s29+$0x0]  }
0x1aa: {  	v10, v11, _ =	vpop (xrf1)  }
0x1ab: {  	v10 =	vperm.xlane v10, v2;
	v11 =	vperm.xlane v11, v2  }
0x1ac: {  	p2 =	sne.s32 s30, $0x1;
	v12, v13, _ =	vpop (xrf1)  }
.Ltmp28:
0x1ad: {  	vm0 =	veq.f32 v12, v10;
	vm1 =	vle.s32 v13, v11;
	(pc) =	sbr.rel @!p2 .LBB2_33-.Ltmp28, $4  }
0x1ae: {  	(xrf1) =	vsort.ascd.msk.f32 $0xffff, v8, v9;
	v14, v15, _ =	vpop (xrf1);
	vm2 =	vlt.f32 v12, v10;
	vm0 =	vmand vm0, vm1  }
0x1af: {  	v8 =	vperm.xlane v14, v2;
	v9 =	vperm.xlane v15, v2;
	vm0 =	vmor vm2, vm0  }
0x1b0: {  	v14 =	vsel vm0, v12, v10;
	v15 =	vsel vm0, v13, v11;
	v10 =	vsel vm0, v10, v12  }
0x1b1: {  	s30 =	sadd.s32 $0xFFFFFFFF, s30;
	p1 =	por $0x1, $0x1;
	v11 =	vsel vm0, v11, v13;
	v12 =	vmovc v5;
	v13 =	vmov v4;
	(xrf1) =	vsort.ascd.msk.f32 $0xffff, v14, v15  }
.LBB2_34:
0x1b2: {  	p2 =	sne.s32 s30, $0x1;
	s30 =	sadd.s32 $0xFFFFFFFF, s30;
	(xrf1) =	vsort.ascd.msk.f32 $0xffff, v10, v11;
	vm0 =	veq.f32 v12, v8;
	vm1 =	vle.s32 v13, v9  }
0x1b3: {  	vm2 =	vlt.f32 v12, v8;
	vm0 =	vmand vm0, vm1  }
0x1b4: {  	vm0 =	vmor vm2, vm0  }
0x1b5: {  	v8 =	vsel vm0, v12, v8;
	v9 =	vsel vm0, v13, v9  }
0x1b6: {  	(xrf1) =	vsort.ascd.msk.f32 $0xffff, v8, v9;
	_ =	sdelay $0x3  }
0x1b7: {  	s28 =	sadd.s32 $0x10, s28  }
0x1b8: {  	s29 =	sadd.s32 $0x10, s29;
	v8 =	vld [tilespmem:s28+$0x0]  }
0x1b9: {  	v9 =	vld [tilespmem:s29+$0x0];
	v10, v11, _ =	vpop (xrf1)  }
0x1ba: {  	v10 =	vperm.xlane v10, v2;
	v11 =	vperm.xlane v11, v2;
	_ =	sdelay $0x1  }
0x1bb: {  	v12, v13, _ =	vpop (xrf1)  }
.Ltmp29:
0x1bc: {  	vm0 =	vlt.f32 v12, v10;
	vm1 =	veq.f32 v12, v10;
	vm2 =	vle.s32 v13, v11;
	v14, v15, _ =	vpop (xrf1);
	(pc) =	sbr.rel @p2 .LBB2_34-.Ltmp29, $4  }
0x1bd: {  	(xrf1) =	vsort.ascd.msk.f32 $0xffff, v8, v9;
	vm1 =	vmand vm1, vm2;
	v8 =	vperm.xlane v14, v2;
	v9 =	vperm.xlane v15, v2  }
0x1be: {  	vm0 =	vmor vm0, vm1  }
0x1bf: {  	v14 =	vsel vm0, v12, v10;
	v15 =	vsel vm0, v13, v11;
	v10 =	vsel vm0, v10, v12  }
0x1c0: {  	v11 =	vsel vm0, v11, v13;
	(xrf1) =	vsort.ascd.msk.f32 $0xffff, v14, v15;
	v12, v13, _ =	vpop (xrf1)  }
.Ltmp30:
0x1c1: {  	_ = 	snop;
	(pc) =	sbr.rel .LBB2_35-.Ltmp30, $1  }
0x1c2: {  	_ =	sdelay $0x3  }
.LBB2_31:
.Ltmp31:
0x1c3: {  	(pc) =	sbr.rel .LBB2_35-.Ltmp31, $2  }
0x1c4: {  	_ =	sdelay $0x2  }
0x1c5: {  	v12 =	vmov v5;
	v13 =	vmov v4  }
.LBB2_33:
.Ltmp32:
0x1c6: {  	(pc) =	sbr.rel .LBB2_35-.Ltmp32, $2  }
0x1c7: {  	_ =	sdelay $0x2  }
0x1c8: {  	v12 =	vmov v5;
	v13 =	vmov v4  }
.LBB2_38:
0x1c9: {  	s0 =	sadd.s32 $0xF, s25  }
0x1ca: {  	s26 =	sand.u32 $0xF, s0  }
0x1cb: {  	p0 =	slt.s32 s25, $0xFFFFFFF2;
	s28 =	sshra.s32 s0, $0x1F;
	p1 =	sne.s32 s26, $0x0  }
0x1cc: {  	s31 =	sshrl.u32 s28, $0x1C;
	p0 =	por !p0, !p1  }
0x1cd: {  	s26 =	simm.s32 $0x1;
	s0 =	sadd.s32 s31, s0;
	p0 =	por !p0, !p0  }
0x1ce: {  	s0 =	sshra.s32 s0, $0x4;
	s26 =	simm.s32 @!p0 $0x0  }
0x1cf: {  	s26 =	ssub.s32 s0, s26  }
0x1d0: {  	p0 =	slt.s32 s26, $0x1  }
.Ltmp33:
0x1d1: {  	_ = 	snop;
	(pc) =	sbr.rel @p0 .LBB2_47-.Ltmp33, $2  }
0x1d2: {  	_ =	sdelay $0x2  }
0x1d3: {  	[tilespmem:s25+$0x2100] =	vst v3  }
0x1d4: {  	s0 =	simm.s32 $0x2100  }
0x1d5: {  	s25 =	simm.s32 $0x2200;
	v8 =	vld [tilespmem:s0+$0x0]  }
0x1d6: {  	p2 =	sne.s32 s26, $0x1;
	v9 =	vld [tilespmem:s25+$0x0]  }
.Ltmp34:
0x1d7: {  	_ = 	snop;
	(pc) =	sbr.rel @!p2 .LBB2_40-.Ltmp34, $2  }
0x1d8: {  	_ =	sdelay $0x2  }
0x1d9: {  	p0 =	por $0x0, $0x0;
	p1 =	por $0x0, $0x0;
	s25 =	sadd.s32 $0xFFFFFFFF, s26;
	(xrf1) =	vsort.ascd.msk.f32 $0xffff, v8, v9  }
0x1da: {  	_ =	sdelay $0xb  }
0x1db: {  	s0 =	simm.s32 $0x2110  }
0x1dc: {  	s31 =	simm.s32 $0x2210;
	v8 =	vld [tilespmem:s0+$0x0];
	v9, v10, _ =	vpop (xrf1)  }
0x1dd: {  	v11 =	vld [tilespmem:s31+$0x0];
	v9 =	vperm.xlane v9, v2;
	v12 =	vperm.xlane v10, v2  }
0x1de: {  	p2 =	sne.s32 s25, $0x1  }
.Ltmp35:
0x1df: {  	vm0 =	veq.f32 v7, v9;
	vm1 =	vle.s32 v6, v12;
	(pc) =	sbr.rel @!p2 .LBB2_42-.Ltmp35, $4  }
0x1e0: {  	vm2 =	vlt.f32 v7, v9;
	vm0 =	vmand vm0, vm1  }
0x1e1: {  	vm0 =	vmor vm2, vm0  }
0x1e2: {  	(xrf1) =	vsort.ascd.msk.f32 $0xffff, v8, v11;
	v8 =	vsel vm0, v7, v9;
	v13 =	vsel vm0, v6, v12  }
0x1e3: {  	s28 =	sadd.s32 $0xFFFFFFFF, s25;
	p0 =	por $0x1, $0x1;
	v10 =	vsel vm0, v9, v7;
	v11 =	vsel vm0, v12, v6;
	(xrf1) =	vsort.ascd.msk.f32 $0xffff, v8, v13  }
0x1e4: {  	_ =	sdelay $0x1  }
0x1e5: {  	(xrf1) =	vsort.ascd.msk.f32 $0xffff, v10, v11;
	_ =	sdelay $0x6  }
0x1e6: {  	s25 =	simm.s32 $0x2120  }
0x1e7: {  	s26 =	simm.s32 $0x2220;
	v8 =	vld [tilespmem:s25+$0x0]  }
0x1e8: {  	v9 =	vld [tilespmem:s26+$0x0]  }
0x1e9: {  	v10, v11, _ =	vpop (xrf1)  }
0x1ea: {  	v10 =	vperm.xlane v10, v2;
	v11 =	vperm.xlane v11, v2  }
0x1eb: {  	p2 =	sne.s32 s28, $0x1;
	v12, v13, _ =	vpop (xrf1)  }
.Ltmp36:
0x1ec: {  	vm0 =	veq.f32 v12, v10;
	vm1 =	vle.s32 v13, v11;
	(pc) =	sbr.rel @!p2 .LBB2_44-.Ltmp36, $4  }
0x1ed: {  	(xrf1) =	vsort.ascd.msk.f32 $0xffff, v8, v9;
	v14, v15, _ =	vpop (xrf1);
	vm2 =	vlt.f32 v12, v10;
	vm0 =	vmand vm0, vm1  }
0x1ee: {  	v8 =	vperm.xlane v14, v2;
	v9 =	vperm.xlane v15, v2;
	vm0 =	vmor vm2, vm0  }
0x1ef: {  	v14 =	vsel vm0, v12, v10;
	v15 =	vsel vm0, v13, v11;
	v10 =	vsel vm0, v10, v12  }
0x1f0: {  	s28 =	sadd.s32 $0xFFFFFFFF, s28;
	p1 =	por $0x1, $0x1;
	v11 =	vsel vm0, v11, v13;
	v12 =	vmovc v5;
	v13 =	vmov v4;
	(xrf1) =	vsort.ascd.msk.f32 $0xffff, v14, v15  }
.LBB2_45:
0x1f1: {  	p2 =	sne.s32 s28, $0x1;
	s28 =	sadd.s32 $0xFFFFFFFF, s28;
	(xrf1) =	vsort.ascd.msk.f32 $0xffff, v10, v11;
	vm0 =	veq.f32 v12, v8;
	vm1 =	vle.s32 v13, v9  }
0x1f2: {  	vm2 =	vlt.f32 v12, v8;
	vm0 =	vmand vm0, vm1  }
0x1f3: {  	vm0 =	vmor vm2, vm0  }
0x1f4: {  	v8 =	vsel vm0, v12, v8;
	v9 =	vsel vm0, v13, v9  }
0x1f5: {  	(xrf1) =	vsort.ascd.msk.f32 $0xffff, v8, v9;
	_ =	sdelay $0x3  }
0x1f6: {  	s25 =	sadd.s32 $0x10, s25  }
0x1f7: {  	s26 =	sadd.s32 $0x10, s26;
	v8 =	vld [tilespmem:s25+$0x0]  }
0x1f8: {  	v9 =	vld [tilespmem:s26+$0x0];
	v10, v11, _ =	vpop (xrf1)  }
0x1f9: {  	v10 =	vperm.xlane v10, v2;
	v11 =	vperm.xlane v11, v2;
	_ =	sdelay $0x1  }
0x1fa: {  	v12, v13, _ =	vpop (xrf1)  }
.Ltmp37:
0x1fb: {  	vm0 =	vlt.f32 v12, v10;
	vm1 =	veq.f32 v12, v10;
	vm2 =	vle.s32 v13, v11;
	v14, v15, _ =	vpop (xrf1);
	(pc) =	sbr.rel @p2 .LBB2_45-.Ltmp37, $4  }
0x1fc: {  	(xrf1) =	vsort.ascd.msk.f32 $0xffff, v8, v9;
	vm1 =	vmand vm1, vm2;
	v8 =	vperm.xlane v14, v2;
	v9 =	vperm.xlane v15, v2  }
0x1fd: {  	vm0 =	vmor vm0, vm1  }
0x1fe: {  	v14 =	vsel vm0, v12, v10;
	v15 =	vsel vm0, v13, v11;
	v10 =	vsel vm0, v10, v12  }
0x1ff: {  	v11 =	vsel vm0, v11, v13;
	(xrf1) =	vsort.ascd.msk.f32 $0xffff, v14, v15;
	v12, v13, _ =	vpop (xrf1)  }
.Ltmp38:
0x200: {  	_ = 	snop;
	(pc) =	sbr.rel .LBB2_46-.Ltmp38, $1  }
0x201: {  	_ =	sdelay $0x3  }
.LBB2_18:
.Ltmp39:
0x202: {  	(pc) =	sbr.rel .LBB2_24-.Ltmp39, $2  }
0x203: {  	_ =	sdelay $0x2  }
0x204: {  	v12 =	vmov v5;
	v13 =	vmov v4  }
.LBB2_20:
.Ltmp40:
0x205: {  	(pc) =	sbr.rel .LBB2_24-.Ltmp40, $2  }
0x206: {  	_ =	sdelay $0x2  }
0x207: {  	v12 =	vmov v5;
	v13 =	vmov v4  }
.LBB2_42:
.Ltmp41:
0x208: {  	(pc) =	sbr.rel .LBB2_46-.Ltmp41, $2  }
0x209: {  	_ =	sdelay $0x2  }
0x20a: {  	v12 =	vmov v5;
	v13 =	vmov v4  }
.LBB2_22:
.Ltmp42:
0x20b: {  	(pc) =	sbr.rel .LBB2_24-.Ltmp42, $2  }
0x20c: {  	_ =	sdelay $0x2  }
0x20d: {  	v12 =	vmov v5;
	v13 =	vmov v4  }
.LBB2_44:
.Ltmp43:
0x20e: {  	(pc) =	sbr.rel .LBB2_46-.Ltmp43, $2  }
0x20f: {  	_ =	sdelay $0x2  }
0x210: {  	v12 =	vmov v5;
	v13 =	vmov v4  }
.LBB2_50:
0x211: {  	_ =	sfence.sel $0x180000  }
0x212: {  	[bflag:$0x0] =	sbarrier.arrive $0xFFFF  }
0x213: {  	_ =	strace $0x90000047  }
0x214: {  	[bflag:$0x2] =	sbarrier.arrive $0xFFFF  }
0x215: {  	p0 =	sne.s32 s1, $0x0;
	s0 =	rddreg [dreg:$0x3]  }
0x216: {  	s0 =	sadd.s32 @!p0 $0x100000, s0  }
0x217: {  	[sflag:s0] =	ssyncadd.tile.s32 @!p0 $0x1;
	_ =	shalt  }
.Lfunc_end2:
_tile_overlayer_lowered:
.L_overlay_start_2:
0x218: {  	(tag) =	ssettag $0x2  }
0x219: {  	s0 =	rddreg [dreg:$0x0];
	s2 =	stileid.u32  }
0x21a: {  	s1 =	rddreg [dreg:$0x1];
	p0 =	sne.s32 s2, $0x0  }
0x21b: {  	s3 =	rddreg [dreg:$0x2];
	[bflag:$0x3] =	sbarrier.arrive $0xFFFF;
	s2 =	simm.s32 @!p0 $0x1C02  }
0x21c: {  	[timem:s3], [sflag:s2] =	dma.local @!p0 [hbm:s0], s1  }
0x21d: {  	s0 =	simm.s32 @!p0 $0x2  }
0x21e: {  	_ =	swait.ge @!p0 [sflag:s0], s1  }
0x21f: {  	s1 =	ssub.s32 @!p0 $0x0, s1;
	[sflag:s0] =	ssyncset.done @!p0 $0x0  }
0x220: {  	[sflag:s0] =	ssyncadd.s32 @!p0 s1  }
0x221: {  	[bflag:$0x3] =	sbarrier.arrive $0xFFFF  }
0x222: {  	_ =	shalt  }

// kernel: kernel.9.cloned.1.call-start
scs
__scs_entry_jumppad:
0x0: {  	(pc) =	sbr.rel $0x88, $3  }
0x1: {  	(tag) =	ssettag $0x0;
	lr =	simm.s32 $0x1  }
0x2: {  	[smem:$0x3F9E] =	sst lr;
	_ =	strace $0xD0000000  }
0x3: {  	_ = 	snop  }
0x4: {  	_ = 	snop  }
0x5: {  	_ = 	snop  }
0x6: {  	_ = 	snop  }
0x7: {  	_ = 	snop  }
__scs_overlays_trampoline_lowered:
0x8: {  	[smem:$0x3FAD] =	sst s0  }
0x9: {  	[smem:$0x3FAE] =	sst s1  }
0xa: {  	[smem:$0x3FAF] =	sst s2  }
0xb: {  	[smem:$0x3FB0] =	sst s3  }
0xc: {  	[smem:$0x3FB1] =	sst s4  }
0xd: {  	[smem:$0x3FB2] =	sst s5  }
0xe: {  	[smem:$0x3FB3] =	sst s6  }
0xf: {  	[smem:$0x3FB4] =	sst s7  }
0x10: {  	[smem:$0x3FB5] =	sst s8  }
0x11: {  	[smem:$0x3FB6] =	sst s9;
	s0 =	simm.s32 @!p0 $0x0  }
0x12: {  	s1 =	sld [smem:$0x3F9C];
	s0 =	simm.s32 @p0 $0x1  }
0x13: {  	[smem:$0x3FB7] =	sst s0;
	s0 =	simm.s32 @!p1 $0x0  }
0x14: {  	s2 =	sld [smem:$0x3F9B];
	s0 =	simm.s32 @p1 $0x1  }
0x15: {  	[smem:$0x3FB8] =	sst s0;
	s0 =	simm.s32 @!p2 $0x0  }
0x16: {  	s3 =	sld [smem:$0x3FDB];
	s0 =	simm.s32 @p2 $0x1  }
0x17: {  	s4 =	simm.s32 $0x1BF5;
	[smem:$0x3FBA] =	sst s0  }
0x18: {  	s0 =	sld [smem:$0x3F9D];
	_ =	swait.ge [sflag:s4], $0x0  }
0x19: {  	s7 =	sld [smem:$0x3F9E]  }
0x1a: {  	s8 =	sadd.s32 $0xFFFFE003, lr  }
0x1b: {  	s9 =	sadd.s32 $0xFFFFFEF7, lr;
	s5 =	simm.s32 $0xFFFFFFFF;
	p2 =	slt.u32 s8, $0xFFFFF086  }
0x1c: {  	p1 =	slt.u32 s9, $0xF7A;
	s5 =	simm.s32 @!p2 $0x0  }
0x1d: {  	s5 =	simm.s32 @p1 $0x1;
	p0 =	seq.s32 s7, s2  }
0x1e: {  	s7 =	smul.u32 @!p0 $0xF7A, s2;
	p2 =	seq.s32 @!p0 s5, $0x0  }
0x1f: {  	s9 =	smul.u32 $0xF7A, s1;
	s8 =	simm.s32 @!p0 $0x1BF5;
	p2 =	por !p2, p0  }
0x20: {  	[sflag:s8] =	ssyncset.s32 @!p0 $0xFFFFF086;
	s6 =	sadd.s32 @!p0 s3, s7;
	s7 =	simm.s32 @!p0 $0x108  }
0x21: {  	s3 =	sadd.s32 s3, s9;
	s6 =	sadd.s32 @!p0 $0x88, s6;
	s7 =	simm.s32 @p2 $0x1082  }
0x22: {  	[simem:s7], [sflag:s8] =	dma.local @!p0 [hbm:s6], $0xF7A  }
0x23: {  	s9 =	sor.u32 $0xD0000000, s2;
	s6 =	simm.s32 $0x108;
	_ =	swait.ge @!p0 [sflag:s8], $0x0  }
0x24: {  	s3 =	sadd.s32 $0x88, s3;
	s6 =	simm.s32 @!p1 $0x1082;
	[sflag:s4] =	ssyncset.s32 $0xFFFFF086  }
0x25: {  	[simem:s6], [sflag:s4] =	dma.local [hbm:s3], $0xF7A  }
0x26: {  	[smem:$0x3F9E] =	sst s1;
	(tag) =	ssettag s2;
	_ =	strace s9  }
0x27: {  	s1 =	sld [smem:$0x3FAE]  }
0x28: {  	s2 =	sld [smem:$0x3FAF]  }
0x29: {  	s4 =	sld [smem:$0x3FB1]  }
0x2a: {  	p0 =	seq.s32 s5, $0x0;
	s5 =	sld [smem:$0x3FB2]  }
0x2b: {  	s6 =	sld [smem:$0x3FB3]  }
0x2c: {  	s7 =	sld [smem:$0x3FB4]  }
0x2d: {  	s3 =	simm.s32 $0x108;
	s8 =	sld [smem:$0x3FB5]  }
0x2e: {  	s3 =	simm.s32 @!p0 $0x1082;
	s9 =	sld [smem:$0x3FB6]  }
0x2f: {  	lr =	sadd.s32 s0, s3;
	s0 =	sld [smem:$0x3FAD]  }
0x30: {  	s3 =	sld [smem:$0x3FB0]  }
0x31: {  	[smem:$0x3FB9] =	sst s10  }
0x32: {  	s10 =	sld [smem:$0x3FB7];
	_ =	sdelay $0x3  }
0x33: {  	p0 =	seq.s32 s10, $0x1;
	s10 =	sld [smem:$0x3FB9];
	_ =	sdelay $0x3  }
0x34: {  	[smem:$0x3FB9] =	sst s10  }
0x35: {  	s10 =	sld [smem:$0x3FB8];
	_ =	sdelay $0x3  }
0x36: {  	p1 =	seq.s32 s10, $0x1;
	s10 =	sld [smem:$0x3FB9];
	_ =	sdelay $0x3  }
0x37: {  	[smem:$0x3FB9] =	sst s10  }
0x38: {  	s10 =	sld [smem:$0x3FBA]  }
0x39: {  	_ = 	snop;
	(pc) =	sbr.ind lr, $3  }
0x3a: {  	_ = 	snop  }
0x3b: {  	_ = 	snop  }
0x3c: {  	p2 =	seq.s32 s10, $0x1;
	s10 =	sld [smem:$0x3FB9]  }
0x3d: {  	_ =	shalt  }
0x3e: {  	_ =	shalt  }
0x3f: {  	_ =	shalt  }
0x40: {  	_ =	shalt  }
0x41: {  	_ =	shalt  }
0x42: {  	_ =	shalt  }
0x43: {  	_ =	shalt  }
0x44: {  	_ =	shalt  }
0x45: {  	_ =	shalt  }
0x46: {  	_ =	shalt  }
0x47: {  	_ =	shalt  }
0x48: {  	_ =	shalt  }
0x49: {  	_ =	shalt  }
0x4a: {  	_ =	shalt  }
0x4b: {  	_ =	shalt  }
0x4c: {  	_ =	shalt  }
0x4d: {  	_ =	shalt  }
0x4e: {  	_ =	shalt  }
0x4f: {  	_ =	shalt  }
0x50: {  	_ =	shalt  }
0x51: {  	_ =	shalt  }
0x52: {  	_ =	shalt  }
0x53: {  	_ =	shalt  }
0x54: {  	_ =	shalt  }
0x55: {  	_ =	shalt  }
0x56: {  	_ =	shalt  }
0x57: {  	_ =	shalt  }
0x58: {  	_ =	shalt  }
0x59: {  	_ =	shalt  }
0x5a: {  	_ =	shalt  }
0x5b: {  	_ =	shalt  }
0x5c: {  	_ =	shalt  }
0x5d: {  	_ =	shalt  }
0x5e: {  	_ =	shalt  }
0x5f: {  	_ =	shalt  }
0x60: {  	_ =	shalt  }
0x61: {  	_ =	shalt  }
0x62: {  	_ =	shalt  }
0x63: {  	_ =	shalt  }
0x64: {  	_ =	shalt  }
0x65: {  	_ =	shalt  }
0x66: {  	_ =	shalt  }
0x67: {  	_ =	shalt  }
0x68: {  	_ =	shalt  }
0x69: {  	_ =	shalt  }
0x6a: {  	_ =	shalt  }
0x6b: {  	_ =	shalt  }
0x6c: {  	_ =	shalt  }
0x6d: {  	_ =	shalt  }
0x6e: {  	_ =	shalt  }
0x6f: {  	_ =	shalt  }
0x70: {  	_ =	shalt  }
0x71: {  	_ =	shalt  }
0x72: {  	_ =	shalt  }
0x73: {  	_ =	shalt  }
0x74: {  	_ =	shalt  }
0x75: {  	_ =	shalt  }
0x76: {  	_ =	shalt  }
0x77: {  	_ =	shalt  }
0x78: {  	_ =	shalt  }
0x79: {  	_ =	shalt  }
0x7a: {  	_ =	shalt  }
0x7b: {  	_ =	shalt  }
0x7c: {  	_ =	shalt  }
0x7d: {  	_ =	shalt  }
0x7e: {  	_ =	shalt  }
0x7f: {  	_ =	shalt  }
0x80: {  	_ =	shalt  }
0x81: {  	_ =	shalt  }
0x82: {  	_ =	shalt  }
0x83: {  	_ =	shalt  }
0x84: {  	_ =	shalt  }
0x85: {  	_ =	shalt  }
0x86: {  	_ =	shalt  }
0x87: {  	_ =	shalt  }
.Lfunc_end0:
.L_simem_size_0:
called_computation.1_lowered:
.L_overlay_start_0:
0x88: {  	s2 =	sld [smem:$0x3FD9]  }
0x89: {  	s3 =	sld [smem:$0x3FFE];
	_ =	sdelay $0x1  }
0x8a: {  	s1 =	srdreg.scid  }
0x8b: {  	s0 =	sand.u32 $0x1, s1  }
0x8c: {  	s14 =	sshll.u32 s0, $0xA;
	s2 =	sadd.s32 s3, s2  }
0x8d: {  	s2 =	sadd.s32 s2, s14  }
0x8e: {  	[smem:$0x3FC5] =	sst s2  }
0x8f: {  	_ = 	snop  }
0x90: {  	s2 =	sld [smem:$0x3FD0];
	_ =	sdelay $0x2  }
0x91: {  	s4 =	simm.s32 $0xA;
	s5 =	simm.s32 $0x10;
	s15 =	sld [smem:$0x3FC8]  }
0x92: {  	[smem:s5], [sflag:s4] =	dma.local [hbm:s2], $0x1  }
0x93: {  	_ =	swait.eq [sflag:s4], $0x1  }
0x94: {  	s16 =	sld [smem:$0x11]  }
0x95: {  	s17 =	sld [smem:$0x12]  }
0x96: {  	s6 =	sld [smem:$0x13];
	[sflag:s4] =	ssyncset.done $0x0  }
0x97: {  	s7 =	sld [smem:$0x14];
	[sflag:s4] =	ssyncadd.s32 $0xFFFFFFFF  }
0x98: {  	s18 =	sld [smem:$0x15];
	(tm) =	ssettm $0x1  }
0x99: {  	s8 =	sld [smem:$0x3FFB];
	_ =	sdelay $0x3  }
0x9a: {  	_ =	strace s8  }
0x9b: {  	s8 =	sld [smem:$0x3FFC];
	_ =	sdelay $0x3  }
0x9c: {  	_ =	strace s8  }
0x9d: {  	s8 =	sld [smem:$0x3FFD];
	_ =	sdelay $0x3  }
0x9e: {  	_ =	strace s8  }
0x9f: {  	_ =	strace $0x8FFFFFFF  }
0xa0: {  	s19 =	sld [smem:$0x3FDB];
	_ =	sdelay $0x1  }
0xa1: {  	s9 =	simm.s32 $_scs_section_size  }
0xa2: {  	s10 =	simm.s32 $_size__tile_overlayer_lowered;
	s11 =	simm.s32 $_tile_overlayer_lowered  }
0xa3: {  	s22 =	simm.s32 $0x1BFF;
	s21 =	sshll.u32 s11, $0x1;
	s8 =	sadd.s32 s9, s19  }
0xa4: {  	s12 =	simm.s32 $0x0;
	s20 =	sshll.u32 s10, $0x1;
	s10 =	sadd.s32 s21, s8  }
0xa5: {  	[timem:s12], [sflag:s22] =	dma.local [hbm:s10], s20  }
0xa6: {  	_ =	swait.ge [sflag:s22], s20  }
0xa7: {  	s9 =	ssub.s32 $0x0, s20;
	[sflag:s22] =	ssyncset.done $0x0  }
0xa8: {  	[sflag:s22] =	ssyncadd.s32 s9;
	_ =	sdelay $0x1  }
0xa9: {  	s23 =	simm.s32 $0x1B8B  }
0xaa: {  	_ =	swait.ge [sflag:s23], $0x1  }
0xab: {  	[sflag:s23] =	ssyncset.done $0x0  }
0xac: {  	s25 =	simm.s32 $0x1B8E;
	s24 =	sld [smem:$0x3FFE];
	[sflag:s23] =	ssyncadd.s32 $0xFFFFFFFF  }
0xad: {  	s26 =	simm.s32 $execute0_lowered;
	[smem:$0x3FD2] =	sst s25  }
0xae: {  	s10 =	sshll.u32 s26, $0x1;
	_ =	strace $0x80000049;
	[dreg:$0x1] =	wrdreg $0xFFFFFFFF  }
0xaf: {  	s28 =	simm.s32 $_size_execute0_lowered;
	s8 =	sadd.s32 s8, s10;
	[dreg:$0x0] =	wrdreg $0x0  }
0xb0: {  	s10 =	sshll.u32 s28, $0x1;
	[dreg:$0x2] =	wrdreg s8  }
0xb1: {  	[dreg:$0x3] =	wrdreg s10  }
0xb2: {  	[dreg:$0x4] =	wrdreg $0xC0  }
0xb3: {  	_ =	task [dreg:s12], $0x5FFFF  }
0xb4: {  	[dreg:$0x1] =	wrdreg $0xFFFFFFFF  }
0xb5: {  	[dreg:$0x0] =	wrdreg $0x60  }
0xb6: {  	[dreg:$0x2] =	wrdreg s24  }
0xb7: {  	[dreg:$0x3] =	wrdreg s15  }
0xb8: {  	[dreg:$0x4] =	wrdreg s17  }
0xb9: {  	[dreg:$0x5] =	wrdreg s16  }
0xba: {  	[dreg:$0x6] =	wrdreg s7  }
0xbb: {  	[dreg:$0x7] =	wrdreg s18  }
0xbc: {  	[dreg:$0x8] =	wrdreg s6  }
0xbd: {  	[dreg:$0x9] =	wrdreg $0x9  }
0xbe: {  	_ =	task.clear_ibuf [dreg:s12], $0xAFFFF;
	_ =	strace $0x90000049  }
0xbf: {  	s29 =	simm.s32 $0x9;
	_ =	strace $0x8000004B  }
0xc0: {  	_ =	swait.ge [sflag:s29], $0x1  }
0xc1: {  	[sflag:s29] =	ssyncadd.s32 $0xFFFFFFFF  }
0xc2: {  	_ =	strace $0x9000004B  }
0xc3: {  	_ =	sfence  }
0xc4: {  	s30 =	sld [smem:$0x0];
	_ =	sdelay $0x2  }
0xc5: {  	s31 =	sshll.u32 s1, $0xD;
	s1 =	sshrl.u32 s1, $0x2  }
0xc6: {  	s3 =	sand.u32 $0x4000, s31;
	s1 =	sadd.s32 s1, s30  }
0xc7: {  	s0 =	sor.u32 s3, s0;
	s1 =	sshll.u32 s1, $0x11  }
0xc8: {  	s0 =	sor.u32 s1, s0  }
0xc9: {  	s0 =	sadd.s32 $0x8F2B, s0  }
0xca: {  	[sflag:s0] =	ssyncadd.remote.s32 $0x1  }
0xcb: {  	_ =	sfence.sel $0xFFFF  }
0xcc: {  	[dreg:$0x0] =	wrdreg $0xFFFFFFFF;
	(pc) =	sbr.abs _section_cstart, $3  }
0xcd: {  	[dreg:$0x1] =	wrdreg $0xFFFFFFFF  }
0xce: {  	_ =	task.clear_ibuf [dreg:s12], $0x2FFFF;
	_ =	strace $0x9FFFFFFF  }
0xcf: {  	(tm) =	ssettm $0x7FFFFFFF  }
tec
execute0_lowered:
.L_overlay_start_1:
0x0: {  	(tag) =	ssettag $0x1  }
0x1: {  	s0 =	rddreg [dreg:$0x0]  }
0x2: {  	s1 =	rddreg [dreg:$0x1]  }
0x3: {  	s2 =	rddreg [dreg:$0x2]  }
0x4: {  	s4 =	rddreg [dreg:$0x3]  }
0x5: {  	s5 =	rddreg [dreg:$0x4]  }
0x6: {  	s6 =	rddreg [dreg:$0x5]  }
0x7: {  	s7 =	rddreg [dreg:$0x6];
	s3 =	simm.s32 $0x0  }
0x8: {  	s19 =	stileid.u32;
	s9 =	srdreg.scid;
	s28 =	simm.s32 $0x2000  }
0x9: {  	s29 =	simm.s32 $0x4000;
	s30 =	simm.s32 $0x6000;
	s31 =	simm.s32 $0x8000  }
0xa: {  	[smem:$0x7FF] =	sst s3;
	s8 =	sshrl.u32 s19, $0x1;
	s9 =	sand.u32 $0x1, s9  }
0xb: {  	s11 =	sshll.u32 s19, $0x1;
	s25 =	sshll.u32 s19, $0x11;
	_ =	strace $0x8000004A  }
0xc: {  	s10 =	sshll.u32 s8, $0x4;
	s11 =	sor.u32 s9, s11;
	s12 =	ssub.s32 $0x2, s9  }
0xd: {  	s8 =	sshll.u32 s8, $0xD;
	s26 =	sshll.u32 s9, $0x10;
	s10 =	sadd.s32 s10, s0  }
0xe: {  	s13 =	sshll.u32 s11, $0x4;
	s17 =	sshll.u32 s11, $0x9;
	s14 =	sshrl.u32 s12, $0x1  }
0xf: {  	s24 =	sshll.u32 s11, $0xB;
	s15 =	sadd.s32 s13, s0;
	s16 =	sadd.s32 $0x3000, s10  }
0x10: {  	s0 =	sadd.s32 s17, s0;
	s18 =	sadd.s32 $0x5000, s10;
	[dreg:$0x8] =	wrdreg s16  }
0x11: {  	s22 =	ssub.s32 s12, s14;
	s20 =	sadd.s32 $0x7000, s10;
	[dreg:$0x9] =	wrdreg s18  }
0x12: {  	s21 =	sadd.s32 $0x11000, s10;
	s23 =	sadd.s32 $0xF000, s10;
	[dreg:$0xa] =	wrdreg s20  }
0x13: {  	s10 =	sadd.s32 $0xD000, s10;
	s12 =	sadd.s32 s4, s24;
	[dreg:$0xb] =	wrdreg s21  }
0x14: {  	s24 =	simm.s32 $0x80;
	s4 =	simm.s32 $0xE100;
	[dreg:$0xc] =	wrdreg s23  }
0x15: {  	[dreg:$0xd] =	wrdreg s10;
	s10 =	sadd.s32 s2, s13;
	s11 =	sadd.s32 $0x9000, s0  }
0x16: {  	s13 =	sadd.s32 $0x23000, s15;
	s14 =	sadd.s32 $0x23200, s15;
	s15 =	sadd.s32 $0x23400, s15  }
0x17: {  	s16 =	sadd.s32 s6, s17;
	s17 =	sadd.s32 s7, s17;
	s18 =	sadd.s32 $0x13000, s0  }
0x18: {  	s19 =	sadd.s32 $0x17000, s0;
	s2 =	sadd.s32 s25, s5;
	s20 =	sadd.s32 $0x1B000, s0  }
0x19: {  	s21 =	sadd.s32 $0x1F000, s0;
	s22 =	smax.u32 s22, $0x1;
	s25 =	simm.s32 $0x400  }
0x1a: {  	s0 =	simm.s32 $0xA000;
	s5 =	simm.s32 $0x1;
	s6 =	simm.s32 $0x0  }
0x1b: {  	v0 =	vmov s8;
	s23 =	sadd.s32 s26, s2;
	s26 =	simm.s32 $0x2;
	s2 =	simm.s32 $0xE080  }
.LBB2_1:
0x1c: {  	s7 =	rddreg [dreg:$0x8]  }
0x1d: {  	[tilespmem:s3], [sflag:$0x2] =	stream.strided.gather [hbm4b:s7+s24], $0x2000, s25, s24, $0x38;
	[tilespmem:$0x18280] =	vst v63  }
0x1e: {  	_ =	swait.ge [sflag:s26], $0x2000  }
0x1f: {  	[sflag:s26] =	ssyncset.done $0x0  }
0x20: {  	s8 =	rddreg [dreg:$0x9];
	[sflag:s26] =	ssyncadd.s32 $0xFFFFE000  }
0x21: {  	[tilespmem:s28], [sflag:$0x2] =	stream.strided.gather [hbm4b:s8+s24], $0x2000, s25, s24, $0x38;
	[tilespmem:$0x18280] =	vst v63  }
0x22: {  	_ =	swait.ge [sflag:s26], $0x2000  }
0x23: {  	[sflag:s26] =	ssyncset.done $0x0  }
0x24: {  	s9 =	rddreg [dreg:$0xa];
	[sflag:s26] =	ssyncadd.s32 $0xFFFFE000  }
0x25: {  	[tilespmem:s29], [sflag:$0x2] =	stream.strided.gather [hbm4b:s9+s24], $0x2000, s25, s24, $0x38;
	[tilespmem:$0x18280] =	vst v63  }
0x26: {  	_ =	swait.ge [sflag:s26], $0x2000  }
0x27: {  	[sflag:s26] =	ssyncset.done $0x0  }
0x28: {  	s8 =	rddreg [dreg:$0xb];
	[sflag:s26] =	ssyncadd.s32 $0xFFFFE000  }
0x29: {  	[tilespmem:s30], [sflag:$0x2] =	stream.strided.gather [hbm4b:s8+s24], $0x2000, s25, s24, $0x38;
	[tilespmem:$0x18280] =	vst v63  }
0x2a: {  	_ =	swait.ge [sflag:s26], $0x2000  }
0x2b: {  	[sflag:s26] =	ssyncset.done $0x0  }
0x2c: {  	s9 =	rddreg [dreg:$0xc];
	[sflag:s26] =	ssyncadd.s32 $0xFFFFE000  }
0x2d: {  	[tilespmem:s31], [sflag:$0x2] =	stream.strided.gather [hbm4b:s9+s24], $0x2000, s25, s24, $0x38;
	[tilespmem:$0x18280] =	vst v63  }
0x2e: {  	_ =	swait.ge [sflag:s26], $0x2000  }
0x2f: {  	[sflag:s26] =	ssyncset.done $0x0  }
0x30: {  	s8 =	rddreg [dreg:$0xd];
	[sflag:s26] =	ssyncadd.s32 $0xFFFFE000  }
0x31: {  	[tilespmem:s0], [sflag:$0x2] =	stream.strided.gather [hbm4b:s8+s24], $0x2000, s25, s24, $0x38;
	[tilespmem:$0x18280] =	vst v63  }
0x32: {  	_ =	swait.ge [sflag:s26], $0x2000  }
0x33: {  	[sflag:s26] =	ssyncset.done $0x0  }
0x34: {  	s9 =	simm.s32 $0xC000;
	[sflag:s26] =	ssyncadd.s32 $0xFFFFE000  }
0x35: {  	[tilespmem:s9], [sflag:$0x2] =	stream.linear.gather [hbm4b:s10+s3], $0x80, $0x38;
	[tilespmem:$0x18280] =	vst v63  }
0x36: {  	_ =	swait.ge [sflag:s26], $0x80  }
0x37: {  	[sflag:s26] =	ssyncset.done $0x0  }
0x38: {  	s8 =	simm.s32 $0xC080;
	[sflag:s26] =	ssyncadd.s32 $0xFFFFFF80  }
0x39: {  	[tilespmem:s8], [sflag:$0x2] =	stream.linear.gather [hbm4b:s11+s3], $0x1000, $0x38;
	[tilespmem:$0x18280] =	vst v63  }
0x3a: {  	_ =	swait.ge [sflag:s26], $0x1000  }
0x3b: {  	[sflag:s26] =	ssyncset.done $0x0  }
0x3c: {  	[sflag:s26] =	ssyncadd.s32 $0xFFFFF000  }
0x3d: {  	v1 =	vld [tilespmem:$0xC000];
	_ =	sdelay $0x7  }
0x3e: {  	v2 =	vld.idx.msk [tilespmem:v1+s30+$0x0], $0xffff;
	_ =	sdelay $0x4  }
0x3f: {  	[tilespmem:$0x12100] =	vst v2  }
0x40: {  	v2 =	vld.idx.msk [tilespmem:v1+s31+$0x0], $0xffff;
	_ =	sdelay $0x4  }
0x41: {  	[tilespmem:$0x12180] =	vst v2;
	v2 =	vld [tilespmem:$0xC010];
	_ =	sdelay $0x1  }
0x42: {  	v3 =	vld.idx.msk [tilespmem:v1+s0+$0x0], $0xffff;
	_ =	sdelay $0x2  }
0x43: {  	v1 =	vadd.s32 v0, v1  }
0x44: {  	[tilespmem:$0xE080] =	vst v1  }
0x45: {  	[tilespmem:$0x12200] =	vst v3  }
0x46: {  	v1 =	vld.idx.msk [tilespmem:v2+s30+$0x0], $0xffff;
	_ =	sdelay $0x4  }
0x47: {  	[tilespmem:$0x12110] =	vst v1  }
0x48: {  	v1 =	vld.idx.msk [tilespmem:v2+s31+$0x0], $0xffff;
	_ =	sdelay $0x4  }
0x49: {  	[tilespmem:$0x12190] =	vst v1;
	v1 =	vld [tilespmem:$0xC020];
	_ =	sdelay $0x1  }
0x4a: {  	v3 =	vld.idx.msk [tilespmem:v2+s0+$0x0], $0xffff;
	_ =	sdelay $0x2  }
0x4b: {  	v2 =	vadd.s32 v0, v2  }
0x4c: {  	[tilespmem:$0xE090] =	vst v2  }
0x4d: {  	[tilespmem:$0x12210] =	vst v3  }
0x4e: {  	v2 =	vld.idx.msk [tilespmem:v1+s30+$0x0], $0xffff;
	_ =	sdelay $0x4  }
0x4f: {  	[tilespmem:$0x12120] =	vst v2  }
0x50: {  	v2 =	vld.idx.msk [tilespmem:v1+s31+$0x0], $0xffff;
	_ =	sdelay $0x4  }
0x51: {  	[tilespmem:$0x121A0] =	vst v2;
	v2 =	vld [tilespmem:$0xC030];
	_ =	sdelay $0x1  }
0x52: {  	v3 =	vld.idx.msk [tilespmem:v1+s0+$0x0], $0xffff;
	_ =	sdelay $0x2  }
0x53: {  	v1 =	vadd.s32 v0, v1  }
0x54: {  	[tilespmem:$0xE0A0] =	vst v1  }
0x55: {  	[tilespmem:$0x12220] =	vst v3  }
0x56: {  	v1 =	vld.idx.msk [tilespmem:v2+s30+$0x0], $0xffff;
	_ =	sdelay $0x4  }
0x57: {  	[tilespmem:$0x12130] =	vst v1  }
0x58: {  	v1 =	vld.idx.msk [tilespmem:v2+s31+$0x0], $0xffff;
	_ =	sdelay $0x4  }
0x59: {  	[tilespmem:$0x121B0] =	vst v1;
	v1 =	vld [tilespmem:$0xC040];
	_ =	sdelay $0x1  }
0x5a: {  	v3 =	vld.idx.msk [tilespmem:v2+s0+$0x0], $0xffff;
	_ =	sdelay $0x2  }
0x5b: {  	v2 =	vadd.s32 v0, v2  }
0x5c: {  	[tilespmem:$0xE0B0] =	vst v2  }
0x5d: {  	[tilespmem:$0x12230] =	vst v3  }
0x5e: {  	v2 =	vld.idx.msk [tilespmem:v1+s30+$0x0], $0xffff;
	_ =	sdelay $0x4  }
0x5f: {  	[tilespmem:$0x12140] =	vst v2  }
0x60: {  	v2 =	vld.idx.msk [tilespmem:v1+s31+$0x0], $0xffff;
	_ =	sdelay $0x4  }
0x61: {  	[tilespmem:$0x121C0] =	vst v2;
	v2 =	vld [tilespmem:$0xC050];
	_ =	sdelay $0x1  }
0x62: {  	v3 =	vld.idx.msk [tilespmem:v1+s0+$0x0], $0xffff;
	_ =	sdelay $0x2  }
0x63: {  	v1 =	vadd.s32 v0, v1  }
0x64: {  	[tilespmem:$0xE0C0] =	vst v1  }
0x65: {  	[tilespmem:$0x12240] =	vst v3  }
0x66: {  	v1 =	vld.idx.msk [tilespmem:v2+s30+$0x0], $0xffff;
	_ =	sdelay $0x4  }
0x67: {  	[tilespmem:$0x12150] =	vst v1  }
0x68: {  	v1 =	vld.idx.msk [tilespmem:v2+s31+$0x0], $0xffff;
	_ =	sdelay $0x4  }
0x69: {  	[tilespmem:$0x121D0] =	vst v1;
	v1 =	vld [tilespmem:$0xC060];
	_ =	sdelay $0x1  }
0x6a: {  	v3 =	vld.idx.msk [tilespmem:v2+s0+$0x0], $0xffff;
	_ =	sdelay $0x2  }
0x6b: {  	v2 =	vadd.s32 v0, v2  }
0x6c: {  	[tilespmem:$0xE0D0] =	vst v2  }
0x6d: {  	[tilespmem:$0x12250] =	vst v3  }
0x6e: {  	v2 =	vld.idx.msk [tilespmem:v1+s30+$0x0], $0xffff;
	_ =	sdelay $0x4  }
0x6f: {  	[tilespmem:$0x12160] =	vst v2  }
0x70: {  	v2 =	vld.idx.msk [tilespmem:v1+s31+$0x0], $0xffff;
	_ =	sdelay $0x4  }
0x71: {  	[tilespmem:$0x121E0] =	vst v2;
	v2 =	vld [tilespmem:$0xC070];
	_ =	sdelay $0x1  }
0x72: {  	v3 =	vld.idx.msk [tilespmem:v1+s0+$0x0], $0xffff;
	_ =	sdelay $0x2  }
0x73: {  	v1 =	vadd.s32 v0, v1  }
0x74: {  	[tilespmem:$0xE0E0] =	vst v1  }
0x75: {  	[tilespmem:$0x12260] =	vst v3  }
0x76: {  	v1 =	vld.idx.msk [tilespmem:v2+s30+$0x0], $0xffff;
	_ =	sdelay $0x4  }
0x77: {  	[tilespmem:$0x12170] =	vst v1  }
0x78: {  	v1 =	vld.idx.msk [tilespmem:v2+s31+$0x0], $0xffff;
	_ =	sdelay $0x4  }
0x79: {  	[tilespmem:$0x121F0] =	vst v1  }
0x7a: {  	v1 =	vld.idx.msk [tilespmem:v2+s0+$0x0], $0xffff;
	_ =	sdelay $0x4  }
0x7b: {  	[tilespmem:$0x12270] =	vst v1;
	v1 =	vadd.s32 v0, v2  }
0x7c: {  	[tilespmem:$0xE0F0] =	vst v1  }
0x7d: {  	[tilespmem:s4], [sflag:$0x1] =	stream.indirect.gather [hbm4b:s1+s24], $0x80, s2, s24, $0xb8;
	[tilespmem:$0x18280] =	vst v63  }
0x7e: {  	_ =	swait.ge [sflag:s5], $0x4000  }
0x7f: {  	[sflag:s5] =	ssyncset.done $0x0  }
0x80: {  	[sflag:s5] =	ssyncadd.s32 $0xFFFFC000  }
0x81: {  	[hbm4b:s12+s3] =	stream.linear.scatter [tilespmem:s4], [sflag:$0x2], $0x4000, $0x38;
	[tilespmem:$0x18280] =	vst v63  }
0x82: {  	_ =	swait.ge [sflag:s26], $0x4000  }
0x83: {  	[sflag:s26] =	ssyncset.done $0x0  }
0x84: {  	s9 =	simm.s32 $0x12100;
	[sflag:s26] =	ssyncadd.s32 $0xFFFFC000  }
0x85: {  	[hbm4b:s13+s3] =	stream.linear.scatter [tilespmem:s9], [sflag:$0x2], $0x80, $0x38;
	[tilespmem:$0x18280] =	vst v63  }
0x86: {  	_ =	swait.ge [sflag:s26], $0x80  }
0x87: {  	[sflag:s26] =	ssyncset.done $0x0  }
0x88: {  	s8 =	simm.s32 $0x12180;
	[sflag:s26] =	ssyncadd.s32 $0xFFFFFF80  }
0x89: {  	[hbm4b:s14+s3] =	stream.linear.scatter [tilespmem:s8], [sflag:$0x2], $0x80, $0x38;
	[tilespmem:$0x18280] =	vst v63  }
0x8a: {  	_ =	swait.ge [sflag:s26], $0x80  }
0x8b: {  	[sflag:s26] =	ssyncset.done $0x0  }
0x8c: {  	s9 =	simm.s32 $0x12200;
	[sflag:s26] =	ssyncadd.s32 $0xFFFFFF80  }
0x8d: {  	[hbm4b:s15+s3] =	stream.linear.scatter [tilespmem:s9], [sflag:$0x2], $0x80, $0x38;
	[tilespmem:$0x18280] =	vst v63  }
0x8e: {  	_ =	swait.ge [sflag:s26], $0x80  }
0x8f: {  	[sflag:s26] =	ssyncset.done $0x0  }
0x90: {  	s7 =	simm.s32 $0x0;
	[sflag:s26] =	ssyncadd.s32 $0xFFFFFF80  }
0x91: {  	v1 =	vld [tilespmem:s7+$0xC080];
	_ =	sdelay $0x7  }
0x92: {  	v2 =	vld.idx.msk [tilespmem:v1+s3+$0x0], $0xffff;
	_ =	sdelay $0x4  }
0x93: {  	[tilespmem:s7+$0x12280] =	vst v2  }
0x94: {  	v2 =	vld.idx.msk [tilespmem:v1+s28+$0x0], $0xffff;
	_ =	sdelay $0x4  }
0x95: {  	[tilespmem:s7+$0x13280] =	vst v2  }
0x96: {  	v2 =	vld.idx.msk [tilespmem:v1+s29+$0x0], $0xffff;
	_ =	sdelay $0x4  }
0x97: {  	[tilespmem:s7+$0x14280] =	vst v2  }
0x98: {  	v2 =	vld.idx.msk [tilespmem:v1+s30+$0x0], $0xffff;
	_ =	sdelay $0x4  }
0x99: {  	[tilespmem:s7+$0x15280] =	vst v2  }
0x9a: {  	v2 =	vld.idx.msk [tilespmem:v1+s31+$0x0], $0xffff;
	_ =	sdelay $0x3  }
0x9b: {  	s8 =	simm.s32 $0x80;
	s9 =	simm.s32 $0x10  }
.LBB2_2:
0x9c: {  	p0 =	sne.s32 s8, $0x3FC0;
	v3 =	vld [tilespmem:s9+$0xC080];
	[tilespmem:s7+$0x16280] =	vst v2;
	v2 =	vadd.s32 v0, v1  }
0x9d: {  	v4 =	vld.idx.msk [tilespmem:v1+s0+$0x0], $0xffff;
	[tilespmem:s7+$0xD080] =	vst v2;
	_ =	sdelay $0x3  }
0x9e: {  	v1 =	vmov v3;
	_ =	sdelay $0x1  }
0x9f: {  	[tilespmem:s7+$0x17280] =	vst v4;
	s7 =	smov.u32 s9  }
0xa0: {  	v2 =	vld.idx.msk [tilespmem:v3+s3+$0x0], $0xffff;
	_ =	sdelay $0x5  }
0xa1: {  	[tilespmem:s7+$0x12280] =	vst v2  }
0xa2: {  	v2 =	vld.idx.msk [tilespmem:v3+s28+$0x0], $0xffff;
	_ =	sdelay $0x5  }
0xa3: {  	[tilespmem:s7+$0x13280] =	vst v2  }
0xa4: {  	v2 =	vld.idx.msk [tilespmem:v3+s29+$0x0], $0xffff;
	_ =	sdelay $0x5  }
0xa5: {  	[tilespmem:s7+$0x14280] =	vst v2  }
0xa6: {  	v2 =	vld.idx.msk [tilespmem:v3+s30+$0x0], $0xffff;
	_ =	sdelay $0x5  }
0xa7: {  	[tilespmem:s7+$0x15280] =	vst v2  }
0xa8: {  	v2 =	vld.idx.msk [tilespmem:v3+s31+$0x0], $0xffff  }
.Ltmp0:
0xa9: {  	(pc) =	sbr.rel @p0 .LBB2_2-.Ltmp0, $2  }
0xaa: {  	_ =	sdelay $0x2  }
0xab: {  	s9 =	sshra.s32 s8, $0x2;
	s8 =	sadd.s32 $0x40, s8  }
0xac: {  	_ =	sdelay $0x1  }
0xad: {  	v3 =	vld [tilespmem:s9+$0xC080]  }
0xae: {  	[tilespmem:s7+$0x16280] =	vst v2  }
0xaf: {  	v2 =	vld.idx.msk [tilespmem:v1+s0+$0x0], $0xffff;
	_ =	sdelay $0x2  }
0xb0: {  	v1 =	vadd.s32 v0, v1  }
0xb1: {  	[tilespmem:s7+$0xD080] =	vst v1  }
0xb2: {  	[tilespmem:s7+$0x17280] =	vst v2  }
0xb3: {  	v1 =	vld.idx.msk [tilespmem:v3+s3+$0x0], $0xffff;
	_ =	sdelay $0x4  }
0xb4: {  	[tilespmem:s9+$0x12280] =	vst v1  }
0xb5: {  	v1 =	vld.idx.msk [tilespmem:v3+s28+$0x0], $0xffff;
	_ =	sdelay $0x4  }
0xb6: {  	[tilespmem:s9+$0x13280] =	vst v1  }
0xb7: {  	v1 =	vld.idx.msk [tilespmem:v3+s29+$0x0], $0xffff;
	_ =	sdelay $0x4  }
0xb8: {  	[tilespmem:s9+$0x14280] =	vst v1  }
0xb9: {  	v1 =	vld.idx.msk [tilespmem:v3+s30+$0x0], $0xffff;
	_ =	sdelay $0x4  }
0xba: {  	[tilespmem:s9+$0x15280] =	vst v1  }
0xbb: {  	v1 =	vld.idx.msk [tilespmem:v3+s31+$0x0], $0xffff;
	_ =	sdelay $0x4  }
0xbc: {  	[tilespmem:s9+$0x16280] =	vst v1  }
0xbd: {  	v1 =	vld.idx.msk [tilespmem:v3+s0+$0x0], $0xffff;
	_ =	sdelay $0x2  }
0xbe: {  	v2 =	vadd.s32 v0, v3  }
0xbf: {  	[tilespmem:s9+$0xD080] =	vst v2  }
0xc0: {  	s8 =	simm.s32 $0x12280;
	s7 =	simm.s32 $0x0;
	[tilespmem:s9+$0x17280] =	vst v1  }
0xc1: {  	[hbm4b:s16+s7] =	stream.linear.scatter [tilespmem:s8], [sflag:$0x2], $0x1000, $0x38;
	[tilespmem:$0x18280] =	vst v63  }
0xc2: {  	_ =	swait.ge [sflag:s26], $0x1000  }
0xc3: {  	[sflag:s26] =	ssyncset.done $0x0  }
0xc4: {  	s9 =	simm.s32 $0x13280;
	[sflag:s26] =	ssyncadd.s32 $0xFFFFF000  }
0xc5: {  	[hbm4b:s17+s7] =	stream.linear.scatter [tilespmem:s9], [sflag:$0x2], $0x1000, $0x38;
	[tilespmem:$0x18280] =	vst v63  }
0xc6: {  	_ =	swait.ge [sflag:s26], $0x1000  }
0xc7: {  	[sflag:s26] =	ssyncset.done $0x0  }
0xc8: {  	s9 =	simm.s32 $0x14280;
	[sflag:s26] =	ssyncadd.s32 $0xFFFFF000  }
0xc9: {  	[hbm4b:s18+s7] =	stream.linear.scatter [tilespmem:s9], [sflag:$0x2], $0x1000, $0x38;
	[tilespmem:$0x18280] =	vst v63  }
0xca: {  	_ =	swait.ge [sflag:s26], $0x1000  }
0xcb: {  	[sflag:s26] =	ssyncset.done $0x0  }
0xcc: {  	s9 =	simm.s32 $0x15280;
	[sflag:s26] =	ssyncadd.s32 $0xFFFFF000  }
0xcd: {  	[hbm4b:s19+s7] =	stream.linear.scatter [tilespmem:s9], [sflag:$0x2], $0x1000, $0x38;
	[tilespmem:$0x18280] =	vst v63  }
0xce: {  	_ =	swait.ge [sflag:s26], $0x1000  }
0xcf: {  	[sflag:s26] =	ssyncset.done $0x0  }
0xd0: {  	s9 =	simm.s32 $0x16280;
	[sflag:s26] =	ssyncadd.s32 $0xFFFFF000  }
0xd1: {  	[hbm4b:s20+s7] =	stream.linear.scatter [tilespmem:s9], [sflag:$0x2], $0x1000, $0x38;
	[tilespmem:$0x18280] =	vst v63  }
0xd2: {  	_ =	swait.ge [sflag:s26], $0x1000  }
0xd3: {  	[sflag:s26] =	ssyncset.done $0x0  }
0xd4: {  	s9 =	simm.s32 $0x17280;
	[sflag:s26] =	ssyncadd.s32 $0xFFFFF000  }
0xd5: {  	[hbm4b:s21+s7] =	stream.linear.scatter [tilespmem:s9], [sflag:$0x2], $0x1000, $0x38;
	[tilespmem:$0x18280] =	vst v63  }
0xd6: {  	_ =	swait.ge [sflag:s26], $0x1000  }
0xd7: {  	[sflag:s26] =	ssyncset.done $0x0  }
0xd8: {  	s7 =	simm.s32 $0xD0C0;
	[sflag:s26] =	ssyncadd.s32 $0xFFFFF000  }
0xd9: {  	v1 =	vld [tilespmem:s7+$0xFFFFFFC0];
	_ =	sdelay $0x4  }
0xda: {  	[tilespmem:$0xE080] =	vst v1  }
0xdb: {  	v1 =	vld [tilespmem:s7+$0xFFFFFFD0];
	_ =	sdelay $0x4  }
0xdc: {  	[tilespmem:$0xE090] =	vst v1  }
0xdd: {  	v1 =	vld [tilespmem:s7+$0xFFFFFFE0];
	_ =	sdelay $0x4  }
0xde: {  	[tilespmem:$0xE0A0] =	vst v1  }
0xdf: {  	v1 =	vld [tilespmem:s7+$0xFFFFFFF0];
	_ =	sdelay $0x4  }
0xe0: {  	[tilespmem:$0xE0B0] =	vst v1  }
0xe1: {  	v1 =	vld [tilespmem:s7+$0x0];
	_ =	sdelay $0x4  }
0xe2: {  	[tilespmem:$0xE0C0] =	vst v1  }
0xe3: {  	v1 =	vld [tilespmem:s7+$0x10];
	_ =	sdelay $0x4  }
0xe4: {  	[tilespmem:$0xE0D0] =	vst v1  }
0xe5: {  	v1 =	vld [tilespmem:s7+$0x20];
	_ =	sdelay $0x4  }
0xe6: {  	[tilespmem:$0xE0E0] =	vst v1  }
0xe7: {  	v1 =	vld [tilespmem:s7+$0x30];
	_ =	sdelay $0x4  }
0xe8: {  	[tilespmem:$0xE0F0] =	vst v1  }
0xe9: {  	[tilespmem:s4], [sflag:$0x1] =	stream.indirect.gather [hbm4b:s1+s24], $0x80, s2, s24, $0xb8;
	[tilespmem:$0x18280] =	vst v63  }
0xea: {  	_ =	swait.ge [sflag:s5], $0x4000  }
0xeb: {  	[sflag:s5] =	ssyncset.done $0x0  }
0xec: {  	s9 =	sadd.s32 $0x0, s23;
	[sflag:s5] =	ssyncadd.s32 $0xFFFFC000  }
0xed: {  	[hbm4b:s9+s3] =	stream.linear.scatter [tilespmem:s4], [sflag:$0x2], $0x4000, $0x38;
	[tilespmem:$0x18280] =	vst v63  }
0xee: {  	_ =	swait.ge [sflag:s26], $0x4000  }
0xef: {  	s8 =	simm.s32 $0x800;
	[sflag:s26] =	ssyncset.done $0x0  }
.LBB2_4:
0xf0: {  	p0 =	sne.s32 s8, $0xF800;
	[sflag:s26] =	ssyncadd.s32 $0xFFFFC000;
	s7 =	sadd.s32 $0x80, s7  }
0xf1: {  	s9 =	smov.u32 s8;
	s8 =	sadd.s32 $0x800, s8;
	v1 =	vld [tilespmem:s7+$0xFFFFFFC0];
	_ =	sdelay $0x4  }
0xf2: {  	[tilespmem:$0xE080] =	vst v1  }
0xf3: {  	v1 =	vld [tilespmem:s7+$0xFFFFFFD0];
	_ =	sdelay $0x4  }
0xf4: {  	[tilespmem:$0xE090] =	vst v1  }
0xf5: {  	v1 =	vld [tilespmem:s7+$0xFFFFFFE0];
	_ =	sdelay $0x4  }
0xf6: {  	[tilespmem:$0xE0A0] =	vst v1  }
0xf7: {  	v1 =	vld [tilespmem:s7+$0xFFFFFFF0];
	_ =	sdelay $0x4  }
0xf8: {  	[tilespmem:$0xE0B0] =	vst v1  }
0xf9: {  	v1 =	vld [tilespmem:s7+$0x0];
	_ =	sdelay $0x4  }
0xfa: {  	[tilespmem:$0xE0C0] =	vst v1  }
0xfb: {  	v1 =	vld [tilespmem:s7+$0x10];
	_ =	sdelay $0x4  }
0xfc: {  	[tilespmem:$0xE0D0] =	vst v1  }
0xfd: {  	v1 =	vld [tilespmem:s7+$0x20];
	_ =	sdelay $0x4  }
0xfe: {  	[tilespmem:$0xE0E0] =	vst v1  }
0xff: {  	v1 =	vld [tilespmem:s7+$0x30];
	_ =	sdelay $0x4  }
0x100: {  	[tilespmem:$0xE0F0] =	vst v1  }
0x101: {  	[tilespmem:s4], [sflag:$0x1] =	stream.indirect.gather [hbm4b:s1+s24], $0x80, s2, s24, $0xb8;
	[tilespmem:$0x18280] =	vst v63  }
0x102: {  	_ =	swait.ge [sflag:s5], $0x4000  }
.Ltmp1:
0x103: {  	[sflag:s5] =	ssyncset.done $0x0;
	(pc) =	sbr.rel @p0 .LBB2_4-.Ltmp1, $4  }
0x104: {  	s9 =	sadd.s32 s9, s23;
	[sflag:s5] =	ssyncadd.s32 $0xFFFFC000  }
0x105: {  	[hbm4b:s9+s3] =	stream.linear.scatter [tilespmem:s4], [sflag:$0x2], $0x4000, $0x38;
	[tilespmem:$0x18280] =	vst v63  }
0x106: {  	_ =	swait.ge [sflag:s26], $0x4000  }
0x107: {  	[sflag:s26] =	ssyncset.done $0x0  }
0x108: {  	s6 =	sadd.s32 $0x1, s6  }
0x109: {  	p0 =	sne.s32 s6, s22  }
.Ltmp2:
0x10a: {  	_ = 	snop;
	(pc) =	sbr.rel @p0 .LBB2_1-.Ltmp2, $2  }
0x10b: {  	_ =	sdelay $0x2  }
0x10c: {  	[sflag:s26] =	ssyncadd.s32 $0xFFFFC000  }
0x10d: {  	_ =	sfence.sel $0x180000  }
0x10e: {  	[bflag:$0x0] =	sbarrier.arrive $0xFFFF  }
0x10f: {  	_ =	strace $0x9000004A  }
0x110: {  	s0 =	stileid.u32;
	[bflag:$0x2] =	sbarrier.arrive $0xFFFF  }
0x111: {  	p0 =	sne.s32 s0, $0x0;
	s0 =	rddreg [dreg:$0x7]  }
0x112: {  	s0 =	sadd.s32 @!p0 $0x100000, s0  }
0x113: {  	[sflag:s0] =	ssyncadd.tile.s32 @!p0 $0x1;
	_ =	shalt  }
.Lfunc_end2:
_tile_overlayer_lowered:
.L_overlay_start_2:
0x114: {  	(tag) =	ssettag $0x2  }
0x115: {  	s0 =	rddreg [dreg:$0x0];
	s2 =	stileid.u32  }
0x116: {  	s1 =	rddreg [dreg:$0x1];
	p0 =	sne.s32 s2, $0x0  }
0x117: {  	s3 =	rddreg [dreg:$0x2];
	[bflag:$0x3] =	sbarrier.arrive $0xFFFF;
	s2 =	simm.s32 @!p0 $0x1C02  }
0x118: {  	[timem:s3], [sflag:s2] =	dma.local @!p0 [hbm:s0], s1  }
0x119: {  	s0 =	simm.s32 @!p0 $0x2  }
0x11a: {  	_ =	swait.ge @!p0 [sflag:s0], s1  }
0x11b: {  	s1 =	ssub.s32 @!p0 $0x0, s1;
	[sflag:s0] =	ssyncset.done @!p0 $0x0  }
0x11c: {  	[sflag:s0] =	ssyncadd.s32 @!p0 s1  }
0x11d: {  	[bflag:$0x3] =	sbarrier.arrive $0xFFFF  }
0x11e: {  	_ =	shalt  }

</sc_bundles>
